<compile_context>
chip_gen: v7x
topology: tpu7x:2x2x1
jax: 0.10.2.dev20260603
libtpu: 0.0.44.dev20260713+nightly
codegen_flags: <defaults>
</compile_context>

<pallas_src>
import functools

import jax
import jax.numpy as jnp
from jax import lax
from jax.experimental import pallas as pl
from jax.experimental.pallas import tpu as pltpu
from jax.experimental.pallas import tpu_sc as plsc

NC = 2
NS = 16
NW = NC * NS
CH = 128
D2 = 144

_N_PAD = 10240


def _gather_make(n, e, d):
    n_chunks = e // CH
    base_c, rem_c = n_chunks // NW, n_chunks % NW
    mesh = plsc.VectorSubcoreMesh(core_axis_name="c", subcore_axis_name="s")

    @functools.partial(
        pl.kernel,
        out_type=jax.ShapeDtypeStruct((2, e, d), jnp.float32),
        mesh=mesh,
        scratch_types=[
            pltpu.VMEM((CH,), jnp.int32),
            pltpu.VMEM((CH,), jnp.int32),
            pltpu.VMEM((CH, d), jnp.float32),
            pltpu.VMEM((CH, d), jnp.float32),
            pltpu.SemaphoreType.DMA,
            pltpu.SemaphoreType.DMA,
        ],
    )
    def k(x_hbm, row_hbm, col_hbm, out_hbm, idx_r, idx_c, buf_r, buf_c, sem_r, sem_c):
        cid = lax.axis_index("c")
        sid = lax.axis_index("s")
        wid = sid * NC + cid
        n_my = base_c + jnp.where(wid < rem_c, 1, 0)

        def body(i, _):
            off = (wid + i * NW) * CH
            pltpu.sync_copy(row_hbm.at[pl.ds(off, CH)], idx_r)
            pltpu.sync_copy(col_hbm.at[pl.ds(off, CH)], idx_c)
            cp_r = pltpu.async_copy(x_hbm.at[idx_r], buf_r, sem_r)
            cp_c = pltpu.async_copy(x_hbm.at[idx_c], buf_c, sem_c)
            cp_r.wait()
            cp_c.wait()
            pltpu.sync_copy(buf_r, out_hbm.at[0, pl.ds(off, CH)])
            pltpu.sync_copy(buf_c, out_hbm.at[1, pl.ds(off, CH)])
            return 0

        lax.fori_loop(0, n_my, body, 0, unroll=False)

    return k


def _scatter_make(n_pad, e, d):
    n_chunks = e // CH
    base_c, rem_c = n_chunks // NS, n_chunks % NS
    rows_per_tile = n_pad // NS
    r_chunks = rows_per_tile // CH
    mesh = plsc.VectorSubcoreMesh(core_axis_name="c", subcore_axis_name="s")

    @functools.partial(
        pl.kernel,
        out_type=jax.ShapeDtypeStruct((2 * n_pad, d), jnp.float32),
        mesh=mesh,
        scratch_types=[
            pltpu.VMEM((CH,), jnp.int32),
            pltpu.VMEM((CH, d), jnp.float32),
            pltpu.VMEM_SHARED((n_pad, d), jnp.float32),
        ],
    )
    def k(m_hbm, row_hbm, zmd_hbm, s_hbm, idx_v, mbuf, acc):
        cid = lax.axis_index("c")
        sid = lax.axis_index("s")

        pltpu.sync_copy(zmd_hbm, mbuf)
        row0 = sid * rows_per_tile
        for j in range(r_chunks):
            pltpu.sync_copy(mbuf, acc.at[pl.ds(row0 + j * CH, CH)])
        plsc.subcore_barrier()

        n_my = base_c + jnp.where(sid < rem_c, 1, 0)

        def body(i, _):
            off = (sid + i * NS) * CH
            pltpu.sync_copy(row_hbm.at[pl.ds(off, CH)], idx_v)
            pltpu.sync_copy(m_hbm.at[pl.ds(cid * e + off, CH)], mbuf)
            pltpu.sync_copy(mbuf, acc.at[idx_v], add=True)
            return 0

        lax.fori_loop(0, n_my, body, 0, unroll=False)
        plsc.subcore_barrier()

        for j in range(r_chunks):
            r = row0 + j * CH
            pltpu.sync_copy(acc.at[pl.ds(r, CH)], mbuf)
            pltpu.sync_copy(mbuf, s_hbm.at[pl.ds(cid * n_pad + r, CH)])

    return k


def _count_make(n_pad, e, d):
    half = e // CH // 2
    base_c, rem_c = half // NS, half % NS
    rows_per_tile = n_pad // NS
    r_chunks = rows_per_tile // CH
    mesh = plsc.VectorSubcoreMesh(core_axis_name="c", subcore_axis_name="s")

    @functools.partial(
        pl.kernel,
        out_type=jax.ShapeDtypeStruct((2 * n_pad, d), jnp.float32),
        mesh=mesh,
        scratch_types=[
            pltpu.VMEM((CH,), jnp.int32),
            pltpu.VMEM((CH, d), jnp.float32),
            pltpu.VMEM((CH, d), jnp.float32),
            pltpu.VMEM_SHARED((n_pad, d), jnp.float32),
        ],
    )
    def k(row_hbm, zmd_hbm, ones_hbm, c_hbm, idx_v, obuf, zbuf, cacc):
        cid = lax.axis_index("c")
        sid = lax.axis_index("s")

        pltpu.sync_copy(zmd_hbm, zbuf)
        pltpu.sync_copy(ones_hbm, obuf)
        row0 = sid * rows_per_tile
        for j in range(r_chunks):
            pltpu.sync_copy(zbuf, cacc.at[pl.ds(row0 + j * CH, CH)])
        plsc.subcore_barrier()

        n_my = base_c + jnp.where(sid < rem_c, 1, 0)

        def body(i, _):
            off = (cid * half + sid + i * NS) * CH
            pltpu.sync_copy(row_hbm.at[pl.ds(off, CH)], idx_v)
            pltpu.sync_copy(obuf, cacc.at[idx_v], add=True)
            return 0

        lax.fori_loop(0, n_my, body, 0, unroll=False)
        plsc.subcore_barrier()

        for j in range(r_chunks):
            r = row0 + j * CH
            pltpu.sync_copy(cacc.at[pl.ds(r, CH)], zbuf)
            pltpu.sync_copy(zbuf, c_hbm.at[pl.ds(cid * n_pad + r, CH)])

    return k


def _edge_tc_kernel(xg_ref, ea_ref, we1a, we1b, we1c, be1, we2, be2, we3, be3,
                    wn11a, wn11b, bn11, wn12, bn12, wn13, bn13,
                    e_ref, m_ref):
    bf = jnp.bfloat16
    f32 = jnp.float32

    def dot(a, b):
        return jax.lax.dot(a, b, preferred_element_type=f32)

    xs = xg_ref[0].astype(bf)
    xd = xg_ref[1].astype(bf)
    ea = ea_ref[...]
    eab = ea.astype(bf)
    h1 = dot(xs, we1a[...]) + dot(xd, we1b[...]) + dot(eab, we1c[...]) + be1[...]
    h1 = jnp.maximum(h1, 0.0).astype(bf)
    h2 = jnp.maximum(dot(h1, we2[...]) + be2[...], 0.0).astype(bf)
    e = dot(h2, we3[...]) + be3[...] + ea
    e_ref[...] = e
    g1 = dot(xd, wn11a[...]) + dot(e.astype(bf), wn11b[...]) + bn11[...]
    g1 = jnp.maximum(g1, 0.0).astype(bf)
    g2 = jnp.maximum(dot(g1, wn12[...]) + bn12[...], 0.0).astype(bf)
    m = dot(g2, wn13[...]) + bn13[...]
    m_ref[0] = m[:, :128]
    m_ref[1] = m[:, 128:]


def _node_tc_kernel(x_ref, sa0_ref, sa1_ref, sb0_ref, sb1_ref,
                    sc0_ref, sc1_ref, sd0_ref, sd1_ref, c0_ref, c1_ref,
                    wn21a, wn21b, wn21c, bn21, wn22, bn22, wn23, bn23, h_ref):
    x = x_ref[...]
    s0 = sa0_ref[...] + sb0_ref[...] + sc0_ref[...] + sd0_ref[...]
    s1 = sa1_ref[...] + sb1_ref[...] + sc1_ref[...] + sd1_ref[...]
    cnt = c0_ref[...][:, :1] + c1_ref[...][:, :1]
    inv = 1.0 / jnp.maximum(cnt, 1.0)
    aga = s0 * inv
    agb = s1 * inv
    h1 = jnp.maximum(x @ wn21a[...] + aga @ wn21b[...] + agb @ wn21c[...] + bn21[...], 0.0)
    h2 = jnp.maximum(h1 @ wn22[...] + bn22[...], 0.0)
    h_ref[...] = h2 @ wn23[...] + bn23[...] + x


def _full(w):
    return pl.BlockSpec(w.shape, lambda i: (0,) * w.ndim)


def kernel(x, edge_index, edge_attr, We1, be1, We2, be2, We3, be3, Wn11, bn11,
           Wn12, bn12, Wn13, bn13, Wn21, bn21, Wn22, bn22, Wn23, bn23):
    n, d = x.shape
    e = edge_index.shape[1]
    de = edge_attr.shape[1]
    row = edge_index[0].astype(jnp.int32)
    col = edge_index[1].astype(jnp.int32)

    bf = jnp.bfloat16
    We1a, We1b, We1c = We1[:d].astype(bf), We1[d:2 * d].astype(bf), We1[2 * d:].astype(bf)
    Wn11a, Wn11b = Wn11[:d].astype(bf), Wn11[d:].astype(bf)
    Wn21a, Wn21b, Wn21c = Wn21[:d], Wn21[d:d + 128], Wn21[d + 128:]

    nsl = 4
    eh = e // nsl
    be = 1600
    grid_e = eh // be
    ew = [We1a, We1b, We1c, be1, We2.astype(bf), be2, We3.astype(bf), be3,
          Wn11a, Wn11b, bn11, Wn12.astype(bf), bn12, Wn13.astype(bf), bn13]

    def edge_stage(xg_h, ea_h):
        return pl.pallas_call(
            _edge_tc_kernel,
            grid=(grid_e,),
            in_specs=[
                pl.BlockSpec((2, be, d), lambda i: (0, i, 0)),
                pl.BlockSpec((be, de), lambda i: (i, 0)),
            ] + [_full(w) for w in ew],
            out_specs=[
                pl.BlockSpec((be, de), lambda i: (i, 0)),
                pl.BlockSpec((2, be, d), lambda i: (0, i, 0)),
            ],
            out_shape=[
                jax.ShapeDtypeStruct((eh, de), jnp.float32),
                jax.ShapeDtypeStruct((2, eh, d), jnp.float32),
            ],
            compiler_params=pltpu.CompilerParams(
                dimension_semantics=("arbitrary",)),
        )(xg_h, ea_h, *ew)

    zmd = jnp.zeros((CH, d), jnp.float32)
    ones = jnp.ones((CH, d), jnp.float32)

    gather = _gather_make(n, eh, d)
    scatter = _scatter_make(_N_PAD, eh, d)

    rows = [row[i * eh:(i + 1) * eh] for i in range(nsl)]
    cols = [col[i * eh:(i + 1) * eh] for i in range(nsl)]
    eas = [edge_attr[i * eh:(i + 1) * eh] for i in range(nsl)]

    xg0 = gather(x, rows[0], cols[0])
    xg1 = gather(x, rows[1], cols[1])
    cnt = _count_make(_N_PAD, e, d)(row, zmd, ones)
    e_parts, s_parts = [], []
    for i in range(nsl):
        e_i, m_i = edge_stage(xg0, eas[i])
        if i + 2 < nsl:
            xg0, xg1 = xg1, gather(x, rows[i + 2], cols[i + 2])
        else:
            xg0 = xg1
        s_parts.append(scatter(m_i.reshape(2 * eh, d), rows[i], zmd))
        e_parts.append(e_i)
    e_out = jnp.concatenate(e_parts, axis=0)

    bn = 1024
    grid_n = (n + bn - 1) // bn
    s1_base = _N_PAD // bn
    nw = [Wn21a, Wn21b, Wn21c, bn21, Wn22, bn22, Wn23, bn23]
    h_out = pl.pallas_call(
        _node_tc_kernel,
        grid=(grid_n,),
        in_specs=[pl.BlockSpec((bn, d), lambda i: (i, 0))] + [
            pl.BlockSpec((bn, d), ix)
            for _ in range(4)
            for ix in (lambda i: (i, 0), lambda i: (s1_base + i, 0))
        ] + [
            pl.BlockSpec((bn, d), lambda i: (i, 0)),
            pl.BlockSpec((bn, d), lambda i: (s1_base + i, 0)),
        ] + [_full(w) for w in nw],
        out_specs=pl.BlockSpec((bn, d), lambda i: (i, 0)),
        out_shape=jax.ShapeDtypeStruct((n, d), jnp.float32),
        compiler_params=pltpu.CompilerParams(
            dimension_semantics=("arbitrary",)),
    )(x, s_parts[0], s_parts[0], s_parts[1], s_parts[1],
      s_parts[2], s_parts[2], s_parts[3], s_parts[3], cnt, cnt, *nw)

    return h_out, e_out

# --- scband reference (transcript-rebuilt; emitter-appended) ---
"""Pipeline reference for scband-meta-conv-59107339927806 (READ-ONLY COPY).

The authoritative reference and input builder live on the scoring server;
editing this copy changes nothing except your own understanding.
"""

import jax, jax.numpy as jnp
import numpy as np

N = 10000
E = 320000
D_NODE = 128
D_EDGE = 16
H = 256


def _lin(k, fan_in, fan_out):
    s = 1.0 / np.sqrt(fan_in)
    kw, kb = jax.random.split(k)
    W = jax.random.uniform(kw, (fan_in, fan_out), minval=-s, maxval=s, dtype=jnp.float32)
    b = jax.random.uniform(kb, (fan_out,), minval=-s, maxval=s, dtype=jnp.float32)
    return W, b


def setup_inputs(seed: int = 0):
    key = jax.random.key(seed)
    ks = jax.random.split(key, 12)
    inp = {}
    inp["x"] = jax.random.normal(ks[0], (N, D_NODE), dtype=jnp.float32)
    inp["edge_index"] = jax.random.randint(ks[1], (2, E), 0, N)
    inp["edge_attr"] = jax.random.normal(ks[2], (E, D_EDGE), dtype=jnp.float32)
    inp["We1"], inp["be1"] = _lin(ks[3], 2 * D_NODE + D_EDGE, H)
    inp["We2"], inp["be2"] = _lin(ks[4], H, H)
    inp["We3"], inp["be3"] = _lin(ks[5], H, D_EDGE)
    inp["Wn11"], inp["bn11"] = _lin(ks[6], D_NODE + D_EDGE, H)
    inp["Wn12"], inp["bn12"] = _lin(ks[7], H, H)
    inp["Wn13"], inp["bn13"] = _lin(ks[8], H, H)
    inp["Wn21"], inp["bn21"] = _lin(ks[9], H + D_NODE, H)
    inp["Wn22"], inp["bn22"] = _lin(ks[10], H, H)
    inp["Wn23"], inp["bn23"] = _lin(ks[11], H, D_NODE)
    return inp


def reference(x, edge_index, edge_attr, We1, be1, We2, be2, We3, be3, Wn11, bn11, Wn12, bn12, Wn13, bn13, Wn21, bn21, Wn22, bn22, Wn23, bn23):
    row = edge_index[0]
    col = edge_index[1]
    # EdgeModel: cat([src, dest, edge_attr]) -> MLP -> residual (dims match: 16 == 16)
    src = x[row]
    dest = x[col]
    e = jnp.concatenate([src, dest, edge_attr], axis=1)
    e = jax.nn.relu(e @ We1 + be1)
    e = jax.nn.relu(e @ We2 + be2)
    e = e @ We3 + be3
    e = e + edge_attr
    # NodeModel: cat([x[col], edge_attr]) -> mlp1 -> scatter_mean over row -> cat([x, agg]) -> mlp2 -> residual
    m = jnp.concatenate([x[col], e], axis=1)
    m = jax.nn.relu(m @ Wn11 + bn11)
    m = jax.nn.relu(m @ Wn12 + bn12)
    m = m @ Wn13 + bn13
    sums = jax.ops.segment_sum(m, row, num_segments=x.shape[0])
    cnt = jax.ops.segment_sum(jnp.ones((m.shape[0], 1), dtype=m.dtype), row, num_segments=x.shape[0])
    agg = sums / jnp.maximum(cnt, 1.0)
    h = jnp.concatenate([x, agg], axis=1)
    h = jax.nn.relu(h @ Wn21 + bn21)
    h = jax.nn.relu(h @ Wn22 + bn22)
    h = h @ Wn23 + bn23
    h = h + x
    return h, e

if __name__ == "__main__":
    import jax
    _d = setup_inputs()
    print(jax.jit(kernel)(*tuple(_d.values())))

</pallas_src>

<mosaic_0001>
#map = affine_map<(d0, d1) -> (0, 0)>
#map1 = affine_map<(d0, d1) -> (0)>
#map2 = affine_map<(d0, d1) -> (0, 0, 0)>
module attributes {stable_mosaic.version = 14 : i64} {
  func.func @k(%arg0: i32, %arg1: i32, %arg2: memref<10000x128xf32, #tpu.memory_space<hbm>>, %arg3: memref<80000xi32, #tpu.memory_space<hbm>>, %arg4: memref<80000xi32, #tpu.memory_space<hbm>>, %arg5: memref<2x80000x128xf32, #tpu.memory_space<hbm>>, %arg6: memref<128xi32, #tpu.memory_space<vmem>>, %arg7: memref<128xi32, #tpu.memory_space<vmem>>, %arg8: memref<128x128xf32, #tpu.memory_space<vmem>>, %arg9: memref<128x128xf32, #tpu.memory_space<vmem>>, %arg10: memref<!tpu.dma_semaphore, #tpu.memory_space<semaphore_mem>>, %arg11: memref<!tpu.dma_semaphore, #tpu.memory_space<semaphore_mem>>) attributes {dimension_semantics = [#tpu.dimension_semantics<core_parallel>, #tpu.dimension_semantics<subcore_parallel>], iteration_bounds = array<i64: 2, 16>, scalar_prefetch = 0 : i64, scratch_operands = 6 : i64, tpu.core_type = #tpu.core_type<sc_vector_subcore>, window_params = [{transform_indices = #map}, {transform_indices = #map1}, {transform_indices = #map1}, {transform_indices = #map2}]} {
    %mul3A = arith.constant 2 : i32
    %mul3A_0 = arith.muli %arg1, %mul3A : i32
    %add3A = arith.addi %mul3A_0, %arg0 : i32
    %lt3A = arith.constant 17 : i32
    %lt3A_1 = arith.cmpi slt, %add3A, %lt3A : i32
    %jit3A = arith.constant 1 : i32
    %jit3A_2 = arith.constant 0 : i32
    %select_n3A = arith.select %lt3A_1, %jit3A, %jit3A_2 : i32
    %add3A_3 = arith.constant 19 : i32
    %add3A_4 = arith.addi %add3A_3, %select_n3A : i32
    %while3A = arith.constant 0 : i32
    %while3A_5 = arith.constant 0 : i32
    %while3A_6 = arith.subi %add3A_4, %while3A : i32
    %while3A_7 = arith.addi %while3A, %while3A_6 : i32
    %while3A_8 = arith.constant 1 : i32
    %while3A_9 = arith.divsi %while3A_6, %while3A_8 : i32
    %while3A_10 = arith.muli %while3A_9, %while3A_8 : i32
    %while3A_11 = arith.addi %while3A, %while3A_10 : i32
    %while3A_12 = arith.constant 1 : i32
    %while3A_13 = scf.for %while3A_16 = %while3A to %while3A_11 step %while3A_12 iter_args(%while3A_17 = %while3A_5) -> (i32)  : i32 {
      %mul3A_18 = arith.constant 32 : i32
      %mul3A_19 = arith.muli %while3A_16, %mul3A_18 : i32
      %add3A_20 = arith.addi %add3A, %mul3A_19 : i32
      %mul3A_21 = arith.constant 128 : i32
      %mul3A_22 = arith.muli %add3A_20, %mul3A_21 : i32
      "tpu.region"() ({
        %run_scoped3A_35 = tpu.sem_alloc : memref<!tpu.dma_semaphore, #tpu.memory_space<semaphore_mem>>
        %dma_start3A_36 = tpu.memref_slice %arg3[%mul3A_22] : memref<80000xi32, #tpu.memory_space<hbm>> -> memref<128xi32, #tpu.memory_space<hbm>>
        %dma_start3A_37 = tpu.memref_slice %arg3[%mul3A_22] : memref<80000xi32, #tpu.memory_space<hbm>> -> memref<128xi32, #tpu.memory_space<hbm>>
        tpu.enqueue_dma source(%dma_start3A_37 : memref<128xi32, #tpu.memory_space<hbm>>) target(%arg6 : memref<128xi32, #tpu.memory_space<vmem>>) target_semaphore(%run_scoped3A_35 : memref<!tpu.dma_semaphore, #tpu.memory_space<semaphore_mem>>)
        %dma_wait3A_38 = tpu.memref_slice %arg3[%mul3A_22] : memref<80000xi32, #tpu.memory_space<hbm>> -> memref<128xi32, #tpu.memory_space<hbm>>
        %dma_wait3A_39 = tpu.memref_slice %arg3[%mul3A_22] : memref<80000xi32, #tpu.memory_space<hbm>> -> memref<128xi32, #tpu.memory_space<hbm>>
        tpu.wait_dma2 semaphore(%run_scoped3A_35 : memref<!tpu.dma_semaphore, #tpu.memory_space<semaphore_mem>>) src(%dma_wait3A_39 : memref<128xi32, #tpu.memory_space<hbm>>) dst(%arg6 : memref<128xi32, #tpu.memory_space<vmem>>)
        tpu.yield
      }) : () -> ()
      "tpu.region"() ({
        %run_scoped3A_35 = tpu.sem_alloc : memref<!tpu.dma_semaphore, #tpu.memory_space<semaphore_mem>>
        %dma_start3A_36 = tpu.memref_slice %arg4[%mul3A_22] : memref<80000xi32, #tpu.memory_space<hbm>> -> memref<128xi32, #tpu.memory_space<hbm>>
        %dma_start3A_37 = tpu.memref_slice %arg4[%mul3A_22] : memref<80000xi32, #tpu.memory_space<hbm>> -> memref<128xi32, #tpu.memory_space<hbm>>
        tpu.enqueue_dma source(%dma_start3A_37 : memref<128xi32, #tpu.memory_space<hbm>>) target(%arg7 : memref<128xi32, #tpu.memory_space<vmem>>) target_semaphore(%run_scoped3A_35 : memref<!tpu.dma_semaphore, #tpu.memory_space<semaphore_mem>>)
        %dma_wait3A_38 = tpu.memref_slice %arg4[%mul3A_22] : memref<80000xi32, #tpu.memory_space<hbm>> -> memref<128xi32, #tpu.memory_space<hbm>>
        %dma_wait3A_39 = tpu.memref_slice %arg4[%mul3A_22] : memref<80000xi32, #tpu.memory_space<hbm>> -> memref<128xi32, #tpu.memory_space<hbm>>
        tpu.wait_dma2 semaphore(%run_scoped3A_35 : memref<!tpu.dma_semaphore, #tpu.memory_space<semaphore_mem>>) src(%dma_wait3A_39 : memref<128xi32, #tpu.memory_space<hbm>>) dst(%arg7 : memref<128xi32, #tpu.memory_space<vmem>>)
        tpu.yield
      }) : () -> ()
      %dma_start3A = arith.constant 0 : i32
      %dma_start3A_23 = arith.constant 0 : i32
      %dma_start3A_24 = tpu.memref_slice %arg2[%dma_start3A, %dma_start3A_23] : memref<10000x128xf32, #tpu.memory_space<hbm>> -> memref<10000x128xf32, #tpu.memory_space<hbm>>
      tpu.enqueue_indirect_dma source(%dma_start3A_24 : memref<10000x128xf32, #tpu.memory_space<hbm>>) target(%arg8 : memref<128x128xf32, #tpu.memory_space<vmem>>) offsets(%arg6 : memref<128xi32, #tpu.memory_space<vmem>>) semaphore(%arg10 : memref<!tpu.dma_semaphore, #tpu.memory_space<semaphore_mem>>)
      %dma_start3A_25 = arith.constant 0 : i32
      %dma_start3A_26 = arith.constant 0 : i32
      %dma_start3A_27 = tpu.memref_slice %arg2[%dma_start3A_25, %dma_start3A_26] : memref<10000x128xf32, #tpu.memory_space<hbm>> -> memref<10000x128xf32, #tpu.memory_space<hbm>>
      tpu.enqueue_indirect_dma source(%dma_start3A_27 : memref<10000x128xf32, #tpu.memory_space<hbm>>) target(%arg9 : memref<128x128xf32, #tpu.memory_space<vmem>>) offsets(%arg7 : memref<128xi32, #tpu.memory_space<vmem>>) semaphore(%arg11 : memref<!tpu.dma_semaphore, #tpu.memory_space<semaphore_mem>>)
      %dma_wait3A = arith.constant 0 : i32
      %dma_wait3A_28 = arith.constant 0 : i32
      %dma_wait3A_29 = tpu.memref_slice %arg2[%dma_wait3A, %dma_wait3A_28] : memref<10000x128xf32, #tpu.memory_space<hbm>> -> memref<10000x128xf32, #tpu.memory_space<hbm>>
      tpu.wait_indirect_dma semaphore(%arg10 : memref<!tpu.dma_semaphore, #tpu.memory_space<semaphore_mem>>) src(%dma_wait3A_29 : memref<10000x128xf32, #tpu.memory_space<hbm>>) dst(%arg8 : memref<128x128xf32, #tpu.memory_space<vmem>>)
      %dma_wait3A_30 = arith.constant 0 : i32
      %dma_wait3A_31 = arith.constant 0 : i32
      %dma_wait3A_32 = tpu.memref_slice %arg2[%dma_wait3A_30, %dma_wait3A_31] : memref<10000x128xf32, #tpu.memory_space<hbm>> -> memref<10000x128xf32, #tpu.memory_space<hbm>>
      tpu.wait_indirect_dma semaphore(%arg11 : memref<!tpu.dma_semaphore, #tpu.memory_space<semaphore_mem>>) src(%dma_wait3A_32 : memref<10000x128xf32, #tpu.memory_space<hbm>>) dst(%arg9 : memref<128x128xf32, #tpu.memory_space<vmem>>)
      %run_scoped3A = arith.constant 0 : i32
      "tpu.region"() ({
        %run_scoped3A_35 = tpu.sem_alloc : memref<!tpu.dma_semaphore, #tpu.memory_space<semaphore_mem>>
        %dma_start3A_36 = arith.constant 0 : i32
        %dma_start3A_37 = tpu.memref_slice %arg5[%run_scoped3A, %mul3A_22, %dma_start3A_36] : memref<2x80000x128xf32, #tpu.memory_space<hbm>> -> memref<1x128x128xf32, #tpu.memory_space<hbm>>
        %dma_start3A_38 = tpu.memref_squeeze %dma_start3A_37 : memref<1x128x128xf32, #tpu.memory_space<hbm>> -> memref<128x128xf32, #tpu.memory_space<hbm>>
        %dma_start3A_39 = arith.constant 0 : i32
        %dma_start3A_40 = tpu.memref_slice %arg5[%run_scoped3A, %mul3A_22, %dma_start3A_39] : memref<2x80000x128xf32, #tpu.memory_space<hbm>> -> memref<1x128x128xf32, #tpu.memory_space<hbm>>
        %dma_start3A_41 = tpu.memref_squeeze %dma_start3A_40 : memref<1x128x128xf32, #tpu.memory_space<hbm>> -> memref<128x128xf32, #tpu.memory_space<hbm>>
        tpu.enqueue_dma source(%arg8 : memref<128x128xf32, #tpu.memory_space<vmem>>) target(%dma_start3A_41 : memref<128x128xf32, #tpu.memory_space<hbm>>) target_semaphore(%run_scoped3A_35 : memref<!tpu.dma_semaphore, #tpu.memory_space<semaphore_mem>>)
        %dma_wait3A_42 = arith.constant 0 : i32
        %dma_wait3A_43 = tpu.memref_slice %arg5[%run_scoped3A, %mul3A_22, %dma_wait3A_42] : memref<2x80000x128xf32, #tpu.memory_space<hbm>> -> memref<1x128x128xf32, #tpu.memory_space<hbm>>
        %dma_wait3A_44 = tpu.memref_squeeze %dma_wait3A_43 : memref<1x128x128xf32, #tpu.memory_space<hbm>> -> memref<128x128xf32, #tpu.memory_space<hbm>>
        %dma_wait3A_45 = arith.constant 0 : i32
        %dma_wait3A_46 = tpu.memref_slice %arg5[%run_scoped3A, %mul3A_22, %dma_wait3A_45] : memref<2x80000x128xf32, #tpu.memory_space<hbm>> -> memref<1x128x128xf32, #tpu.memory_space<hbm>>
        %dma_wait3A_47 = tpu.memref_squeeze %dma_wait3A_46 : memref<1x128x128xf32, #tpu.memory_space<hbm>> -> memref<128x128xf32, #tpu.memory_space<hbm>>
        tpu.wait_dma2 semaphore(%run_scoped3A_35 : memref<!tpu.dma_semaphore, #tpu.memory_space<semaphore_mem>>) src(%arg8 : memref<128x128xf32, #tpu.memory_space<vmem>>) dst(%dma_wait3A_47 : memref<128x128xf32, #tpu.memory_space<hbm>>)
        tpu.yield
      }) : () -> ()
      %run_scoped3A_33 = arith.constant 1 : i32
      "tpu.region"() ({
        %run_scoped3A_35 = tpu.sem_alloc : memref<!tpu.dma_semaphore, #tpu.memory_space<semaphore_mem>>
        %dma_start3A_36 = arith.constant 0 : i32
        %dma_start3A_37 = tpu.memref_slice %arg5[%run_scoped3A_33, %mul3A_22, %dma_start3A_36] : memref<2x80000x128xf32, #tpu.memory_space<hbm>> -> memref<1x128x128xf32, #tpu.memory_space<hbm>>
        %dma_start3A_38 = tpu.memref_squeeze %dma_start3A_37 : memref<1x128x128xf32, #tpu.memory_space<hbm>> -> memref<128x128xf32, #tpu.memory_space<hbm>>
        %dma_start3A_39 = arith.constant 0 : i32
        %dma_start3A_40 = tpu.memref_slice %arg5[%run_scoped3A_33, %mul3A_22, %dma_start3A_39] : memref<2x80000x128xf32, #tpu.memory_space<hbm>> -> memref<1x128x128xf32, #tpu.memory_space<hbm>>
        %dma_start3A_41 = tpu.memref_squeeze %dma_start3A_40 : memref<1x128x128xf32, #tpu.memory_space<hbm>> -> memref<128x128xf32, #tpu.memory_space<hbm>>
        tpu.enqueue_dma source(%arg9 : memref<128x128xf32, #tpu.memory_space<vmem>>) target(%dma_start3A_41 : memref<128x128xf32, #tpu.memory_space<hbm>>) target_semaphore(%run_scoped3A_35 : memref<!tpu.dma_semaphore, #tpu.memory_space<semaphore_mem>>)
        %dma_wait3A_42 = arith.constant 0 : i32
        %dma_wait3A_43 = tpu.memref_slice %arg5[%run_scoped3A_33, %mul3A_22, %dma_wait3A_42] : memref<2x80000x128xf32, #tpu.memory_space<hbm>> -> memref<1x128x128xf32, #tpu.memory_space<hbm>>
        %dma_wait3A_44 = tpu.memref_squeeze %dma_wait3A_43 : memref<1x128x128xf32, #tpu.memory_space<hbm>> -> memref<128x128xf32, #tpu.memory_space<hbm>>
        %dma_wait3A_45 = arith.constant 0 : i32
        %dma_wait3A_46 = tpu.memref_slice %arg5[%run_scoped3A_33, %mul3A_22, %dma_wait3A_45] : memref<2x80000x128xf32, #tpu.memory_space<hbm>> -> memref<1x128x128xf32, #tpu.memory_space<hbm>>
        %dma_wait3A_47 = tpu.memref_squeeze %dma_wait3A_46 : memref<1x128x128xf32, #tpu.memory_space<hbm>> -> memref<128x128xf32, #tpu.memory_space<hbm>>
        tpu.wait_dma2 semaphore(%run_scoped3A_35 : memref<!tpu.dma_semaphore, #tpu.memory_space<semaphore_mem>>) src(%arg9 : memref<128x128xf32, #tpu.memory_space<vmem>>) dst(%dma_wait3A_47 : memref<128x128xf32, #tpu.memory_space<hbm>>)
        tpu.yield
      }) : () -> ()
      %while3A_34 = arith.constant 0 : i32
      scf.yield %while3A_34 : i32
    }
    %while3A_14 = arith.constant 1 : i32
    %while3A_15 = scf.for %while3A_16 = %while3A_11 to %while3A_7 step %while3A_14 iter_args(%while3A_17 = %while3A_13) -> (i32)  : i32 {
      %mul3A_18 = arith.constant 32 : i32
      %mul3A_19 = arith.muli %while3A_16, %mul3A_18 : i32
      %add3A_20 = arith.addi %add3A, %mul3A_19 : i32
      %mul3A_21 = arith.constant 128 : i32
      %mul3A_22 = arith.muli %add3A_20, %mul3A_21 : i32
      "tpu.region"() ({
        %run_scoped3A_35 = tpu.sem_alloc : memref<!tpu.dma_semaphore, #tpu.memory_space<semaphore_mem>>
        %dma_start3A_36 = tpu.memref_slice %arg3[%mul3A_22] : memref<80000xi32, #tpu.memory_space<hbm>> -> memref<128xi32, #tpu.memory_space<hbm>>
        %dma_start3A_37 = tpu.memref_slice %arg3[%mul3A_22] : memref<80000xi32, #tpu.memory_space<hbm>> -> memref<128xi32, #tpu.memory_space<hbm>>
        tpu.enqueue_dma source(%dma_start3A_37 : memref<128xi32, #tpu.memory_space<hbm>>) target(%arg6 : memref<128xi32, #tpu.memory_space<vmem>>) target_semaphore(%run_scoped3A_35 : memref<!tpu.dma_semaphore, #tpu.memory_space<semaphore_mem>>)
        %dma_wait3A_38 = tpu.memref_slice %arg3[%mul3A_22] : memref<80000xi32, #tpu.memory_space<hbm>> -> memref<128xi32, #tpu.memory_space<hbm>>
        %dma_wait3A_39 = tpu.memref_slice %arg3[%mul3A_22] : memref<80000xi32, #tpu.memory_space<hbm>> -> memref<128xi32, #tpu.memory_space<hbm>>
        tpu.wait_dma2 semaphore(%run_scoped3A_35 : memref<!tpu.dma_semaphore, #tpu.memory_space<semaphore_mem>>) src(%dma_wait3A_39 : memref<128xi32, #tpu.memory_space<hbm>>) dst(%arg6 : memref<128xi32, #tpu.memory_space<vmem>>)
        tpu.yield
      }) : () -> ()
      "tpu.region"() ({
        %run_scoped3A_35 = tpu.sem_alloc : memref<!tpu.dma_semaphore, #tpu.memory_space<semaphore_mem>>
        %dma_start3A_36 = tpu.memref_slice %arg4[%mul3A_22] : memref<80000xi32, #tpu.memory_space<hbm>> -> memref<128xi32, #tpu.memory_space<hbm>>
        %dma_start3A_37 = tpu.memref_slice %arg4[%mul3A_22] : memref<80000xi32, #tpu.memory_space<hbm>> -> memref<128xi32, #tpu.memory_space<hbm>>
        tpu.enqueue_dma source(%dma_start3A_37 : memref<128xi32, #tpu.memory_space<hbm>>) target(%arg7 : memref<128xi32, #tpu.memory_space<vmem>>) target_semaphore(%run_scoped3A_35 : memref<!tpu.dma_semaphore, #tpu.memory_space<semaphore_mem>>)
        %dma_wait3A_38 = tpu.memref_slice %arg4[%mul3A_22] : memref<80000xi32, #tpu.memory_space<hbm>> -> memref<128xi32, #tpu.memory_space<hbm>>
        %dma_wait3A_39 = tpu.memref_slice %arg4[%mul3A_22] : memref<80000xi32, #tpu.memory_space<hbm>> -> memref<128xi32, #tpu.memory_space<hbm>>
        tpu.wait_dma2 semaphore(%run_scoped3A_35 : memref<!tpu.dma_semaphore, #tpu.memory_space<semaphore_mem>>) src(%dma_wait3A_39 : memref<128xi32, #tpu.memory_space<hbm>>) dst(%arg7 : memref<128xi32, #tpu.memory_space<vmem>>)
        tpu.yield
      }) : () -> ()
      %dma_start3A = arith.constant 0 : i32
      %dma_start3A_23 = arith.constant 0 : i32
      %dma_start3A_24 = tpu.memref_slice %arg2[%dma_start3A, %dma_start3A_23] : memref<10000x128xf32, #tpu.memory_space<hbm>> -> memref<10000x128xf32, #tpu.memory_space<hbm>>
      tpu.enqueue_indirect_dma source(%dma_start3A_24 : memref<10000x128xf32, #tpu.memory_space<hbm>>) target(%arg8 : memref<128x128xf32, #tpu.memory_space<vmem>>) offsets(%arg6 : memref<128xi32, #tpu.memory_space<vmem>>) semaphore(%arg10 : memref<!tpu.dma_semaphore, #tpu.memory_space<semaphore_mem>>)
      %dma_start3A_25 = arith.constant 0 : i32
      %dma_start3A_26 = arith.constant 0 : i32
      %dma_start3A_27 = tpu.memref_slice %arg2[%dma_start3A_25, %dma_start3A_26] : memref<10000x128xf32, #tpu.memory_space<hbm>> -> memref<10000x128xf32, #tpu.memory_space<hbm>>
      tpu.enqueue_indirect_dma source(%dma_start3A_27 : memref<10000x128xf32, #tpu.memory_space<hbm>>) target(%arg9 : memref<128x128xf32, #tpu.memory_space<vmem>>) offsets(%arg7 : memref<128xi32, #tpu.memory_space<vmem>>) semaphore(%arg11 : memref<!tpu.dma_semaphore, #tpu.memory_space<semaphore_mem>>)
      %dma_wait3A = arith.constant 0 : i32
      %dma_wait3A_28 = arith.constant 0 : i32
      %dma_wait3A_29 = tpu.memref_slice %arg2[%dma_wait3A, %dma_wait3A_28] : memref<10000x128xf32, #tpu.memory_space<hbm>> -> memref<10000x128xf32, #tpu.memory_space<hbm>>
      tpu.wait_indirect_dma semaphore(%arg10 : memref<!tpu.dma_semaphore, #tpu.memory_space<semaphore_mem>>) src(%dma_wait3A_29 : memref<10000x128xf32, #tpu.memory_space<hbm>>) dst(%arg8 : memref<128x128xf32, #tpu.memory_space<vmem>>)
      %dma_wait3A_30 = arith.constant 0 : i32
      %dma_wait3A_31 = arith.constant 0 : i32
      %dma_wait3A_32 = tpu.memref_slice %arg2[%dma_wait3A_30, %dma_wait3A_31] : memref<10000x128xf32, #tpu.memory_space<hbm>> -> memref<10000x128xf32, #tpu.memory_space<hbm>>
      tpu.wait_indirect_dma semaphore(%arg11 : memref<!tpu.dma_semaphore, #tpu.memory_space<semaphore_mem>>) src(%dma_wait3A_32 : memref<10000x128xf32, #tpu.memory_space<hbm>>) dst(%arg9 : memref<128x128xf32, #tpu.memory_space<vmem>>)
      %run_scoped3A = arith.constant 0 : i32
      "tpu.region"() ({
        %run_scoped3A_35 = tpu.sem_alloc : memref<!tpu.dma_semaphore, #tpu.memory_space<semaphore_mem>>
        %dma_start3A_36 = arith.constant 0 : i32
        %dma_start3A_37 = tpu.memref_slice %arg5[%run_scoped3A, %mul3A_22, %dma_start3A_36] : memref<2x80000x128xf32, #tpu.memory_space<hbm>> -> memref<1x128x128xf32, #tpu.memory_space<hbm>>
        %dma_start3A_38 = tpu.memref_squeeze %dma_start3A_37 : memref<1x128x128xf32, #tpu.memory_space<hbm>> -> memref<128x128xf32, #tpu.memory_space<hbm>>
        %dma_start3A_39 = arith.constant 0 : i32
        %dma_start3A_40 = tpu.memref_slice %arg5[%run_scoped3A, %mul3A_22, %dma_start3A_39] : memref<2x80000x128xf32, #tpu.memory_space<hbm>> -> memref<1x128x128xf32, #tpu.memory_space<hbm>>
        %dma_start3A_41 = tpu.memref_squeeze %dma_start3A_40 : memref<1x128x128xf32, #tpu.memory_space<hbm>> -> memref<128x128xf32, #tpu.memory_space<hbm>>
        tpu.enqueue_dma source(%arg8 : memref<128x128xf32, #tpu.memory_space<vmem>>) target(%dma_start3A_41 : memref<128x128xf32, #tpu.memory_space<hbm>>) target_semaphore(%run_scoped3A_35 : memref<!tpu.dma_semaphore, #tpu.memory_space<semaphore_mem>>)
        %dma_wait3A_42 = arith.constant 0 : i32
        %dma_wait3A_43 = tpu.memref_slice %arg5[%run_scoped3A, %mul3A_22, %dma_wait3A_42] : memref<2x80000x128xf32, #tpu.memory_space<hbm>> -> memref<1x128x128xf32, #tpu.memory_space<hbm>>
        %dma_wait3A_44 = tpu.memref_squeeze %dma_wait3A_43 : memref<1x128x128xf32, #tpu.memory_space<hbm>> -> memref<128x128xf32, #tpu.memory_space<hbm>>
        %dma_wait3A_45 = arith.constant 0 : i32
        %dma_wait3A_46 = tpu.memref_slice %arg5[%run_scoped3A, %mul3A_22, %dma_wait3A_45] : memref<2x80000x128xf32, #tpu.memory_space<hbm>> -> memref<1x128x128xf32, #tpu.memory_space<hbm>>
        %dma_wait3A_47 = tpu.memref_squeeze %dma_wait3A_46 : memref<1x128x128xf32, #tpu.memory_space<hbm>> -> memref<128x128xf32, #tpu.memory_space<hbm>>
        tpu.wait_dma2 semaphore(%run_scoped3A_35 : memref<!tpu.dma_semaphore, #tpu.memory_space<semaphore_mem>>) src(%arg8 : memref<128x128xf32, #tpu.memory_space<vmem>>) dst(%dma_wait3A_47 : memref<128x128xf32, #tpu.memory_space<hbm>>)
        tpu.yield
      }) : () -> ()
      %run_scoped3A_33 = arith.constant 1 : i32
      "tpu.region"() ({
        %run_scoped3A_35 = tpu.sem_alloc : memref<!tpu.dma_semaphore, #tpu.memory_space<semaphore_mem>>
        %dma_start3A_36 = arith.constant 0 : i32
        %dma_start3A_37 = tpu.memref_slice %arg5[%run_scoped3A_33, %mul3A_22, %dma_start3A_36] : memref<2x80000x128xf32, #tpu.memory_space<hbm>> -> memref<1x128x128xf32, #tpu.memory_space<hbm>>
        %dma_start3A_38 = tpu.memref_squeeze %dma_start3A_37 : memref<1x128x128xf32, #tpu.memory_space<hbm>> -> memref<128x128xf32, #tpu.memory_space<hbm>>
        %dma_start3A_39 = arith.constant 0 : i32
        %dma_start3A_40 = tpu.memref_slice %arg5[%run_scoped3A_33, %mul3A_22, %dma_start3A_39] : memref<2x80000x128xf32, #tpu.memory_space<hbm>> -> memref<1x128x128xf32, #tpu.memory_space<hbm>>
        %dma_start3A_41 = tpu.memref_squeeze %dma_start3A_40 : memref<1x128x128xf32, #tpu.memory_space<hbm>> -> memref<128x128xf32, #tpu.memory_space<hbm>>
        tpu.enqueue_dma source(%arg9 : memref<128x128xf32, #tpu.memory_space<vmem>>) target(%dma_start3A_41 : memref<128x128xf32, #tpu.memory_space<hbm>>) target_semaphore(%run_scoped3A_35 : memref<!tpu.dma_semaphore, #tpu.memory_space<semaphore_mem>>)
        %dma_wait3A_42 = arith.constant 0 : i32
        %dma_wait3A_43 = tpu.memref_slice %arg5[%run_scoped3A_33, %mul3A_22, %dma_wait3A_42] : memref<2x80000x128xf32, #tpu.memory_space<hbm>> -> memref<1x128x128xf32, #tpu.memory_space<hbm>>
        %dma_wait3A_44 = tpu.memref_squeeze %dma_wait3A_43 : memref<1x128x128xf32, #tpu.memory_space<hbm>> -> memref<128x128xf32, #tpu.memory_space<hbm>>
        %dma_wait3A_45 = arith.constant 0 : i32
        %dma_wait3A_46 = tpu.memref_slice %arg5[%run_scoped3A_33, %mul3A_22, %dma_wait3A_45] : memref<2x80000x128xf32, #tpu.memory_space<hbm>> -> memref<1x128x128xf32, #tpu.memory_space<hbm>>
        %dma_wait3A_47 = tpu.memref_squeeze %dma_wait3A_46 : memref<1x128x128xf32, #tpu.memory_space<hbm>> -> memref<128x128xf32, #tpu.memory_space<hbm>>
        tpu.wait_dma2 semaphore(%run_scoped3A_35 : memref<!tpu.dma_semaphore, #tpu.memory_space<semaphore_mem>>) src(%arg9 : memref<128x128xf32, #tpu.memory_space<vmem>>) dst(%dma_wait3A_47 : memref<128x128xf32, #tpu.memory_space<hbm>>)
        tpu.yield
      }) : () -> ()
      %while3A_34 = arith.constant 0 : i32
      scf.yield %while3A_34 : i32
    }
    return
  }
}

#map = affine_map<(d0, d1) -> (0, 0)>
#map1 = affine_map<(d0, d1) -> (0)>
#map2 = affine_map<(d0, d1) -> (0, 0, 0)>
module attributes {stable_mosaic.version = 14 : i64} {
  func.func @k(%arg0: i32, %arg1: i32, %arg2: memref<10000x128xf32, #tpu.memory_space<hbm>>, %arg3: memref<80000xi32, #tpu.memory_space<hbm>>, %arg4: memref<80000xi32, #tpu.memory_space<hbm>>, %arg5: memref<2x80000x128xf32, #tpu.memory_space<hbm>>, %arg6: memref<128xi32, #tpu.memory_space<vmem>>, %arg7: memref<128xi32, #tpu.memory_space<vmem>>, %arg8: memref<128x128xf32, #tpu.memory_space<vmem>>, %arg9: memref<128x128xf32, #tpu.memory_space<vmem>>, %arg10: memref<!tpu.dma_semaphore, #tpu.memory_space<semaphore_mem>>, %arg11: memref<!tpu.dma_semaphore, #tpu.memory_space<semaphore_mem>>) attributes {dimension_semantics = [#tpu.dimension_semantics<core_parallel>, #tpu.dimension_semantics<subcore_parallel>], iteration_bounds = array<i64: 2, 16>, scalar_prefetch = 0 : i64, scratch_operands = 6 : i64, tpu.core_type = #tpu.core_type<sc_vector_subcore>, window_params = [{transform_indices = #map}, {transform_indices = #map1}, {transform_indices = #map1}, {transform_indices = #map2}]} {
    %mul3A = arith.constant 2 : i32
    %mul3A_0 = arith.muli %arg1, %mul3A : i32
    %add3A = arith.addi %mul3A_0, %arg0 : i32
    %lt3A = arith.constant 17 : i32
    %lt3A_1 = arith.cmpi slt, %add3A, %lt3A : i32
    %jit3A = arith.constant 1 : i32
    %jit3A_2 = arith.constant 0 : i32
    %select_n3A = arith.select %lt3A_1, %jit3A, %jit3A_2 : i32
    %add3A_3 = arith.constant 19 : i32
    %add3A_4 = arith.addi %add3A_3, %select_n3A : i32
    %while3A = arith.constant 0 : i32
    %while3A_5 = arith.constant 0 : i32
    %while3A_6 = arith.subi %add3A_4, %while3A : i32
    %while3A_7 = arith.addi %while3A, %while3A_6 : i32
    %while3A_8 = arith.constant 1 : i32
    %while3A_9 = arith.divsi %while3A_6, %while3A_8 : i32
    %while3A_10 = arith.muli %while3A_9, %while3A_8 : i32
    %while3A_11 = arith.addi %while3A, %while3A_10 : i32
    %while3A_12 = arith.constant 1 : i32
    %while3A_13 = scf.for %while3A_16 = %while3A to %while3A_11 step %while3A_12 iter_args(%while3A_17 = %while3A_5) -> (i32)  : i32 {
      %mul3A_18 = arith.constant 32 : i32
      %mul3A_19 = arith.muli %while3A_16, %mul3A_18 : i32
      %add3A_20 = arith.addi %add3A, %mul3A_19 : i32
      %mul3A_21 = arith.constant 128 : i32
      %mul3A_22 = arith.muli %add3A_20, %mul3A_21 : i32
      "tpu.region"() ({
        %run_scoped3A_35 = tpu.sem_alloc : memref<!tpu.dma_semaphore, #tpu.memory_space<semaphore_mem>>
        %dma_start3A_36 = tpu.memref_slice %arg3[%mul3A_22] : memref<80000xi32, #tpu.memory_space<hbm>> -> memref<128xi32, #tpu.memory_space<hbm>>
        %dma_start3A_37 = tpu.memref_slice %arg3[%mul3A_22] : memref<80000xi32, #tpu.memory_space<hbm>> -> memref<128xi32, #tpu.memory_space<hbm>>
        tpu.enqueue_dma source(%dma_start3A_37 : memref<128xi32, #tpu.memory_space<hbm>>) target(%arg6 : memref<128xi32, #tpu.memory_space<vmem>>) target_semaphore(%run_scoped3A_35 : memref<!tpu.dma_semaphore, #tpu.memory_space<semaphore_mem>>)
        %dma_wait3A_38 = tpu.memref_slice %arg3[%mul3A_22] : memref<80000xi32, #tpu.memory_space<hbm>> -> memref<128xi32, #tpu.memory_space<hbm>>
        %dma_wait3A_39 = tpu.memref_slice %arg3[%mul3A_22] : memref<80000xi32, #tpu.memory_space<hbm>> -> memref<128xi32, #tpu.memory_space<hbm>>
        tpu.wait_dma2 semaphore(%run_scoped3A_35 : memref<!tpu.dma_semaphore, #tpu.memory_space<semaphore_mem>>) src(%dma_wait3A_39 : memref<128xi32, #tpu.memory_space<hbm>>) dst(%arg6 : memref<128xi32, #tpu.memory_space<vmem>>)
        tpu.yield
      }) : () -> ()
      "tpu.region"() ({
        %run_scoped3A_35 = tpu.sem_alloc : memref<!tpu.dma_semaphore, #tpu.memory_space<semaphore_mem>>
        %dma_start3A_36 = tpu.memref_slice %arg4[%mul3A_22] : memref<80000xi32, #tpu.memory_space<hbm>> -> memref<128xi32, #tpu.memory_space<hbm>>
        %dma_start3A_37 = tpu.memref_slice %arg4[%mul3A_22] : memref<80000xi32, #tpu.memory_space<hbm>> -> memref<128xi32, #tpu.memory_space<hbm>>
        tpu.enqueue_dma source(%dma_start3A_37 : memref<128xi32, #tpu.memory_space<hbm>>) target(%arg7 : memref<128xi32, #tpu.memory_space<vmem>>) target_semaphore(%run_scoped3A_35 : memref<!tpu.dma_semaphore, #tpu.memory_space<semaphore_mem>>)
        %dma_wait3A_38 = tpu.memref_slice %arg4[%mul3A_22] : memref<80000xi32, #tpu.memory_space<hbm>> -> memref<128xi32, #tpu.memory_space<hbm>>
        %dma_wait3A_39 = tpu.memref_slice %arg4[%mul3A_22] : memref<80000xi32, #tpu.memory_space<hbm>> -> memref<128xi32, #tpu.memory_space<hbm>>
        tpu.wait_dma2 semaphore(%run_scoped3A_35 : memref<!tpu.dma_semaphore, #tpu.memory_space<semaphore_mem>>) src(%dma_wait3A_39 : memref<128xi32, #tpu.memory_space<hbm>>) dst(%arg7 : memref<128xi32, #tpu.memory_space<vmem>>)
        tpu.yield
      }) : () -> ()
      %dma_start3A = arith.constant 0 : i32
      %dma_start3A_23 = arith.constant 0 : i32
      %dma_start3A_24 = tpu.memref_slice %arg2[%dma_start3A, %dma_start3A_23] : memref<10000x128xf32, #tpu.memory_space<hbm>> -> memref<10000x128xf32, #tpu.memory_space<hbm>>
      tpu.enqueue_indirect_dma source(%dma_start3A_24 : memref<10000x128xf32, #tpu.memory_space<hbm>>) target(%arg8 : memref<128x128xf32, #tpu.memory_space<vmem>>) offsets(%arg6 : memref<128xi32, #tpu.memory_space<vmem>>) semaphore(%arg10 : memref<!tpu.dma_semaphore, #tpu.memory_space<semaphore_mem>>)
      %dma_start3A_25 = arith.constant 0 : i32
      %dma_start3A_26 = arith.constant 0 : i32
      %dma_start3A_27 = tpu.memref_slice %arg2[%dma_start3A_25, %dma_start3A_26] : memref<10000x128xf32, #tpu.memory_space<hbm>> -> memref<10000x128xf32, #tpu.memory_space<hbm>>
      tpu.enqueue_indirect_dma source(%dma_start3A_27 : memref<10000x128xf32, #tpu.memory_space<hbm>>) target(%arg9 : memref<128x128xf32, #tpu.memory_space<vmem>>) offsets(%arg7 : memref<128xi32, #tpu.memory_space<vmem>>) semaphore(%arg11 : memref<!tpu.dma_semaphore, #tpu.memory_space<semaphore_mem>>)
      %dma_wait3A = arith.constant 0 : i32
      %dma_wait3A_28 = arith.constant 0 : i32
      %dma_wait3A_29 = tpu.memref_slice %arg2[%dma_wait3A, %dma_wait3A_28] : memref<10000x128xf32, #tpu.memory_space<hbm>> -> memref<10000x128xf32, #tpu.memory_space<hbm>>
      tpu.wait_indirect_dma semaphore(%arg10 : memref<!tpu.dma_semaphore, #tpu.memory_space<semaphore_mem>>) src(%dma_wait3A_29 : memref<10000x128xf32, #tpu.memory_space<hbm>>) dst(%arg8 : memref<128x128xf32, #tpu.memory_space<vmem>>)
      %dma_wait3A_30 = arith.constant 0 : i32
      %dma_wait3A_31 = arith.constant 0 : i32
      %dma_wait3A_32 = tpu.memref_slice %arg2[%dma_wait3A_30, %dma_wait3A_31] : memref<10000x128xf32, #tpu.memory_space<hbm>> -> memref<10000x128xf32, #tpu.memory_space<hbm>>
      tpu.wait_indirect_dma semaphore(%arg11 : memref<!tpu.dma_semaphore, #tpu.memory_space<semaphore_mem>>) src(%dma_wait3A_32 : memref<10000x128xf32, #tpu.memory_space<hbm>>) dst(%arg9 : memref<128x128xf32, #tpu.memory_space<vmem>>)
      %run_scoped3A = arith.constant 0 : i32
      "tpu.region"() ({
        %run_scoped3A_35 = tpu.sem_alloc : memref<!tpu.dma_semaphore, #tpu.memory_space<semaphore_mem>>
        %dma_start3A_36 = arith.constant 0 : i32
        %dma_start3A_37 = tpu.memref_slice %arg5[%run_scoped3A, %mul3A_22, %dma_start3A_36] : memref<2x80000x128xf32, #tpu.memory_space<hbm>> -> memref<1x128x128xf32, #tpu.memory_space<hbm>>
        %dma_start3A_38 = tpu.memref_squeeze %dma_start3A_37 : memref<1x128x128xf32, #tpu.memory_space<hbm>> -> memref<128x128xf32, #tpu.memory_space<hbm>>
        %dma_start3A_39 = arith.constant 0 : i32
        %dma_start3A_40 = tpu.memref_slice %arg5[%run_scoped3A, %mul3A_22, %dma_start3A_39] : memref<2x80000x128xf32, #tpu.memory_space<hbm>> -> memref<1x128x128xf32, #tpu.memory_space<hbm>>
        %dma_start3A_41 = tpu.memref_squeeze %dma_start3A_40 : memref<1x128x128xf32, #tpu.memory_space<hbm>> -> memref<128x128xf32, #tpu.memory_space<hbm>>
        tpu.enqueue_dma source(%arg8 : memref<128x128xf32, #tpu.memory_space<vmem>>) target(%dma_start3A_41 : memref<128x128xf32, #tpu.memory_space<hbm>>) target_semaphore(%run_scoped3A_35 : memref<!tpu.dma_semaphore, #tpu.memory_space<semaphore_mem>>)
        %dma_wait3A_42 = arith.constant 0 : i32
        %dma_wait3A_43 = tpu.memref_slice %arg5[%run_scoped3A, %mul3A_22, %dma_wait3A_42] : memref<2x80000x128xf32, #tpu.memory_space<hbm>> -> memref<1x128x128xf32, #tpu.memory_space<hbm>>
        %dma_wait3A_44 = tpu.memref_squeeze %dma_wait3A_43 : memref<1x128x128xf32, #tpu.memory_space<hbm>> -> memref<128x128xf32, #tpu.memory_space<hbm>>
        %dma_wait3A_45 = arith.constant 0 : i32
        %dma_wait3A_46 = tpu.memref_slice %arg5[%run_scoped3A, %mul3A_22, %dma_wait3A_45] : memref<2x80000x128xf32, #tpu.memory_space<hbm>> -> memref<1x128x128xf32, #tpu.memory_space<hbm>>
        %dma_wait3A_47 = tpu.memref_squeeze %dma_wait3A_46 : memref<1x128x128xf32, #tpu.memory_space<hbm>> -> memref<128x128xf32, #tpu.memory_space<hbm>>
        tpu.wait_dma2 semaphore(%run_scoped3A_35 : memref<!tpu.dma_semaphore, #tpu.memory_space<semaphore_mem>>) src(%arg8 : memref<128x128xf32, #tpu.memory_space<vmem>>) dst(%dma_wait3A_47 : memref<128x128xf32, #tpu.memory_space<hbm>>)
        tpu.yield
      }) : () -> ()
      %run_scoped3A_33 = arith.constant 1 : i32
      "tpu.region"() ({
        %run_scoped3A_35 = tpu.sem_alloc : memref<!tpu.dma_semaphore, #tpu.memory_space<semaphore_mem>>
        %dma_start3A_36 = arith.constant 0 : i32
        %dma_start3A_37 = tpu.memref_slice %arg5[%run_scoped3A_33, %mul3A_22, %dma_start3A_36] : memref<2x80000x128xf32, #tpu.memory_space<hbm>> -> memref<1x128x128xf32, #tpu.memory_space<hbm>>
        %dma_start3A_38 = tpu.memref_squeeze %dma_start3A_37 : memref<1x128x128xf32, #tpu.memory_space<hbm>> -> memref<128x128xf32, #tpu.memory_space<hbm>>
        %dma_start3A_39 = arith.constant 0 : i32
        %dma_start3A_40 = tpu.memref_slice %arg5[%run_scoped3A_33, %mul3A_22, %dma_start3A_39] : memref<2x80000x128xf32, #tpu.memory_space<hbm>> -> memref<1x128x128xf32, #tpu.memory_space<hbm>>
        %dma_start3A_41 = tpu.memref_squeeze %dma_start3A_40 : memref<1x128x128xf32, #tpu.memory_space<hbm>> -> memref<128x128xf32, #tpu.memory_space<hbm>>
        tpu.enqueue_dma source(%arg9 : memref<128x128xf32, #tpu.memory_space<vmem>>) target(%dma_start3A_41 : memref<128x128xf32, #tpu.memory_space<hbm>>) target_semaphore(%run_scoped3A_35 : memref<!tpu.dma_semaphore, #tpu.memory_space<semaphore_mem>>)
        %dma_wait3A_42 = arith.constant 0 : i32
        %dma_wait3A_43 = tpu.memref_slice %arg5[%run_scoped3A_33, %mul3A_22, %dma_wait3A_42] : memref<2x80000x128xf32, #tpu.memory_space<hbm>> -> memref<1x128x128xf32, #tpu.memory_space<hbm>>
        %dma_wait3A_44 = tpu.memref_squeeze %dma_wait3A_43 : memref<1x128x128xf32, #tpu.memory_space<hbm>> -> memref<128x128xf32, #tpu.memory_space<hbm>>
        %dma_wait3A_45 = arith.constant 0 : i32
        %dma_wait3A_46 = tpu.memref_slice %arg5[%run_scoped3A_33, %mul3A_22, %dma_wait3A_45] : memref<2x80000x128xf32, #tpu.memory_space<hbm>> -> memref<1x128x128xf32, #tpu.memory_space<hbm>>
        %dma_wait3A_47 = tpu.memref_squeeze %dma_wait3A_46 : memref<1x128x128xf32, #tpu.memory_space<hbm>> -> memref<128x128xf32, #tpu.memory_space<hbm>>
        tpu.wait_dma2 semaphore(%run_scoped3A_35 : memref<!tpu.dma_semaphore, #tpu.memory_space<semaphore_mem>>) src(%arg9 : memref<128x128xf32, #tpu.memory_space<vmem>>) dst(%dma_wait3A_47 : memref<128x128xf32, #tpu.memory_space<hbm>>)
        tpu.yield
      }) : () -> ()
      %while3A_34 = arith.constant 0 : i32
      scf.yield %while3A_34 : i32
    }
    %while3A_14 = arith.constant 1 : i32
    %while3A_15 = scf.for %while3A_16 = %while3A_11 to %while3A_7 step %while3A_14 iter_args(%while3A_17 = %while3A_13) -> (i32)  : i32 {
      %mul3A_18 = arith.constant 32 : i32
      %mul3A_19 = arith.muli %while3A_16, %mul3A_18 : i32
      %add3A_20 = arith.addi %add3A, %mul3A_19 : i32
      %mul3A_21 = arith.constant 128 : i32
      %mul3A_22 = arith.muli %add3A_20, %mul3A_21 : i32
      "tpu.region"() ({
        %run_scoped3A_35 = tpu.sem_alloc : memref<!tpu.dma_semaphore, #tpu.memory_space<semaphore_mem>>
        %dma_start3A_36 = tpu.memref_slice %arg3[%mul3A_22] : memref<80000xi32, #tpu.memory_space<hbm>> -> memref<128xi32, #tpu.memory_space<hbm>>
        %dma_start3A_37 = tpu.memref_slice %arg3[%mul3A_22] : memref<80000xi32, #tpu.memory_space<hbm>> -> memref<128xi32, #tpu.memory_space<hbm>>
        tpu.enqueue_dma source(%dma_start3A_37 : memref<128xi32, #tpu.memory_space<hbm>>) target(%arg6 : memref<128xi32, #tpu.memory_space<vmem>>) target_semaphore(%run_scoped3A_35 : memref<!tpu.dma_semaphore, #tpu.memory_space<semaphore_mem>>)
        %dma_wait3A_38 = tpu.memref_slice %arg3[%mul3A_22] : memref<80000xi32, #tpu.memory_space<hbm>> -> memref<128xi32, #tpu.memory_space<hbm>>
        %dma_wait3A_39 = tpu.memref_slice %arg3[%mul3A_22] : memref<80000xi32, #tpu.memory_space<hbm>> -> memref<128xi32, #tpu.memory_space<hbm>>
        tpu.wait_dma2 semaphore(%run_scoped3A_35 : memref<!tpu.dma_semaphore, #tpu.memory_space<semaphore_mem>>) src(%dma_wait3A_39 : memref<128xi32, #tpu.memory_space<hbm>>) dst(%arg6 : memref<128xi32, #tpu.memory_space<vmem>>)
        tpu.yield
      }) : () -> ()
      "tpu.region"() ({
        %run_scoped3A_35 = tpu.sem_alloc : memref<!tpu.dma_semaphore, #tpu.memory_space<semaphore_mem>>
        %dma_start3A_36 = tpu.memref_slice %arg4[%mul3A_22] : memref<80000xi32, #tpu.memory_space<hbm>> -> memref<128xi32, #tpu.memory_space<hbm>>
        %dma_start3A_37 = tpu.memref_slice %arg4[%mul3A_22] : memref<80000xi32, #tpu.memory_space<hbm>> -> memref<128xi32, #tpu.memory_space<hbm>>
        tpu.enqueue_dma source(%dma_start3A_37 : memref<128xi32, #tpu.memory_space<hbm>>) target(%arg7 : memref<128xi32, #tpu.memory_space<vmem>>) target_semaphore(%run_scoped3A_35 : memref<!tpu.dma_semaphore, #tpu.memory_space<semaphore_mem>>)
        %dma_wait3A_38 = tpu.memref_slice %arg4[%mul3A_22] : memref<80000xi32, #tpu.memory_space<hbm>> -> memref<128xi32, #tpu.memory_space<hbm>>
        %dma_wait3A_39 = tpu.memref_slice %arg4[%mul3A_22] : memref<80000xi32, #tpu.memory_space<hbm>> -> memref<128xi32, #tpu.memory_space<hbm>>
        tpu.wait_dma2 semaphore(%run_scoped3A_35 : memref<!tpu.dma_semaphore, #tpu.memory_space<semaphore_mem>>) src(%dma_wait3A_39 : memref<128xi32, #tpu.memory_space<hbm>>) dst(%arg7 : memref<128xi32, #tpu.memory_space<vmem>>)
        tpu.yield
      }) : () -> ()
      %dma_start3A = arith.constant 0 : i32
      %dma_start3A_23 = arith.constant 0 : i32
      %dma_start3A_24 = tpu.memref_slice %arg2[%dma_start3A, %dma_start3A_23] : memref<10000x128xf32, #tpu.memory_space<hbm>> -> memref<10000x128xf32, #tpu.memory_space<hbm>>
      tpu.enqueue_indirect_dma source(%dma_start3A_24 : memref<10000x128xf32, #tpu.memory_space<hbm>>) target(%arg8 : memref<128x128xf32, #tpu.memory_space<vmem>>) offsets(%arg6 : memref<128xi32, #tpu.memory_space<vmem>>) semaphore(%arg10 : memref<!tpu.dma_semaphore, #tpu.memory_space<semaphore_mem>>)
      %dma_start3A_25 = arith.constant 0 : i32
      %dma_start3A_26 = arith.constant 0 : i32
      %dma_start3A_27 = tpu.memref_slice %arg2[%dma_start3A_25, %dma_start3A_26] : memref<10000x128xf32, #tpu.memory_space<hbm>> -> memref<10000x128xf32, #tpu.memory_space<hbm>>
      tpu.enqueue_indirect_dma source(%dma_start3A_27 : memref<10000x128xf32, #tpu.memory_space<hbm>>) target(%arg9 : memref<128x128xf32, #tpu.memory_space<vmem>>) offsets(%arg7 : memref<128xi32, #tpu.memory_space<vmem>>) semaphore(%arg11 : memref<!tpu.dma_semaphore, #tpu.memory_space<semaphore_mem>>)
      %dma_wait3A = arith.constant 0 : i32
      %dma_wait3A_28 = arith.constant 0 : i32
      %dma_wait3A_29 = tpu.memref_slice %arg2[%dma_wait3A, %dma_wait3A_28] : memref<10000x128xf32, #tpu.memory_space<hbm>> -> memref<10000x128xf32, #tpu.memory_space<hbm>>
      tpu.wait_indirect_dma semaphore(%arg10 : memref<!tpu.dma_semaphore, #tpu.memory_space<semaphore_mem>>) src(%dma_wait3A_29 : memref<10000x128xf32, #tpu.memory_space<hbm>>) dst(%arg8 : memref<128x128xf32, #tpu.memory_space<vmem>>)
      %dma_wait3A_30 = arith.constant 0 : i32
      %dma_wait3A_31 = arith.constant 0 : i32
      %dma_wait3A_32 = tpu.memref_slice %arg2[%dma_wait3A_30, %dma_wait3A_31] : memref<10000x128xf32, #tpu.memory_space<hbm>> -> memref<10000x128xf32, #tpu.memory_space<hbm>>
      tpu.wait_indirect_dma semaphore(%arg11 : memref<!tpu.dma_semaphore, #tpu.memory_space<semaphore_mem>>) src(%dma_wait3A_32 : memref<10000x128xf32, #tpu.memory_space<hbm>>) dst(%arg9 : memref<128x128xf32, #tpu.memory_space<vmem>>)
      %run_scoped3A = arith.constant 0 : i32
      "tpu.region"() ({
        %run_scoped3A_35 = tpu.sem_alloc : memref<!tpu.dma_semaphore, #tpu.memory_space<semaphore_mem>>
        %dma_start3A_36 = arith.constant 0 : i32
        %dma_start3A_37 = tpu.memref_slice %arg5[%run_scoped3A, %mul3A_22, %dma_start3A_36] : memref<2x80000x128xf32, #tpu.memory_space<hbm>> -> memref<1x128x128xf32, #tpu.memory_space<hbm>>
        %dma_start3A_38 = tpu.memref_squeeze %dma_start3A_37 : memref<1x128x128xf32, #tpu.memory_space<hbm>> -> memref<128x128xf32, #tpu.memory_space<hbm>>
        %dma_start3A_39 = arith.constant 0 : i32
        %dma_start3A_40 = tpu.memref_slice %arg5[%run_scoped3A, %mul3A_22, %dma_start3A_39] : memref<2x80000x128xf32, #tpu.memory_space<hbm>> -> memref<1x128x128xf32, #tpu.memory_space<hbm>>
        %dma_start3A_41 = tpu.memref_squeeze %dma_start3A_40 : memref<1x128x128xf32, #tpu.memory_space<hbm>> -> memref<128x128xf32, #tpu.memory_space<hbm>>
        tpu.enqueue_dma source(%arg8 : memref<128x128xf32, #tpu.memory_space<vmem>>) target(%dma_start3A_41 : memref<128x128xf32, #tpu.memory_space<hbm>>) target_semaphore(%run_scoped3A_35 : memref<!tpu.dma_semaphore, #tpu.memory_space<semaphore_mem>>)
        %dma_wait3A_42 = arith.constant 0 : i32
        %dma_wait3A_43 = tpu.memref_slice %arg5[%run_scoped3A, %mul3A_22, %dma_wait3A_42] : memref<2x80000x128xf32, #tpu.memory_space<hbm>> -> memref<1x128x128xf32, #tpu.memory_space<hbm>>
        %dma_wait3A_44 = tpu.memref_squeeze %dma_wait3A_43 : memref<1x128x128xf32, #tpu.memory_space<hbm>> -> memref<128x128xf32, #tpu.memory_space<hbm>>
        %dma_wait3A_45 = arith.constant 0 : i32
        %dma_wait3A_46 = tpu.memref_slice %arg5[%run_scoped3A, %mul3A_22, %dma_wait3A_45] : memref<2x80000x128xf32, #tpu.memory_space<hbm>> -> memref<1x128x128xf32, #tpu.memory_space<hbm>>
        %dma_wait3A_47 = tpu.memref_squeeze %dma_wait3A_46 : memref<1x128x128xf32, #tpu.memory_space<hbm>> -> memref<128x128xf32, #tpu.memory_space<hbm>>
        tpu.wait_dma2 semaphore(%run_scoped3A_35 : memref<!tpu.dma_semaphore, #tpu.memory_space<semaphore_mem>>) src(%arg8 : memref<128x128xf32, #tpu.memory_space<vmem>>) dst(%dma_wait3A_47 : memref<128x128xf32, #tpu.memory_space<hbm>>)
        tpu.yield
      }) : () -> ()
      %run_scoped3A_33 = arith.constant 1 : i32
      "tpu.region"() ({
        %run_scoped3A_35 = tpu.sem_alloc : memref<!tpu.dma_semaphore, #tpu.memory_space<semaphore_mem>>
        %dma_start3A_36 = arith.constant 0 : i32
        %dma_start3A_37 = tpu.memref_slice %arg5[%run_scoped3A_33, %mul3A_22, %dma_start3A_36] : memref<2x80000x128xf32, #tpu.memory_space<hbm>> -> memref<1x128x128xf32, #tpu.memory_space<hbm>>
        %dma_start3A_38 = tpu.memref_squeeze %dma_start3A_37 : memref<1x128x128xf32, #tpu.memory_space<hbm>> -> memref<128x128xf32, #tpu.memory_space<hbm>>
        %dma_start3A_39 = arith.constant 0 : i32
        %dma_start3A_40 = tpu.memref_slice %arg5[%run_scoped3A_33, %mul3A_22, %dma_start3A_39] : memref<2x80000x128xf32, #tpu.memory_space<hbm>> -> memref<1x128x128xf32, #tpu.memory_space<hbm>>
        %dma_start3A_41 = tpu.memref_squeeze %dma_start3A_40 : memref<1x128x128xf32, #tpu.memory_space<hbm>> -> memref<128x128xf32, #tpu.memory_space<hbm>>
        tpu.enqueue_dma source(%arg9 : memref<128x128xf32, #tpu.memory_space<vmem>>) target(%dma_start3A_41 : memref<128x128xf32, #tpu.memory_space<hbm>>) target_semaphore(%run_scoped3A_35 : memref<!tpu.dma_semaphore, #tpu.memory_space<semaphore_mem>>)
        %dma_wait3A_42 = arith.constant 0 : i32
        %dma_wait3A_43 = tpu.memref_slice %arg5[%run_scoped3A_33, %mul3A_22, %dma_wait3A_42] : memref<2x80000x128xf32, #tpu.memory_space<hbm>> -> memref<1x128x128xf32, #tpu.memory_space<hbm>>
        %dma_wait3A_44 = tpu.memref_squeeze %dma_wait3A_43 : memref<1x128x128xf32, #tpu.memory_space<hbm>> -> memref<128x128xf32, #tpu.memory_space<hbm>>
        %dma_wait3A_45 = arith.constant 0 : i32
        %dma_wait3A_46 = tpu.memref_slice %arg5[%run_scoped3A_33, %mul3A_22, %dma_wait3A_45] : memref<2x80000x128xf32, #tpu.memory_space<hbm>> -> memref<1x128x128xf32, #tpu.memory_space<hbm>>
        %dma_wait3A_47 = tpu.memref_squeeze %dma_wait3A_46 : memref<1x128x128xf32, #tpu.memory_space<hbm>> -> memref<128x128xf32, #tpu.memory_space<hbm>>
        tpu.wait_dma2 semaphore(%run_scoped3A_35 : memref<!tpu.dma_semaphore, #tpu.memory_space<semaphore_mem>>) src(%arg9 : memref<128x128xf32, #tpu.memory_space<vmem>>) dst(%dma_wait3A_47 : memref<128x128xf32, #tpu.memory_space<hbm>>)
        tpu.yield
      }) : () -> ()
      %while3A_34 = arith.constant 0 : i32
      scf.yield %while3A_34 : i32
    }
    return
  }
}

#map = affine_map<(d0, d1) -> (0, 0)>
#map1 = affine_map<(d0, d1) -> (0)>
#map2 = affine_map<(d0, d1) -> (0, 0, 0)>
module attributes {stable_mosaic.version = 14 : i64} {
  func.func @k(%arg0: i32, %arg1: i32, %arg2: memref<10000x128xf32, #tpu.memory_space<hbm>>, %arg3: memref<80000xi32, #tpu.memory_space<hbm>>, %arg4: memref<80000xi32, #tpu.memory_space<hbm>>, %arg5: memref<2x80000x128xf32, #tpu.memory_space<hbm>>, %arg6: memref<128xi32, #tpu.memory_space<vmem>>, %arg7: memref<128xi32, #tpu.memory_space<vmem>>, %arg8: memref<128x128xf32, #tpu.memory_space<vmem>>, %arg9: memref<128x128xf32, #tpu.memory_space<vmem>>, %arg10: memref<!tpu.dma_semaphore, #tpu.memory_space<semaphore_mem>>, %arg11: memref<!tpu.dma_semaphore, #tpu.memory_space<semaphore_mem>>) attributes {dimension_semantics = [#tpu.dimension_semantics<core_parallel>, #tpu.dimension_semantics<subcore_parallel>], iteration_bounds = array<i64: 2, 16>, scalar_prefetch = 0 : i64, scratch_operands = 6 : i64, tpu.core_type = #tpu.core_type<sc_vector_subcore>, window_params = [{transform_indices = #map}, {transform_indices = #map1}, {transform_indices = #map1}, {transform_indices = #map2}]} {
    %mul3A = arith.constant 2 : i32
    %mul3A_0 = arith.muli %arg1, %mul3A : i32
    %add3A = arith.addi %mul3A_0, %arg0 : i32
    %lt3A = arith.constant 17 : i32
    %lt3A_1 = arith.cmpi slt, %add3A, %lt3A : i32
    %jit3A = arith.constant 1 : i32
    %jit3A_2 = arith.constant 0 : i32
    %select_n3A = arith.select %lt3A_1, %jit3A, %jit3A_2 : i32
    %add3A_3 = arith.constant 19 : i32
    %add3A_4 = arith.addi %add3A_3, %select_n3A : i32
    %while3A = arith.constant 0 : i32
    %while3A_5 = arith.constant 0 : i32
    %while3A_6 = arith.subi %add3A_4, %while3A : i32
    %while3A_7 = arith.addi %while3A, %while3A_6 : i32
    %while3A_8 = arith.constant 1 : i32
    %while3A_9 = arith.divsi %while3A_6, %while3A_8 : i32
    %while3A_10 = arith.muli %while3A_9, %while3A_8 : i32
    %while3A_11 = arith.addi %while3A, %while3A_10 : i32
    %while3A_12 = arith.constant 1 : i32
    %while3A_13 = scf.for %while3A_16 = %while3A to %while3A_11 step %while3A_12 iter_args(%while3A_17 = %while3A_5) -> (i32)  : i32 {
      %mul3A_18 = arith.constant 32 : i32
      %mul3A_19 = arith.muli %while3A_16, %mul3A_18 : i32
      %add3A_20 = arith.addi %add3A, %mul3A_19 : i32
      %mul3A_21 = arith.constant 128 : i32
      %mul3A_22 = arith.muli %add3A_20, %mul3A_21 : i32
      "tpu.region"() ({
        %run_scoped3A_35 = tpu.sem_alloc : memref<!tpu.dma_semaphore, #tpu.memory_space<semaphore_mem>>
        %dma_start3A_36 = tpu.memref_slice %arg3[%mul3A_22] : memref<80000xi32, #tpu.memory_space<hbm>> -> memref<128xi32, #tpu.memory_space<hbm>>
        %dma_start3A_37 = tpu.memref_slice %arg3[%mul3A_22] : memref<80000xi32, #tpu.memory_space<hbm>> -> memref<128xi32, #tpu.memory_space<hbm>>
        tpu.enqueue_dma source(%dma_start3A_37 : memref<128xi32, #tpu.memory_space<hbm>>) target(%arg6 : memref<128xi32, #tpu.memory_space<vmem>>) target_semaphore(%run_scoped3A_35 : memref<!tpu.dma_semaphore, #tpu.memory_space<semaphore_mem>>)
        %dma_wait3A_38 = tpu.memref_slice %arg3[%mul3A_22] : memref<80000xi32, #tpu.memory_space<hbm>> -> memref<128xi32, #tpu.memory_space<hbm>>
        %dma_wait3A_39 = tpu.memref_slice %arg3[%mul3A_22] : memref<80000xi32, #tpu.memory_space<hbm>> -> memref<128xi32, #tpu.memory_space<hbm>>
        tpu.wait_dma2 semaphore(%run_scoped3A_35 : memref<!tpu.dma_semaphore, #tpu.memory_space<semaphore_mem>>) src(%dma_wait3A_39 : memref<128xi32, #tpu.memory_space<hbm>>) dst(%arg6 : memref<128xi32, #tpu.memory_space<vmem>>)
        tpu.yield
      }) : () -> ()
      "tpu.region"() ({
        %run_scoped3A_35 = tpu.sem_alloc : memref<!tpu.dma_semaphore, #tpu.memory_space<semaphore_mem>>
        %dma_start3A_36 = tpu.memref_slice %arg4[%mul3A_22] : memref<80000xi32, #tpu.memory_space<hbm>> -> memref<128xi32, #tpu.memory_space<hbm>>
        %dma_start3A_37 = tpu.memref_slice %arg4[%mul3A_22] : memref<80000xi32, #tpu.memory_space<hbm>> -> memref<128xi32, #tpu.memory_space<hbm>>
        tpu.enqueue_dma source(%dma_start3A_37 : memref<128xi32, #tpu.memory_space<hbm>>) target(%arg7 : memref<128xi32, #tpu.memory_space<vmem>>) target_semaphore(%run_scoped3A_35 : memref<!tpu.dma_semaphore, #tpu.memory_space<semaphore_mem>>)
        %dma_wait3A_38 = tpu.memref_slice %arg4[%mul3A_22] : memref<80000xi32, #tpu.memory_space<hbm>> -> memref<128xi32, #tpu.memory_space<hbm>>
        %dma_wait3A_39 = tpu.memref_slice %arg4[%mul3A_22] : memref<80000xi32, #tpu.memory_space<hbm>> -> memref<128xi32, #tpu.memory_space<hbm>>
        tpu.wait_dma2 semaphore(%run_scoped3A_35 : memref<!tpu.dma_semaphore, #tpu.memory_space<semaphore_mem>>) src(%dma_wait3A_39 : memref<128xi32, #tpu.memory_space<hbm>>) dst(%arg7 : memref<128xi32, #tpu.memory_space<vmem>>)
        tpu.yield
      }) : () -> ()
      %dma_start3A = arith.constant 0 : i32
      %dma_start3A_23 = arith.constant 0 : i32
      %dma_start3A_24 = tpu.memref_slice %arg2[%dma_start3A, %dma_start3A_23] : memref<10000x128xf32, #tpu.memory_space<hbm>> -> memref<10000x128xf32, #tpu.memory_space<hbm>>
      tpu.enqueue_indirect_dma source(%dma_start3A_24 : memref<10000x128xf32, #tpu.memory_space<hbm>>) target(%arg8 : memref<128x128xf32, #tpu.memory_space<vmem>>) offsets(%arg6 : memref<128xi32, #tpu.memory_space<vmem>>) semaphore(%arg10 : memref<!tpu.dma_semaphore, #tpu.memory_space<semaphore_mem>>)
      %dma_start3A_25 = arith.constant 0 : i32
      %dma_start3A_26 = arith.constant 0 : i32
      %dma_start3A_27 = tpu.memref_slice %arg2[%dma_start3A_25, %dma_start3A_26] : memref<10000x128xf32, #tpu.memory_space<hbm>> -> memref<10000x128xf32, #tpu.memory_space<hbm>>
      tpu.enqueue_indirect_dma source(%dma_start3A_27 : memref<10000x128xf32, #tpu.memory_space<hbm>>) target(%arg9 : memref<128x128xf32, #tpu.memory_space<vmem>>) offsets(%arg7 : memref<128xi32, #tpu.memory_space<vmem>>) semaphore(%arg11 : memref<!tpu.dma_semaphore, #tpu.memory_space<semaphore_mem>>)
      %dma_wait3A = arith.constant 0 : i32
      %dma_wait3A_28 = arith.constant 0 : i32
      %dma_wait3A_29 = tpu.memref_slice %arg2[%dma_wait3A, %dma_wait3A_28] : memref<10000x128xf32, #tpu.memory_space<hbm>> -> memref<10000x128xf32, #tpu.memory_space<hbm>>
      tpu.wait_indirect_dma semaphore(%arg10 : memref<!tpu.dma_semaphore, #tpu.memory_space<semaphore_mem>>) src(%dma_wait3A_29 : memref<10000x128xf32, #tpu.memory_space<hbm>>) dst(%arg8 : memref<128x128xf32, #tpu.memory_space<vmem>>)
      %dma_wait3A_30 = arith.constant 0 : i32
      %dma_wait3A_31 = arith.constant 0 : i32
      %dma_wait3A_32 = tpu.memref_slice %arg2[%dma_wait3A_30, %dma_wait3A_31] : memref<10000x128xf32, #tpu.memory_space<hbm>> -> memref<10000x128xf32, #tpu.memory_space<hbm>>
      tpu.wait_indirect_dma semaphore(%arg11 : memref<!tpu.dma_semaphore, #tpu.memory_space<semaphore_mem>>) src(%dma_wait3A_32 : memref<10000x128xf32, #tpu.memory_space<hbm>>) dst(%arg9 : memref<128x128xf32, #tpu.memory_space<vmem>>)
      %run_scoped3A = arith.constant 0 : i32
      "tpu.region"() ({
        %run_scoped3A_35 = tpu.sem_alloc : memref<!tpu.dma_semaphore, #tpu.memory_space<semaphore_mem>>
        %dma_start3A_36 = arith.constant 0 : i32
        %dma_start3A_37 = tpu.memref_slice %arg5[%run_scoped3A, %mul3A_22, %dma_start3A_36] : memref<2x80000x128xf32, #tpu.memory_space<hbm>> -> memref<1x128x128xf32, #tpu.memory_space<hbm>>
        %dma_start3A_38 = tpu.memref_squeeze %dma_start3A_37 : memref<1x128x128xf32, #tpu.memory_space<hbm>> -> memref<128x128xf32, #tpu.memory_space<hbm>>
        %dma_start3A_39 = arith.constant 0 : i32
        %dma_start3A_40 = tpu.memref_slice %arg5[%run_scoped3A, %mul3A_22, %dma_start3A_39] : memref<2x80000x128xf32, #tpu.memory_space<hbm>> -> memref<1x128x128xf32, #tpu.memory_space<hbm>>
        %dma_start3A_41 = tpu.memref_squeeze %dma_start3A_40 : memref<1x128x128xf32, #tpu.memory_space<hbm>> -> memref<128x128xf32, #tpu.memory_space<hbm>>
        tpu.enqueue_dma source(%arg8 : memref<128x128xf32, #tpu.memory_space<vmem>>) target(%dma_start3A_41 : memref<128x128xf32, #tpu.memory_space<hbm>>) target_semaphore(%run_scoped3A_35 : memref<!tpu.dma_semaphore, #tpu.memory_space<semaphore_mem>>)
        %dma_wait3A_42 = arith.constant 0 : i32
        %dma_wait3A_43 = tpu.memref_slice %arg5[%run_scoped3A, %mul3A_22, %dma_wait3A_42] : memref<2x80000x128xf32, #tpu.memory_space<hbm>> -> memref<1x128x128xf32, #tpu.memory_space<hbm>>
        %dma_wait3A_44 = tpu.memref_squeeze %dma_wait3A_43 : memref<1x128x128xf32, #tpu.memory_space<hbm>> -> memref<128x128xf32, #tpu.memory_space<hbm>>
        %dma_wait3A_45 = arith.constant 0 : i32
        %dma_wait3A_46 = tpu.memref_slice %arg5[%run_scoped3A, %mul3A_22, %dma_wait3A_45] : memref<2x80000x128xf32, #tpu.memory_space<hbm>> -> memref<1x128x128xf32, #tpu.memory_space<hbm>>
        %dma_wait3A_47 = tpu.memref_squeeze %dma_wait3A_46 : memref<1x128x128xf32, #tpu.memory_space<hbm>> -> memref<128x128xf32, #tpu.memory_space<hbm>>
        tpu.wait_dma2 semaphore(%run_scoped3A_35 : memref<!tpu.dma_semaphore, #tpu.memory_space<semaphore_mem>>) src(%arg8 : memref<128x128xf32, #tpu.memory_space<vmem>>) dst(%dma_wait3A_47 : memref<128x128xf32, #tpu.memory_space<hbm>>)
        tpu.yield
      }) : () -> ()
      %run_scoped3A_33 = arith.constant 1 : i32
      "tpu.region"() ({
        %run_scoped3A_35 = tpu.sem_alloc : memref<!tpu.dma_semaphore, #tpu.memory_space<semaphore_mem>>
        %dma_start3A_36 = arith.constant 0 : i32
        %dma_start3A_37 = tpu.memref_slice %arg5[%run_scoped3A_33, %mul3A_22, %dma_start3A_36] : memref<2x80000x128xf32, #tpu.memory_space<hbm>> -> memref<1x128x128xf32, #tpu.memory_space<hbm>>
        %dma_start3A_38 = tpu.memref_squeeze %dma_start3A_37 : memref<1x128x128xf32, #tpu.memory_space<hbm>> -> memref<128x128xf32, #tpu.memory_space<hbm>>
        %dma_start3A_39 = arith.constant 0 : i32
        %dma_start3A_40 = tpu.memref_slice %arg5[%run_scoped3A_33, %mul3A_22, %dma_start3A_39] : memref<2x80000x128xf32, #tpu.memory_space<hbm>> -> memref<1x128x128xf32, #tpu.memory_space<hbm>>
        %dma_start3A_41 = tpu.memref_squeeze %dma_start3A_40 : memref<1x128x128xf32, #tpu.memory_space<hbm>> -> memref<128x128xf32, #tpu.memory_space<hbm>>
        tpu.enqueue_dma source(%arg9 : memref<128x128xf32, #tpu.memory_space<vmem>>) target(%dma_start3A_41 : memref<128x128xf32, #tpu.memory_space<hbm>>) target_semaphore(%run_scoped3A_35 : memref<!tpu.dma_semaphore, #tpu.memory_space<semaphore_mem>>)
        %dma_wait3A_42 = arith.constant 0 : i32
        %dma_wait3A_43 = tpu.memref_slice %arg5[%run_scoped3A_33, %mul3A_22, %dma_wait3A_42] : memref<2x80000x128xf32, #tpu.memory_space<hbm>> -> memref<1x128x128xf32, #tpu.memory_space<hbm>>
        %dma_wait3A_44 = tpu.memref_squeeze %dma_wait3A_43 : memref<1x128x128xf32, #tpu.memory_space<hbm>> -> memref<128x128xf32, #tpu.memory_space<hbm>>
        %dma_wait3A_45 = arith.constant 0 : i32
        %dma_wait3A_46 = tpu.memref_slice %arg5[%run_scoped3A_33, %mul3A_22, %dma_wait3A_45] : memref<2x80000x128xf32, #tpu.memory_space<hbm>> -> memref<1x128x128xf32, #tpu.memory_space<hbm>>
        %dma_wait3A_47 = tpu.memref_squeeze %dma_wait3A_46 : memref<1x128x128xf32, #tpu.memory_space<hbm>> -> memref<128x128xf32, #tpu.memory_space<hbm>>
        tpu.wait_dma2 semaphore(%run_scoped3A_35 : memref<!tpu.dma_semaphore, #tpu.memory_space<semaphore_mem>>) src(%arg9 : memref<128x128xf32, #tpu.memory_space<vmem>>) dst(%dma_wait3A_47 : memref<128x128xf32, #tpu.memory_space<hbm>>)
        tpu.yield
      }) : () -> ()
      %while3A_34 = arith.constant 0 : i32
      scf.yield %while3A_34 : i32
    }
    %while3A_14 = arith.constant 1 : i32
    %while3A_15 = scf.for %while3A_16 = %while3A_11 to %while3A_7 step %while3A_14 iter_args(%while3A_17 = %while3A_13) -> (i32)  : i32 {
      %mul3A_18 = arith.constant 32 : i32
      %mul3A_19 = arith.muli %while3A_16, %mul3A_18 : i32
      %add3A_20 = arith.addi %add3A, %mul3A_19 : i32
      %mul3A_21 = arith.constant 128 : i32
      %mul3A_22 = arith.muli %add3A_20, %mul3A_21 : i32
      "tpu.region"() ({
        %run_scoped3A_35 = tpu.sem_alloc : memref<!tpu.dma_semaphore, #tpu.memory_space<semaphore_mem>>
        %dma_start3A_36 = tpu.memref_slice %arg3[%mul3A_22] : memref<80000xi32, #tpu.memory_space<hbm>> -> memref<128xi32, #tpu.memory_space<hbm>>
        %dma_start3A_37 = tpu.memref_slice %arg3[%mul3A_22] : memref<80000xi32, #tpu.memory_space<hbm>> -> memref<128xi32, #tpu.memory_space<hbm>>
        tpu.enqueue_dma source(%dma_start3A_37 : memref<128xi32, #tpu.memory_space<hbm>>) target(%arg6 : memref<128xi32, #tpu.memory_space<vmem>>) target_semaphore(%run_scoped3A_35 : memref<!tpu.dma_semaphore, #tpu.memory_space<semaphore_mem>>)
        %dma_wait3A_38 = tpu.memref_slice %arg3[%mul3A_22] : memref<80000xi32, #tpu.memory_space<hbm>> -> memref<128xi32, #tpu.memory_space<hbm>>
        %dma_wait3A_39 = tpu.memref_slice %arg3[%mul3A_22] : memref<80000xi32, #tpu.memory_space<hbm>> -> memref<128xi32, #tpu.memory_space<hbm>>
        tpu.wait_dma2 semaphore(%run_scoped3A_35 : memref<!tpu.dma_semaphore, #tpu.memory_space<semaphore_mem>>) src(%dma_wait3A_39 : memref<128xi32, #tpu.memory_space<hbm>>) dst(%arg6 : memref<128xi32, #tpu.memory_space<vmem>>)
        tpu.yield
      }) : () -> ()
      "tpu.region"() ({
        %run_scoped3A_35 = tpu.sem_alloc : memref<!tpu.dma_semaphore, #tpu.memory_space<semaphore_mem>>
        %dma_start3A_36 = tpu.memref_slice %arg4[%mul3A_22] : memref<80000xi32, #tpu.memory_space<hbm>> -> memref<128xi32, #tpu.memory_space<hbm>>
        %dma_start3A_37 = tpu.memref_slice %arg4[%mul3A_22] : memref<80000xi32, #tpu.memory_space<hbm>> -> memref<128xi32, #tpu.memory_space<hbm>>
        tpu.enqueue_dma source(%dma_start3A_37 : memref<128xi32, #tpu.memory_space<hbm>>) target(%arg7 : memref<128xi32, #tpu.memory_space<vmem>>) target_semaphore(%run_scoped3A_35 : memref<!tpu.dma_semaphore, #tpu.memory_space<semaphore_mem>>)
        %dma_wait3A_38 = tpu.memref_slice %arg4[%mul3A_22] : memref<80000xi32, #tpu.memory_space<hbm>> -> memref<128xi32, #tpu.memory_space<hbm>>
        %dma_wait3A_39 = tpu.memref_slice %arg4[%mul3A_22] : memref<80000xi32, #tpu.memory_space<hbm>> -> memref<128xi32, #tpu.memory_space<hbm>>
        tpu.wait_dma2 semaphore(%run_scoped3A_35 : memref<!tpu.dma_semaphore, #tpu.memory_space<semaphore_mem>>) src(%dma_wait3A_39 : memref<128xi32, #tpu.memory_space<hbm>>) dst(%arg7 : memref<128xi32, #tpu.memory_space<vmem>>)
        tpu.yield
      }) : () -> ()
      %dma_start3A = arith.constant 0 : i32
      %dma_start3A_23 = arith.constant 0 : i32
      %dma_start3A_24 = tpu.memref_slice %arg2[%dma_start3A, %dma_start3A_23] : memref<10000x128xf32, #tpu.memory_space<hbm>> -> memref<10000x128xf32, #tpu.memory_space<hbm>>
      tpu.enqueue_indirect_dma source(%dma_start3A_24 : memref<10000x128xf32, #tpu.memory_space<hbm>>) target(%arg8 : memref<128x128xf32, #tpu.memory_space<vmem>>) offsets(%arg6 : memref<128xi32, #tpu.memory_space<vmem>>) semaphore(%arg10 : memref<!tpu.dma_semaphore, #tpu.memory_space<semaphore_mem>>)
      %dma_start3A_25 = arith.constant 0 : i32
      %dma_start3A_26 = arith.constant 0 : i32
      %dma_start3A_27 = tpu.memref_slice %arg2[%dma_start3A_25, %dma_start3A_26] : memref<10000x128xf32, #tpu.memory_space<hbm>> -> memref<10000x128xf32, #tpu.memory_space<hbm>>
      tpu.enqueue_indirect_dma source(%dma_start3A_27 : memref<10000x128xf32, #tpu.memory_space<hbm>>) target(%arg9 : memref<128x128xf32, #tpu.memory_space<vmem>>) offsets(%arg7 : memref<128xi32, #tpu.memory_space<vmem>>) semaphore(%arg11 : memref<!tpu.dma_semaphore, #tpu.memory_space<semaphore_mem>>)
      %dma_wait3A = arith.constant 0 : i32
      %dma_wait3A_28 = arith.constant 0 : i32
      %dma_wait3A_29 = tpu.memref_slice %arg2[%dma_wait3A, %dma_wait3A_28] : memref<10000x128xf32, #tpu.memory_space<hbm>> -> memref<10000x128xf32, #tpu.memory_space<hbm>>
      tpu.wait_indirect_dma semaphore(%arg10 : memref<!tpu.dma_semaphore, #tpu.memory_space<semaphore_mem>>) src(%dma_wait3A_29 : memref<10000x128xf32, #tpu.memory_space<hbm>>) dst(%arg8 : memref<128x128xf32, #tpu.memory_space<vmem>>)
      %dma_wait3A_30 = arith.constant 0 : i32
      %dma_wait3A_31 = arith.constant 0 : i32
      %dma_wait3A_32 = tpu.memref_slice %arg2[%dma_wait3A_30, %dma_wait3A_31] : memref<10000x128xf32, #tpu.memory_space<hbm>> -> memref<10000x128xf32, #tpu.memory_space<hbm>>
      tpu.wait_indirect_dma semaphore(%arg11 : memref<!tpu.dma_semaphore, #tpu.memory_space<semaphore_mem>>) src(%dma_wait3A_32 : memref<10000x128xf32, #tpu.memory_space<hbm>>) dst(%arg9 : memref<128x128xf32, #tpu.memory_space<vmem>>)
      %run_scoped3A = arith.constant 0 : i32
      "tpu.region"() ({
        %run_scoped3A_35 = tpu.sem_alloc : memref<!tpu.dma_semaphore, #tpu.memory_space<semaphore_mem>>
        %dma_start3A_36 = arith.constant 0 : i32
        %dma_start3A_37 = tpu.memref_slice %arg5[%run_scoped3A, %mul3A_22, %dma_start3A_36] : memref<2x80000x128xf32, #tpu.memory_space<hbm>> -> memref<1x128x128xf32, #tpu.memory_space<hbm>>
        %dma_start3A_38 = tpu.memref_squeeze %dma_start3A_37 : memref<1x128x128xf32, #tpu.memory_space<hbm>> -> memref<128x128xf32, #tpu.memory_space<hbm>>
        %dma_start3A_39 = arith.constant 0 : i32
        %dma_start3A_40 = tpu.memref_slice %arg5[%run_scoped3A, %mul3A_22, %dma_start3A_39] : memref<2x80000x128xf32, #tpu.memory_space<hbm>> -> memref<1x128x128xf32, #tpu.memory_space<hbm>>
        %dma_start3A_41 = tpu.memref_squeeze %dma_start3A_40 : memref<1x128x128xf32, #tpu.memory_space<hbm>> -> memref<128x128xf32, #tpu.memory_space<hbm>>
        tpu.enqueue_dma source(%arg8 : memref<128x128xf32, #tpu.memory_space<vmem>>) target(%dma_start3A_41 : memref<128x128xf32, #tpu.memory_space<hbm>>) target_semaphore(%run_scoped3A_35 : memref<!tpu.dma_semaphore, #tpu.memory_space<semaphore_mem>>)
        %dma_wait3A_42 = arith.constant 0 : i32
        %dma_wait3A_43 = tpu.memref_slice %arg5[%run_scoped3A, %mul3A_22, %dma_wait3A_42] : memref<2x80000x128xf32, #tpu.memory_space<hbm>> -> memref<1x128x128xf32, #tpu.memory_space<hbm>>
        %dma_wait3A_44 = tpu.memref_squeeze %dma_wait3A_43 : memref<1x128x128xf32, #tpu.memory_space<hbm>> -> memref<128x128xf32, #tpu.memory_space<hbm>>
        %dma_wait3A_45 = arith.constant 0 : i32
        %dma_wait3A_46 = tpu.memref_slice %arg5[%run_scoped3A, %mul3A_22, %dma_wait3A_45] : memref<2x80000x128xf32, #tpu.memory_space<hbm>> -> memref<1x128x128xf32, #tpu.memory_space<hbm>>
        %dma_wait3A_47 = tpu.memref_squeeze %dma_wait3A_46 : memref<1x128x128xf32, #tpu.memory_space<hbm>> -> memref<128x128xf32, #tpu.memory_space<hbm>>
        tpu.wait_dma2 semaphore(%run_scoped3A_35 : memref<!tpu.dma_semaphore, #tpu.memory_space<semaphore_mem>>) src(%arg8 : memref<128x128xf32, #tpu.memory_space<vmem>>) dst(%dma_wait3A_47 : memref<128x128xf32, #tpu.memory_space<hbm>>)
        tpu.yield
      }) : () -> ()
      %run_scoped3A_33 = arith.constant 1 : i32
      "tpu.region"() ({
        %run_scoped3A_35 = tpu.sem_alloc : memref<!tpu.dma_semaphore, #tpu.memory_space<semaphore_mem>>
        %dma_start3A_36 = arith.constant 0 : i32
        %dma_start3A_37 = tpu.memref_slice %arg5[%run_scoped3A_33, %mul3A_22, %dma_start3A_36] : memref<2x80000x128xf32, #tpu.memory_space<hbm>> -> memref<1x128x128xf32, #tpu.memory_space<hbm>>
        %dma_start3A_38 = tpu.memref_squeeze %dma_start3A_37 : memref<1x128x128xf32, #tpu.memory_space<hbm>> -> memref<128x128xf32, #tpu.memory_space<hbm>>
        %dma_start3A_39 = arith.constant 0 : i32
        %dma_start3A_40 = tpu.memref_slice %arg5[%run_scoped3A_33, %mul3A_22, %dma_start3A_39] : memref<2x80000x128xf32, #tpu.memory_space<hbm>> -> memref<1x128x128xf32, #tpu.memory_space<hbm>>
        %dma_start3A_41 = tpu.memref_squeeze %dma_start3A_40 : memref<1x128x128xf32, #tpu.memory_space<hbm>> -> memref<128x128xf32, #tpu.memory_space<hbm>>
        tpu.enqueue_dma source(%arg9 : memref<128x128xf32, #tpu.memory_space<vmem>>) target(%dma_start3A_41 : memref<128x128xf32, #tpu.memory_space<hbm>>) target_semaphore(%run_scoped3A_35 : memref<!tpu.dma_semaphore, #tpu.memory_space<semaphore_mem>>)
        %dma_wait3A_42 = arith.constant 0 : i32
        %dma_wait3A_43 = tpu.memref_slice %arg5[%run_scoped3A_33, %mul3A_22, %dma_wait3A_42] : memref<2x80000x128xf32, #tpu.memory_space<hbm>> -> memref<1x128x128xf32, #tpu.memory_space<hbm>>
        %dma_wait3A_44 = tpu.memref_squeeze %dma_wait3A_43 : memref<1x128x128xf32, #tpu.memory_space<hbm>> -> memref<128x128xf32, #tpu.memory_space<hbm>>
        %dma_wait3A_45 = arith.constant 0 : i32
        %dma_wait3A_46 = tpu.memref_slice %arg5[%run_scoped3A_33, %mul3A_22, %dma_wait3A_45] : memref<2x80000x128xf32, #tpu.memory_space<hbm>> -> memref<1x128x128xf32, #tpu.memory_space<hbm>>
        %dma_wait3A_47 = tpu.memref_squeeze %dma_wait3A_46 : memref<1x128x128xf32, #tpu.memory_space<hbm>> -> memref<128x128xf32, #tpu.memory_space<hbm>>
        tpu.wait_dma2 semaphore(%run_scoped3A_35 : memref<!tpu.dma_semaphore, #tpu.memory_space<semaphore_mem>>) src(%arg9 : memref<128x128xf32, #tpu.memory_space<vmem>>) dst(%dma_wait3A_47 : memref<128x128xf32, #tpu.memory_space<hbm>>)
        tpu.yield
      }) : () -> ()
      %while3A_34 = arith.constant 0 : i32
      scf.yield %while3A_34 : i32
    }
    return
  }
}

#map = affine_map<(d0, d1) -> (0, 0)>
#map1 = affine_map<(d0, d1) -> (0)>
#map2 = affine_map<(d0, d1) -> (0, 0, 0)>
module attributes {stable_mosaic.version = 14 : i64} {
  func.func @k(%arg0: i32, %arg1: i32, %arg2: memref<10000x128xf32, #tpu.memory_space<hbm>>, %arg3: memref<80000xi32, #tpu.memory_space<hbm>>, %arg4: memref<80000xi32, #tpu.memory_space<hbm>>, %arg5: memref<2x80000x128xf32, #tpu.memory_space<hbm>>, %arg6: memref<128xi32, #tpu.memory_space<vmem>>, %arg7: memref<128xi32, #tpu.memory_space<vmem>>, %arg8: memref<128x128xf32, #tpu.memory_space<vmem>>, %arg9: memref<128x128xf32, #tpu.memory_space<vmem>>, %arg10: memref<!tpu.dma_semaphore, #tpu.memory_space<semaphore_mem>>, %arg11: memref<!tpu.dma_semaphore, #tpu.memory_space<semaphore_mem>>) attributes {dimension_semantics = [#tpu.dimension_semantics<core_parallel>, #tpu.dimension_semantics<subcore_parallel>], iteration_bounds = array<i64: 2, 16>, scalar_prefetch = 0 : i64, scratch_operands = 6 : i64, tpu.core_type = #tpu.core_type<sc_vector_subcore>, window_params = [{transform_indices = #map}, {transform_indices = #map1}, {transform_indices = #map1}, {transform_indices = #map2}]} {
    %mul3A = arith.constant 2 : i32
    %mul3A_0 = arith.muli %arg1, %mul3A : i32
    %add3A = arith.addi %mul3A_0, %arg0 : i32
    %lt3A = arith.constant 17 : i32
    %lt3A_1 = arith.cmpi slt, %add3A, %lt3A : i32
    %jit3A = arith.constant 1 : i32
    %jit3A_2 = arith.constant 0 : i32
    %select_n3A = arith.select %lt3A_1, %jit3A, %jit3A_2 : i32
    %add3A_3 = arith.constant 19 : i32
    %add3A_4 = arith.addi %add3A_3, %select_n3A : i32
    %while3A = arith.constant 0 : i32
    %while3A_5 = arith.constant 0 : i32
    %while3A_6 = arith.subi %add3A_4, %while3A : i32
    %while3A_7 = arith.addi %while3A, %while3A_6 : i32
    %while3A_8 = arith.constant 1 : i32
    %while3A_9 = arith.divsi %while3A_6, %while3A_8 : i32
    %while3A_10 = arith.muli %while3A_9, %while3A_8 : i32
    %while3A_11 = arith.addi %while3A, %while3A_10 : i32
    %while3A_12 = arith.constant 1 : i32
    %while3A_13 = scf.for %while3A_16 = %while3A to %while3A_11 step %while3A_12 iter_args(%while3A_17 = %while3A_5) -> (i32)  : i32 {
      %mul3A_18 = arith.constant 32 : i32
      %mul3A_19 = arith.muli %while3A_16, %mul3A_18 : i32
      %add3A_20 = arith.addi %add3A, %mul3A_19 : i32
      %mul3A_21 = arith.constant 128 : i32
      %mul3A_22 = arith.muli %add3A_20, %mul3A_21 : i32
      "tpu.region"() ({
        %run_scoped3A_35 = tpu.sem_alloc : memref<!tpu.dma_semaphore, #tpu.memory_space<semaphore_mem>>
        %dma_start3A_36 = tpu.memref_slice %arg3[%mul3A_22] : memref<80000xi32, #tpu.memory_space<hbm>> -> memref<128xi32, #tpu.memory_space<hbm>>
        %dma_start3A_37 = tpu.memref_slice %arg3[%mul3A_22] : memref<80000xi32, #tpu.memory_space<hbm>> -> memref<128xi32, #tpu.memory_space<hbm>>
        tpu.enqueue_dma source(%dma_start3A_37 : memref<128xi32, #tpu.memory_space<hbm>>) target(%arg6 : memref<128xi32, #tpu.memory_space<vmem>>) target_semaphore(%run_scoped3A_35 : memref<!tpu.dma_semaphore, #tpu.memory_space<semaphore_mem>>)
        %dma_wait3A_38 = tpu.memref_slice %arg3[%mul3A_22] : memref<80000xi32, #tpu.memory_space<hbm>> -> memref<128xi32, #tpu.memory_space<hbm>>
        %dma_wait3A_39 = tpu.memref_slice %arg3[%mul3A_22] : memref<80000xi32, #tpu.memory_space<hbm>> -> memref<128xi32, #tpu.memory_space<hbm>>
        tpu.wait_dma2 semaphore(%run_scoped3A_35 : memref<!tpu.dma_semaphore, #tpu.memory_space<semaphore_mem>>) src(%dma_wait3A_39 : memref<128xi32, #tpu.memory_space<hbm>>) dst(%arg6 : memref<128xi32, #tpu.memory_space<vmem>>)
        tpu.yield
      }) : () -> ()
      "tpu.region"() ({
        %run_scoped3A_35 = tpu.sem_alloc : memref<!tpu.dma_semaphore, #tpu.memory_space<semaphore_mem>>
        %dma_start3A_36 = tpu.memref_slice %arg4[%mul3A_22] : memref<80000xi32, #tpu.memory_space<hbm>> -> memref<128xi32, #tpu.memory_space<hbm>>
        %dma_start3A_37 = tpu.memref_slice %arg4[%mul3A_22] : memref<80000xi32, #tpu.memory_space<hbm>> -> memref<128xi32, #tpu.memory_space<hbm>>
        tpu.enqueue_dma source(%dma_start3A_37 : memref<128xi32, #tpu.memory_space<hbm>>) target(%arg7 : memref<128xi32, #tpu.memory_space<vmem>>) target_semaphore(%run_scoped3A_35 : memref<!tpu.dma_semaphore, #tpu.memory_space<semaphore_mem>>)
        %dma_wait3A_38 = tpu.memref_slice %arg4[%mul3A_22] : memref<80000xi32, #tpu.memory_space<hbm>> -> memref<128xi32, #tpu.memory_space<hbm>>
        %dma_wait3A_39 = tpu.memref_slice %arg4[%mul3A_22] : memref<80000xi32, #tpu.memory_space<hbm>> -> memref<128xi32, #tpu.memory_space<hbm>>
        tpu.wait_dma2 semaphore(%run_scoped3A_35 : memref<!tpu.dma_semaphore, #tpu.memory_space<semaphore_mem>>) src(%dma_wait3A_39 : memref<128xi32, #tpu.memory_space<hbm>>) dst(%arg7 : memref<128xi32, #tpu.memory_space<vmem>>)
        tpu.yield
      }) : () -> ()
      %dma_start3A = arith.constant 0 : i32
      %dma_start3A_23 = arith.constant 0 : i32
      %dma_start3A_24 = tpu.memref_slice %arg2[%dma_start3A, %dma_start3A_23] : memref<10000x128xf32, #tpu.memory_space<hbm>> -> memref<10000x128xf32, #tpu.memory_space<hbm>>
      tpu.enqueue_indirect_dma source(%dma_start3A_24 : memref<10000x128xf32, #tpu.memory_space<hbm>>) target(%arg8 : memref<128x128xf32, #tpu.memory_space<vmem>>) offsets(%arg6 : memref<128xi32, #tpu.memory_space<vmem>>) semaphore(%arg10 : memref<!tpu.dma_semaphore, #tpu.memory_space<semaphore_mem>>)
      %dma_start3A_25 = arith.constant 0 : i32
      %dma_start3A_26 = arith.constant 0 : i32
      %dma_start3A_27 = tpu.memref_slice %arg2[%dma_start3A_25, %dma_start3A_26] : memref<10000x128xf32, #tpu.memory_space<hbm>> -> memref<10000x128xf32, #tpu.memory_space<hbm>>
      tpu.enqueue_indirect_dma source(%dma_start3A_27 : memref<10000x128xf32, #tpu.memory_space<hbm>>) target(%arg9 : memref<128x128xf32, #tpu.memory_space<vmem>>) offsets(%arg7 : memref<128xi32, #tpu.memory_space<vmem>>) semaphore(%arg11 : memref<!tpu.dma_semaphore, #tpu.memory_space<semaphore_mem>>)
      %dma_wait3A = arith.constant 0 : i32
      %dma_wait3A_28 = arith.constant 0 : i32
      %dma_wait3A_29 = tpu.memref_slice %arg2[%dma_wait3A, %dma_wait3A_28] : memref<10000x128xf32, #tpu.memory_space<hbm>> -> memref<10000x128xf32, #tpu.memory_space<hbm>>
      tpu.wait_indirect_dma semaphore(%arg10 : memref<!tpu.dma_semaphore, #tpu.memory_space<semaphore_mem>>) src(%dma_wait3A_29 : memref<10000x128xf32, #tpu.memory_space<hbm>>) dst(%arg8 : memref<128x128xf32, #tpu.memory_space<vmem>>)
      %dma_wait3A_30 = arith.constant 0 : i32
      %dma_wait3A_31 = arith.constant 0 : i32
      %dma_wait3A_32 = tpu.memref_slice %arg2[%dma_wait3A_30, %dma_wait3A_31] : memref<10000x128xf32, #tpu.memory_space<hbm>> -> memref<10000x128xf32, #tpu.memory_space<hbm>>
      tpu.wait_indirect_dma semaphore(%arg11 : memref<!tpu.dma_semaphore, #tpu.memory_space<semaphore_mem>>) src(%dma_wait3A_32 : memref<10000x128xf32, #tpu.memory_space<hbm>>) dst(%arg9 : memref<128x128xf32, #tpu.memory_space<vmem>>)
      %run_scoped3A = arith.constant 0 : i32
      "tpu.region"() ({
        %run_scoped3A_35 = tpu.sem_alloc : memref<!tpu.dma_semaphore, #tpu.memory_space<semaphore_mem>>
        %dma_start3A_36 = arith.constant 0 : i32
        %dma_start3A_37 = tpu.memref_slice %arg5[%run_scoped3A, %mul3A_22, %dma_start3A_36] : memref<2x80000x128xf32, #tpu.memory_space<hbm>> -> memref<1x128x128xf32, #tpu.memory_space<hbm>>
        %dma_start3A_38 = tpu.memref_squeeze %dma_start3A_37 : memref<1x128x128xf32, #tpu.memory_space<hbm>> -> memref<128x128xf32, #tpu.memory_space<hbm>>
        %dma_start3A_39 = arith.constant 0 : i32
        %dma_start3A_40 = tpu.memref_slice %arg5[%run_scoped3A, %mul3A_22, %dma_start3A_39] : memref<2x80000x128xf32, #tpu.memory_space<hbm>> -> memref<1x128x128xf32, #tpu.memory_space<hbm>>
        %dma_start3A_41 = tpu.memref_squeeze %dma_start3A_40 : memref<1x128x128xf32, #tpu.memory_space<hbm>> -> memref<128x128xf32, #tpu.memory_space<hbm>>
        tpu.enqueue_dma source(%arg8 : memref<128x128xf32, #tpu.memory_space<vmem>>) target(%dma_start3A_41 : memref<128x128xf32, #tpu.memory_space<hbm>>) target_semaphore(%run_scoped3A_35 : memref<!tpu.dma_semaphore, #tpu.memory_space<semaphore_mem>>)
        %dma_wait3A_42 = arith.constant 0 : i32
        %dma_wait3A_43 = tpu.memref_slice %arg5[%run_scoped3A, %mul3A_22, %dma_wait3A_42] : memref<2x80000x128xf32, #tpu.memory_space<hbm>> -> memref<1x128x128xf32, #tpu.memory_space<hbm>>
        %dma_wait3A_44 = tpu.memref_squeeze %dma_wait3A_43 : memref<1x128x128xf32, #tpu.memory_space<hbm>> -> memref<128x128xf32, #tpu.memory_space<hbm>>
        %dma_wait3A_45 = arith.constant 0 : i32
        %dma_wait3A_46 = tpu.memref_slice %arg5[%run_scoped3A, %mul3A_22, %dma_wait3A_45] : memref<2x80000x128xf32, #tpu.memory_space<hbm>> -> memref<1x128x128xf32, #tpu.memory_space<hbm>>
        %dma_wait3A_47 = tpu.memref_squeeze %dma_wait3A_46 : memref<1x128x128xf32, #tpu.memory_space<hbm>> -> memref<128x128xf32, #tpu.memory_space<hbm>>
        tpu.wait_dma2 semaphore(%run_scoped3A_35 : memref<!tpu.dma_semaphore, #tpu.memory_space<semaphore_mem>>) src(%arg8 : memref<128x128xf32, #tpu.memory_space<vmem>>) dst(%dma_wait3A_47 : memref<128x128xf32, #tpu.memory_space<hbm>>)
        tpu.yield
      }) : () -> ()
      %run_scoped3A_33 = arith.constant 1 : i32
      "tpu.region"() ({
        %run_scoped3A_35 = tpu.sem_alloc : memref<!tpu.dma_semaphore, #tpu.memory_space<semaphore_mem>>
        %dma_start3A_36 = arith.constant 0 : i32
        %dma_start3A_37 = tpu.memref_slice %arg5[%run_scoped3A_33, %mul3A_22, %dma_start3A_36] : memref<2x80000x128xf32, #tpu.memory_space<hbm>> -> memref<1x128x128xf32, #tpu.memory_space<hbm>>
        %dma_start3A_38 = tpu.memref_squeeze %dma_start3A_37 : memref<1x128x128xf32, #tpu.memory_space<hbm>> -> memref<128x128xf32, #tpu.memory_space<hbm>>
        %dma_start3A_39 = arith.constant 0 : i32
        %dma_start3A_40 = tpu.memref_slice %arg5[%run_scoped3A_33, %mul3A_22, %dma_start3A_39] : memref<2x80000x128xf32, #tpu.memory_space<hbm>> -> memref<1x128x128xf32, #tpu.memory_space<hbm>>
        %dma_start3A_41 = tpu.memref_squeeze %dma_start3A_40 : memref<1x128x128xf32, #tpu.memory_space<hbm>> -> memref<128x128xf32, #tpu.memory_space<hbm>>
        tpu.enqueue_dma source(%arg9 : memref<128x128xf32, #tpu.memory_space<vmem>>) target(%dma_start3A_41 : memref<128x128xf32, #tpu.memory_space<hbm>>) target_semaphore(%run_scoped3A_35 : memref<!tpu.dma_semaphore, #tpu.memory_space<semaphore_mem>>)
        %dma_wait3A_42 = arith.constant 0 : i32
        %dma_wait3A_43 = tpu.memref_slice %arg5[%run_scoped3A_33, %mul3A_22, %dma_wait3A_42] : memref<2x80000x128xf32, #tpu.memory_space<hbm>> -> memref<1x128x128xf32, #tpu.memory_space<hbm>>
        %dma_wait3A_44 = tpu.memref_squeeze %dma_wait3A_43 : memref<1x128x128xf32, #tpu.memory_space<hbm>> -> memref<128x128xf32, #tpu.memory_space<hbm>>
        %dma_wait3A_45 = arith.constant 0 : i32
        %dma_wait3A_46 = tpu.memref_slice %arg5[%run_scoped3A_33, %mul3A_22, %dma_wait3A_45] : memref<2x80000x128xf32, #tpu.memory_space<hbm>> -> memref<1x128x128xf32, #tpu.memory_space<hbm>>
        %dma_wait3A_47 = tpu.memref_squeeze %dma_wait3A_46 : memref<1x128x128xf32, #tpu.memory_space<hbm>> -> memref<128x128xf32, #tpu.memory_space<hbm>>
        tpu.wait_dma2 semaphore(%run_scoped3A_35 : memref<!tpu.dma_semaphore, #tpu.memory_space<semaphore_mem>>) src(%arg9 : memref<128x128xf32, #tpu.memory_space<vmem>>) dst(%dma_wait3A_47 : memref<128x128xf32, #tpu.memory_space<hbm>>)
        tpu.yield
      }) : () -> ()
      %while3A_34 = arith.constant 0 : i32
      scf.yield %while3A_34 : i32
    }
    %while3A_14 = arith.constant 1 : i32
    %while3A_15 = scf.for %while3A_16 = %while3A_11 to %while3A_7 step %while3A_14 iter_args(%while3A_17 = %while3A_13) -> (i32)  : i32 {
      %mul3A_18 = arith.constant 32 : i32
      %mul3A_19 = arith.muli %while3A_16, %mul3A_18 : i32
      %add3A_20 = arith.addi %add3A, %mul3A_19 : i32
      %mul3A_21 = arith.constant 128 : i32
      %mul3A_22 = arith.muli %add3A_20, %mul3A_21 : i32
      "tpu.region"() ({
        %run_scoped3A_35 = tpu.sem_alloc : memref<!tpu.dma_semaphore, #tpu.memory_space<semaphore_mem>>
        %dma_start3A_36 = tpu.memref_slice %arg3[%mul3A_22] : memref<80000xi32, #tpu.memory_space<hbm>> -> memref<128xi32, #tpu.memory_space<hbm>>
        %dma_start3A_37 = tpu.memref_slice %arg3[%mul3A_22] : memref<80000xi32, #tpu.memory_space<hbm>> -> memref<128xi32, #tpu.memory_space<hbm>>
        tpu.enqueue_dma source(%dma_start3A_37 : memref<128xi32, #tpu.memory_space<hbm>>) target(%arg6 : memref<128xi32, #tpu.memory_space<vmem>>) target_semaphore(%run_scoped3A_35 : memref<!tpu.dma_semaphore, #tpu.memory_space<semaphore_mem>>)
        %dma_wait3A_38 = tpu.memref_slice %arg3[%mul3A_22] : memref<80000xi32, #tpu.memory_space<hbm>> -> memref<128xi32, #tpu.memory_space<hbm>>
        %dma_wait3A_39 = tpu.memref_slice %arg3[%mul3A_22] : memref<80000xi32, #tpu.memory_space<hbm>> -> memref<128xi32, #tpu.memory_space<hbm>>
        tpu.wait_dma2 semaphore(%run_scoped3A_35 : memref<!tpu.dma_semaphore, #tpu.memory_space<semaphore_mem>>) src(%dma_wait3A_39 : memref<128xi32, #tpu.memory_space<hbm>>) dst(%arg6 : memref<128xi32, #tpu.memory_space<vmem>>)
        tpu.yield
      }) : () -> ()
      "tpu.region"() ({
        %run_scoped3A_35 = tpu.sem_alloc : memref<!tpu.dma_semaphore, #tpu.memory_space<semaphore_mem>>
        %dma_start3A_36 = tpu.memref_slice %arg4[%mul3A_22] : memref<80000xi32, #tpu.memory_space<hbm>> -> memref<128xi32, #tpu.memory_space<hbm>>
        %dma_start3A_37 = tpu.memref_slice %arg4[%mul3A_22] : memref<80000xi32, #tpu.memory_space<hbm>> -> memref<128xi32, #tpu.memory_space<hbm>>
        tpu.enqueue_dma source(%dma_start3A_37 : memref<128xi32, #tpu.memory_space<hbm>>) target(%arg7 : memref<128xi32, #tpu.memory_space<vmem>>) target_semaphore(%run_scoped3A_35 : memref<!tpu.dma_semaphore, #tpu.memory_space<semaphore_mem>>)
        %dma_wait3A_38 = tpu.memref_slice %arg4[%mul3A_22] : memref<80000xi32, #tpu.memory_space<hbm>> -> memref<128xi32, #tpu.memory_space<hbm>>
        %dma_wait3A_39 = tpu.memref_slice %arg4[%mul3A_22] : memref<80000xi32, #tpu.memory_space<hbm>> -> memref<128xi32, #tpu.memory_space<hbm>>
        tpu.wait_dma2 semaphore(%run_scoped3A_35 : memref<!tpu.dma_semaphore, #tpu.memory_space<semaphore_mem>>) src(%dma_wait3A_39 : memref<128xi32, #tpu.memory_space<hbm>>) dst(%arg7 : memref<128xi32, #tpu.memory_space<vmem>>)
        tpu.yield
      }) : () -> ()
      %dma_start3A = arith.constant 0 : i32
      %dma_start3A_23 = arith.constant 0 : i32
      %dma_start3A_24 = tpu.memref_slice %arg2[%dma_start3A, %dma_start3A_23] : memref<10000x128xf32, #tpu.memory_space<hbm>> -> memref<10000x128xf32, #tpu.memory_space<hbm>>
      tpu.enqueue_indirect_dma source(%dma_start3A_24 : memref<10000x128xf32, #tpu.memory_space<hbm>>) target(%arg8 : memref<128x128xf32, #tpu.memory_space<vmem>>) offsets(%arg6 : memref<128xi32, #tpu.memory_space<vmem>>) semaphore(%arg10 : memref<!tpu.dma_semaphore, #tpu.memory_space<semaphore_mem>>)
      %dma_start3A_25 = arith.constant 0 : i32
      %dma_start3A_26 = arith.constant 0 : i32
      %dma_start3A_27 = tpu.memref_slice %arg2[%dma_start3A_25, %dma_start3A_26] : memref<10000x128xf32, #tpu.memory_space<hbm>> -> memref<10000x128xf32, #tpu.memory_space<hbm>>
      tpu.enqueue_indirect_dma source(%dma_start3A_27 : memref<10000x128xf32, #tpu.memory_space<hbm>>) target(%arg9 : memref<128x128xf32, #tpu.memory_space<vmem>>) offsets(%arg7 : memref<128xi32, #tpu.memory_space<vmem>>) semaphore(%arg11 : memref<!tpu.dma_semaphore, #tpu.memory_space<semaphore_mem>>)
      %dma_wait3A = arith.constant 0 : i32
      %dma_wait3A_28 = arith.constant 0 : i32
      %dma_wait3A_29 = tpu.memref_slice %arg2[%dma_wait3A, %dma_wait3A_28] : memref<10000x128xf32, #tpu.memory_space<hbm>> -> memref<10000x128xf32, #tpu.memory_space<hbm>>
      tpu.wait_indirect_dma semaphore(%arg10 : memref<!tpu.dma_semaphore, #tpu.memory_space<semaphore_mem>>) src(%dma_wait3A_29 : memref<10000x128xf32, #tpu.memory_space<hbm>>) dst(%arg8 : memref<128x128xf32, #tpu.memory_space<vmem>>)
      %dma_wait3A_30 = arith.constant 0 : i32
      %dma_wait3A_31 = arith.constant 0 : i32
      %dma_wait3A_32 = tpu.memref_slice %arg2[%dma_wait3A_30, %dma_wait3A_31] : memref<10000x128xf32, #tpu.memory_space<hbm>> -> memref<10000x128xf32, #tpu.memory_space<hbm>>
      tpu.wait_indirect_dma semaphore(%arg11 : memref<!tpu.dma_semaphore, #tpu.memory_space<semaphore_mem>>) src(%dma_wait3A_32 : memref<10000x128xf32, #tpu.memory_space<hbm>>) dst(%arg9 : memref<128x128xf32, #tpu.memory_space<vmem>>)
      %run_scoped3A = arith.constant 0 : i32
      "tpu.region"() ({
        %run_scoped3A_35 = tpu.sem_alloc : memref<!tpu.dma_semaphore, #tpu.memory_space<semaphore_mem>>
        %dma_start3A_36 = arith.constant 0 : i32
        %dma_start3A_37 = tpu.memref_slice %arg5[%run_scoped3A, %mul3A_22, %dma_start3A_36] : memref<2x80000x128xf32, #tpu.memory_space<hbm>> -> memref<1x128x128xf32, #tpu.memory_space<hbm>>
        %dma_start3A_38 = tpu.memref_squeeze %dma_start3A_37 : memref<1x128x128xf32, #tpu.memory_space<hbm>> -> memref<128x128xf32, #tpu.memory_space<hbm>>
        %dma_start3A_39 = arith.constant 0 : i32
        %dma_start3A_40 = tpu.memref_slice %arg5[%run_scoped3A, %mul3A_22, %dma_start3A_39] : memref<2x80000x128xf32, #tpu.memory_space<hbm>> -> memref<1x128x128xf32, #tpu.memory_space<hbm>>
        %dma_start3A_41 = tpu.memref_squeeze %dma_start3A_40 : memref<1x128x128xf32, #tpu.memory_space<hbm>> -> memref<128x128xf32, #tpu.memory_space<hbm>>
        tpu.enqueue_dma source(%arg8 : memref<128x128xf32, #tpu.memory_space<vmem>>) target(%dma_start3A_41 : memref<128x128xf32, #tpu.memory_space<hbm>>) target_semaphore(%run_scoped3A_35 : memref<!tpu.dma_semaphore, #tpu.memory_space<semaphore_mem>>)
        %dma_wait3A_42 = arith.constant 0 : i32
        %dma_wait3A_43 = tpu.memref_slice %arg5[%run_scoped3A, %mul3A_22, %dma_wait3A_42] : memref<2x80000x128xf32, #tpu.memory_space<hbm>> -> memref<1x128x128xf32, #tpu.memory_space<hbm>>
        %dma_wait3A_44 = tpu.memref_squeeze %dma_wait3A_43 : memref<1x128x128xf32, #tpu.memory_space<hbm>> -> memref<128x128xf32, #tpu.memory_space<hbm>>
        %dma_wait3A_45 = arith.constant 0 : i32
        %dma_wait3A_46 = tpu.memref_slice %arg5[%run_scoped3A, %mul3A_22, %dma_wait3A_45] : memref<2x80000x128xf32, #tpu.memory_space<hbm>> -> memref<1x128x128xf32, #tpu.memory_space<hbm>>
        %dma_wait3A_47 = tpu.memref_squeeze %dma_wait3A_46 : memref<1x128x128xf32, #tpu.memory_space<hbm>> -> memref<128x128xf32, #tpu.memory_space<hbm>>
        tpu.wait_dma2 semaphore(%run_scoped3A_35 : memref<!tpu.dma_semaphore, #tpu.memory_space<semaphore_mem>>) src(%arg8 : memref<128x128xf32, #tpu.memory_space<vmem>>) dst(%dma_wait3A_47 : memref<128x128xf32, #tpu.memory_space<hbm>>)
        tpu.yield
      }) : () -> ()
      %run_scoped3A_33 = arith.constant 1 : i32
      "tpu.region"() ({
        %run_scoped3A_35 = tpu.sem_alloc : memref<!tpu.dma_semaphore, #tpu.memory_space<semaphore_mem>>
        %dma_start3A_36 = arith.constant 0 : i32
        %dma_start3A_37 = tpu.memref_slice %arg5[%run_scoped3A_33, %mul3A_22, %dma_start3A_36] : memref<2x80000x128xf32, #tpu.memory_space<hbm>> -> memref<1x128x128xf32, #tpu.memory_space<hbm>>
        %dma_start3A_38 = tpu.memref_squeeze %dma_start3A_37 : memref<1x128x128xf32, #tpu.memory_space<hbm>> -> memref<128x128xf32, #tpu.memory_space<hbm>>
        %dma_start3A_39 = arith.constant 0 : i32
        %dma_start3A_40 = tpu.memref_slice %arg5[%run_scoped3A_33, %mul3A_22, %dma_start3A_39] : memref<2x80000x128xf32, #tpu.memory_space<hbm>> -> memref<1x128x128xf32, #tpu.memory_space<hbm>>
        %dma_start3A_41 = tpu.memref_squeeze %dma_start3A_40 : memref<1x128x128xf32, #tpu.memory_space<hbm>> -> memref<128x128xf32, #tpu.memory_space<hbm>>
        tpu.enqueue_dma source(%arg9 : memref<128x128xf32, #tpu.memory_space<vmem>>) target(%dma_start3A_41 : memref<128x128xf32, #tpu.memory_space<hbm>>) target_semaphore(%run_scoped3A_35 : memref<!tpu.dma_semaphore, #tpu.memory_space<semaphore_mem>>)
        %dma_wait3A_42 = arith.constant 0 : i32
        %dma_wait3A_43 = tpu.memref_slice %arg5[%run_scoped3A_33, %mul3A_22, %dma_wait3A_42] : memref<2x80000x128xf32, #tpu.memory_space<hbm>> -> memref<1x128x128xf32, #tpu.memory_space<hbm>>
        %dma_wait3A_44 = tpu.memref_squeeze %dma_wait3A_43 : memref<1x128x128xf32, #tpu.memory_space<hbm>> -> memref<128x128xf32, #tpu.memory_space<hbm>>
        %dma_wait3A_45 = arith.constant 0 : i32
        %dma_wait3A_46 = tpu.memref_slice %arg5[%run_scoped3A_33, %mul3A_22, %dma_wait3A_45] : memref<2x80000x128xf32, #tpu.memory_space<hbm>> -> memref<1x128x128xf32, #tpu.memory_space<hbm>>
        %dma_wait3A_47 = tpu.memref_squeeze %dma_wait3A_46 : memref<1x128x128xf32, #tpu.memory_space<hbm>> -> memref<128x128xf32, #tpu.memory_space<hbm>>
        tpu.wait_dma2 semaphore(%run_scoped3A_35 : memref<!tpu.dma_semaphore, #tpu.memory_space<semaphore_mem>>) src(%arg9 : memref<128x128xf32, #tpu.memory_space<vmem>>) dst(%dma_wait3A_47 : memref<128x128xf32, #tpu.memory_space<hbm>>)
        tpu.yield
      }) : () -> ()
      %while3A_34 = arith.constant 0 : i32
      scf.yield %while3A_34 : i32
    }
    return
  }
}

#map = affine_map<(d0, d1) -> (0)>
#map1 = affine_map<(d0, d1) -> (0, 0)>
module attributes {stable_mosaic.version = 14 : i64} {
  func.func @k(%arg0: i32, %arg1: i32, %arg2: memref<320000xi32, #tpu.memory_space<hbm>>, %arg3: memref<128x128xf32, #tpu.memory_space<hbm>>, %arg4: memref<128x128xf32, #tpu.memory_space<hbm>>, %arg5: memref<20480x128xf32, #tpu.memory_space<hbm>>, %arg6: memref<128xi32, #tpu.memory_space<vmem>>, %arg7: memref<128x128xf32, #tpu.memory_space<vmem>>, %arg8: memref<128x128xf32, #tpu.memory_space<vmem>>, %arg9: memref<10240x128xf32, #tpu.memory_space<vmem_shared>>) attributes {dimension_semantics = [#tpu.dimension_semantics<core_parallel>, #tpu.dimension_semantics<subcore_parallel>], iteration_bounds = array<i64: 2, 16>, scalar_prefetch = 0 : i64, scratch_operands = 4 : i64, tpu.core_type = #tpu.core_type<sc_vector_subcore>, window_params = [{transform_indices = #map}, {transform_indices = #map1}, {transform_indices = #map1}, {transform_indices = #map1}]} {
    "tpu.region"() ({
      %run_scoped3A = tpu.sem_alloc : memref<!tpu.dma_semaphore, #tpu.memory_space<semaphore_mem>>
      tpu.enqueue_dma source(%arg3 : memref<128x128xf32, #tpu.memory_space<hbm>>) target(%arg8 : memref<128x128xf32, #tpu.memory_space<vmem>>) target_semaphore(%run_scoped3A : memref<!tpu.dma_semaphore, #tpu.memory_space<semaphore_mem>>)
      tpu.wait_dma2 semaphore(%run_scoped3A : memref<!tpu.dma_semaphore, #tpu.memory_space<semaphore_mem>>) src(%arg3 : memref<128x128xf32, #tpu.memory_space<hbm>>) dst(%arg8 : memref<128x128xf32, #tpu.memory_space<vmem>>)
      tpu.yield
    }) : () -> ()
    "tpu.region"() ({
      %run_scoped3A = tpu.sem_alloc : memref<!tpu.dma_semaphore, #tpu.memory_space<semaphore_mem>>
      tpu.enqueue_dma source(%arg4 : memref<128x128xf32, #tpu.memory_space<hbm>>) target(%arg7 : memref<128x128xf32, #tpu.memory_space<vmem>>) target_semaphore(%run_scoped3A : memref<!tpu.dma_semaphore, #tpu.memory_space<semaphore_mem>>)
      tpu.wait_dma2 semaphore(%run_scoped3A : memref<!tpu.dma_semaphore, #tpu.memory_space<semaphore_mem>>) src(%arg4 : memref<128x128xf32, #tpu.memory_space<hbm>>) dst(%arg7 : memref<128x128xf32, #tpu.memory_space<vmem>>)
      tpu.yield
    }) : () -> ()
    %mul3A = arith.constant 640 : i32
    %mul3A_0 = arith.muli %arg1, %mul3A : i32
    %add3A = arith.constant 0 : i32
    %add3A_1 = arith.addi %mul3A_0, %add3A : i32
    "tpu.region"() ({
      %run_scoped3A = tpu.sem_alloc : memref<!tpu.dma_semaphore, #tpu.memory_space<semaphore_mem>>
      %dma_start3A = arith.constant 0 : i32
      %dma_start3A_51 = tpu.memref_slice %arg9[%add3A_1, %dma_start3A] : memref<10240x128xf32, #tpu.memory_space<vmem_shared>> -> memref<128x128xf32, #tpu.memory_space<vmem_shared>>
      %dma_start3A_52 = arith.constant 0 : i32
      %dma_start3A_53 = tpu.memref_slice %arg9[%add3A_1, %dma_start3A_52] : memref<10240x128xf32, #tpu.memory_space<vmem_shared>> -> memref<128x128xf32, #tpu.memory_space<vmem_shared>>
      tpu.enqueue_dma source(%arg8 : memref<128x128xf32, #tpu.memory_space<vmem>>) target(%dma_start3A_53 : memref<128x128xf32, #tpu.memory_space<vmem_shared>>) target_semaphore(%run_scoped3A : memref<!tpu.dma_semaphore, #tpu.memory_space<semaphore_mem>>)
      %dma_wait3A = arith.constant 0 : i32
      %dma_wait3A_54 = tpu.memref_slice %arg9[%add3A_1, %dma_wait3A] : memref<10240x128xf32, #tpu.memory_space<vmem_shared>> -> memref<128x128xf32, #tpu.memory_space<vmem_shared>>
      %dma_wait3A_55 = arith.constant 0 : i32
      %dma_wait3A_56 = tpu.memref_slice %arg9[%add3A_1, %dma_wait3A_55] : memref<10240x128xf32, #tpu.memory_space<vmem_shared>> -> memref<128x128xf32, #tpu.memory_space<vmem_shared>>
      tpu.wait_dma2 semaphore(%run_scoped3A : memref<!tpu.dma_semaphore, #tpu.memory_space<semaphore_mem>>) src(%arg8 : memref<128x128xf32, #tpu.memory_space<vmem>>) dst(%dma_wait3A_56 : memref<128x128xf32, #tpu.memory_space<vmem_shared>>)
      tpu.yield
    }) : () -> ()
    %add3A_2 = arith.constant 128 : i32
    %add3A_3 = arith.addi %mul3A_0, %add3A_2 : i32
    "tpu.region"() ({
      %run_scoped3A = tpu.sem_alloc : memref<!tpu.dma_semaphore, #tpu.memory_space<semaphore_mem>>
      %dma_start3A = arith.constant 0 : i32
      %dma_start3A_51 = tpu.memref_slice %arg9[%add3A_3, %dma_start3A] : memref<10240x128xf32, #tpu.memory_space<vmem_shared>> -> memref<128x128xf32, #tpu.memory_space<vmem_shared>>
      %dma_start3A_52 = arith.constant 0 : i32
      %dma_start3A_53 = tpu.memref_slice %arg9[%add3A_3, %dma_start3A_52] : memref<10240x128xf32, #tpu.memory_space<vmem_shared>> -> memref<128x128xf32, #tpu.memory_space<vmem_shared>>
      tpu.enqueue_dma source(%arg8 : memref<128x128xf32, #tpu.memory_space<vmem>>) target(%dma_start3A_53 : memref<128x128xf32, #tpu.memory_space<vmem_shared>>) target_semaphore(%run_scoped3A : memref<!tpu.dma_semaphore, #tpu.memory_space<semaphore_mem>>)
      %dma_wait3A = arith.constant 0 : i32
      %dma_wait3A_54 = tpu.memref_slice %arg9[%add3A_3, %dma_wait3A] : memref<10240x128xf32, #tpu.memory_space<vmem_shared>> -> memref<128x128xf32, #tpu.memory_space<vmem_shared>>
      %dma_wait3A_55 = arith.constant 0 : i32
      %dma_wait3A_56 = tpu.memref_slice %arg9[%add3A_3, %dma_wait3A_55] : memref<10240x128xf32, #tpu.memory_space<vmem_shared>> -> memref<128x128xf32, #tpu.memory_space<vmem_shared>>
      tpu.wait_dma2 semaphore(%run_scoped3A : memref<!tpu.dma_semaphore, #tpu.memory_space<semaphore_mem>>) src(%arg8 : memref<128x128xf32, #tpu.memory_space<vmem>>) dst(%dma_wait3A_56 : memref<128x128xf32, #tpu.memory_space<vmem_shared>>)
      tpu.yield
    }) : () -> ()
    %add3A_4 = arith.constant 256 : i32
    %add3A_5 = arith.addi %mul3A_0, %add3A_4 : i32
    "tpu.region"() ({
      %run_scoped3A = tpu.sem_alloc : memref<!tpu.dma_semaphore, #tpu.memory_space<semaphore_mem>>
      %dma_start3A = arith.constant 0 : i32
      %dma_start3A_51 = tpu.memref_slice %arg9[%add3A_5, %dma_start3A] : memref<10240x128xf32, #tpu.memory_space<vmem_shared>> -> memref<128x128xf32, #tpu.memory_space<vmem_shared>>
      %dma_start3A_52 = arith.constant 0 : i32
      %dma_start3A_53 = tpu.memref_slice %arg9[%add3A_5, %dma_start3A_52] : memref<10240x128xf32, #tpu.memory_space<vmem_shared>> -> memref<128x128xf32, #tpu.memory_space<vmem_shared>>
      tpu.enqueue_dma source(%arg8 : memref<128x128xf32, #tpu.memory_space<vmem>>) target(%dma_start3A_53 : memref<128x128xf32, #tpu.memory_space<vmem_shared>>) target_semaphore(%run_scoped3A : memref<!tpu.dma_semaphore, #tpu.memory_space<semaphore_mem>>)
      %dma_wait3A = arith.constant 0 : i32
      %dma_wait3A_54 = tpu.memref_slice %arg9[%add3A_5, %dma_wait3A] : memref<10240x128xf32, #tpu.memory_space<vmem_shared>> -> memref<128x128xf32, #tpu.memory_space<vmem_shared>>
      %dma_wait3A_55 = arith.constant 0 : i32
      %dma_wait3A_56 = tpu.memref_slice %arg9[%add3A_5, %dma_wait3A_55] : memref<10240x128xf32, #tpu.memory_space<vmem_shared>> -> memref<128x128xf32, #tpu.memory_space<vmem_shared>>
      tpu.wait_dma2 semaphore(%run_scoped3A : memref<!tpu.dma_semaphore, #tpu.memory_space<semaphore_mem>>) src(%arg8 : memref<128x128xf32, #tpu.memory_space<vmem>>) dst(%dma_wait3A_56 : memref<128x128xf32, #tpu.memory_space<vmem_shared>>)
      tpu.yield
    }) : () -> ()
    %add3A_6 = arith.constant 384 : i32
    %add3A_7 = arith.addi %mul3A_0, %add3A_6 : i32
    "tpu.region"() ({
      %run_scoped3A = tpu.sem_alloc : memref<!tpu.dma_semaphore, #tpu.memory_space<semaphore_mem>>
      %dma_start3A = arith.constant 0 : i32
      %dma_start3A_51 = tpu.memref_slice %arg9[%add3A_7, %dma_start3A] : memref<10240x128xf32, #tpu.memory_space<vmem_shared>> -> memref<128x128xf32, #tpu.memory_space<vmem_shared>>
      %dma_start3A_52 = arith.constant 0 : i32
      %dma_start3A_53 = tpu.memref_slice %arg9[%add3A_7, %dma_start3A_52] : memref<10240x128xf32, #tpu.memory_space<vmem_shared>> -> memref<128x128xf32, #tpu.memory_space<vmem_shared>>
      tpu.enqueue_dma source(%arg8 : memref<128x128xf32, #tpu.memory_space<vmem>>) target(%dma_start3A_53 : memref<128x128xf32, #tpu.memory_space<vmem_shared>>) target_semaphore(%run_scoped3A : memref<!tpu.dma_semaphore, #tpu.memory_space<semaphore_mem>>)
      %dma_wait3A = arith.constant 0 : i32
      %dma_wait3A_54 = tpu.memref_slice %arg9[%add3A_7, %dma_wait3A] : memref<10240x128xf32, #tpu.memory_space<vmem_shared>> -> memref<128x128xf32, #tpu.memory_space<vmem_shared>>
      %dma_wait3A_55 = arith.constant 0 : i32
      %dma_wait3A_56 = tpu.memref_slice %arg9[%add3A_7, %dma_wait3A_55] : memref<10240x128xf32, #tpu.memory_space<vmem_shared>> -> memref<128x128xf32, #tpu.memory_space<vmem_shared>>
      tpu.wait_dma2 semaphore(%run_scoped3A : memref<!tpu.dma_semaphore, #tpu.memory_space<semaphore_mem>>) src(%arg8 : memref<128x128xf32, #tpu.memory_space<vmem>>) dst(%dma_wait3A_56 : memref<128x128xf32, #tpu.memory_space<vmem_shared>>)
      tpu.yield
    }) : () -> ()
    %add3A_8 = arith.constant 512 : i32
    %add3A_9 = arith.addi %mul3A_0, %add3A_8 : i32
    "tpu.region"() ({
      %run_scoped3A = tpu.sem_alloc : memref<!tpu.dma_semaphore, #tpu.memory_space<semaphore_mem>>
      %dma_start3A = arith.constant 0 : i32
      %dma_start3A_51 = tpu.memref_slice %arg9[%add3A_9, %dma_start3A] : memref<10240x128xf32, #tpu.memory_space<vmem_shared>> -> memref<128x128xf32, #tpu.memory_space<vmem_shared>>
      %dma_start3A_52 = arith.constant 0 : i32
      %dma_start3A_53 = tpu.memref_slice %arg9[%add3A_9, %dma_start3A_52] : memref<10240x128xf32, #tpu.memory_space<vmem_shared>> -> memref<128x128xf32, #tpu.memory_space<vmem_shared>>
      tpu.enqueue_dma source(%arg8 : memref<128x128xf32, #tpu.memory_space<vmem>>) target(%dma_start3A_53 : memref<128x128xf32, #tpu.memory_space<vmem_shared>>) target_semaphore(%run_scoped3A : memref<!tpu.dma_semaphore, #tpu.memory_space<semaphore_mem>>)
      %dma_wait3A = arith.constant 0 : i32
      %dma_wait3A_54 = tpu.memref_slice %arg9[%add3A_9, %dma_wait3A] : memref<10240x128xf32, #tpu.memory_space<vmem_shared>> -> memref<128x128xf32, #tpu.memory_space<vmem_shared>>
      %dma_wait3A_55 = arith.constant 0 : i32
      %dma_wait3A_56 = tpu.memref_slice %arg9[%add3A_9, %dma_wait3A_55] : memref<10240x128xf32, #tpu.memory_space<vmem_shared>> -> memref<128x128xf32, #tpu.memory_space<vmem_shared>>
      tpu.wait_dma2 semaphore(%run_scoped3A : memref<!tpu.dma_semaphore, #tpu.memory_space<semaphore_mem>>) src(%arg8 : memref<128x128xf32, #tpu.memory_space<vmem>>) dst(%dma_wait3A_56 : memref<128x128xf32, #tpu.memory_space<vmem_shared>>)
      tpu.yield
    }) : () -> ()
    %barrier3A = arith.constant 0 : index
    tpu.barrier barrier_id(%barrier3A)
    %lt3A = arith.constant 2 : i32
    %lt3A_10 = arith.cmpi slt, %arg1, %lt3A : i32
    %jit3A = arith.constant 1 : i32
    %jit3A_11 = arith.constant 0 : i32
    %select_n3A = arith.select %lt3A_10, %jit3A, %jit3A_11 : i32
    %add3A_12 = arith.constant 78 : i32
    %add3A_13 = arith.addi %add3A_12, %select_n3A : i32
    %while3A = arith.constant 0 : i32
    %while3A_14 = arith.constant 0 : i32
    %while3A_15 = arith.subi %add3A_13, %while3A : i32
    %while3A_16 = arith.addi %while3A, %while3A_15 : i32
    %while3A_17 = arith.constant 1 : i32
    %while3A_18 = arith.divsi %while3A_15, %while3A_17 : i32
    %while3A_19 = arith.muli %while3A_18, %while3A_17 : i32
    %while3A_20 = arith.addi %while3A, %while3A_19 : i32
    %while3A_21 = arith.constant 1 : i32
    %while3A_22 = scf.for %while3A_51 = %while3A to %while3A_20 step %while3A_21 iter_args(%while3A_52 = %while3A_14) -> (i32)  : i32 {
      %mul3A_53 = arith.constant 1250 : i32
      %mul3A_54 = arith.muli %arg0, %mul3A_53 : i32
      %add3A_55 = arith.addi %mul3A_54, %arg1 : i32
      %mul3A_56 = arith.constant 16 : i32
      %mul3A_57 = arith.muli %while3A_51, %mul3A_56 : i32
      %add3A_58 = arith.addi %add3A_55, %mul3A_57 : i32
      %mul3A_59 = arith.constant 128 : i32
      %mul3A_60 = arith.muli %add3A_58, %mul3A_59 : i32
      "tpu.region"() ({
        %run_scoped3A = tpu.sem_alloc : memref<!tpu.dma_semaphore, #tpu.memory_space<semaphore_mem>>
        %dma_start3A = tpu.memref_slice %arg2[%mul3A_60] : memref<320000xi32, #tpu.memory_space<hbm>> -> memref<128xi32, #tpu.memory_space<hbm>>
        %dma_start3A_62 = tpu.memref_slice %arg2[%mul3A_60] : memref<320000xi32, #tpu.memory_space<hbm>> -> memref<128xi32, #tpu.memory_space<hbm>>
        tpu.enqueue_dma source(%dma_start3A_62 : memref<128xi32, #tpu.memory_space<hbm>>) target(%arg6 : memref<128xi32, #tpu.memory_space<vmem>>) target_semaphore(%run_scoped3A : memref<!tpu.dma_semaphore, #tpu.memory_space<semaphore_mem>>)
        %dma_wait3A = tpu.memref_slice %arg2[%mul3A_60] : memref<320000xi32, #tpu.memory_space<hbm>> -> memref<128xi32, #tpu.memory_space<hbm>>
        %dma_wait3A_63 = tpu.memref_slice %arg2[%mul3A_60] : memref<320000xi32, #tpu.memory_space<hbm>> -> memref<128xi32, #tpu.memory_space<hbm>>
        tpu.wait_dma2 semaphore(%run_scoped3A : memref<!tpu.dma_semaphore, #tpu.memory_space<semaphore_mem>>) src(%dma_wait3A_63 : memref<128xi32, #tpu.memory_space<hbm>>) dst(%arg6 : memref<128xi32, #tpu.memory_space<vmem>>)
        tpu.yield
      }) : () -> ()
      "tpu.region"() ({
        %run_scoped3A = tpu.sem_alloc : memref<!tpu.dma_semaphore, #tpu.memory_space<semaphore_mem>>
        %dma_start3A = arith.constant 0 : i32
        %dma_start3A_62 = arith.constant 0 : i32
        %dma_start3A_63 = tpu.memref_slice %arg9[%dma_start3A, %dma_start3A_62] : memref<10240x128xf32, #tpu.memory_space<vmem_shared>> -> memref<10240x128xf32, #tpu.memory_space<vmem_shared>>
        tpu.enqueue_indirect_dma source(%arg7 : memref<128x128xf32, #tpu.memory_space<vmem>>) target(%dma_start3A_63 : memref<10240x128xf32, #tpu.memory_space<vmem_shared>>) offsets(%arg6 : memref<128xi32, #tpu.memory_space<vmem>>) semaphore(%run_scoped3A : memref<!tpu.dma_semaphore, #tpu.memory_space<semaphore_mem>>) {add = true}
        %dma_wait3A = arith.constant 0 : i32
        %dma_wait3A_64 = arith.constant 0 : i32
        %dma_wait3A_65 = tpu.memref_slice %arg9[%dma_wait3A, %dma_wait3A_64] : memref<10240x128xf32, #tpu.memory_space<vmem_shared>> -> memref<10240x128xf32, #tpu.memory_space<vmem_shared>>
        tpu.wait_indirect_dma semaphore(%run_scoped3A : memref<!tpu.dma_semaphore, #tpu.memory_space<semaphore_mem>>) src(%arg7 : memref<128x128xf32, #tpu.memory_space<vmem>>) dst(%dma_wait3A_65 : memref<10240x128xf32, #tpu.memory_space<vmem_shared>>)
        tpu.yield
      }) : () -> ()
      %while3A_61 = arith.constant 0 : i32
      scf.yield %while3A_61 : i32
    }
    %while3A_23 = arith.constant 1 : i32
    %while3A_24 = scf.for %while3A_51 = %while3A_20 to %while3A_16 step %while3A_23 iter_args(%while3A_52 = %while3A_22) -> (i32)  : i32 {
      %mul3A_53 = arith.constant 1250 : i32
      %mul3A_54 = arith.muli %arg0, %mul3A_53 : i32
      %add3A_55 = arith.addi %mul3A_54, %arg1 : i32
      %mul3A_56 = arith.constant 16 : i32
      %mul3A_57 = arith.muli %while3A_51, %mul3A_56 : i32
      %add3A_58 = arith.addi %add3A_55, %mul3A_57 : i32
      %mul3A_59 = arith.constant 128 : i32
      %mul3A_60 = arith.muli %add3A_58, %mul3A_59 : i32
      "tpu.region"() ({
        %run_scoped3A = tpu.sem_alloc : memref<!tpu.dma_semaphore, #tpu.memory_space<semaphore_mem>>
        %dma_start3A = tpu.memref_slice %arg2[%mul3A_60] : memref<320000xi32, #tpu.memory_space<hbm>> -> memref<128xi32, #tpu.memory_space<hbm>>
        %dma_start3A_62 = tpu.memref_slice %arg2[%mul3A_60] : memref<320000xi32, #tpu.memory_space<hbm>> -> memref<128xi32, #tpu.memory_space<hbm>>
        tpu.enqueue_dma source(%dma_start3A_62 : memref<128xi32, #tpu.memory_space<hbm>>) target(%arg6 : memref<128xi32, #tpu.memory_space<vmem>>) target_semaphore(%run_scoped3A : memref<!tpu.dma_semaphore, #tpu.memory_space<semaphore_mem>>)
        %dma_wait3A = tpu.memref_slice %arg2[%mul3A_60] : memref<320000xi32, #tpu.memory_space<hbm>> -> memref<128xi32, #tpu.memory_space<hbm>>
        %dma_wait3A_63 = tpu.memref_slice %arg2[%mul3A_60] : memref<320000xi32, #tpu.memory_space<hbm>> -> memref<128xi32, #tpu.memory_space<hbm>>
        tpu.wait_dma2 semaphore(%run_scoped3A : memref<!tpu.dma_semaphore, #tpu.memory_space<semaphore_mem>>) src(%dma_wait3A_63 : memref<128xi32, #tpu.memory_space<hbm>>) dst(%arg6 : memref<128xi32, #tpu.memory_space<vmem>>)
        tpu.yield
      }) : () -> ()
      "tpu.region"() ({
        %run_scoped3A = tpu.sem_alloc : memref<!tpu.dma_semaphore, #tpu.memory_space<semaphore_mem>>
        %dma_start3A = arith.constant 0 : i32
        %dma_start3A_62 = arith.constant 0 : i32
        %dma_start3A_63 = tpu.memref_slice %arg9[%dma_start3A, %dma_start3A_62] : memref<10240x128xf32, #tpu.memory_space<vmem_shared>> -> memref<10240x128xf32, #tpu.memory_space<vmem_shared>>
        tpu.enqueue_indirect_dma source(%arg7 : memref<128x128xf32, #tpu.memory_space<vmem>>) target(%dma_start3A_63 : memref<10240x128xf32, #tpu.memory_space<vmem_shared>>) offsets(%arg6 : memref<128xi32, #tpu.memory_space<vmem>>) semaphore(%run_scoped3A : memref<!tpu.dma_semaphore, #tpu.memory_space<semaphore_mem>>) {add = true}
        %dma_wait3A = arith.constant 0 : i32
        %dma_wait3A_64 = arith.constant 0 : i32
        %dma_wait3A_65 = tpu.memref_slice %arg9[%dma_wait3A, %dma_wait3A_64] : memref<10240x128xf32, #tpu.memory_space<vmem_shared>> -> memref<10240x128xf32, #tpu.memory_space<vmem_shared>>
        tpu.wait_indirect_dma semaphore(%run_scoped3A : memref<!tpu.dma_semaphore, #tpu.memory_space<semaphore_mem>>) src(%arg7 : memref<128x128xf32, #tpu.memory_space<vmem>>) dst(%dma_wait3A_65 : memref<10240x128xf32, #tpu.memory_space<vmem_shared>>)
        tpu.yield
      }) : () -> ()
      %while3A_61 = arith.constant 0 : i32
      scf.yield %while3A_61 : i32
    }
    %barrier3A_25 = arith.constant 0 : index
    tpu.barrier barrier_id(%barrier3A_25)
    %add3A_26 = arith.constant 0 : i32
    %add3A_27 = arith.addi %mul3A_0, %add3A_26 : i32
    "tpu.region"() ({
      %run_scoped3A = tpu.sem_alloc : memref<!tpu.dma_semaphore, #tpu.memory_space<semaphore_mem>>
      %dma_start3A = arith.constant 0 : i32
      %dma_start3A_51 = tpu.memref_slice %arg9[%add3A_27, %dma_start3A] : memref<10240x128xf32, #tpu.memory_space<vmem_shared>> -> memref<128x128xf32, #tpu.memory_space<vmem_shared>>
      %dma_start3A_52 = arith.constant 0 : i32
      %dma_start3A_53 = tpu.memref_slice %arg9[%add3A_27, %dma_start3A_52] : memref<10240x128xf32, #tpu.memory_space<vmem_shared>> -> memref<128x128xf32, #tpu.memory_space<vmem_shared>>
      tpu.enqueue_dma source(%dma_start3A_53 : memref<128x128xf32, #tpu.memory_space<vmem_shared>>) target(%arg8 : memref<128x128xf32, #tpu.memory_space<vmem>>) target_semaphore(%run_scoped3A : memref<!tpu.dma_semaphore, #tpu.memory_space<semaphore_mem>>)
      %dma_wait3A = arith.constant 0 : i32
      %dma_wait3A_54 = tpu.memref_slice %arg9[%add3A_27, %dma_wait3A] : memref<10240x128xf32, #tpu.memory_space<vmem_shared>> -> memref<128x128xf32, #tpu.memory_space<vmem_shared>>
      %dma_wait3A_55 = arith.constant 0 : i32
      %dma_wait3A_56 = tpu.memref_slice %arg9[%add3A_27, %dma_wait3A_55] : memref<10240x128xf32, #tpu.memory_space<vmem_shared>> -> memref<128x128xf32, #tpu.memory_space<vmem_shared>>
      tpu.wait_dma2 semaphore(%run_scoped3A : memref<!tpu.dma_semaphore, #tpu.memory_space<semaphore_mem>>) src(%dma_wait3A_56 : memref<128x128xf32, #tpu.memory_space<vmem_shared>>) dst(%arg8 : memref<128x128xf32, #tpu.memory_space<vmem>>)
      tpu.yield
    }) : () -> ()
    %mul3A_28 = arith.constant 10240 : i32
    %mul3A_29 = arith.muli %arg0, %mul3A_28 : i32
    %add3A_30 = arith.addi %mul3A_29, %add3A_27 : i32
    "tpu.region"() ({
      %run_scoped3A = tpu.sem_alloc : memref<!tpu.dma_semaphore, #tpu.memory_space<semaphore_mem>>
      %dma_start3A = arith.constant 0 : i32
      %dma_start3A_51 = tpu.memref_slice %arg5[%add3A_30, %dma_start3A] : memref<20480x128xf32, #tpu.memory_space<hbm>> -> memref<128x128xf32, #tpu.memory_space<hbm>>
      %dma_start3A_52 = arith.constant 0 : i32
      %dma_start3A_53 = tpu.memref_slice %arg5[%add3A_30, %dma_start3A_52] : memref<20480x128xf32, #tpu.memory_space<hbm>> -> memref<128x128xf32, #tpu.memory_space<hbm>>
      tpu.enqueue_dma source(%arg8 : memref<128x128xf32, #tpu.memory_space<vmem>>) target(%dma_start3A_53 : memref<128x128xf32, #tpu.memory_space<hbm>>) target_semaphore(%run_scoped3A : memref<!tpu.dma_semaphore, #tpu.memory_space<semaphore_mem>>)
      %dma_wait3A = arith.constant 0 : i32
      %dma_wait3A_54 = tpu.memref_slice %arg5[%add3A_30, %dma_wait3A] : memref<20480x128xf32, #tpu.memory_space<hbm>> -> memref<128x128xf32, #tpu.memory_space<hbm>>
      %dma_wait3A_55 = arith.constant 0 : i32
      %dma_wait3A_56 = tpu.memref_slice %arg5[%add3A_30, %dma_wait3A_55] : memref<20480x128xf32, #tpu.memory_space<hbm>> -> memref<128x128xf32, #tpu.memory_space<hbm>>
      tpu.wait_dma2 semaphore(%run_scoped3A : memref<!tpu.dma_semaphore, #tpu.memory_space<semaphore_mem>>) src(%arg8 : memref<128x128xf32, #tpu.memory_space<vmem>>) dst(%dma_wait3A_56 : memref<128x128xf32, #tpu.memory_space<hbm>>)
      tpu.yield
    }) : () -> ()
    %add3A_31 = arith.constant 128 : i32
    %add3A_32 = arith.addi %mul3A_0, %add3A_31 : i32
    "tpu.region"() ({
      %run_scoped3A = tpu.sem_alloc : memref<!tpu.dma_semaphore, #tpu.memory_space<semaphore_mem>>
      %dma_start3A = arith.constant 0 : i32
      %dma_start3A_51 = tpu.memref_slice %arg9[%add3A_32, %dma_start3A] : memref<10240x128xf32, #tpu.memory_space<vmem_shared>> -> memref<128x128xf32, #tpu.memory_space<vmem_shared>>
      %dma_start3A_52 = arith.constant 0 : i32
      %dma_start3A_53 = tpu.memref_slice %arg9[%add3A_32, %dma_start3A_52] : memref<10240x128xf32, #tpu.memory_space<vmem_shared>> -> memref<128x128xf32, #tpu.memory_space<vmem_shared>>
      tpu.enqueue_dma source(%dma_start3A_53 : memref<128x128xf32, #tpu.memory_space<vmem_shared>>) target(%arg8 : memref<128x128xf32, #tpu.memory_space<vmem>>) target_semaphore(%run_scoped3A : memref<!tpu.dma_semaphore, #tpu.memory_space<semaphore_mem>>)
      %dma_wait3A = arith.constant 0 : i32
      %dma_wait3A_54 = tpu.memref_slice %arg9[%add3A_32, %dma_wait3A] : memref<10240x128xf32, #tpu.memory_space<vmem_shared>> -> memref<128x128xf32, #tpu.memory_space<vmem_shared>>
      %dma_wait3A_55 = arith.constant 0 : i32
      %dma_wait3A_56 = tpu.memref_slice %arg9[%add3A_32, %dma_wait3A_55] : memref<10240x128xf32, #tpu.memory_space<vmem_shared>> -> memref<128x128xf32, #tpu.memory_space<vmem_shared>>
      tpu.wait_dma2 semaphore(%run_scoped3A : memref<!tpu.dma_semaphore, #tpu.memory_space<semaphore_mem>>) src(%dma_wait3A_56 : memref<128x128xf32, #tpu.memory_space<vmem_shared>>) dst(%arg8 : memref<128x128xf32, #tpu.memory_space<vmem>>)
      tpu.yield
    }) : () -> ()
    %mul3A_33 = arith.constant 10240 : i32
    %mul3A_34 = arith.muli %arg0, %mul3A_33 : i32
    %add3A_35 = arith.addi %mul3A_34, %add3A_32 : i32
    "tpu.region"() ({
      %run_scoped3A = tpu.sem_alloc : memref<!tpu.dma_semaphore, #tpu.memory_space<semaphore_mem>>
      %dma_start3A = arith.constant 0 : i32
      %dma_start3A_51 = tpu.memref_slice %arg5[%add3A_35, %dma_start3A] : memref<20480x128xf32, #tpu.memory_space<hbm>> -> memref<128x128xf32, #tpu.memory_space<hbm>>
      %dma_start3A_52 = arith.constant 0 : i32
      %dma_start3A_53 = tpu.memref_slice %arg5[%add3A_35, %dma_start3A_52] : memref<20480x128xf32, #tpu.memory_space<hbm>> -> memref<128x128xf32, #tpu.memory_space<hbm>>
      tpu.enqueue_dma source(%arg8 : memref<128x128xf32, #tpu.memory_space<vmem>>) target(%dma_start3A_53 : memref<128x128xf32, #tpu.memory_space<hbm>>) target_semaphore(%run_scoped3A : memref<!tpu.dma_semaphore, #tpu.memory_space<semaphore_mem>>)
      %dma_wait3A = arith.constant 0 : i32
      %dma_wait3A_54 = tpu.memref_slice %arg5[%add3A_35, %dma_wait3A] : memref<20480x128xf32, #tpu.memory_space<hbm>> -> memref<128x128xf32, #tpu.memory_space<hbm>>
      %dma_wait3A_55 = arith.constant 0 : i32
      %dma_wait3A_56 = tpu.memref_slice %arg5[%add3A_35, %dma_wait3A_55] : memref<20480x128xf32, #tpu.memory_space<hbm>> -> memref<128x128xf32, #tpu.memory_space<hbm>>
      tpu.wait_dma2 semaphore(%run_scoped3A : memref<!tpu.dma_semaphore, #tpu.memory_space<semaphore_mem>>) src(%arg8 : memref<128x128xf32, #tpu.memory_space<vmem>>) dst(%dma_wait3A_56 : memref<128x128xf32, #tpu.memory_space<hbm>>)
      tpu.yield
    }) : () -> ()
    %add3A_36 = arith.constant 256 : i32
    %add3A_37 = arith.addi %mul3A_0, %add3A_36 : i32
    "tpu.region"() ({
      %run_scoped3A = tpu.sem_alloc : memref<!tpu.dma_semaphore, #tpu.memory_space<semaphore_mem>>
      %dma_start3A = arith.constant 0 : i32
      %dma_start3A_51 = tpu.memref_slice %arg9[%add3A_37, %dma_start3A] : memref<10240x128xf32, #tpu.memory_space<vmem_shared>> -> memref<128x128xf32, #tpu.memory_space<vmem_shared>>
      %dma_start3A_52 = arith.constant 0 : i32
      %dma_start3A_53 = tpu.memref_slice %arg9[%add3A_37, %dma_start3A_52] : memref<10240x128xf32, #tpu.memory_space<vmem_shared>> -> memref<128x128xf32, #tpu.memory_space<vmem_shared>>
      tpu.enqueue_dma source(%dma_start3A_53 : memref<128x128xf32, #tpu.memory_space<vmem_shared>>) target(%arg8 : memref<128x128xf32, #tpu.memory_space<vmem>>) target_semaphore(%run_scoped3A : memref<!tpu.dma_semaphore, #tpu.memory_space<semaphore_mem>>)
      %dma_wait3A = arith.constant 0 : i32
      %dma_wait3A_54 = tpu.memref_slice %arg9[%add3A_37, %dma_wait3A] : memref<10240x128xf32, #tpu.memory_space<vmem_shared>> -> memref<128x128xf32, #tpu.memory_space<vmem_shared>>
      %dma_wait3A_55 = arith.constant 0 : i32
      %dma_wait3A_56 = tpu.memref_slice %arg9[%add3A_37, %dma_wait3A_55] : memref<10240x128xf32, #tpu.memory_space<vmem_shared>> -> memref<128x128xf32, #tpu.memory_space<vmem_shared>>
      tpu.wait_dma2 semaphore(%run_scoped3A : memref<!tpu.dma_semaphore, #tpu.memory_space<semaphore_mem>>) src(%dma_wait3A_56 : memref<128x128xf32, #tpu.memory_space<vmem_shared>>) dst(%arg8 : memref<128x128xf32, #tpu.memory_space<vmem>>)
      tpu.yield
    }) : () -> ()
    %mul3A_38 = arith.constant 10240 : i32
    %mul3A_39 = arith.muli %arg0, %mul3A_38 : i32
    %add3A_40 = arith.addi %mul3A_39, %add3A_37 : i32
    "tpu.region"() ({
      %run_scoped3A = tpu.sem_alloc : memref<!tpu.dma_semaphore, #tpu.memory_space<semaphore_mem>>
      %dma_start3A = arith.constant 0 : i32
      %dma_start3A_51 = tpu.memref_slice %arg5[%add3A_40, %dma_start3A] : memref<20480x128xf32, #tpu.memory_space<hbm>> -> memref<128x128xf32, #tpu.memory_space<hbm>>
      %dma_start3A_52 = arith.constant 0 : i32
      %dma_start3A_53 = tpu.memref_slice %arg5[%add3A_40, %dma_start3A_52] : memref<20480x128xf32, #tpu.memory_space<hbm>> -> memref<128x128xf32, #tpu.memory_space<hbm>>
      tpu.enqueue_dma source(%arg8 : memref<128x128xf32, #tpu.memory_space<vmem>>) target(%dma_start3A_53 : memref<128x128xf32, #tpu.memory_space<hbm>>) target_semaphore(%run_scoped3A : memref<!tpu.dma_semaphore, #tpu.memory_space<semaphore_mem>>)
      %dma_wait3A = arith.constant 0 : i32
      %dma_wait3A_54 = tpu.memref_slice %arg5[%add3A_40, %dma_wait3A] : memref<20480x128xf32, #tpu.memory_space<hbm>> -> memref<128x128xf32, #tpu.memory_space<hbm>>
      %dma_wait3A_55 = arith.constant 0 : i32
      %dma_wait3A_56 = tpu.memref_slice %arg5[%add3A_40, %dma_wait3A_55] : memref<20480x128xf32, #tpu.memory_space<hbm>> -> memref<128x128xf32, #tpu.memory_space<hbm>>
      tpu.wait_dma2 semaphore(%run_scoped3A : memref<!tpu.dma_semaphore, #tpu.memory_space<semaphore_mem>>) src(%arg8 : memref<128x128xf32, #tpu.memory_space<vmem>>) dst(%dma_wait3A_56 : memref<128x128xf32, #tpu.memory_space<hbm>>)
      tpu.yield
    }) : () -> ()
    %add3A_41 = arith.constant 384 : i32
    %add3A_42 = arith.addi %mul3A_0, %add3A_41 : i32
    "tpu.region"() ({
      %run_scoped3A = tpu.sem_alloc : memref<!tpu.dma_semaphore, #tpu.memory_space<semaphore_mem>>
      %dma_start3A = arith.constant 0 : i32
      %dma_start3A_51 = tpu.memref_slice %arg9[%add3A_42, %dma_start3A] : memref<10240x128xf32, #tpu.memory_space<vmem_shared>> -> memref<128x128xf32, #tpu.memory_space<vmem_shared>>
      %dma_start3A_52 = arith.constant 0 : i32
      %dma_start3A_53 = tpu.memref_slice %arg9[%add3A_42, %dma_start3A_52] : memref<10240x128xf32, #tpu.memory_space<vmem_shared>> -> memref<128x128xf32, #tpu.memory_space<vmem_shared>>
      tpu.enqueue_dma source(%dma_start3A_53 : memref<128x128xf32, #tpu.memory_space<vmem_shared>>) target(%arg8 : memref<128x128xf32, #tpu.memory_space<vmem>>) target_semaphore(%run_scoped3A : memref<!tpu.dma_semaphore, #tpu.memory_space<semaphore_mem>>)
      %dma_wait3A = arith.constant 0 : i32
      %dma_wait3A_54 = tpu.memref_slice %arg9[%add3A_42, %dma_wait3A] : memref<10240x128xf32, #tpu.memory_space<vmem_shared>> -> memref<128x128xf32, #tpu.memory_space<vmem_shared>>
      %dma_wait3A_55 = arith.constant 0 : i32
      %dma_wait3A_56 = tpu.memref_slice %arg9[%add3A_42, %dma_wait3A_55] : memref<10240x128xf32, #tpu.memory_space<vmem_shared>> -> memref<128x128xf32, #tpu.memory_space<vmem_shared>>
      tpu.wait_dma2 semaphore(%run_scoped3A : memref<!tpu.dma_semaphore, #tpu.memory_space<semaphore_mem>>) src(%dma_wait3A_56 : memref<128x128xf32, #tpu.memory_space<vmem_shared>>) dst(%arg8 : memref<128x128xf32, #tpu.memory_space<vmem>>)
      tpu.yield
    }) : () -> ()
    %mul3A_43 = arith.constant 10240 : i32
    %mul3A_44 = arith.muli %arg0, %mul3A_43 : i32
    %add3A_45 = arith.addi %mul3A_44, %add3A_42 : i32
    "tpu.region"() ({
      %run_scoped3A = tpu.sem_alloc : memref<!tpu.dma_semaphore, #tpu.memory_space<semaphore_mem>>
      %dma_start3A = arith.constant 0 : i32
      %dma_start3A_51 = tpu.memref_slice %arg5[%add3A_45, %dma_start3A] : memref<20480x128xf32, #tpu.memory_space<hbm>> -> memref<128x128xf32, #tpu.memory_space<hbm>>
      %dma_start3A_52 = arith.constant 0 : i32
      %dma_start3A_53 = tpu.memref_slice %arg5[%add3A_45, %dma_start3A_52] : memref<20480x128xf32, #tpu.memory_space<hbm>> -> memref<128x128xf32, #tpu.memory_space<hbm>>
      tpu.enqueue_dma source(%arg8 : memref<128x128xf32, #tpu.memory_space<vmem>>) target(%dma_start3A_53 : memref<128x128xf32, #tpu.memory_space<hbm>>) target_semaphore(%run_scoped3A : memref<!tpu.dma_semaphore, #tpu.memory_space<semaphore_mem>>)
      %dma_wait3A = arith.constant 0 : i32
      %dma_wait3A_54 = tpu.memref_slice %arg5[%add3A_45, %dma_wait3A] : memref<20480x128xf32, #tpu.memory_space<hbm>> -> memref<128x128xf32, #tpu.memory_space<hbm>>
      %dma_wait3A_55 = arith.constant 0 : i32
      %dma_wait3A_56 = tpu.memref_slice %arg5[%add3A_45, %dma_wait3A_55] : memref<20480x128xf32, #tpu.memory_space<hbm>> -> memref<128x128xf32, #tpu.memory_space<hbm>>
      tpu.wait_dma2 semaphore(%run_scoped3A : memref<!tpu.dma_semaphore, #tpu.memory_space<semaphore_mem>>) src(%arg8 : memref<128x128xf32, #tpu.memory_space<vmem>>) dst(%dma_wait3A_56 : memref<128x128xf32, #tpu.memory_space<hbm>>)
      tpu.yield
    }) : () -> ()
    %add3A_46 = arith.constant 512 : i32
    %add3A_47 = arith.addi %mul3A_0, %add3A_46 : i32
    "tpu.region"() ({
      %run_scoped3A = tpu.sem_alloc : memref<!tpu.dma_semaphore, #tpu.memory_space<semaphore_mem>>
      %dma_start3A = arith.constant 0 : i32
      %dma_start3A_51 = tpu.memref_slice %arg9[%add3A_47, %dma_start3A] : memref<10240x128xf32, #tpu.memory_space<vmem_shared>> -> memref<128x128xf32, #tpu.memory_space<vmem_shared>>
      %dma_start3A_52 = arith.constant 0 : i32
      %dma_start3A_53 = tpu.memref_slice %arg9[%add3A_47, %dma_start3A_52] : memref<10240x128xf32, #tpu.memory_space<vmem_shared>> -> memref<128x128xf32, #tpu.memory_space<vmem_shared>>
      tpu.enqueue_dma source(%dma_start3A_53 : memref<128x128xf32, #tpu.memory_space<vmem_shared>>) target(%arg8 : memref<128x128xf32, #tpu.memory_space<vmem>>) target_semaphore(%run_scoped3A : memref<!tpu.dma_semaphore, #tpu.memory_space<semaphore_mem>>)
      %dma_wait3A = arith.constant 0 : i32
      %dma_wait3A_54 = tpu.memref_slice %arg9[%add3A_47, %dma_wait3A] : memref<10240x128xf32, #tpu.memory_space<vmem_shared>> -> memref<128x128xf32, #tpu.memory_space<vmem_shared>>
      %dma_wait3A_55 = arith.constant 0 : i32
      %dma_wait3A_56 = tpu.memref_slice %arg9[%add3A_47, %dma_wait3A_55] : memref<10240x128xf32, #tpu.memory_space<vmem_shared>> -> memref<128x128xf32, #tpu.memory_space<vmem_shared>>
      tpu.wait_dma2 semaphore(%run_scoped3A : memref<!tpu.dma_semaphore, #tpu.memory_space<semaphore_mem>>) src(%dma_wait3A_56 : memref<128x128xf32, #tpu.memory_space<vmem_shared>>) dst(%arg8 : memref<128x128xf32, #tpu.memory_space<vmem>>)
      tpu.yield
    }) : () -> ()
    %mul3A_48 = arith.constant 10240 : i32
    %mul3A_49 = arith.muli %arg0, %mul3A_48 : i32
    %add3A_50 = arith.addi %mul3A_49, %add3A_47 : i32
    "tpu.region"() ({
      %run_scoped3A = tpu.sem_alloc : memref<!tpu.dma_semaphore, #tpu.memory_space<semaphore_mem>>
      %dma_start3A = arith.constant 0 : i32
      %dma_start3A_51 = tpu.memref_slice %arg5[%add3A_50, %dma_start3A] : memref<20480x128xf32, #tpu.memory_space<hbm>> -> memref<128x128xf32, #tpu.memory_space<hbm>>
      %dma_start3A_52 = arith.constant 0 : i32
      %dma_start3A_53 = tpu.memref_slice %arg5[%add3A_50, %dma_start3A_52] : memref<20480x128xf32, #tpu.memory_space<hbm>> -> memref<128x128xf32, #tpu.memory_space<hbm>>
      tpu.enqueue_dma source(%arg8 : memref<128x128xf32, #tpu.memory_space<vmem>>) target(%dma_start3A_53 : memref<128x128xf32, #tpu.memory_space<hbm>>) target_semaphore(%run_scoped3A : memref<!tpu.dma_semaphore, #tpu.memory_space<semaphore_mem>>)
      %dma_wait3A = arith.constant 0 : i32
      %dma_wait3A_54 = tpu.memref_slice %arg5[%add3A_50, %dma_wait3A] : memref<20480x128xf32, #tpu.memory_space<hbm>> -> memref<128x128xf32, #tpu.memory_space<hbm>>
      %dma_wait3A_55 = arith.constant 0 : i32
      %dma_wait3A_56 = tpu.memref_slice %arg5[%add3A_50, %dma_wait3A_55] : memref<20480x128xf32, #tpu.memory_space<hbm>> -> memref<128x128xf32, #tpu.memory_space<hbm>>
      tpu.wait_dma2 semaphore(%run_scoped3A : memref<!tpu.dma_semaphore, #tpu.memory_space<semaphore_mem>>) src(%arg8 : memref<128x128xf32, #tpu.memory_space<vmem>>) dst(%dma_wait3A_56 : memref<128x128xf32, #tpu.memory_space<hbm>>)
      tpu.yield
    }) : () -> ()
    return
  }
}

#map = affine_map<(d0, d1) -> (0, 0)>
#map1 = affine_map<(d0, d1) -> (0)>
module attributes {stable_mosaic.version = 14 : i64} {
  func.func @k(%arg0: i32, %arg1: i32, %arg2: memref<160000x128xf32, #tpu.memory_space<hbm>>, %arg3: memref<80000xi32, #tpu.memory_space<hbm>>, %arg4: memref<128x128xf32, #tpu.memory_space<hbm>>, %arg5: memref<20480x128xf32, #tpu.memory_space<hbm>>, %arg6: memref<128xi32, #tpu.memory_space<vmem>>, %arg7: memref<128x128xf32, #tpu.memory_space<vmem>>, %arg8: memref<10240x128xf32, #tpu.memory_space<vmem_shared>>) attributes {dimension_semantics = [#tpu.dimension_semantics<core_parallel>, #tpu.dimension_semantics<subcore_parallel>], iteration_bounds = array<i64: 2, 16>, scalar_prefetch = 0 : i64, scratch_operands = 3 : i64, tpu.core_type = #tpu.core_type<sc_vector_subcore>, window_params = [{transform_indices = #map}, {transform_indices = #map1}, {transform_indices = #map}, {transform_indices = #map}]} {
    "tpu.region"() ({
      %run_scoped3A = tpu.sem_alloc : memref<!tpu.dma_semaphore, #tpu.memory_space<semaphore_mem>>
      tpu.enqueue_dma source(%arg4 : memref<128x128xf32, #tpu.memory_space<hbm>>) target(%arg7 : memref<128x128xf32, #tpu.memory_space<vmem>>) target_semaphore(%run_scoped3A : memref<!tpu.dma_semaphore, #tpu.memory_space<semaphore_mem>>)
      tpu.wait_dma2 semaphore(%run_scoped3A : memref<!tpu.dma_semaphore, #tpu.memory_space<semaphore_mem>>) src(%arg4 : memref<128x128xf32, #tpu.memory_space<hbm>>) dst(%arg7 : memref<128x128xf32, #tpu.memory_space<vmem>>)
      tpu.yield
    }) : () -> ()
    %mul3A = arith.constant 640 : i32
    %mul3A_0 = arith.muli %arg1, %mul3A : i32
    %add3A = arith.constant 0 : i32
    %add3A_1 = arith.addi %mul3A_0, %add3A : i32
    "tpu.region"() ({
      %run_scoped3A = tpu.sem_alloc : memref<!tpu.dma_semaphore, #tpu.memory_space<semaphore_mem>>
      %dma_start3A = arith.constant 0 : i32
      %dma_start3A_51 = tpu.memref_slice %arg8[%add3A_1, %dma_start3A] : memref<10240x128xf32, #tpu.memory_space<vmem_shared>> -> memref<128x128xf32, #tpu.memory_space<vmem_shared>>
      %dma_start3A_52 = arith.constant 0 : i32
      %dma_start3A_53 = tpu.memref_slice %arg8[%add3A_1, %dma_start3A_52] : memref<10240x128xf32, #tpu.memory_space<vmem_shared>> -> memref<128x128xf32, #tpu.memory_space<vmem_shared>>
      tpu.enqueue_dma source(%arg7 : memref<128x128xf32, #tpu.memory_space<vmem>>) target(%dma_start3A_53 : memref<128x128xf32, #tpu.memory_space<vmem_shared>>) target_semaphore(%run_scoped3A : memref<!tpu.dma_semaphore, #tpu.memory_space<semaphore_mem>>)
      %dma_wait3A = arith.constant 0 : i32
      %dma_wait3A_54 = tpu.memref_slice %arg8[%add3A_1, %dma_wait3A] : memref<10240x128xf32, #tpu.memory_space<vmem_shared>> -> memref<128x128xf32, #tpu.memory_space<vmem_shared>>
      %dma_wait3A_55 = arith.constant 0 : i32
      %dma_wait3A_56 = tpu.memref_slice %arg8[%add3A_1, %dma_wait3A_55] : memref<10240x128xf32, #tpu.memory_space<vmem_shared>> -> memref<128x128xf32, #tpu.memory_space<vmem_shared>>
      tpu.wait_dma2 semaphore(%run_scoped3A : memref<!tpu.dma_semaphore, #tpu.memory_space<semaphore_mem>>) src(%arg7 : memref<128x128xf32, #tpu.memory_space<vmem>>) dst(%dma_wait3A_56 : memref<128x128xf32, #tpu.memory_space<vmem_shared>>)
      tpu.yield
    }) : () -> ()
    %add3A_2 = arith.constant 128 : i32
    %add3A_3 = arith.addi %mul3A_0, %add3A_2 : i32
    "tpu.region"() ({
      %run_scoped3A = tpu.sem_alloc : memref<!tpu.dma_semaphore, #tpu.memory_space<semaphore_mem>>
      %dma_start3A = arith.constant 0 : i32
      %dma_start3A_51 = tpu.memref_slice %arg8[%add3A_3, %dma_start3A] : memref<10240x128xf32, #tpu.memory_space<vmem_shared>> -> memref<128x128xf32, #tpu.memory_space<vmem_shared>>
      %dma_start3A_52 = arith.constant 0 : i32
      %dma_start3A_53 = tpu.memref_slice %arg8[%add3A_3, %dma_start3A_52] : memref<10240x128xf32, #tpu.memory_space<vmem_shared>> -> memref<128x128xf32, #tpu.memory_space<vmem_shared>>
      tpu.enqueue_dma source(%arg7 : memref<128x128xf32, #tpu.memory_space<vmem>>) target(%dma_start3A_53 : memref<128x128xf32, #tpu.memory_space<vmem_shared>>) target_semaphore(%run_scoped3A : memref<!tpu.dma_semaphore, #tpu.memory_space<semaphore_mem>>)
      %dma_wait3A = arith.constant 0 : i32
      %dma_wait3A_54 = tpu.memref_slice %arg8[%add3A_3, %dma_wait3A] : memref<10240x128xf32, #tpu.memory_space<vmem_shared>> -> memref<128x128xf32, #tpu.memory_space<vmem_shared>>
      %dma_wait3A_55 = arith.constant 0 : i32
      %dma_wait3A_56 = tpu.memref_slice %arg8[%add3A_3, %dma_wait3A_55] : memref<10240x128xf32, #tpu.memory_space<vmem_shared>> -> memref<128x128xf32, #tpu.memory_space<vmem_shared>>
      tpu.wait_dma2 semaphore(%run_scoped3A : memref<!tpu.dma_semaphore, #tpu.memory_space<semaphore_mem>>) src(%arg7 : memref<128x128xf32, #tpu.memory_space<vmem>>) dst(%dma_wait3A_56 : memref<128x128xf32, #tpu.memory_space<vmem_shared>>)
      tpu.yield
    }) : () -> ()
    %add3A_4 = arith.constant 256 : i32
    %add3A_5 = arith.addi %mul3A_0, %add3A_4 : i32
    "tpu.region"() ({
      %run_scoped3A = tpu.sem_alloc : memref<!tpu.dma_semaphore, #tpu.memory_space<semaphore_mem>>
      %dma_start3A = arith.constant 0 : i32
      %dma_start3A_51 = tpu.memref_slice %arg8[%add3A_5, %dma_start3A] : memref<10240x128xf32, #tpu.memory_space<vmem_shared>> -> memref<128x128xf32, #tpu.memory_space<vmem_shared>>
      %dma_start3A_52 = arith.constant 0 : i32
      %dma_start3A_53 = tpu.memref_slice %arg8[%add3A_5, %dma_start3A_52] : memref<10240x128xf32, #tpu.memory_space<vmem_shared>> -> memref<128x128xf32, #tpu.memory_space<vmem_shared>>
      tpu.enqueue_dma source(%arg7 : memref<128x128xf32, #tpu.memory_space<vmem>>) target(%dma_start3A_53 : memref<128x128xf32, #tpu.memory_space<vmem_shared>>) target_semaphore(%run_scoped3A : memref<!tpu.dma_semaphore, #tpu.memory_space<semaphore_mem>>)
      %dma_wait3A = arith.constant 0 : i32
      %dma_wait3A_54 = tpu.memref_slice %arg8[%add3A_5, %dma_wait3A] : memref<10240x128xf32, #tpu.memory_space<vmem_shared>> -> memref<128x128xf32, #tpu.memory_space<vmem_shared>>
      %dma_wait3A_55 = arith.constant 0 : i32
      %dma_wait3A_56 = tpu.memref_slice %arg8[%add3A_5, %dma_wait3A_55] : memref<10240x128xf32, #tpu.memory_space<vmem_shared>> -> memref<128x128xf32, #tpu.memory_space<vmem_shared>>
      tpu.wait_dma2 semaphore(%run_scoped3A : memref<!tpu.dma_semaphore, #tpu.memory_space<semaphore_mem>>) src(%arg7 : memref<128x128xf32, #tpu.memory_space<vmem>>) dst(%dma_wait3A_56 : memref<128x128xf32, #tpu.memory_space<vmem_shared>>)
      tpu.yield
    }) : () -> ()
    %add3A_6 = arith.constant 384 : i32
    %add3A_7 = arith.addi %mul3A_0, %add3A_6 : i32
    "tpu.region"() ({
      %run_scoped3A = tpu.sem_alloc : memref<!tpu.dma_semaphore, #tpu.memory_space<semaphore_mem>>
      %dma_start3A = arith.constant 0 : i32
      %dma_start3A_51 = tpu.memref_slice %arg8[%add3A_7, %dma_start3A] : memref<10240x128xf32, #tpu.memory_space<vmem_shared>> -> memref<128x128xf32, #tpu.memory_space<vmem_shared>>
      %dma_start3A_52 = arith.constant 0 : i32
      %dma_start3A_53 = tpu.memref_slice %arg8[%add3A_7, %dma_start3A_52] : memref<10240x128xf32, #tpu.memory_space<vmem_shared>> -> memref<128x128xf32, #tpu.memory_space<vmem_shared>>
      tpu.enqueue_dma source(%arg7 : memref<128x128xf32, #tpu.memory_space<vmem>>) target(%dma_start3A_53 : memref<128x128xf32, #tpu.memory_space<vmem_shared>>) target_semaphore(%run_scoped3A : memref<!tpu.dma_semaphore, #tpu.memory_space<semaphore_mem>>)
      %dma_wait3A = arith.constant 0 : i32
      %dma_wait3A_54 = tpu.memref_slice %arg8[%add3A_7, %dma_wait3A] : memref<10240x128xf32, #tpu.memory_space<vmem_shared>> -> memref<128x128xf32, #tpu.memory_space<vmem_shared>>
      %dma_wait3A_55 = arith.constant 0 : i32
      %dma_wait3A_56 = tpu.memref_slice %arg8[%add3A_7, %dma_wait3A_55] : memref<10240x128xf32, #tpu.memory_space<vmem_shared>> -> memref<128x128xf32, #tpu.memory_space<vmem_shared>>
      tpu.wait_dma2 semaphore(%run_scoped3A : memref<!tpu.dma_semaphore, #tpu.memory_space<semaphore_mem>>) src(%arg7 : memref<128x128xf32, #tpu.memory_space<vmem>>) dst(%dma_wait3A_56 : memref<128x128xf32, #tpu.memory_space<vmem_shared>>)
      tpu.yield
    }) : () -> ()
    %add3A_8 = arith.constant 512 : i32
    %add3A_9 = arith.addi %mul3A_0, %add3A_8 : i32
    "tpu.region"() ({
      %run_scoped3A = tpu.sem_alloc : memref<!tpu.dma_semaphore, #tpu.memory_space<semaphore_mem>>
      %dma_start3A = arith.constant 0 : i32
      %dma_start3A_51 = tpu.memref_slice %arg8[%add3A_9, %dma_start3A] : memref<10240x128xf32, #tpu.memory_space<vmem_shared>> -> memref<128x128xf32, #tpu.memory_space<vmem_shared>>
      %dma_start3A_52 = arith.constant 0 : i32
      %dma_start3A_53 = tpu.memref_slice %arg8[%add3A_9, %dma_start3A_52] : memref<10240x128xf32, #tpu.memory_space<vmem_shared>> -> memref<128x128xf32, #tpu.memory_space<vmem_shared>>
      tpu.enqueue_dma source(%arg7 : memref<128x128xf32, #tpu.memory_space<vmem>>) target(%dma_start3A_53 : memref<128x128xf32, #tpu.memory_space<vmem_shared>>) target_semaphore(%run_scoped3A : memref<!tpu.dma_semaphore, #tpu.memory_space<semaphore_mem>>)
      %dma_wait3A = arith.constant 0 : i32
      %dma_wait3A_54 = tpu.memref_slice %arg8[%add3A_9, %dma_wait3A] : memref<10240x128xf32, #tpu.memory_space<vmem_shared>> -> memref<128x128xf32, #tpu.memory_space<vmem_shared>>
      %dma_wait3A_55 = arith.constant 0 : i32
      %dma_wait3A_56 = tpu.memref_slice %arg8[%add3A_9, %dma_wait3A_55] : memref<10240x128xf32, #tpu.memory_space<vmem_shared>> -> memref<128x128xf32, #tpu.memory_space<vmem_shared>>
      tpu.wait_dma2 semaphore(%run_scoped3A : memref<!tpu.dma_semaphore, #tpu.memory_space<semaphore_mem>>) src(%arg7 : memref<128x128xf32, #tpu.memory_space<vmem>>) dst(%dma_wait3A_56 : memref<128x128xf32, #tpu.memory_space<vmem_shared>>)
      tpu.yield
    }) : () -> ()
    %barrier3A = arith.constant 0 : index
    tpu.barrier barrier_id(%barrier3A)
    %lt3A = arith.constant 1 : i32
    %lt3A_10 = arith.cmpi slt, %arg1, %lt3A : i32
    %jit3A = arith.constant 1 : i32
    %jit3A_11 = arith.constant 0 : i32
    %select_n3A = arith.select %lt3A_10, %jit3A, %jit3A_11 : i32
    %add3A_12 = arith.constant 39 : i32
    %add3A_13 = arith.addi %add3A_12, %select_n3A : i32
    %while3A = arith.constant 0 : i32
    %while3A_14 = arith.constant 0 : i32
    %while3A_15 = arith.subi %add3A_13, %while3A : i32
    %while3A_16 = arith.addi %while3A, %while3A_15 : i32
    %while3A_17 = arith.constant 1 : i32
    %while3A_18 = arith.divsi %while3A_15, %while3A_17 : i32
    %while3A_19 = arith.muli %while3A_18, %while3A_17 : i32
    %while3A_20 = arith.addi %while3A, %while3A_19 : i32
    %while3A_21 = arith.constant 1 : i32
    %while3A_22 = scf.for %while3A_51 = %while3A to %while3A_20 step %while3A_21 iter_args(%while3A_52 = %while3A_14) -> (i32)  : i32 {
      %mul3A_53 = arith.constant 16 : i32
      %mul3A_54 = arith.muli %while3A_51, %mul3A_53 : i32
      %add3A_55 = arith.addi %arg1, %mul3A_54 : i32
      %mul3A_56 = arith.constant 128 : i32
      %mul3A_57 = arith.muli %add3A_55, %mul3A_56 : i32
      "tpu.region"() ({
        %run_scoped3A = tpu.sem_alloc : memref<!tpu.dma_semaphore, #tpu.memory_space<semaphore_mem>>
        %dma_start3A = tpu.memref_slice %arg3[%mul3A_57] : memref<80000xi32, #tpu.memory_space<hbm>> -> memref<128xi32, #tpu.memory_space<hbm>>
        %dma_start3A_62 = tpu.memref_slice %arg3[%mul3A_57] : memref<80000xi32, #tpu.memory_space<hbm>> -> memref<128xi32, #tpu.memory_space<hbm>>
        tpu.enqueue_dma source(%dma_start3A_62 : memref<128xi32, #tpu.memory_space<hbm>>) target(%arg6 : memref<128xi32, #tpu.memory_space<vmem>>) target_semaphore(%run_scoped3A : memref<!tpu.dma_semaphore, #tpu.memory_space<semaphore_mem>>)
        %dma_wait3A = tpu.memref_slice %arg3[%mul3A_57] : memref<80000xi32, #tpu.memory_space<hbm>> -> memref<128xi32, #tpu.memory_space<hbm>>
        %dma_wait3A_63 = tpu.memref_slice %arg3[%mul3A_57] : memref<80000xi32, #tpu.memory_space<hbm>> -> memref<128xi32, #tpu.memory_space<hbm>>
        tpu.wait_dma2 semaphore(%run_scoped3A : memref<!tpu.dma_semaphore, #tpu.memory_space<semaphore_mem>>) src(%dma_wait3A_63 : memref<128xi32, #tpu.memory_space<hbm>>) dst(%arg6 : memref<128xi32, #tpu.memory_space<vmem>>)
        tpu.yield
      }) : () -> ()
      %mul3A_58 = arith.constant 80000 : i32
      %mul3A_59 = arith.muli %arg0, %mul3A_58 : i32
      %add3A_60 = arith.addi %mul3A_59, %mul3A_57 : i32
      "tpu.region"() ({
        %run_scoped3A = tpu.sem_alloc : memref<!tpu.dma_semaphore, #tpu.memory_space<semaphore_mem>>
        %dma_start3A = arith.constant 0 : i32
        %dma_start3A_62 = tpu.memref_slice %arg2[%add3A_60, %dma_start3A] : memref<160000x128xf32, #tpu.memory_space<hbm>> -> memref<128x128xf32, #tpu.memory_space<hbm>>
        %dma_start3A_63 = arith.constant 0 : i32
        %dma_start3A_64 = tpu.memref_slice %arg2[%add3A_60, %dma_start3A_63] : memref<160000x128xf32, #tpu.memory_space<hbm>> -> memref<128x128xf32, #tpu.memory_space<hbm>>
        tpu.enqueue_dma source(%dma_start3A_64 : memref<128x128xf32, #tpu.memory_space<hbm>>) target(%arg7 : memref<128x128xf32, #tpu.memory_space<vmem>>) target_semaphore(%run_scoped3A : memref<!tpu.dma_semaphore, #tpu.memory_space<semaphore_mem>>)
        %dma_wait3A = arith.constant 0 : i32
        %dma_wait3A_65 = tpu.memref_slice %arg2[%add3A_60, %dma_wait3A] : memref<160000x128xf32, #tpu.memory_space<hbm>> -> memref<128x128xf32, #tpu.memory_space<hbm>>
        %dma_wait3A_66 = arith.constant 0 : i32
        %dma_wait3A_67 = tpu.memref_slice %arg2[%add3A_60, %dma_wait3A_66] : memref<160000x128xf32, #tpu.memory_space<hbm>> -> memref<128x128xf32, #tpu.memory_space<hbm>>
        tpu.wait_dma2 semaphore(%run_scoped3A : memref<!tpu.dma_semaphore, #tpu.memory_space<semaphore_mem>>) src(%dma_wait3A_67 : memref<128x128xf32, #tpu.memory_space<hbm>>) dst(%arg7 : memref<128x128xf32, #tpu.memory_space<vmem>>)
        tpu.yield
      }) : () -> ()
      "tpu.region"() ({
        %run_scoped3A = tpu.sem_alloc : memref<!tpu.dma_semaphore, #tpu.memory_space<semaphore_mem>>
        %dma_start3A = arith.constant 0 : i32
        %dma_start3A_62 = arith.constant 0 : i32
        %dma_start3A_63 = tpu.memref_slice %arg8[%dma_start3A, %dma_start3A_62] : memref<10240x128xf32, #tpu.memory_space<vmem_shared>> -> memref<10240x128xf32, #tpu.memory_space<vmem_shared>>
        tpu.enqueue_indirect_dma source(%arg7 : memref<128x128xf32, #tpu.memory_space<vmem>>) target(%dma_start3A_63 : memref<10240x128xf32, #tpu.memory_space<vmem_shared>>) offsets(%arg6 : memref<128xi32, #tpu.memory_space<vmem>>) semaphore(%run_scoped3A : memref<!tpu.dma_semaphore, #tpu.memory_space<semaphore_mem>>) {add = true}
        %dma_wait3A = arith.constant 0 : i32
        %dma_wait3A_64 = arith.constant 0 : i32
        %dma_wait3A_65 = tpu.memref_slice %arg8[%dma_wait3A, %dma_wait3A_64] : memref<10240x128xf32, #tpu.memory_space<vmem_shared>> -> memref<10240x128xf32, #tpu.memory_space<vmem_shared>>
        tpu.wait_indirect_dma semaphore(%run_scoped3A : memref<!tpu.dma_semaphore, #tpu.memory_space<semaphore_mem>>) src(%arg7 : memref<128x128xf32, #tpu.memory_space<vmem>>) dst(%dma_wait3A_65 : memref<10240x128xf32, #tpu.memory_space<vmem_shared>>)
        tpu.yield
      }) : () -> ()
      %while3A_61 = arith.constant 0 : i32
      scf.yield %while3A_61 : i32
    }
    %while3A_23 = arith.constant 1 : i32
    %while3A_24 = scf.for %while3A_51 = %while3A_20 to %while3A_16 step %while3A_23 iter_args(%while3A_52 = %while3A_22) -> (i32)  : i32 {
      %mul3A_53 = arith.constant 16 : i32
      %mul3A_54 = arith.muli %while3A_51, %mul3A_53 : i32
      %add3A_55 = arith.addi %arg1, %mul3A_54 : i32
      %mul3A_56 = arith.constant 128 : i32
      %mul3A_57 = arith.muli %add3A_55, %mul3A_56 : i32
      "tpu.region"() ({
        %run_scoped3A = tpu.sem_alloc : memref<!tpu.dma_semaphore, #tpu.memory_space<semaphore_mem>>
        %dma_start3A = tpu.memref_slice %arg3[%mul3A_57] : memref<80000xi32, #tpu.memory_space<hbm>> -> memref<128xi32, #tpu.memory_space<hbm>>
        %dma_start3A_62 = tpu.memref_slice %arg3[%mul3A_57] : memref<80000xi32, #tpu.memory_space<hbm>> -> memref<128xi32, #tpu.memory_space<hbm>>
        tpu.enqueue_dma source(%dma_start3A_62 : memref<128xi32, #tpu.memory_space<hbm>>) target(%arg6 : memref<128xi32, #tpu.memory_space<vmem>>) target_semaphore(%run_scoped3A : memref<!tpu.dma_semaphore, #tpu.memory_space<semaphore_mem>>)
        %dma_wait3A = tpu.memref_slice %arg3[%mul3A_57] : memref<80000xi32, #tpu.memory_space<hbm>> -> memref<128xi32, #tpu.memory_space<hbm>>
        %dma_wait3A_63 = tpu.memref_slice %arg3[%mul3A_57] : memref<80000xi32, #tpu.memory_space<hbm>> -> memref<128xi32, #tpu.memory_space<hbm>>
        tpu.wait_dma2 semaphore(%run_scoped3A : memref<!tpu.dma_semaphore, #tpu.memory_space<semaphore_mem>>) src(%dma_wait3A_63 : memref<128xi32, #tpu.memory_space<hbm>>) dst(%arg6 : memref<128xi32, #tpu.memory_space<vmem>>)
        tpu.yield
      }) : () -> ()
      %mul3A_58 = arith.constant 80000 : i32
      %mul3A_59 = arith.muli %arg0, %mul3A_58 : i32
      %add3A_60 = arith.addi %mul3A_59, %mul3A_57 : i32
      "tpu.region"() ({
        %run_scoped3A = tpu.sem_alloc : memref<!tpu.dma_semaphore, #tpu.memory_space<semaphore_mem>>
        %dma_start3A = arith.constant 0 : i32
        %dma_start3A_62 = tpu.memref_slice %arg2[%add3A_60, %dma_start3A] : memref<160000x128xf32, #tpu.memory_space<hbm>> -> memref<128x128xf32, #tpu.memory_space<hbm>>
        %dma_start3A_63 = arith.constant 0 : i32
        %dma_start3A_64 = tpu.memref_slice %arg2[%add3A_60, %dma_start3A_63] : memref<160000x128xf32, #tpu.memory_space<hbm>> -> memref<128x128xf32, #tpu.memory_space<hbm>>
        tpu.enqueue_dma source(%dma_start3A_64 : memref<128x128xf32, #tpu.memory_space<hbm>>) target(%arg7 : memref<128x128xf32, #tpu.memory_space<vmem>>) target_semaphore(%run_scoped3A : memref<!tpu.dma_semaphore, #tpu.memory_space<semaphore_mem>>)
        %dma_wait3A = arith.constant 0 : i32
        %dma_wait3A_65 = tpu.memref_slice %arg2[%add3A_60, %dma_wait3A] : memref<160000x128xf32, #tpu.memory_space<hbm>> -> memref<128x128xf32, #tpu.memory_space<hbm>>
        %dma_wait3A_66 = arith.constant 0 : i32
        %dma_wait3A_67 = tpu.memref_slice %arg2[%add3A_60, %dma_wait3A_66] : memref<160000x128xf32, #tpu.memory_space<hbm>> -> memref<128x128xf32, #tpu.memory_space<hbm>>
        tpu.wait_dma2 semaphore(%run_scoped3A : memref<!tpu.dma_semaphore, #tpu.memory_space<semaphore_mem>>) src(%dma_wait3A_67 : memref<128x128xf32, #tpu.memory_space<hbm>>) dst(%arg7 : memref<128x128xf32, #tpu.memory_space<vmem>>)
        tpu.yield
      }) : () -> ()
      "tpu.region"() ({
        %run_scoped3A = tpu.sem_alloc : memref<!tpu.dma_semaphore, #tpu.memory_space<semaphore_mem>>
        %dma_start3A = arith.constant 0 : i32
        %dma_start3A_62 = arith.constant 0 : i32
        %dma_start3A_63 = tpu.memref_slice %arg8[%dma_start3A, %dma_start3A_62] : memref<10240x128xf32, #tpu.memory_space<vmem_shared>> -> memref<10240x128xf32, #tpu.memory_space<vmem_shared>>
        tpu.enqueue_indirect_dma source(%arg7 : memref<128x128xf32, #tpu.memory_space<vmem>>) target(%dma_start3A_63 : memref<10240x128xf32, #tpu.memory_space<vmem_shared>>) offsets(%arg6 : memref<128xi32, #tpu.memory_space<vmem>>) semaphore(%run_scoped3A : memref<!tpu.dma_semaphore, #tpu.memory_space<semaphore_mem>>) {add = true}
        %dma_wait3A = arith.constant 0 : i32
        %dma_wait3A_64 = arith.constant 0 : i32
        %dma_wait3A_65 = tpu.memref_slice %arg8[%dma_wait3A, %dma_wait3A_64] : memref<10240x128xf32, #tpu.memory_space<vmem_shared>> -> memref<10240x128xf32, #tpu.memory_space<vmem_shared>>
        tpu.wait_indirect_dma semaphore(%run_scoped3A : memref<!tpu.dma_semaphore, #tpu.memory_space<semaphore_mem>>) src(%arg7 : memref<128x128xf32, #tpu.memory_space<vmem>>) dst(%dma_wait3A_65 : memref<10240x128xf32, #tpu.memory_space<vmem_shared>>)
        tpu.yield
      }) : () -> ()
      %while3A_61 = arith.constant 0 : i32
      scf.yield %while3A_61 : i32
    }
    %barrier3A_25 = arith.constant 0 : index
    tpu.barrier barrier_id(%barrier3A_25)
    %add3A_26 = arith.constant 0 : i32
    %add3A_27 = arith.addi %mul3A_0, %add3A_26 : i32
    "tpu.region"() ({
      %run_scoped3A = tpu.sem_alloc : memref<!tpu.dma_semaphore, #tpu.memory_space<semaphore_mem>>
      %dma_start3A = arith.constant 0 : i32
      %dma_start3A_51 = tpu.memref_slice %arg8[%add3A_27, %dma_start3A] : memref<10240x128xf32, #tpu.memory_space<vmem_shared>> -> memref<128x128xf32, #tpu.memory_space<vmem_shared>>
      %dma_start3A_52 = arith.constant 0 : i32
      %dma_start3A_53 = tpu.memref_slice %arg8[%add3A_27, %dma_start3A_52] : memref<10240x128xf32, #tpu.memory_space<vmem_shared>> -> memref<128x128xf32, #tpu.memory_space<vmem_shared>>
      tpu.enqueue_dma source(%dma_start3A_53 : memref<128x128xf32, #tpu.memory_space<vmem_shared>>) target(%arg7 : memref<128x128xf32, #tpu.memory_space<vmem>>) target_semaphore(%run_scoped3A : memref<!tpu.dma_semaphore, #tpu.memory_space<semaphore_mem>>)
      %dma_wait3A = arith.constant 0 : i32
      %dma_wait3A_54 = tpu.memref_slice %arg8[%add3A_27, %dma_wait3A] : memref<10240x128xf32, #tpu.memory_space<vmem_shared>> -> memref<128x128xf32, #tpu.memory_space<vmem_shared>>
      %dma_wait3A_55 = arith.constant 0 : i32
      %dma_wait3A_56 = tpu.memref_slice %arg8[%add3A_27, %dma_wait3A_55] : memref<10240x128xf32, #tpu.memory_space<vmem_shared>> -> memref<128x128xf32, #tpu.memory_space<vmem_shared>>
      tpu.wait_dma2 semaphore(%run_scoped3A : memref<!tpu.dma_semaphore, #tpu.memory_space<semaphore_mem>>) src(%dma_wait3A_56 : memref<128x128xf32, #tpu.memory_space<vmem_shared>>) dst(%arg7 : memref<128x128xf32, #tpu.memory_space<vmem>>)
      tpu.yield
    }) : () -> ()
    %mul3A_28 = arith.constant 10240 : i32
    %mul3A_29 = arith.muli %arg0, %mul3A_28 : i32
    %add3A_30 = arith.addi %mul3A_29, %add3A_27 : i32
    "tpu.region"() ({
      %run_scoped3A = tpu.sem_alloc : memref<!tpu.dma_semaphore, #tpu.memory_space<semaphore_mem>>
      %dma_start3A = arith.constant 0 : i32
      %dma_start3A_51 = tpu.memref_slice %arg5[%add3A_30, %dma_start3A] : memref<20480x128xf32, #tpu.memory_space<hbm>> -> memref<128x128xf32, #tpu.memory_space<hbm>>
      %dma_start3A_52 = arith.constant 0 : i32
      %dma_start3A_53 = tpu.memref_slice %arg5[%add3A_30, %dma_start3A_52] : memref<20480x128xf32, #tpu.memory_space<hbm>> -> memref<128x128xf32, #tpu.memory_space<hbm>>
      tpu.enqueue_dma source(%arg7 : memref<128x128xf32, #tpu.memory_space<vmem>>) target(%dma_start3A_53 : memref<128x128xf32, #tpu.memory_space<hbm>>) target_semaphore(%run_scoped3A : memref<!tpu.dma_semaphore, #tpu.memory_space<semaphore_mem>>)
      %dma_wait3A = arith.constant 0 : i32
      %dma_wait3A_54 = tpu.memref_slice %arg5[%add3A_30, %dma_wait3A] : memref<20480x128xf32, #tpu.memory_space<hbm>> -> memref<128x128xf32, #tpu.memory_space<hbm>>
      %dma_wait3A_55 = arith.constant 0 : i32
      %dma_wait3A_56 = tpu.memref_slice %arg5[%add3A_30, %dma_wait3A_55] : memref<20480x128xf32, #tpu.memory_space<hbm>> -> memref<128x128xf32, #tpu.memory_space<hbm>>
      tpu.wait_dma2 semaphore(%run_scoped3A : memref<!tpu.dma_semaphore, #tpu.memory_space<semaphore_mem>>) src(%arg7 : memref<128x128xf32, #tpu.memory_space<vmem>>) dst(%dma_wait3A_56 : memref<128x128xf32, #tpu.memory_space<hbm>>)
      tpu.yield
    }) : () -> ()
    %add3A_31 = arith.constant 128 : i32
    %add3A_32 = arith.addi %mul3A_0, %add3A_31 : i32
    "tpu.region"() ({
      %run_scoped3A = tpu.sem_alloc : memref<!tpu.dma_semaphore, #tpu.memory_space<semaphore_mem>>
      %dma_start3A = arith.constant 0 : i32
      %dma_start3A_51 = tpu.memref_slice %arg8[%add3A_32, %dma_start3A] : memref<10240x128xf32, #tpu.memory_space<vmem_shared>> -> memref<128x128xf32, #tpu.memory_space<vmem_shared>>
      %dma_start3A_52 = arith.constant 0 : i32
      %dma_start3A_53 = tpu.memref_slice %arg8[%add3A_32, %dma_start3A_52] : memref<10240x128xf32, #tpu.memory_space<vmem_shared>> -> memref<128x128xf32, #tpu.memory_space<vmem_shared>>
      tpu.enqueue_dma source(%dma_start3A_53 : memref<128x128xf32, #tpu.memory_space<vmem_shared>>) target(%arg7 : memref<128x128xf32, #tpu.memory_space<vmem>>) target_semaphore(%run_scoped3A : memref<!tpu.dma_semaphore, #tpu.memory_space<semaphore_mem>>)
      %dma_wait3A = arith.constant 0 : i32
      %dma_wait3A_54 = tpu.memref_slice %arg8[%add3A_32, %dma_wait3A] : memref<10240x128xf32, #tpu.memory_space<vmem_shared>> -> memref<128x128xf32, #tpu.memory_space<vmem_shared>>
      %dma_wait3A_55 = arith.constant 0 : i32
      %dma_wait3A_56 = tpu.memref_slice %arg8[%add3A_32, %dma_wait3A_55] : memref<10240x128xf32, #tpu.memory_space<vmem_shared>> -> memref<128x128xf32, #tpu.memory_space<vmem_shared>>
      tpu.wait_dma2 semaphore(%run_scoped3A : memref<!tpu.dma_semaphore, #tpu.memory_space<semaphore_mem>>) src(%dma_wait3A_56 : memref<128x128xf32, #tpu.memory_space<vmem_shared>>) dst(%arg7 : memref<128x128xf32, #tpu.memory_space<vmem>>)
      tpu.yield
    }) : () -> ()
    %mul3A_33 = arith.constant 10240 : i32
    %mul3A_34 = arith.muli %arg0, %mul3A_33 : i32
    %add3A_35 = arith.addi %mul3A_34, %add3A_32 : i32
    "tpu.region"() ({
      %run_scoped3A = tpu.sem_alloc : memref<!tpu.dma_semaphore, #tpu.memory_space<semaphore_mem>>
      %dma_start3A = arith.constant 0 : i32
      %dma_start3A_51 = tpu.memref_slice %arg5[%add3A_35, %dma_start3A] : memref<20480x128xf32, #tpu.memory_space<hbm>> -> memref<128x128xf32, #tpu.memory_space<hbm>>
      %dma_start3A_52 = arith.constant 0 : i32
      %dma_start3A_53 = tpu.memref_slice %arg5[%add3A_35, %dma_start3A_52] : memref<20480x128xf32, #tpu.memory_space<hbm>> -> memref<128x128xf32, #tpu.memory_space<hbm>>
      tpu.enqueue_dma source(%arg7 : memref<128x128xf32, #tpu.memory_space<vmem>>) target(%dma_start3A_53 : memref<128x128xf32, #tpu.memory_space<hbm>>) target_semaphore(%run_scoped3A : memref<!tpu.dma_semaphore, #tpu.memory_space<semaphore_mem>>)
      %dma_wait3A = arith.constant 0 : i32
      %dma_wait3A_54 = tpu.memref_slice %arg5[%add3A_35, %dma_wait3A] : memref<20480x128xf32, #tpu.memory_space<hbm>> -> memref<128x128xf32, #tpu.memory_space<hbm>>
      %dma_wait3A_55 = arith.constant 0 : i32
      %dma_wait3A_56 = tpu.memref_slice %arg5[%add3A_35, %dma_wait3A_55] : memref<20480x128xf32, #tpu.memory_space<hbm>> -> memref<128x128xf32, #tpu.memory_space<hbm>>
      tpu.wait_dma2 semaphore(%run_scoped3A : memref<!tpu.dma_semaphore, #tpu.memory_space<semaphore_mem>>) src(%arg7 : memref<128x128xf32, #tpu.memory_space<vmem>>) dst(%dma_wait3A_56 : memref<128x128xf32, #tpu.memory_space<hbm>>)
      tpu.yield
    }) : () -> ()
    %add3A_36 = arith.constant 256 : i32
    %add3A_37 = arith.addi %mul3A_0, %add3A_36 : i32
    "tpu.region"() ({
      %run_scoped3A = tpu.sem_alloc : memref<!tpu.dma_semaphore, #tpu.memory_space<semaphore_mem>>
      %dma_start3A = arith.constant 0 : i32
      %dma_start3A_51 = tpu.memref_slice %arg8[%add3A_37, %dma_start3A] : memref<10240x128xf32, #tpu.memory_space<vmem_shared>> -> memref<128x128xf32, #tpu.memory_space<vmem_shared>>
      %dma_start3A_52 = arith.constant 0 : i32
      %dma_start3A_53 = tpu.memref_slice %arg8[%add3A_37, %dma_start3A_52] : memref<10240x128xf32, #tpu.memory_space<vmem_shared>> -> memref<128x128xf32, #tpu.memory_space<vmem_shared>>
      tpu.enqueue_dma source(%dma_start3A_53 : memref<128x128xf32, #tpu.memory_space<vmem_shared>>) target(%arg7 : memref<128x128xf32, #tpu.memory_space<vmem>>) target_semaphore(%run_scoped3A : memref<!tpu.dma_semaphore, #tpu.memory_space<semaphore_mem>>)
      %dma_wait3A = arith.constant 0 : i32
      %dma_wait3A_54 = tpu.memref_slice %arg8[%add3A_37, %dma_wait3A] : memref<10240x128xf32, #tpu.memory_space<vmem_shared>> -> memref<128x128xf32, #tpu.memory_space<vmem_shared>>
      %dma_wait3A_55 = arith.constant 0 : i32
      %dma_wait3A_56 = tpu.memref_slice %arg8[%add3A_37, %dma_wait3A_55] : memref<10240x128xf32, #tpu.memory_space<vmem_shared>> -> memref<128x128xf32, #tpu.memory_space<vmem_shared>>
      tpu.wait_dma2 semaphore(%run_scoped3A : memref<!tpu.dma_semaphore, #tpu.memory_space<semaphore_mem>>) src(%dma_wait3A_56 : memref<128x128xf32, #tpu.memory_space<vmem_shared>>) dst(%arg7 : memref<128x128xf32, #tpu.memory_space<vmem>>)
      tpu.yield
    }) : () -> ()
    %mul3A_38 = arith.constant 10240 : i32
    %mul3A_39 = arith.muli %arg0, %mul3A_38 : i32
    %add3A_40 = arith.addi %mul3A_39, %add3A_37 : i32
    "tpu.region"() ({
      %run_scoped3A = tpu.sem_alloc : memref<!tpu.dma_semaphore, #tpu.memory_space<semaphore_mem>>
      %dma_start3A = arith.constant 0 : i32
      %dma_start3A_51 = tpu.memref_slice %arg5[%add3A_40, %dma_start3A] : memref<20480x128xf32, #tpu.memory_space<hbm>> -> memref<128x128xf32, #tpu.memory_space<hbm>>
      %dma_start3A_52 = arith.constant 0 : i32
      %dma_start3A_53 = tpu.memref_slice %arg5[%add3A_40, %dma_start3A_52] : memref<20480x128xf32, #tpu.memory_space<hbm>> -> memref<128x128xf32, #tpu.memory_space<hbm>>
      tpu.enqueue_dma source(%arg7 : memref<128x128xf32, #tpu.memory_space<vmem>>) target(%dma_start3A_53 : memref<128x128xf32, #tpu.memory_space<hbm>>) target_semaphore(%run_scoped3A : memref<!tpu.dma_semaphore, #tpu.memory_space<semaphore_mem>>)
      %dma_wait3A = arith.constant 0 : i32
      %dma_wait3A_54 = tpu.memref_slice %arg5[%add3A_40, %dma_wait3A] : memref<20480x128xf32, #tpu.memory_space<hbm>> -> memref<128x128xf32, #tpu.memory_space<hbm>>
      %dma_wait3A_55 = arith.constant 0 : i32
      %dma_wait3A_56 = tpu.memref_slice %arg5[%add3A_40, %dma_wait3A_55] : memref<20480x128xf32, #tpu.memory_space<hbm>> -> memref<128x128xf32, #tpu.memory_space<hbm>>
      tpu.wait_dma2 semaphore(%run_scoped3A : memref<!tpu.dma_semaphore, #tpu.memory_space<semaphore_mem>>) src(%arg7 : memref<128x128xf32, #tpu.memory_space<vmem>>) dst(%dma_wait3A_56 : memref<128x128xf32, #tpu.memory_space<hbm>>)
      tpu.yield
    }) : () -> ()
    %add3A_41 = arith.constant 384 : i32
    %add3A_42 = arith.addi %mul3A_0, %add3A_41 : i32
    "tpu.region"() ({
      %run_scoped3A = tpu.sem_alloc : memref<!tpu.dma_semaphore, #tpu.memory_space<semaphore_mem>>
      %dma_start3A = arith.constant 0 : i32
      %dma_start3A_51 = tpu.memref_slice %arg8[%add3A_42, %dma_start3A] : memref<10240x128xf32, #tpu.memory_space<vmem_shared>> -> memref<128x128xf32, #tpu.memory_space<vmem_shared>>
      %dma_start3A_52 = arith.constant 0 : i32
      %dma_start3A_53 = tpu.memref_slice %arg8[%add3A_42, %dma_start3A_52] : memref<10240x128xf32, #tpu.memory_space<vmem_shared>> -> memref<128x128xf32, #tpu.memory_space<vmem_shared>>
      tpu.enqueue_dma source(%dma_start3A_53 : memref<128x128xf32, #tpu.memory_space<vmem_shared>>) target(%arg7 : memref<128x128xf32, #tpu.memory_space<vmem>>) target_semaphore(%run_scoped3A : memref<!tpu.dma_semaphore, #tpu.memory_space<semaphore_mem>>)
      %dma_wait3A = arith.constant 0 : i32
      %dma_wait3A_54 = tpu.memref_slice %arg8[%add3A_42, %dma_wait3A] : memref<10240x128xf32, #tpu.memory_space<vmem_shared>> -> memref<128x128xf32, #tpu.memory_space<vmem_shared>>
      %dma_wait3A_55 = arith.constant 0 : i32
      %dma_wait3A_56 = tpu.memref_slice %arg8[%add3A_42, %dma_wait3A_55] : memref<10240x128xf32, #tpu.memory_space<vmem_shared>> -> memref<128x128xf32, #tpu.memory_space<vmem_shared>>
      tpu.wait_dma2 semaphore(%run_scoped3A : memref<!tpu.dma_semaphore, #tpu.memory_space<semaphore_mem>>) src(%dma_wait3A_56 : memref<128x128xf32, #tpu.memory_space<vmem_shared>>) dst(%arg7 : memref<128x128xf32, #tpu.memory_space<vmem>>)
      tpu.yield
    }) : () -> ()
    %mul3A_43 = arith.constant 10240 : i32
    %mul3A_44 = arith.muli %arg0, %mul3A_43 : i32
    %add3A_45 = arith.addi %mul3A_44, %add3A_42 : i32
    "tpu.region"() ({
      %run_scoped3A = tpu.sem_alloc : memref<!tpu.dma_semaphore, #tpu.memory_space<semaphore_mem>>
      %dma_start3A = arith.constant 0 : i32
      %dma_start3A_51 = tpu.memref_slice %arg5[%add3A_45, %dma_start3A] : memref<20480x128xf32, #tpu.memory_space<hbm>> -> memref<128x128xf32, #tpu.memory_space<hbm>>
      %dma_start3A_52 = arith.constant 0 : i32
      %dma_start3A_53 = tpu.memref_slice %arg5[%add3A_45, %dma_start3A_52] : memref<20480x128xf32, #tpu.memory_space<hbm>> -> memref<128x128xf32, #tpu.memory_space<hbm>>
      tpu.enqueue_dma source(%arg7 : memref<128x128xf32, #tpu.memory_space<vmem>>) target(%dma_start3A_53 : memref<128x128xf32, #tpu.memory_space<hbm>>) target_semaphore(%run_scoped3A : memref<!tpu.dma_semaphore, #tpu.memory_space<semaphore_mem>>)
      %dma_wait3A = arith.constant 0 : i32
      %dma_wait3A_54 = tpu.memref_slice %arg5[%add3A_45, %dma_wait3A] : memref<20480x128xf32, #tpu.memory_space<hbm>> -> memref<128x128xf32, #tpu.memory_space<hbm>>
      %dma_wait3A_55 = arith.constant 0 : i32
      %dma_wait3A_56 = tpu.memref_slice %arg5[%add3A_45, %dma_wait3A_55] : memref<20480x128xf32, #tpu.memory_space<hbm>> -> memref<128x128xf32, #tpu.memory_space<hbm>>
      tpu.wait_dma2 semaphore(%run_scoped3A : memref<!tpu.dma_semaphore, #tpu.memory_space<semaphore_mem>>) src(%arg7 : memref<128x128xf32, #tpu.memory_space<vmem>>) dst(%dma_wait3A_56 : memref<128x128xf32, #tpu.memory_space<hbm>>)
      tpu.yield
    }) : () -> ()
    %add3A_46 = arith.constant 512 : i32
    %add3A_47 = arith.addi %mul3A_0, %add3A_46 : i32
    "tpu.region"() ({
      %run_scoped3A = tpu.sem_alloc : memref<!tpu.dma_semaphore, #tpu.memory_space<semaphore_mem>>
      %dma_start3A = arith.constant 0 : i32
      %dma_start3A_51 = tpu.memref_slice %arg8[%add3A_47, %dma_start3A] : memref<10240x128xf32, #tpu.memory_space<vmem_shared>> -> memref<128x128xf32, #tpu.memory_space<vmem_shared>>
      %dma_start3A_52 = arith.constant 0 : i32
      %dma_start3A_53 = tpu.memref_slice %arg8[%add3A_47, %dma_start3A_52] : memref<10240x128xf32, #tpu.memory_space<vmem_shared>> -> memref<128x128xf32, #tpu.memory_space<vmem_shared>>
      tpu.enqueue_dma source(%dma_start3A_53 : memref<128x128xf32, #tpu.memory_space<vmem_shared>>) target(%arg7 : memref<128x128xf32, #tpu.memory_space<vmem>>) target_semaphore(%run_scoped3A : memref<!tpu.dma_semaphore, #tpu.memory_space<semaphore_mem>>)
      %dma_wait3A = arith.constant 0 : i32
      %dma_wait3A_54 = tpu.memref_slice %arg8[%add3A_47, %dma_wait3A] : memref<10240x128xf32, #tpu.memory_space<vmem_shared>> -> memref<128x128xf32, #tpu.memory_space<vmem_shared>>
      %dma_wait3A_55 = arith.constant 0 : i32
      %dma_wait3A_56 = tpu.memref_slice %arg8[%add3A_47, %dma_wait3A_55] : memref<10240x128xf32, #tpu.memory_space<vmem_shared>> -> memref<128x128xf32, #tpu.memory_space<vmem_shared>>
      tpu.wait_dma2 semaphore(%run_scoped3A : memref<!tpu.dma_semaphore, #tpu.memory_space<semaphore_mem>>) src(%dma_wait3A_56 : memref<128x128xf32, #tpu.memory_space<vmem_shared>>) dst(%arg7 : memref<128x128xf32, #tpu.memory_space<vmem>>)
      tpu.yield
    }) : () -> ()
    %mul3A_48 = arith.constant 10240 : i32
    %mul3A_49 = arith.muli %arg0, %mul3A_48 : i32
    %add3A_50 = arith.addi %mul3A_49, %add3A_47 : i32
    "tpu.region"() ({
      %run_scoped3A = tpu.sem_alloc : memref<!tpu.dma_semaphore, #tpu.memory_space<semaphore_mem>>
      %dma_start3A = arith.constant 0 : i32
      %dma_start3A_51 = tpu.memref_slice %arg5[%add3A_50, %dma_start3A] : memref<20480x128xf32, #tpu.memory_space<hbm>> -> memref<128x128xf32, #tpu.memory_space<hbm>>
      %dma_start3A_52 = arith.constant 0 : i32
      %dma_start3A_53 = tpu.memref_slice %arg5[%add3A_50, %dma_start3A_52] : memref<20480x128xf32, #tpu.memory_space<hbm>> -> memref<128x128xf32, #tpu.memory_space<hbm>>
      tpu.enqueue_dma source(%arg7 : memref<128x128xf32, #tpu.memory_space<vmem>>) target(%dma_start3A_53 : memref<128x128xf32, #tpu.memory_space<hbm>>) target_semaphore(%run_scoped3A : memref<!tpu.dma_semaphore, #tpu.memory_space<semaphore_mem>>)
      %dma_wait3A = arith.constant 0 : i32
      %dma_wait3A_54 = tpu.memref_slice %arg5[%add3A_50, %dma_wait3A] : memref<20480x128xf32, #tpu.memory_space<hbm>> -> memref<128x128xf32, #tpu.memory_space<hbm>>
      %dma_wait3A_55 = arith.constant 0 : i32
      %dma_wait3A_56 = tpu.memref_slice %arg5[%add3A_50, %dma_wait3A_55] : memref<20480x128xf32, #tpu.memory_space<hbm>> -> memref<128x128xf32, #tpu.memory_space<hbm>>
      tpu.wait_dma2 semaphore(%run_scoped3A : memref<!tpu.dma_semaphore, #tpu.memory_space<semaphore_mem>>) src(%arg7 : memref<128x128xf32, #tpu.memory_space<vmem>>) dst(%dma_wait3A_56 : memref<128x128xf32, #tpu.memory_space<hbm>>)
      tpu.yield
    }) : () -> ()
    return
  }
}

#map = affine_map<(d0, d1) -> (0, 0)>
#map1 = affine_map<(d0, d1) -> (0)>
module attributes {stable_mosaic.version = 14 : i64} {
  func.func @k(%arg0: i32, %arg1: i32, %arg2: memref<160000x128xf32, #tpu.memory_space<hbm>>, %arg3: memref<80000xi32, #tpu.memory_space<hbm>>, %arg4: memref<128x128xf32, #tpu.memory_space<hbm>>, %arg5: memref<20480x128xf32, #tpu.memory_space<hbm>>, %arg6: memref<128xi32, #tpu.memory_space<vmem>>, %arg7: memref<128x128xf32, #tpu.memory_space<vmem>>, %arg8: memref<10240x128xf32, #tpu.memory_space<vmem_shared>>) attributes {dimension_semantics = [#tpu.dimension_semantics<core_parallel>, #tpu.dimension_semantics<subcore_parallel>], iteration_bounds = array<i64: 2, 16>, scalar_prefetch = 0 : i64, scratch_operands = 3 : i64, tpu.core_type = #tpu.core_type<sc_vector_subcore>, window_params = [{transform_indices = #map}, {transform_indices = #map1}, {transform_indices = #map}, {transform_indices = #map}]} {
    "tpu.region"() ({
      %run_scoped3A = tpu.sem_alloc : memref<!tpu.dma_semaphore, #tpu.memory_space<semaphore_mem>>
      tpu.enqueue_dma source(%arg4 : memref<128x128xf32, #tpu.memory_space<hbm>>) target(%arg7 : memref<128x128xf32, #tpu.memory_space<vmem>>) target_semaphore(%run_scoped3A : memref<!tpu.dma_semaphore, #tpu.memory_space<semaphore_mem>>)
      tpu.wait_dma2 semaphore(%run_scoped3A : memref<!tpu.dma_semaphore, #tpu.memory_space<semaphore_mem>>) src(%arg4 : memref<128x128xf32, #tpu.memory_space<hbm>>) dst(%arg7 : memref<128x128xf32, #tpu.memory_space<vmem>>)
      tpu.yield
    }) : () -> ()
    %mul3A = arith.constant 640 : i32
    %mul3A_0 = arith.muli %arg1, %mul3A : i32
    %add3A = arith.constant 0 : i32
    %add3A_1 = arith.addi %mul3A_0, %add3A : i32
    "tpu.region"() ({
      %run_scoped3A = tpu.sem_alloc : memref<!tpu.dma_semaphore, #tpu.memory_space<semaphore_mem>>
      %dma_start3A = arith.constant 0 : i32
      %dma_start3A_51 = tpu.memref_slice %arg8[%add3A_1, %dma_start3A] : memref<10240x128xf32, #tpu.memory_space<vmem_shared>> -> memref<128x128xf32, #tpu.memory_space<vmem_shared>>
      %dma_start3A_52 = arith.constant 0 : i32
      %dma_start3A_53 = tpu.memref_slice %arg8[%add3A_1, %dma_start3A_52] : memref<10240x128xf32, #tpu.memory_space<vmem_shared>> -> memref<128x128xf32, #tpu.memory_space<vmem_shared>>
      tpu.enqueue_dma source(%arg7 : memref<128x128xf32, #tpu.memory_space<vmem>>) target(%dma_start3A_53 : memref<128x128xf32, #tpu.memory_space<vmem_shared>>) target_semaphore(%run_scoped3A : memref<!tpu.dma_semaphore, #tpu.memory_space<semaphore_mem>>)
      %dma_wait3A = arith.constant 0 : i32
      %dma_wait3A_54 = tpu.memref_slice %arg8[%add3A_1, %dma_wait3A] : memref<10240x128xf32, #tpu.memory_space<vmem_shared>> -> memref<128x128xf32, #tpu.memory_space<vmem_shared>>
      %dma_wait3A_55 = arith.constant 0 : i32
      %dma_wait3A_56 = tpu.memref_slice %arg8[%add3A_1, %dma_wait3A_55] : memref<10240x128xf32, #tpu.memory_space<vmem_shared>> -> memref<128x128xf32, #tpu.memory_space<vmem_shared>>
      tpu.wait_dma2 semaphore(%run_scoped3A : memref<!tpu.dma_semaphore, #tpu.memory_space<semaphore_mem>>) src(%arg7 : memref<128x128xf32, #tpu.memory_space<vmem>>) dst(%dma_wait3A_56 : memref<128x128xf32, #tpu.memory_space<vmem_shared>>)
      tpu.yield
    }) : () -> ()
    %add3A_2 = arith.constant 128 : i32
    %add3A_3 = arith.addi %mul3A_0, %add3A_2 : i32
    "tpu.region"() ({
      %run_scoped3A = tpu.sem_alloc : memref<!tpu.dma_semaphore, #tpu.memory_space<semaphore_mem>>
      %dma_start3A = arith.constant 0 : i32
      %dma_start3A_51 = tpu.memref_slice %arg8[%add3A_3, %dma_start3A] : memref<10240x128xf32, #tpu.memory_space<vmem_shared>> -> memref<128x128xf32, #tpu.memory_space<vmem_shared>>
      %dma_start3A_52 = arith.constant 0 : i32
      %dma_start3A_53 = tpu.memref_slice %arg8[%add3A_3, %dma_start3A_52] : memref<10240x128xf32, #tpu.memory_space<vmem_shared>> -> memref<128x128xf32, #tpu.memory_space<vmem_shared>>
      tpu.enqueue_dma source(%arg7 : memref<128x128xf32, #tpu.memory_space<vmem>>) target(%dma_start3A_53 : memref<128x128xf32, #tpu.memory_space<vmem_shared>>) target_semaphore(%run_scoped3A : memref<!tpu.dma_semaphore, #tpu.memory_space<semaphore_mem>>)
      %dma_wait3A = arith.constant 0 : i32
      %dma_wait3A_54 = tpu.memref_slice %arg8[%add3A_3, %dma_wait3A] : memref<10240x128xf32, #tpu.memory_space<vmem_shared>> -> memref<128x128xf32, #tpu.memory_space<vmem_shared>>
      %dma_wait3A_55 = arith.constant 0 : i32
      %dma_wait3A_56 = tpu.memref_slice %arg8[%add3A_3, %dma_wait3A_55] : memref<10240x128xf32, #tpu.memory_space<vmem_shared>> -> memref<128x128xf32, #tpu.memory_space<vmem_shared>>
      tpu.wait_dma2 semaphore(%run_scoped3A : memref<!tpu.dma_semaphore, #tpu.memory_space<semaphore_mem>>) src(%arg7 : memref<128x128xf32, #tpu.memory_space<vmem>>) dst(%dma_wait3A_56 : memref<128x128xf32, #tpu.memory_space<vmem_shared>>)
      tpu.yield
    }) : () -> ()
    %add3A_4 = arith.constant 256 : i32
    %add3A_5 = arith.addi %mul3A_0, %add3A_4 : i32
    "tpu.region"() ({
      %run_scoped3A = tpu.sem_alloc : memref<!tpu.dma_semaphore, #tpu.memory_space<semaphore_mem>>
      %dma_start3A = arith.constant 0 : i32
      %dma_start3A_51 = tpu.memref_slice %arg8[%add3A_5, %dma_start3A] : memref<10240x128xf32, #tpu.memory_space<vmem_shared>> -> memref<128x128xf32, #tpu.memory_space<vmem_shared>>
      %dma_start3A_52 = arith.constant 0 : i32
      %dma_start3A_53 = tpu.memref_slice %arg8[%add3A_5, %dma_start3A_52] : memref<10240x128xf32, #tpu.memory_space<vmem_shared>> -> memref<128x128xf32, #tpu.memory_space<vmem_shared>>
      tpu.enqueue_dma source(%arg7 : memref<128x128xf32, #tpu.memory_space<vmem>>) target(%dma_start3A_53 : memref<128x128xf32, #tpu.memory_space<vmem_shared>>) target_semaphore(%run_scoped3A : memref<!tpu.dma_semaphore, #tpu.memory_space<semaphore_mem>>)
      %dma_wait3A = arith.constant 0 : i32
      %dma_wait3A_54 = tpu.memref_slice %arg8[%add3A_5, %dma_wait3A] : memref<10240x128xf32, #tpu.memory_space<vmem_shared>> -> memref<128x128xf32, #tpu.memory_space<vmem_shared>>
      %dma_wait3A_55 = arith.constant 0 : i32
      %dma_wait3A_56 = tpu.memref_slice %arg8[%add3A_5, %dma_wait3A_55] : memref<10240x128xf32, #tpu.memory_space<vmem_shared>> -> memref<128x128xf32, #tpu.memory_space<vmem_shared>>
      tpu.wait_dma2 semaphore(%run_scoped3A : memref<!tpu.dma_semaphore, #tpu.memory_space<semaphore_mem>>) src(%arg7 : memref<128x128xf32, #tpu.memory_space<vmem>>) dst(%dma_wait3A_56 : memref<128x128xf32, #tpu.memory_space<vmem_shared>>)
      tpu.yield
    }) : () -> ()
    %add3A_6 = arith.constant 384 : i32
    %add3A_7 = arith.addi %mul3A_0, %add3A_6 : i32
    "tpu.region"() ({
      %run_scoped3A = tpu.sem_alloc : memref<!tpu.dma_semaphore, #tpu.memory_space<semaphore_mem>>
      %dma_start3A = arith.constant 0 : i32
      %dma_start3A_51 = tpu.memref_slice %arg8[%add3A_7, %dma_start3A] : memref<10240x128xf32, #tpu.memory_space<vmem_shared>> -> memref<128x128xf32, #tpu.memory_space<vmem_shared>>
      %dma_start3A_52 = arith.constant 0 : i32
      %dma_start3A_53 = tpu.memref_slice %arg8[%add3A_7, %dma_start3A_52] : memref<10240x128xf32, #tpu.memory_space<vmem_shared>> -> memref<128x128xf32, #tpu.memory_space<vmem_shared>>
      tpu.enqueue_dma source(%arg7 : memref<128x128xf32, #tpu.memory_space<vmem>>) target(%dma_start3A_53 : memref<128x128xf32, #tpu.memory_space<vmem_shared>>) target_semaphore(%run_scoped3A : memref<!tpu.dma_semaphore, #tpu.memory_space<semaphore_mem>>)
      %dma_wait3A = arith.constant 0 : i32
      %dma_wait3A_54 = tpu.memref_slice %arg8[%add3A_7, %dma_wait3A] : memref<10240x128xf32, #tpu.memory_space<vmem_shared>> -> memref<128x128xf32, #tpu.memory_space<vmem_shared>>
      %dma_wait3A_55 = arith.constant 0 : i32
      %dma_wait3A_56 = tpu.memref_slice %arg8[%add3A_7, %dma_wait3A_55] : memref<10240x128xf32, #tpu.memory_space<vmem_shared>> -> memref<128x128xf32, #tpu.memory_space<vmem_shared>>
      tpu.wait_dma2 semaphore(%run_scoped3A : memref<!tpu.dma_semaphore, #tpu.memory_space<semaphore_mem>>) src(%arg7 : memref<128x128xf32, #tpu.memory_space<vmem>>) dst(%dma_wait3A_56 : memref<128x128xf32, #tpu.memory_space<vmem_shared>>)
      tpu.yield
    }) : () -> ()
    %add3A_8 = arith.constant 512 : i32
    %add3A_9 = arith.addi %mul3A_0, %add3A_8 : i32
    "tpu.region"() ({
      %run_scoped3A = tpu.sem_alloc : memref<!tpu.dma_semaphore, #tpu.memory_space<semaphore_mem>>
      %dma_start3A = arith.constant 0 : i32
      %dma_start3A_51 = tpu.memref_slice %arg8[%add3A_9, %dma_start3A] : memref<10240x128xf32, #tpu.memory_space<vmem_shared>> -> memref<128x128xf32, #tpu.memory_space<vmem_shared>>
      %dma_start3A_52 = arith.constant 0 : i32
      %dma_start3A_53 = tpu.memref_slice %arg8[%add3A_9, %dma_start3A_52] : memref<10240x128xf32, #tpu.memory_space<vmem_shared>> -> memref<128x128xf32, #tpu.memory_space<vmem_shared>>
      tpu.enqueue_dma source(%arg7 : memref<128x128xf32, #tpu.memory_space<vmem>>) target(%dma_start3A_53 : memref<128x128xf32, #tpu.memory_space<vmem_shared>>) target_semaphore(%run_scoped3A : memref<!tpu.dma_semaphore, #tpu.memory_space<semaphore_mem>>)
      %dma_wait3A = arith.constant 0 : i32
      %dma_wait3A_54 = tpu.memref_slice %arg8[%add3A_9, %dma_wait3A] : memref<10240x128xf32, #tpu.memory_space<vmem_shared>> -> memref<128x128xf32, #tpu.memory_space<vmem_shared>>
      %dma_wait3A_55 = arith.constant 0 : i32
      %dma_wait3A_56 = tpu.memref_slice %arg8[%add3A_9, %dma_wait3A_55] : memref<10240x128xf32, #tpu.memory_space<vmem_shared>> -> memref<128x128xf32, #tpu.memory_space<vmem_shared>>
      tpu.wait_dma2 semaphore(%run_scoped3A : memref<!tpu.dma_semaphore, #tpu.memory_space<semaphore_mem>>) src(%arg7 : memref<128x128xf32, #tpu.memory_space<vmem>>) dst(%dma_wait3A_56 : memref<128x128xf32, #tpu.memory_space<vmem_shared>>)
      tpu.yield
    }) : () -> ()
    %barrier3A = arith.constant 0 : index
    tpu.barrier barrier_id(%barrier3A)
    %lt3A = arith.constant 1 : i32
    %lt3A_10 = arith.cmpi slt, %arg1, %lt3A : i32
    %jit3A = arith.constant 1 : i32
    %jit3A_11 = arith.constant 0 : i32
    %select_n3A = arith.select %lt3A_10, %jit3A, %jit3A_11 : i32
    %add3A_12 = arith.constant 39 : i32
    %add3A_13 = arith.addi %add3A_12, %select_n3A : i32
    %while3A = arith.constant 0 : i32
    %while3A_14 = arith.constant 0 : i32
    %while3A_15 = arith.subi %add3A_13, %while3A : i32
    %while3A_16 = arith.addi %while3A, %while3A_15 : i32
    %while3A_17 = arith.constant 1 : i32
    %while3A_18 = arith.divsi %while3A_15, %while3A_17 : i32
    %while3A_19 = arith.muli %while3A_18, %while3A_17 : i32
    %while3A_20 = arith.addi %while3A, %while3A_19 : i32
    %while3A_21 = arith.constant 1 : i32
    %while3A_22 = scf.for %while3A_51 = %while3A to %while3A_20 step %while3A_21 iter_args(%while3A_52 = %while3A_14) -> (i32)  : i32 {
      %mul3A_53 = arith.constant 16 : i32
      %mul3A_54 = arith.muli %while3A_51, %mul3A_53 : i32
      %add3A_55 = arith.addi %arg1, %mul3A_54 : i32
      %mul3A_56 = arith.constant 128 : i32
      %mul3A_57 = arith.muli %add3A_55, %mul3A_56 : i32
      "tpu.region"() ({
        %run_scoped3A = tpu.sem_alloc : memref<!tpu.dma_semaphore, #tpu.memory_space<semaphore_mem>>
        %dma_start3A = tpu.memref_slice %arg3[%mul3A_57] : memref<80000xi32, #tpu.memory_space<hbm>> -> memref<128xi32, #tpu.memory_space<hbm>>
        %dma_start3A_62 = tpu.memref_slice %arg3[%mul3A_57] : memref<80000xi32, #tpu.memory_space<hbm>> -> memref<128xi32, #tpu.memory_space<hbm>>
        tpu.enqueue_dma source(%dma_start3A_62 : memref<128xi32, #tpu.memory_space<hbm>>) target(%arg6 : memref<128xi32, #tpu.memory_space<vmem>>) target_semaphore(%run_scoped3A : memref<!tpu.dma_semaphore, #tpu.memory_space<semaphore_mem>>)
        %dma_wait3A = tpu.memref_slice %arg3[%mul3A_57] : memref<80000xi32, #tpu.memory_space<hbm>> -> memref<128xi32, #tpu.memory_space<hbm>>
        %dma_wait3A_63 = tpu.memref_slice %arg3[%mul3A_57] : memref<80000xi32, #tpu.memory_space<hbm>> -> memref<128xi32, #tpu.memory_space<hbm>>
        tpu.wait_dma2 semaphore(%run_scoped3A : memref<!tpu.dma_semaphore, #tpu.memory_space<semaphore_mem>>) src(%dma_wait3A_63 : memref<128xi32, #tpu.memory_space<hbm>>) dst(%arg6 : memref<128xi32, #tpu.memory_space<vmem>>)
        tpu.yield
      }) : () -> ()
      %mul3A_58 = arith.constant 80000 : i32
      %mul3A_59 = arith.muli %arg0, %mul3A_58 : i32
      %add3A_60 = arith.addi %mul3A_59, %mul3A_57 : i32
      "tpu.region"() ({
        %run_scoped3A = tpu.sem_alloc : memref<!tpu.dma_semaphore, #tpu.memory_space<semaphore_mem>>
        %dma_start3A = arith.constant 0 : i32
        %dma_start3A_62 = tpu.memref_slice %arg2[%add3A_60, %dma_start3A] : memref<160000x128xf32, #tpu.memory_space<hbm>> -> memref<128x128xf32, #tpu.memory_space<hbm>>
        %dma_start3A_63 = arith.constant 0 : i32
        %dma_start3A_64 = tpu.memref_slice %arg2[%add3A_60, %dma_start3A_63] : memref<160000x128xf32, #tpu.memory_space<hbm>> -> memref<128x128xf32, #tpu.memory_space<hbm>>
        tpu.enqueue_dma source(%dma_start3A_64 : memref<128x128xf32, #tpu.memory_space<hbm>>) target(%arg7 : memref<128x128xf32, #tpu.memory_space<vmem>>) target_semaphore(%run_scoped3A : memref<!tpu.dma_semaphore, #tpu.memory_space<semaphore_mem>>)
        %dma_wait3A = arith.constant 0 : i32
        %dma_wait3A_65 = tpu.memref_slice %arg2[%add3A_60, %dma_wait3A] : memref<160000x128xf32, #tpu.memory_space<hbm>> -> memref<128x128xf32, #tpu.memory_space<hbm>>
        %dma_wait3A_66 = arith.constant 0 : i32
        %dma_wait3A_67 = tpu.memref_slice %arg2[%add3A_60, %dma_wait3A_66] : memref<160000x128xf32, #tpu.memory_space<hbm>> -> memref<128x128xf32, #tpu.memory_space<hbm>>
        tpu.wait_dma2 semaphore(%run_scoped3A : memref<!tpu.dma_semaphore, #tpu.memory_space<semaphore_mem>>) src(%dma_wait3A_67 : memref<128x128xf32, #tpu.memory_space<hbm>>) dst(%arg7 : memref<128x128xf32, #tpu.memory_space<vmem>>)
        tpu.yield
      }) : () -> ()
      "tpu.region"() ({
        %run_scoped3A = tpu.sem_alloc : memref<!tpu.dma_semaphore, #tpu.memory_space<semaphore_mem>>
        %dma_start3A = arith.constant 0 : i32
        %dma_start3A_62 = arith.constant 0 : i32
        %dma_start3A_63 = tpu.memref_slice %arg8[%dma_start3A, %dma_start3A_62] : memref<10240x128xf32, #tpu.memory_space<vmem_shared>> -> memref<10240x128xf32, #tpu.memory_space<vmem_shared>>
        tpu.enqueue_indirect_dma source(%arg7 : memref<128x128xf32, #tpu.memory_space<vmem>>) target(%dma_start3A_63 : memref<10240x128xf32, #tpu.memory_space<vmem_shared>>) offsets(%arg6 : memref<128xi32, #tpu.memory_space<vmem>>) semaphore(%run_scoped3A : memref<!tpu.dma_semaphore, #tpu.memory_space<semaphore_mem>>) {add = true}
        %dma_wait3A = arith.constant 0 : i32
        %dma_wait3A_64 = arith.constant 0 : i32
        %dma_wait3A_65 = tpu.memref_slice %arg8[%dma_wait3A, %dma_wait3A_64] : memref<10240x128xf32, #tpu.memory_space<vmem_shared>> -> memref<10240x128xf32, #tpu.memory_space<vmem_shared>>
        tpu.wait_indirect_dma semaphore(%run_scoped3A : memref<!tpu.dma_semaphore, #tpu.memory_space<semaphore_mem>>) src(%arg7 : memref<128x128xf32, #tpu.memory_space<vmem>>) dst(%dma_wait3A_65 : memref<10240x128xf32, #tpu.memory_space<vmem_shared>>)
        tpu.yield
      }) : () -> ()
      %while3A_61 = arith.constant 0 : i32
      scf.yield %while3A_61 : i32
    }
    %while3A_23 = arith.constant 1 : i32
    %while3A_24 = scf.for %while3A_51 = %while3A_20 to %while3A_16 step %while3A_23 iter_args(%while3A_52 = %while3A_22) -> (i32)  : i32 {
      %mul3A_53 = arith.constant 16 : i32
      %mul3A_54 = arith.muli %while3A_51, %mul3A_53 : i32
      %add3A_55 = arith.addi %arg1, %mul3A_54 : i32
      %mul3A_56 = arith.constant 128 : i32
      %mul3A_57 = arith.muli %add3A_55, %mul3A_56 : i32
      "tpu.region"() ({
        %run_scoped3A = tpu.sem_alloc : memref<!tpu.dma_semaphore, #tpu.memory_space<semaphore_mem>>
        %dma_start3A = tpu.memref_slice %arg3[%mul3A_57] : memref<80000xi32, #tpu.memory_space<hbm>> -> memref<128xi32, #tpu.memory_space<hbm>>
        %dma_start3A_62 = tpu.memref_slice %arg3[%mul3A_57] : memref<80000xi32, #tpu.memory_space<hbm>> -> memref<128xi32, #tpu.memory_space<hbm>>
        tpu.enqueue_dma source(%dma_start3A_62 : memref<128xi32, #tpu.memory_space<hbm>>) target(%arg6 : memref<128xi32, #tpu.memory_space<vmem>>) target_semaphore(%run_scoped3A : memref<!tpu.dma_semaphore, #tpu.memory_space<semaphore_mem>>)
        %dma_wait3A = tpu.memref_slice %arg3[%mul3A_57] : memref<80000xi32, #tpu.memory_space<hbm>> -> memref<128xi32, #tpu.memory_space<hbm>>
        %dma_wait3A_63 = tpu.memref_slice %arg3[%mul3A_57] : memref<80000xi32, #tpu.memory_space<hbm>> -> memref<128xi32, #tpu.memory_space<hbm>>
        tpu.wait_dma2 semaphore(%run_scoped3A : memref<!tpu.dma_semaphore, #tpu.memory_space<semaphore_mem>>) src(%dma_wait3A_63 : memref<128xi32, #tpu.memory_space<hbm>>) dst(%arg6 : memref<128xi32, #tpu.memory_space<vmem>>)
        tpu.yield
      }) : () -> ()
      %mul3A_58 = arith.constant 80000 : i32
      %mul3A_59 = arith.muli %arg0, %mul3A_58 : i32
      %add3A_60 = arith.addi %mul3A_59, %mul3A_57 : i32
      "tpu.region"() ({
        %run_scoped3A = tpu.sem_alloc : memref<!tpu.dma_semaphore, #tpu.memory_space<semaphore_mem>>
        %dma_start3A = arith.constant 0 : i32
        %dma_start3A_62 = tpu.memref_slice %arg2[%add3A_60, %dma_start3A] : memref<160000x128xf32, #tpu.memory_space<hbm>> -> memref<128x128xf32, #tpu.memory_space<hbm>>
        %dma_start3A_63 = arith.constant 0 : i32
        %dma_start3A_64 = tpu.memref_slice %arg2[%add3A_60, %dma_start3A_63] : memref<160000x128xf32, #tpu.memory_space<hbm>> -> memref<128x128xf32, #tpu.memory_space<hbm>>
        tpu.enqueue_dma source(%dma_start3A_64 : memref<128x128xf32, #tpu.memory_space<hbm>>) target(%arg7 : memref<128x128xf32, #tpu.memory_space<vmem>>) target_semaphore(%run_scoped3A : memref<!tpu.dma_semaphore, #tpu.memory_space<semaphore_mem>>)
        %dma_wait3A = arith.constant 0 : i32
        %dma_wait3A_65 = tpu.memref_slice %arg2[%add3A_60, %dma_wait3A] : memref<160000x128xf32, #tpu.memory_space<hbm>> -> memref<128x128xf32, #tpu.memory_space<hbm>>
        %dma_wait3A_66 = arith.constant 0 : i32
        %dma_wait3A_67 = tpu.memref_slice %arg2[%add3A_60, %dma_wait3A_66] : memref<160000x128xf32, #tpu.memory_space<hbm>> -> memref<128x128xf32, #tpu.memory_space<hbm>>
        tpu.wait_dma2 semaphore(%run_scoped3A : memref<!tpu.dma_semaphore, #tpu.memory_space<semaphore_mem>>) src(%dma_wait3A_67 : memref<128x128xf32, #tpu.memory_space<hbm>>) dst(%arg7 : memref<128x128xf32, #tpu.memory_space<vmem>>)
        tpu.yield
      }) : () -> ()
      "tpu.region"() ({
        %run_scoped3A = tpu.sem_alloc : memref<!tpu.dma_semaphore, #tpu.memory_space<semaphore_mem>>
        %dma_start3A = arith.constant 0 : i32
        %dma_start3A_62 = arith.constant 0 : i32
        %dma_start3A_63 = tpu.memref_slice %arg8[%dma_start3A, %dma_start3A_62] : memref<10240x128xf32, #tpu.memory_space<vmem_shared>> -> memref<10240x128xf32, #tpu.memory_space<vmem_shared>>
        tpu.enqueue_indirect_dma source(%arg7 : memref<128x128xf32, #tpu.memory_space<vmem>>) target(%dma_start3A_63 : memref<10240x128xf32, #tpu.memory_space<vmem_shared>>) offsets(%arg6 : memref<128xi32, #tpu.memory_space<vmem>>) semaphore(%run_scoped3A : memref<!tpu.dma_semaphore, #tpu.memory_space<semaphore_mem>>) {add = true}
        %dma_wait3A = arith.constant 0 : i32
        %dma_wait3A_64 = arith.constant 0 : i32
        %dma_wait3A_65 = tpu.memref_slice %arg8[%dma_wait3A, %dma_wait3A_64] : memref<10240x128xf32, #tpu.memory_space<vmem_shared>> -> memref<10240x128xf32, #tpu.memory_space<vmem_shared>>
        tpu.wait_indirect_dma semaphore(%run_scoped3A : memref<!tpu.dma_semaphore, #tpu.memory_space<semaphore_mem>>) src(%arg7 : memref<128x128xf32, #tpu.memory_space<vmem>>) dst(%dma_wait3A_65 : memref<10240x128xf32, #tpu.memory_space<vmem_shared>>)
        tpu.yield
      }) : () -> ()
      %while3A_61 = arith.constant 0 : i32
      scf.yield %while3A_61 : i32
    }
    %barrier3A_25 = arith.constant 0 : index
    tpu.barrier barrier_id(%barrier3A_25)
    %add3A_26 = arith.constant 0 : i32
    %add3A_27 = arith.addi %mul3A_0, %add3A_26 : i32
    "tpu.region"() ({
      %run_scoped3A = tpu.sem_alloc : memref<!tpu.dma_semaphore, #tpu.memory_space<semaphore_mem>>
      %dma_start3A = arith.constant 0 : i32
      %dma_start3A_51 = tpu.memref_slice %arg8[%add3A_27, %dma_start3A] : memref<10240x128xf32, #tpu.memory_space<vmem_shared>> -> memref<128x128xf32, #tpu.memory_space<vmem_shared>>
      %dma_start3A_52 = arith.constant 0 : i32
      %dma_start3A_53 = tpu.memref_slice %arg8[%add3A_27, %dma_start3A_52] : memref<10240x128xf32, #tpu.memory_space<vmem_shared>> -> memref<128x128xf32, #tpu.memory_space<vmem_shared>>
      tpu.enqueue_dma source(%dma_start3A_53 : memref<128x128xf32, #tpu.memory_space<vmem_shared>>) target(%arg7 : memref<128x128xf32, #tpu.memory_space<vmem>>) target_semaphore(%run_scoped3A : memref<!tpu.dma_semaphore, #tpu.memory_space<semaphore_mem>>)
      %dma_wait3A = arith.constant 0 : i32
      %dma_wait3A_54 = tpu.memref_slice %arg8[%add3A_27, %dma_wait3A] : memref<10240x128xf32, #tpu.memory_space<vmem_shared>> -> memref<128x128xf32, #tpu.memory_space<vmem_shared>>
      %dma_wait3A_55 = arith.constant 0 : i32
      %dma_wait3A_56 = tpu.memref_slice %arg8[%add3A_27, %dma_wait3A_55] : memref<10240x128xf32, #tpu.memory_space<vmem_shared>> -> memref<128x128xf32, #tpu.memory_space<vmem_shared>>
      tpu.wait_dma2 semaphore(%run_scoped3A : memref<!tpu.dma_semaphore, #tpu.memory_space<semaphore_mem>>) src(%dma_wait3A_56 : memref<128x128xf32, #tpu.memory_space<vmem_shared>>) dst(%arg7 : memref<128x128xf32, #tpu.memory_space<vmem>>)
      tpu.yield
    }) : () -> ()
    %mul3A_28 = arith.constant 10240 : i32
    %mul3A_29 = arith.muli %arg0, %mul3A_28 : i32
    %add3A_30 = arith.addi %mul3A_29, %add3A_27 : i32
    "tpu.region"() ({
      %run_scoped3A = tpu.sem_alloc : memref<!tpu.dma_semaphore, #tpu.memory_space<semaphore_mem>>
      %dma_start3A = arith.constant 0 : i32
      %dma_start3A_51 = tpu.memref_slice %arg5[%add3A_30, %dma_start3A] : memref<20480x128xf32, #tpu.memory_space<hbm>> -> memref<128x128xf32, #tpu.memory_space<hbm>>
      %dma_start3A_52 = arith.constant 0 : i32
      %dma_start3A_53 = tpu.memref_slice %arg5[%add3A_30, %dma_start3A_52] : memref<20480x128xf32, #tpu.memory_space<hbm>> -> memref<128x128xf32, #tpu.memory_space<hbm>>
      tpu.enqueue_dma source(%arg7 : memref<128x128xf32, #tpu.memory_space<vmem>>) target(%dma_start3A_53 : memref<128x128xf32, #tpu.memory_space<hbm>>) target_semaphore(%run_scoped3A : memref<!tpu.dma_semaphore, #tpu.memory_space<semaphore_mem>>)
      %dma_wait3A = arith.constant 0 : i32
      %dma_wait3A_54 = tpu.memref_slice %arg5[%add3A_30, %dma_wait3A] : memref<20480x128xf32, #tpu.memory_space<hbm>> -> memref<128x128xf32, #tpu.memory_space<hbm>>
      %dma_wait3A_55 = arith.constant 0 : i32
      %dma_wait3A_56 = tpu.memref_slice %arg5[%add3A_30, %dma_wait3A_55] : memref<20480x128xf32, #tpu.memory_space<hbm>> -> memref<128x128xf32, #tpu.memory_space<hbm>>
      tpu.wait_dma2 semaphore(%run_scoped3A : memref<!tpu.dma_semaphore, #tpu.memory_space<semaphore_mem>>) src(%arg7 : memref<128x128xf32, #tpu.memory_space<vmem>>) dst(%dma_wait3A_56 : memref<128x128xf32, #tpu.memory_space<hbm>>)
      tpu.yield
    }) : () -> ()
    %add3A_31 = arith.constant 128 : i32
    %add3A_32 = arith.addi %mul3A_0, %add3A_31 : i32
    "tpu.region"() ({
      %run_scoped3A = tpu.sem_alloc : memref<!tpu.dma_semaphore, #tpu.memory_space<semaphore_mem>>
      %dma_start3A = arith.constant 0 : i32
      %dma_start3A_51 = tpu.memref_slice %arg8[%add3A_32, %dma_start3A] : memref<10240x128xf32, #tpu.memory_space<vmem_shared>> -> memref<128x128xf32, #tpu.memory_space<vmem_shared>>
      %dma_start3A_52 = arith.constant 0 : i32
      %dma_start3A_53 = tpu.memref_slice %arg8[%add3A_32, %dma_start3A_52] : memref<10240x128xf32, #tpu.memory_space<vmem_shared>> -> memref<128x128xf32, #tpu.memory_space<vmem_shared>>
      tpu.enqueue_dma source(%dma_start3A_53 : memref<128x128xf32, #tpu.memory_space<vmem_shared>>) target(%arg7 : memref<128x128xf32, #tpu.memory_space<vmem>>) target_semaphore(%run_scoped3A : memref<!tpu.dma_semaphore, #tpu.memory_space<semaphore_mem>>)
      %dma_wait3A = arith.constant 0 : i32
      %dma_wait3A_54 = tpu.memref_slice %arg8[%add3A_32, %dma_wait3A] : memref<10240x128xf32, #tpu.memory_space<vmem_shared>> -> memref<128x128xf32, #tpu.memory_space<vmem_shared>>
      %dma_wait3A_55 = arith.constant 0 : i32
      %dma_wait3A_56 = tpu.memref_slice %arg8[%add3A_32, %dma_wait3A_55] : memref<10240x128xf32, #tpu.memory_space<vmem_shared>> -> memref<128x128xf32, #tpu.memory_space<vmem_shared>>
      tpu.wait_dma2 semaphore(%run_scoped3A : memref<!tpu.dma_semaphore, #tpu.memory_space<semaphore_mem>>) src(%dma_wait3A_56 : memref<128x128xf32, #tpu.memory_space<vmem_shared>>) dst(%arg7 : memref<128x128xf32, #tpu.memory_space<vmem>>)
      tpu.yield
    }) : () -> ()
    %mul3A_33 = arith.constant 10240 : i32
    %mul3A_34 = arith.muli %arg0, %mul3A_33 : i32
    %add3A_35 = arith.addi %mul3A_34, %add3A_32 : i32
    "tpu.region"() ({
      %run_scoped3A = tpu.sem_alloc : memref<!tpu.dma_semaphore, #tpu.memory_space<semaphore_mem>>
      %dma_start3A = arith.constant 0 : i32
      %dma_start3A_51 = tpu.memref_slice %arg5[%add3A_35, %dma_start3A] : memref<20480x128xf32, #tpu.memory_space<hbm>> -> memref<128x128xf32, #tpu.memory_space<hbm>>
      %dma_start3A_52 = arith.constant 0 : i32
      %dma_start3A_53 = tpu.memref_slice %arg5[%add3A_35, %dma_start3A_52] : memref<20480x128xf32, #tpu.memory_space<hbm>> -> memref<128x128xf32, #tpu.memory_space<hbm>>
      tpu.enqueue_dma source(%arg7 : memref<128x128xf32, #tpu.memory_space<vmem>>) target(%dma_start3A_53 : memref<128x128xf32, #tpu.memory_space<hbm>>) target_semaphore(%run_scoped3A : memref<!tpu.dma_semaphore, #tpu.memory_space<semaphore_mem>>)
      %dma_wait3A = arith.constant 0 : i32
      %dma_wait3A_54 = tpu.memref_slice %arg5[%add3A_35, %dma_wait3A] : memref<20480x128xf32, #tpu.memory_space<hbm>> -> memref<128x128xf32, #tpu.memory_space<hbm>>
      %dma_wait3A_55 = arith.constant 0 : i32
      %dma_wait3A_56 = tpu.memref_slice %arg5[%add3A_35, %dma_wait3A_55] : memref<20480x128xf32, #tpu.memory_space<hbm>> -> memref<128x128xf32, #tpu.memory_space<hbm>>
      tpu.wait_dma2 semaphore(%run_scoped3A : memref<!tpu.dma_semaphore, #tpu.memory_space<semaphore_mem>>) src(%arg7 : memref<128x128xf32, #tpu.memory_space<vmem>>) dst(%dma_wait3A_56 : memref<128x128xf32, #tpu.memory_space<hbm>>)
      tpu.yield
    }) : () -> ()
    %add3A_36 = arith.constant 256 : i32
    %add3A_37 = arith.addi %mul3A_0, %add3A_36 : i32
    "tpu.region"() ({
      %run_scoped3A = tpu.sem_alloc : memref<!tpu.dma_semaphore, #tpu.memory_space<semaphore_mem>>
      %dma_start3A = arith.constant 0 : i32
      %dma_start3A_51 = tpu.memref_slice %arg8[%add3A_37, %dma_start3A] : memref<10240x128xf32, #tpu.memory_space<vmem_shared>> -> memref<128x128xf32, #tpu.memory_space<vmem_shared>>
      %dma_start3A_52 = arith.constant 0 : i32
      %dma_start3A_53 = tpu.memref_slice %arg8[%add3A_37, %dma_start3A_52] : memref<10240x128xf32, #tpu.memory_space<vmem_shared>> -> memref<128x128xf32, #tpu.memory_space<vmem_shared>>
      tpu.enqueue_dma source(%dma_start3A_53 : memref<128x128xf32, #tpu.memory_space<vmem_shared>>) target(%arg7 : memref<128x128xf32, #tpu.memory_space<vmem>>) target_semaphore(%run_scoped3A : memref<!tpu.dma_semaphore, #tpu.memory_space<semaphore_mem>>)
      %dma_wait3A = arith.constant 0 : i32
      %dma_wait3A_54 = tpu.memref_slice %arg8[%add3A_37, %dma_wait3A] : memref<10240x128xf32, #tpu.memory_space<vmem_shared>> -> memref<128x128xf32, #tpu.memory_space<vmem_shared>>
      %dma_wait3A_55 = arith.constant 0 : i32
      %dma_wait3A_56 = tpu.memref_slice %arg8[%add3A_37, %dma_wait3A_55] : memref<10240x128xf32, #tpu.memory_space<vmem_shared>> -> memref<128x128xf32, #tpu.memory_space<vmem_shared>>
      tpu.wait_dma2 semaphore(%run_scoped3A : memref<!tpu.dma_semaphore, #tpu.memory_space<semaphore_mem>>) src(%dma_wait3A_56 : memref<128x128xf32, #tpu.memory_space<vmem_shared>>) dst(%arg7 : memref<128x128xf32, #tpu.memory_space<vmem>>)
      tpu.yield
    }) : () -> ()
    %mul3A_38 = arith.constant 10240 : i32
    %mul3A_39 = arith.muli %arg0, %mul3A_38 : i32
    %add3A_40 = arith.addi %mul3A_39, %add3A_37 : i32
    "tpu.region"() ({
      %run_scoped3A = tpu.sem_alloc : memref<!tpu.dma_semaphore, #tpu.memory_space<semaphore_mem>>
      %dma_start3A = arith.constant 0 : i32
      %dma_start3A_51 = tpu.memref_slice %arg5[%add3A_40, %dma_start3A] : memref<20480x128xf32, #tpu.memory_space<hbm>> -> memref<128x128xf32, #tpu.memory_space<hbm>>
      %dma_start3A_52 = arith.constant 0 : i32
      %dma_start3A_53 = tpu.memref_slice %arg5[%add3A_40, %dma_start3A_52] : memref<20480x128xf32, #tpu.memory_space<hbm>> -> memref<128x128xf32, #tpu.memory_space<hbm>>
      tpu.enqueue_dma source(%arg7 : memref<128x128xf32, #tpu.memory_space<vmem>>) target(%dma_start3A_53 : memref<128x128xf32, #tpu.memory_space<hbm>>) target_semaphore(%run_scoped3A : memref<!tpu.dma_semaphore, #tpu.memory_space<semaphore_mem>>)
      %dma_wait3A = arith.constant 0 : i32
      %dma_wait3A_54 = tpu.memref_slice %arg5[%add3A_40, %dma_wait3A] : memref<20480x128xf32, #tpu.memory_space<hbm>> -> memref<128x128xf32, #tpu.memory_space<hbm>>
      %dma_wait3A_55 = arith.constant 0 : i32
      %dma_wait3A_56 = tpu.memref_slice %arg5[%add3A_40, %dma_wait3A_55] : memref<20480x128xf32, #tpu.memory_space<hbm>> -> memref<128x128xf32, #tpu.memory_space<hbm>>
      tpu.wait_dma2 semaphore(%run_scoped3A : memref<!tpu.dma_semaphore, #tpu.memory_space<semaphore_mem>>) src(%arg7 : memref<128x128xf32, #tpu.memory_space<vmem>>) dst(%dma_wait3A_56 : memref<128x128xf32, #tpu.memory_space<hbm>>)
      tpu.yield
    }) : () -> ()
    %add3A_41 = arith.constant 384 : i32
    %add3A_42 = arith.addi %mul3A_0, %add3A_41 : i32
    "tpu.region"() ({
      %run_scoped3A = tpu.sem_alloc : memref<!tpu.dma_semaphore, #tpu.memory_space<semaphore_mem>>
      %dma_start3A = arith.constant 0 : i32
      %dma_start3A_51 = tpu.memref_slice %arg8[%add3A_42, %dma_start3A] : memref<10240x128xf32, #tpu.memory_space<vmem_shared>> -> memref<128x128xf32, #tpu.memory_space<vmem_shared>>
      %dma_start3A_52 = arith.constant 0 : i32
      %dma_start3A_53 = tpu.memref_slice %arg8[%add3A_42, %dma_start3A_52] : memref<10240x128xf32, #tpu.memory_space<vmem_shared>> -> memref<128x128xf32, #tpu.memory_space<vmem_shared>>
      tpu.enqueue_dma source(%dma_start3A_53 : memref<128x128xf32, #tpu.memory_space<vmem_shared>>) target(%arg7 : memref<128x128xf32, #tpu.memory_space<vmem>>) target_semaphore(%run_scoped3A : memref<!tpu.dma_semaphore, #tpu.memory_space<semaphore_mem>>)
      %dma_wait3A = arith.constant 0 : i32
      %dma_wait3A_54 = tpu.memref_slice %arg8[%add3A_42, %dma_wait3A] : memref<10240x128xf32, #tpu.memory_space<vmem_shared>> -> memref<128x128xf32, #tpu.memory_space<vmem_shared>>
      %dma_wait3A_55 = arith.constant 0 : i32
      %dma_wait3A_56 = tpu.memref_slice %arg8[%add3A_42, %dma_wait3A_55] : memref<10240x128xf32, #tpu.memory_space<vmem_shared>> -> memref<128x128xf32, #tpu.memory_space<vmem_shared>>
      tpu.wait_dma2 semaphore(%run_scoped3A : memref<!tpu.dma_semaphore, #tpu.memory_space<semaphore_mem>>) src(%dma_wait3A_56 : memref<128x128xf32, #tpu.memory_space<vmem_shared>>) dst(%arg7 : memref<128x128xf32, #tpu.memory_space<vmem>>)
      tpu.yield
    }) : () -> ()
    %mul3A_43 = arith.constant 10240 : i32
    %mul3A_44 = arith.muli %arg0, %mul3A_43 : i32
    %add3A_45 = arith.addi %mul3A_44, %add3A_42 : i32
    "tpu.region"() ({
      %run_scoped3A = tpu.sem_alloc : memref<!tpu.dma_semaphore, #tpu.memory_space<semaphore_mem>>
      %dma_start3A = arith.constant 0 : i32
      %dma_start3A_51 = tpu.memref_slice %arg5[%add3A_45, %dma_start3A] : memref<20480x128xf32, #tpu.memory_space<hbm>> -> memref<128x128xf32, #tpu.memory_space<hbm>>
      %dma_start3A_52 = arith.constant 0 : i32
      %dma_start3A_53 = tpu.memref_slice %arg5[%add3A_45, %dma_start3A_52] : memref<20480x128xf32, #tpu.memory_space<hbm>> -> memref<128x128xf32, #tpu.memory_space<hbm>>
      tpu.enqueue_dma source(%arg7 : memref<128x128xf32, #tpu.memory_space<vmem>>) target(%dma_start3A_53 : memref<128x128xf32, #tpu.memory_space<hbm>>) target_semaphore(%run_scoped3A : memref<!tpu.dma_semaphore, #tpu.memory_space<semaphore_mem>>)
      %dma_wait3A = arith.constant 0 : i32
      %dma_wait3A_54 = tpu.memref_slice %arg5[%add3A_45, %dma_wait3A] : memref<20480x128xf32, #tpu.memory_space<hbm>> -> memref<128x128xf32, #tpu.memory_space<hbm>>
      %dma_wait3A_55 = arith.constant 0 : i32
      %dma_wait3A_56 = tpu.memref_slice %arg5[%add3A_45, %dma_wait3A_55] : memref<20480x128xf32, #tpu.memory_space<hbm>> -> memref<128x128xf32, #tpu.memory_space<hbm>>
      tpu.wait_dma2 semaphore(%run_scoped3A : memref<!tpu.dma_semaphore, #tpu.memory_space<semaphore_mem>>) src(%arg7 : memref<128x128xf32, #tpu.memory_space<vmem>>) dst(%dma_wait3A_56 : memref<128x128xf32, #tpu.memory_space<hbm>>)
      tpu.yield
    }) : () -> ()
    %add3A_46 = arith.constant 512 : i32
    %add3A_47 = arith.addi %mul3A_0, %add3A_46 : i32
    "tpu.region"() ({
      %run_scoped3A = tpu.sem_alloc : memref<!tpu.dma_semaphore, #tpu.memory_space<semaphore_mem>>
      %dma_start3A = arith.constant 0 : i32
      %dma_start3A_51 = tpu.memref_slice %arg8[%add3A_47, %dma_start3A] : memref<10240x128xf32, #tpu.memory_space<vmem_shared>> -> memref<128x128xf32, #tpu.memory_space<vmem_shared>>
      %dma_start3A_52 = arith.constant 0 : i32
      %dma_start3A_53 = tpu.memref_slice %arg8[%add3A_47, %dma_start3A_52] : memref<10240x128xf32, #tpu.memory_space<vmem_shared>> -> memref<128x128xf32, #tpu.memory_space<vmem_shared>>
      tpu.enqueue_dma source(%dma_start3A_53 : memref<128x128xf32, #tpu.memory_space<vmem_shared>>) target(%arg7 : memref<128x128xf32, #tpu.memory_space<vmem>>) target_semaphore(%run_scoped3A : memref<!tpu.dma_semaphore, #tpu.memory_space<semaphore_mem>>)
      %dma_wait3A = arith.constant 0 : i32
      %dma_wait3A_54 = tpu.memref_slice %arg8[%add3A_47, %dma_wait3A] : memref<10240x128xf32, #tpu.memory_space<vmem_shared>> -> memref<128x128xf32, #tpu.memory_space<vmem_shared>>
      %dma_wait3A_55 = arith.constant 0 : i32
      %dma_wait3A_56 = tpu.memref_slice %arg8[%add3A_47, %dma_wait3A_55] : memref<10240x128xf32, #tpu.memory_space<vmem_shared>> -> memref<128x128xf32, #tpu.memory_space<vmem_shared>>
      tpu.wait_dma2 semaphore(%run_scoped3A : memref<!tpu.dma_semaphore, #tpu.memory_space<semaphore_mem>>) src(%dma_wait3A_56 : memref<128x128xf32, #tpu.memory_space<vmem_shared>>) dst(%arg7 : memref<128x128xf32, #tpu.memory_space<vmem>>)
      tpu.yield
    }) : () -> ()
    %mul3A_48 = arith.constant 10240 : i32
    %mul3A_49 = arith.muli %arg0, %mul3A_48 : i32
    %add3A_50 = arith.addi %mul3A_49, %add3A_47 : i32
    "tpu.region"() ({
      %run_scoped3A = tpu.sem_alloc : memref<!tpu.dma_semaphore, #tpu.memory_space<semaphore_mem>>
      %dma_start3A = arith.constant 0 : i32
      %dma_start3A_51 = tpu.memref_slice %arg5[%add3A_50, %dma_start3A] : memref<20480x128xf32, #tpu.memory_space<hbm>> -> memref<128x128xf32, #tpu.memory_space<hbm>>
      %dma_start3A_52 = arith.constant 0 : i32
      %dma_start3A_53 = tpu.memref_slice %arg5[%add3A_50, %dma_start3A_52] : memref<20480x128xf32, #tpu.memory_space<hbm>> -> memref<128x128xf32, #tpu.memory_space<hbm>>
      tpu.enqueue_dma source(%arg7 : memref<128x128xf32, #tpu.memory_space<vmem>>) target(%dma_start3A_53 : memref<128x128xf32, #tpu.memory_space<hbm>>) target_semaphore(%run_scoped3A : memref<!tpu.dma_semaphore, #tpu.memory_space<semaphore_mem>>)
      %dma_wait3A = arith.constant 0 : i32
      %dma_wait3A_54 = tpu.memref_slice %arg5[%add3A_50, %dma_wait3A] : memref<20480x128xf32, #tpu.memory_space<hbm>> -> memref<128x128xf32, #tpu.memory_space<hbm>>
      %dma_wait3A_55 = arith.constant 0 : i32
      %dma_wait3A_56 = tpu.memref_slice %arg5[%add3A_50, %dma_wait3A_55] : memref<20480x128xf32, #tpu.memory_space<hbm>> -> memref<128x128xf32, #tpu.memory_space<hbm>>
      tpu.wait_dma2 semaphore(%run_scoped3A : memref<!tpu.dma_semaphore, #tpu.memory_space<semaphore_mem>>) src(%arg7 : memref<128x128xf32, #tpu.memory_space<vmem>>) dst(%dma_wait3A_56 : memref<128x128xf32, #tpu.memory_space<hbm>>)
      tpu.yield
    }) : () -> ()
    return
  }
}

#map = affine_map<(d0, d1) -> (0, 0)>
#map1 = affine_map<(d0, d1) -> (0)>
module attributes {stable_mosaic.version = 14 : i64} {
  func.func @k(%arg0: i32, %arg1: i32, %arg2: memref<160000x128xf32, #tpu.memory_space<hbm>>, %arg3: memref<80000xi32, #tpu.memory_space<hbm>>, %arg4: memref<128x128xf32, #tpu.memory_space<hbm>>, %arg5: memref<20480x128xf32, #tpu.memory_space<hbm>>, %arg6: memref<128xi32, #tpu.memory_space<vmem>>, %arg7: memref<128x128xf32, #tpu.memory_space<vmem>>, %arg8: memref<10240x128xf32, #tpu.memory_space<vmem_shared>>) attributes {dimension_semantics = [#tpu.dimension_semantics<core_parallel>, #tpu.dimension_semantics<subcore_parallel>], iteration_bounds = array<i64: 2, 16>, scalar_prefetch = 0 : i64, scratch_operands = 3 : i64, tpu.core_type = #tpu.core_type<sc_vector_subcore>, window_params = [{transform_indices = #map}, {transform_indices = #map1}, {transform_indices = #map}, {transform_indices = #map}]} {
    "tpu.region"() ({
      %run_scoped3A = tpu.sem_alloc : memref<!tpu.dma_semaphore, #tpu.memory_space<semaphore_mem>>
      tpu.enqueue_dma source(%arg4 : memref<128x128xf32, #tpu.memory_space<hbm>>) target(%arg7 : memref<128x128xf32, #tpu.memory_space<vmem>>) target_semaphore(%run_scoped3A : memref<!tpu.dma_semaphore, #tpu.memory_space<semaphore_mem>>)
      tpu.wait_dma2 semaphore(%run_scoped3A : memref<!tpu.dma_semaphore, #tpu.memory_space<semaphore_mem>>) src(%arg4 : memref<128x128xf32, #tpu.memory_space<hbm>>) dst(%arg7 : memref<128x128xf32, #tpu.memory_space<vmem>>)
      tpu.yield
    }) : () -> ()
    %mul3A = arith.constant 640 : i32
    %mul3A_0 = arith.muli %arg1, %mul3A : i32
    %add3A = arith.constant 0 : i32
    %add3A_1 = arith.addi %mul3A_0, %add3A : i32
    "tpu.region"() ({
      %run_scoped3A = tpu.sem_alloc : memref<!tpu.dma_semaphore, #tpu.memory_space<semaphore_mem>>
      %dma_start3A = arith.constant 0 : i32
      %dma_start3A_51 = tpu.memref_slice %arg8[%add3A_1, %dma_start3A] : memref<10240x128xf32, #tpu.memory_space<vmem_shared>> -> memref<128x128xf32, #tpu.memory_space<vmem_shared>>
      %dma_start3A_52 = arith.constant 0 : i32
      %dma_start3A_53 = tpu.memref_slice %arg8[%add3A_1, %dma_start3A_52] : memref<10240x128xf32, #tpu.memory_space<vmem_shared>> -> memref<128x128xf32, #tpu.memory_space<vmem_shared>>
      tpu.enqueue_dma source(%arg7 : memref<128x128xf32, #tpu.memory_space<vmem>>) target(%dma_start3A_53 : memref<128x128xf32, #tpu.memory_space<vmem_shared>>) target_semaphore(%run_scoped3A : memref<!tpu.dma_semaphore, #tpu.memory_space<semaphore_mem>>)
      %dma_wait3A = arith.constant 0 : i32
      %dma_wait3A_54 = tpu.memref_slice %arg8[%add3A_1, %dma_wait3A] : memref<10240x128xf32, #tpu.memory_space<vmem_shared>> -> memref<128x128xf32, #tpu.memory_space<vmem_shared>>
      %dma_wait3A_55 = arith.constant 0 : i32
      %dma_wait3A_56 = tpu.memref_slice %arg8[%add3A_1, %dma_wait3A_55] : memref<10240x128xf32, #tpu.memory_space<vmem_shared>> -> memref<128x128xf32, #tpu.memory_space<vmem_shared>>
      tpu.wait_dma2 semaphore(%run_scoped3A : memref<!tpu.dma_semaphore, #tpu.memory_space<semaphore_mem>>) src(%arg7 : memref<128x128xf32, #tpu.memory_space<vmem>>) dst(%dma_wait3A_56 : memref<128x128xf32, #tpu.memory_space<vmem_shared>>)
      tpu.yield
    }) : () -> ()
    %add3A_2 = arith.constant 128 : i32
    %add3A_3 = arith.addi %mul3A_0, %add3A_2 : i32
    "tpu.region"() ({
      %run_scoped3A = tpu.sem_alloc : memref<!tpu.dma_semaphore, #tpu.memory_space<semaphore_mem>>
      %dma_start3A = arith.constant 0 : i32
      %dma_start3A_51 = tpu.memref_slice %arg8[%add3A_3, %dma_start3A] : memref<10240x128xf32, #tpu.memory_space<vmem_shared>> -> memref<128x128xf32, #tpu.memory_space<vmem_shared>>
      %dma_start3A_52 = arith.constant 0 : i32
      %dma_start3A_53 = tpu.memref_slice %arg8[%add3A_3, %dma_start3A_52] : memref<10240x128xf32, #tpu.memory_space<vmem_shared>> -> memref<128x128xf32, #tpu.memory_space<vmem_shared>>
      tpu.enqueue_dma source(%arg7 : memref<128x128xf32, #tpu.memory_space<vmem>>) target(%dma_start3A_53 : memref<128x128xf32, #tpu.memory_space<vmem_shared>>) target_semaphore(%run_scoped3A : memref<!tpu.dma_semaphore, #tpu.memory_space<semaphore_mem>>)
      %dma_wait3A = arith.constant 0 : i32
      %dma_wait3A_54 = tpu.memref_slice %arg8[%add3A_3, %dma_wait3A] : memref<10240x128xf32, #tpu.memory_space<vmem_shared>> -> memref<128x128xf32, #tpu.memory_space<vmem_shared>>
      %dma_wait3A_55 = arith.constant 0 : i32
      %dma_wait3A_56 = tpu.memref_slice %arg8[%add3A_3, %dma_wait3A_55] : memref<10240x128xf32, #tpu.memory_space<vmem_shared>> -> memref<128x128xf32, #tpu.memory_space<vmem_shared>>
      tpu.wait_dma2 semaphore(%run_scoped3A : memref<!tpu.dma_semaphore, #tpu.memory_space<semaphore_mem>>) src(%arg7 : memref<128x128xf32, #tpu.memory_space<vmem>>) dst(%dma_wait3A_56 : memref<128x128xf32, #tpu.memory_space<vmem_shared>>)
      tpu.yield
    }) : () -> ()
    %add3A_4 = arith.constant 256 : i32
    %add3A_5 = arith.addi %mul3A_0, %add3A_4 : i32
    "tpu.region"() ({
      %run_scoped3A = tpu.sem_alloc : memref<!tpu.dma_semaphore, #tpu.memory_space<semaphore_mem>>
      %dma_start3A = arith.constant 0 : i32
      %dma_start3A_51 = tpu.memref_slice %arg8[%add3A_5, %dma_start3A] : memref<10240x128xf32, #tpu.memory_space<vmem_shared>> -> memref<128x128xf32, #tpu.memory_space<vmem_shared>>
      %dma_start3A_52 = arith.constant 0 : i32
      %dma_start3A_53 = tpu.memref_slice %arg8[%add3A_5, %dma_start3A_52] : memref<10240x128xf32, #tpu.memory_space<vmem_shared>> -> memref<128x128xf32, #tpu.memory_space<vmem_shared>>
      tpu.enqueue_dma source(%arg7 : memref<128x128xf32, #tpu.memory_space<vmem>>) target(%dma_start3A_53 : memref<128x128xf32, #tpu.memory_space<vmem_shared>>) target_semaphore(%run_scoped3A : memref<!tpu.dma_semaphore, #tpu.memory_space<semaphore_mem>>)
      %dma_wait3A = arith.constant 0 : i32
      %dma_wait3A_54 = tpu.memref_slice %arg8[%add3A_5, %dma_wait3A] : memref<10240x128xf32, #tpu.memory_space<vmem_shared>> -> memref<128x128xf32, #tpu.memory_space<vmem_shared>>
      %dma_wait3A_55 = arith.constant 0 : i32
      %dma_wait3A_56 = tpu.memref_slice %arg8[%add3A_5, %dma_wait3A_55] : memref<10240x128xf32, #tpu.memory_space<vmem_shared>> -> memref<128x128xf32, #tpu.memory_space<vmem_shared>>
      tpu.wait_dma2 semaphore(%run_scoped3A : memref<!tpu.dma_semaphore, #tpu.memory_space<semaphore_mem>>) src(%arg7 : memref<128x128xf32, #tpu.memory_space<vmem>>) dst(%dma_wait3A_56 : memref<128x128xf32, #tpu.memory_space<vmem_shared>>)
      tpu.yield
    }) : () -> ()
    %add3A_6 = arith.constant 384 : i32
    %add3A_7 = arith.addi %mul3A_0, %add3A_6 : i32
    "tpu.region"() ({
      %run_scoped3A = tpu.sem_alloc : memref<!tpu.dma_semaphore, #tpu.memory_space<semaphore_mem>>
      %dma_start3A = arith.constant 0 : i32
      %dma_start3A_51 = tpu.memref_slice %arg8[%add3A_7, %dma_start3A] : memref<10240x128xf32, #tpu.memory_space<vmem_shared>> -> memref<128x128xf32, #tpu.memory_space<vmem_shared>>
      %dma_start3A_52 = arith.constant 0 : i32
      %dma_start3A_53 = tpu.memref_slice %arg8[%add3A_7, %dma_start3A_52] : memref<10240x128xf32, #tpu.memory_space<vmem_shared>> -> memref<128x128xf32, #tpu.memory_space<vmem_shared>>
      tpu.enqueue_dma source(%arg7 : memref<128x128xf32, #tpu.memory_space<vmem>>) target(%dma_start3A_53 : memref<128x128xf32, #tpu.memory_space<vmem_shared>>) target_semaphore(%run_scoped3A : memref<!tpu.dma_semaphore, #tpu.memory_space<semaphore_mem>>)
      %dma_wait3A = arith.constant 0 : i32
      %dma_wait3A_54 = tpu.memref_slice %arg8[%add3A_7, %dma_wait3A] : memref<10240x128xf32, #tpu.memory_space<vmem_shared>> -> memref<128x128xf32, #tpu.memory_space<vmem_shared>>
      %dma_wait3A_55 = arith.constant 0 : i32
      %dma_wait3A_56 = tpu.memref_slice %arg8[%add3A_7, %dma_wait3A_55] : memref<10240x128xf32, #tpu.memory_space<vmem_shared>> -> memref<128x128xf32, #tpu.memory_space<vmem_shared>>
      tpu.wait_dma2 semaphore(%run_scoped3A : memref<!tpu.dma_semaphore, #tpu.memory_space<semaphore_mem>>) src(%arg7 : memref<128x128xf32, #tpu.memory_space<vmem>>) dst(%dma_wait3A_56 : memref<128x128xf32, #tpu.memory_space<vmem_shared>>)
      tpu.yield
    }) : () -> ()
    %add3A_8 = arith.constant 512 : i32
    %add3A_9 = arith.addi %mul3A_0, %add3A_8 : i32
    "tpu.region"() ({
      %run_scoped3A = tpu.sem_alloc : memref<!tpu.dma_semaphore, #tpu.memory_space<semaphore_mem>>
      %dma_start3A = arith.constant 0 : i32
      %dma_start3A_51 = tpu.memref_slice %arg8[%add3A_9, %dma_start3A] : memref<10240x128xf32, #tpu.memory_space<vmem_shared>> -> memref<128x128xf32, #tpu.memory_space<vmem_shared>>
      %dma_start3A_52 = arith.constant 0 : i32
      %dma_start3A_53 = tpu.memref_slice %arg8[%add3A_9, %dma_start3A_52] : memref<10240x128xf32, #tpu.memory_space<vmem_shared>> -> memref<128x128xf32, #tpu.memory_space<vmem_shared>>
      tpu.enqueue_dma source(%arg7 : memref<128x128xf32, #tpu.memory_space<vmem>>) target(%dma_start3A_53 : memref<128x128xf32, #tpu.memory_space<vmem_shared>>) target_semaphore(%run_scoped3A : memref<!tpu.dma_semaphore, #tpu.memory_space<semaphore_mem>>)
      %dma_wait3A = arith.constant 0 : i32
      %dma_wait3A_54 = tpu.memref_slice %arg8[%add3A_9, %dma_wait3A] : memref<10240x128xf32, #tpu.memory_space<vmem_shared>> -> memref<128x128xf32, #tpu.memory_space<vmem_shared>>
      %dma_wait3A_55 = arith.constant 0 : i32
      %dma_wait3A_56 = tpu.memref_slice %arg8[%add3A_9, %dma_wait3A_55] : memref<10240x128xf32, #tpu.memory_space<vmem_shared>> -> memref<128x128xf32, #tpu.memory_space<vmem_shared>>
      tpu.wait_dma2 semaphore(%run_scoped3A : memref<!tpu.dma_semaphore, #tpu.memory_space<semaphore_mem>>) src(%arg7 : memref<128x128xf32, #tpu.memory_space<vmem>>) dst(%dma_wait3A_56 : memref<128x128xf32, #tpu.memory_space<vmem_shared>>)
      tpu.yield
    }) : () -> ()
    %barrier3A = arith.constant 0 : index
    tpu.barrier barrier_id(%barrier3A)
    %lt3A = arith.constant 1 : i32
    %lt3A_10 = arith.cmpi slt, %arg1, %lt3A : i32
    %jit3A = arith.constant 1 : i32
    %jit3A_11 = arith.constant 0 : i32
    %select_n3A = arith.select %lt3A_10, %jit3A, %jit3A_11 : i32
    %add3A_12 = arith.constant 39 : i32
    %add3A_13 = arith.addi %add3A_12, %select_n3A : i32
    %while3A = arith.constant 0 : i32
    %while3A_14 = arith.constant 0 : i32
    %while3A_15 = arith.subi %add3A_13, %while3A : i32
    %while3A_16 = arith.addi %while3A, %while3A_15 : i32
    %while3A_17 = arith.constant 1 : i32
    %while3A_18 = arith.divsi %while3A_15, %while3A_17 : i32
    %while3A_19 = arith.muli %while3A_18, %while3A_17 : i32
    %while3A_20 = arith.addi %while3A, %while3A_19 : i32
    %while3A_21 = arith.constant 1 : i32
    %while3A_22 = scf.for %while3A_51 = %while3A to %while3A_20 step %while3A_21 iter_args(%while3A_52 = %while3A_14) -> (i32)  : i32 {
      %mul3A_53 = arith.constant 16 : i32
      %mul3A_54 = arith.muli %while3A_51, %mul3A_53 : i32
      %add3A_55 = arith.addi %arg1, %mul3A_54 : i32
      %mul3A_56 = arith.constant 128 : i32
      %mul3A_57 = arith.muli %add3A_55, %mul3A_56 : i32
      "tpu.region"() ({
        %run_scoped3A = tpu.sem_alloc : memref<!tpu.dma_semaphore, #tpu.memory_space<semaphore_mem>>
        %dma_start3A = tpu.memref_slice %arg3[%mul3A_57] : memref<80000xi32, #tpu.memory_space<hbm>> -> memref<128xi32, #tpu.memory_space<hbm>>
        %dma_start3A_62 = tpu.memref_slice %arg3[%mul3A_57] : memref<80000xi32, #tpu.memory_space<hbm>> -> memref<128xi32, #tpu.memory_space<hbm>>
        tpu.enqueue_dma source(%dma_start3A_62 : memref<128xi32, #tpu.memory_space<hbm>>) target(%arg6 : memref<128xi32, #tpu.memory_space<vmem>>) target_semaphore(%run_scoped3A : memref<!tpu.dma_semaphore, #tpu.memory_space<semaphore_mem>>)
        %dma_wait3A = tpu.memref_slice %arg3[%mul3A_57] : memref<80000xi32, #tpu.memory_space<hbm>> -> memref<128xi32, #tpu.memory_space<hbm>>
        %dma_wait3A_63 = tpu.memref_slice %arg3[%mul3A_57] : memref<80000xi32, #tpu.memory_space<hbm>> -> memref<128xi32, #tpu.memory_space<hbm>>
        tpu.wait_dma2 semaphore(%run_scoped3A : memref<!tpu.dma_semaphore, #tpu.memory_space<semaphore_mem>>) src(%dma_wait3A_63 : memref<128xi32, #tpu.memory_space<hbm>>) dst(%arg6 : memref<128xi32, #tpu.memory_space<vmem>>)
        tpu.yield
      }) : () -> ()
      %mul3A_58 = arith.constant 80000 : i32
      %mul3A_59 = arith.muli %arg0, %mul3A_58 : i32
      %add3A_60 = arith.addi %mul3A_59, %mul3A_57 : i32
      "tpu.region"() ({
        %run_scoped3A = tpu.sem_alloc : memref<!tpu.dma_semaphore, #tpu.memory_space<semaphore_mem>>
        %dma_start3A = arith.constant 0 : i32
        %dma_start3A_62 = tpu.memref_slice %arg2[%add3A_60, %dma_start3A] : memref<160000x128xf32, #tpu.memory_space<hbm>> -> memref<128x128xf32, #tpu.memory_space<hbm>>
        %dma_start3A_63 = arith.constant 0 : i32
        %dma_start3A_64 = tpu.memref_slice %arg2[%add3A_60, %dma_start3A_63] : memref<160000x128xf32, #tpu.memory_space<hbm>> -> memref<128x128xf32, #tpu.memory_space<hbm>>
        tpu.enqueue_dma source(%dma_start3A_64 : memref<128x128xf32, #tpu.memory_space<hbm>>) target(%arg7 : memref<128x128xf32, #tpu.memory_space<vmem>>) target_semaphore(%run_scoped3A : memref<!tpu.dma_semaphore, #tpu.memory_space<semaphore_mem>>)
        %dma_wait3A = arith.constant 0 : i32
        %dma_wait3A_65 = tpu.memref_slice %arg2[%add3A_60, %dma_wait3A] : memref<160000x128xf32, #tpu.memory_space<hbm>> -> memref<128x128xf32, #tpu.memory_space<hbm>>
        %dma_wait3A_66 = arith.constant 0 : i32
        %dma_wait3A_67 = tpu.memref_slice %arg2[%add3A_60, %dma_wait3A_66] : memref<160000x128xf32, #tpu.memory_space<hbm>> -> memref<128x128xf32, #tpu.memory_space<hbm>>
        tpu.wait_dma2 semaphore(%run_scoped3A : memref<!tpu.dma_semaphore, #tpu.memory_space<semaphore_mem>>) src(%dma_wait3A_67 : memref<128x128xf32, #tpu.memory_space<hbm>>) dst(%arg7 : memref<128x128xf32, #tpu.memory_space<vmem>>)
        tpu.yield
      }) : () -> ()
      "tpu.region"() ({
        %run_scoped3A = tpu.sem_alloc : memref<!tpu.dma_semaphore, #tpu.memory_space<semaphore_mem>>
        %dma_start3A = arith.constant 0 : i32
        %dma_start3A_62 = arith.constant 0 : i32
        %dma_start3A_63 = tpu.memref_slice %arg8[%dma_start3A, %dma_start3A_62] : memref<10240x128xf32, #tpu.memory_space<vmem_shared>> -> memref<10240x128xf32, #tpu.memory_space<vmem_shared>>
        tpu.enqueue_indirect_dma source(%arg7 : memref<128x128xf32, #tpu.memory_space<vmem>>) target(%dma_start3A_63 : memref<10240x128xf32, #tpu.memory_space<vmem_shared>>) offsets(%arg6 : memref<128xi32, #tpu.memory_space<vmem>>) semaphore(%run_scoped3A : memref<!tpu.dma_semaphore, #tpu.memory_space<semaphore_mem>>) {add = true}
        %dma_wait3A = arith.constant 0 : i32
        %dma_wait3A_64 = arith.constant 0 : i32
        %dma_wait3A_65 = tpu.memref_slice %arg8[%dma_wait3A, %dma_wait3A_64] : memref<10240x128xf32, #tpu.memory_space<vmem_shared>> -> memref<10240x128xf32, #tpu.memory_space<vmem_shared>>
        tpu.wait_indirect_dma semaphore(%run_scoped3A : memref<!tpu.dma_semaphore, #tpu.memory_space<semaphore_mem>>) src(%arg7 : memref<128x128xf32, #tpu.memory_space<vmem>>) dst(%dma_wait3A_65 : memref<10240x128xf32, #tpu.memory_space<vmem_shared>>)
        tpu.yield
      }) : () -> ()
      %while3A_61 = arith.constant 0 : i32
      scf.yield %while3A_61 : i32
    }
    %while3A_23 = arith.constant 1 : i32
    %while3A_24 = scf.for %while3A_51 = %while3A_20 to %while3A_16 step %while3A_23 iter_args(%while3A_52 = %while3A_22) -> (i32)  : i32 {
      %mul3A_53 = arith.constant 16 : i32
      %mul3A_54 = arith.muli %while3A_51, %mul3A_53 : i32
      %add3A_55 = arith.addi %arg1, %mul3A_54 : i32
      %mul3A_56 = arith.constant 128 : i32
      %mul3A_57 = arith.muli %add3A_55, %mul3A_56 : i32
      "tpu.region"() ({
        %run_scoped3A = tpu.sem_alloc : memref<!tpu.dma_semaphore, #tpu.memory_space<semaphore_mem>>
        %dma_start3A = tpu.memref_slice %arg3[%mul3A_57] : memref<80000xi32, #tpu.memory_space<hbm>> -> memref<128xi32, #tpu.memory_space<hbm>>
        %dma_start3A_62 = tpu.memref_slice %arg3[%mul3A_57] : memref<80000xi32, #tpu.memory_space<hbm>> -> memref<128xi32, #tpu.memory_space<hbm>>
        tpu.enqueue_dma source(%dma_start3A_62 : memref<128xi32, #tpu.memory_space<hbm>>) target(%arg6 : memref<128xi32, #tpu.memory_space<vmem>>) target_semaphore(%run_scoped3A : memref<!tpu.dma_semaphore, #tpu.memory_space<semaphore_mem>>)
        %dma_wait3A = tpu.memref_slice %arg3[%mul3A_57] : memref<80000xi32, #tpu.memory_space<hbm>> -> memref<128xi32, #tpu.memory_space<hbm>>
        %dma_wait3A_63 = tpu.memref_slice %arg3[%mul3A_57] : memref<80000xi32, #tpu.memory_space<hbm>> -> memref<128xi32, #tpu.memory_space<hbm>>
        tpu.wait_dma2 semaphore(%run_scoped3A : memref<!tpu.dma_semaphore, #tpu.memory_space<semaphore_mem>>) src(%dma_wait3A_63 : memref<128xi32, #tpu.memory_space<hbm>>) dst(%arg6 : memref<128xi32, #tpu.memory_space<vmem>>)
        tpu.yield
      }) : () -> ()
      %mul3A_58 = arith.constant 80000 : i32
      %mul3A_59 = arith.muli %arg0, %mul3A_58 : i32
      %add3A_60 = arith.addi %mul3A_59, %mul3A_57 : i32
      "tpu.region"() ({
        %run_scoped3A = tpu.sem_alloc : memref<!tpu.dma_semaphore, #tpu.memory_space<semaphore_mem>>
        %dma_start3A = arith.constant 0 : i32
        %dma_start3A_62 = tpu.memref_slice %arg2[%add3A_60, %dma_start3A] : memref<160000x128xf32, #tpu.memory_space<hbm>> -> memref<128x128xf32, #tpu.memory_space<hbm>>
        %dma_start3A_63 = arith.constant 0 : i32
        %dma_start3A_64 = tpu.memref_slice %arg2[%add3A_60, %dma_start3A_63] : memref<160000x128xf32, #tpu.memory_space<hbm>> -> memref<128x128xf32, #tpu.memory_space<hbm>>
        tpu.enqueue_dma source(%dma_start3A_64 : memref<128x128xf32, #tpu.memory_space<hbm>>) target(%arg7 : memref<128x128xf32, #tpu.memory_space<vmem>>) target_semaphore(%run_scoped3A : memref<!tpu.dma_semaphore, #tpu.memory_space<semaphore_mem>>)
        %dma_wait3A = arith.constant 0 : i32
        %dma_wait3A_65 = tpu.memref_slice %arg2[%add3A_60, %dma_wait3A] : memref<160000x128xf32, #tpu.memory_space<hbm>> -> memref<128x128xf32, #tpu.memory_space<hbm>>
        %dma_wait3A_66 = arith.constant 0 : i32
        %dma_wait3A_67 = tpu.memref_slice %arg2[%add3A_60, %dma_wait3A_66] : memref<160000x128xf32, #tpu.memory_space<hbm>> -> memref<128x128xf32, #tpu.memory_space<hbm>>
        tpu.wait_dma2 semaphore(%run_scoped3A : memref<!tpu.dma_semaphore, #tpu.memory_space<semaphore_mem>>) src(%dma_wait3A_67 : memref<128x128xf32, #tpu.memory_space<hbm>>) dst(%arg7 : memref<128x128xf32, #tpu.memory_space<vmem>>)
        tpu.yield
      }) : () -> ()
      "tpu.region"() ({
        %run_scoped3A = tpu.sem_alloc : memref<!tpu.dma_semaphore, #tpu.memory_space<semaphore_mem>>
        %dma_start3A = arith.constant 0 : i32
        %dma_start3A_62 = arith.constant 0 : i32
        %dma_start3A_63 = tpu.memref_slice %arg8[%dma_start3A, %dma_start3A_62] : memref<10240x128xf32, #tpu.memory_space<vmem_shared>> -> memref<10240x128xf32, #tpu.memory_space<vmem_shared>>
        tpu.enqueue_indirect_dma source(%arg7 : memref<128x128xf32, #tpu.memory_space<vmem>>) target(%dma_start3A_63 : memref<10240x128xf32, #tpu.memory_space<vmem_shared>>) offsets(%arg6 : memref<128xi32, #tpu.memory_space<vmem>>) semaphore(%run_scoped3A : memref<!tpu.dma_semaphore, #tpu.memory_space<semaphore_mem>>) {add = true}
        %dma_wait3A = arith.constant 0 : i32
        %dma_wait3A_64 = arith.constant 0 : i32
        %dma_wait3A_65 = tpu.memref_slice %arg8[%dma_wait3A, %dma_wait3A_64] : memref<10240x128xf32, #tpu.memory_space<vmem_shared>> -> memref<10240x128xf32, #tpu.memory_space<vmem_shared>>
        tpu.wait_indirect_dma semaphore(%run_scoped3A : memref<!tpu.dma_semaphore, #tpu.memory_space<semaphore_mem>>) src(%arg7 : memref<128x128xf32, #tpu.memory_space<vmem>>) dst(%dma_wait3A_65 : memref<10240x128xf32, #tpu.memory_space<vmem_shared>>)
        tpu.yield
      }) : () -> ()
      %while3A_61 = arith.constant 0 : i32
      scf.yield %while3A_61 : i32
    }
    %barrier3A_25 = arith.constant 0 : index
    tpu.barrier barrier_id(%barrier3A_25)
    %add3A_26 = arith.constant 0 : i32
    %add3A_27 = arith.addi %mul3A_0, %add3A_26 : i32
    "tpu.region"() ({
      %run_scoped3A = tpu.sem_alloc : memref<!tpu.dma_semaphore, #tpu.memory_space<semaphore_mem>>
      %dma_start3A = arith.constant 0 : i32
      %dma_start3A_51 = tpu.memref_slice %arg8[%add3A_27, %dma_start3A] : memref<10240x128xf32, #tpu.memory_space<vmem_shared>> -> memref<128x128xf32, #tpu.memory_space<vmem_shared>>
      %dma_start3A_52 = arith.constant 0 : i32
      %dma_start3A_53 = tpu.memref_slice %arg8[%add3A_27, %dma_start3A_52] : memref<10240x128xf32, #tpu.memory_space<vmem_shared>> -> memref<128x128xf32, #tpu.memory_space<vmem_shared>>
      tpu.enqueue_dma source(%dma_start3A_53 : memref<128x128xf32, #tpu.memory_space<vmem_shared>>) target(%arg7 : memref<128x128xf32, #tpu.memory_space<vmem>>) target_semaphore(%run_scoped3A : memref<!tpu.dma_semaphore, #tpu.memory_space<semaphore_mem>>)
      %dma_wait3A = arith.constant 0 : i32
      %dma_wait3A_54 = tpu.memref_slice %arg8[%add3A_27, %dma_wait3A] : memref<10240x128xf32, #tpu.memory_space<vmem_shared>> -> memref<128x128xf32, #tpu.memory_space<vmem_shared>>
      %dma_wait3A_55 = arith.constant 0 : i32
      %dma_wait3A_56 = tpu.memref_slice %arg8[%add3A_27, %dma_wait3A_55] : memref<10240x128xf32, #tpu.memory_space<vmem_shared>> -> memref<128x128xf32, #tpu.memory_space<vmem_shared>>
      tpu.wait_dma2 semaphore(%run_scoped3A : memref<!tpu.dma_semaphore, #tpu.memory_space<semaphore_mem>>) src(%dma_wait3A_56 : memref<128x128xf32, #tpu.memory_space<vmem_shared>>) dst(%arg7 : memref<128x128xf32, #tpu.memory_space<vmem>>)
      tpu.yield
    }) : () -> ()
    %mul3A_28 = arith.constant 10240 : i32
    %mul3A_29 = arith.muli %arg0, %mul3A_28 : i32
    %add3A_30 = arith.addi %mul3A_29, %add3A_27 : i32
    "tpu.region"() ({
      %run_scoped3A = tpu.sem_alloc : memref<!tpu.dma_semaphore, #tpu.memory_space<semaphore_mem>>
      %dma_start3A = arith.constant 0 : i32
      %dma_start3A_51 = tpu.memref_slice %arg5[%add3A_30, %dma_start3A] : memref<20480x128xf32, #tpu.memory_space<hbm>> -> memref<128x128xf32, #tpu.memory_space<hbm>>
      %dma_start3A_52 = arith.constant 0 : i32
      %dma_start3A_53 = tpu.memref_slice %arg5[%add3A_30, %dma_start3A_52] : memref<20480x128xf32, #tpu.memory_space<hbm>> -> memref<128x128xf32, #tpu.memory_space<hbm>>
      tpu.enqueue_dma source(%arg7 : memref<128x128xf32, #tpu.memory_space<vmem>>) target(%dma_start3A_53 : memref<128x128xf32, #tpu.memory_space<hbm>>) target_semaphore(%run_scoped3A : memref<!tpu.dma_semaphore, #tpu.memory_space<semaphore_mem>>)
      %dma_wait3A = arith.constant 0 : i32
      %dma_wait3A_54 = tpu.memref_slice %arg5[%add3A_30, %dma_wait3A] : memref<20480x128xf32, #tpu.memory_space<hbm>> -> memref<128x128xf32, #tpu.memory_space<hbm>>
      %dma_wait3A_55 = arith.constant 0 : i32
      %dma_wait3A_56 = tpu.memref_slice %arg5[%add3A_30, %dma_wait3A_55] : memref<20480x128xf32, #tpu.memory_space<hbm>> -> memref<128x128xf32, #tpu.memory_space<hbm>>
      tpu.wait_dma2 semaphore(%run_scoped3A : memref<!tpu.dma_semaphore, #tpu.memory_space<semaphore_mem>>) src(%arg7 : memref<128x128xf32, #tpu.memory_space<vmem>>) dst(%dma_wait3A_56 : memref<128x128xf32, #tpu.memory_space<hbm>>)
      tpu.yield
    }) : () -> ()
    %add3A_31 = arith.constant 128 : i32
    %add3A_32 = arith.addi %mul3A_0, %add3A_31 : i32
    "tpu.region"() ({
      %run_scoped3A = tpu.sem_alloc : memref<!tpu.dma_semaphore, #tpu.memory_space<semaphore_mem>>
      %dma_start3A = arith.constant 0 : i32
      %dma_start3A_51 = tpu.memref_slice %arg8[%add3A_32, %dma_start3A] : memref<10240x128xf32, #tpu.memory_space<vmem_shared>> -> memref<128x128xf32, #tpu.memory_space<vmem_shared>>
      %dma_start3A_52 = arith.constant 0 : i32
      %dma_start3A_53 = tpu.memref_slice %arg8[%add3A_32, %dma_start3A_52] : memref<10240x128xf32, #tpu.memory_space<vmem_shared>> -> memref<128x128xf32, #tpu.memory_space<vmem_shared>>
      tpu.enqueue_dma source(%dma_start3A_53 : memref<128x128xf32, #tpu.memory_space<vmem_shared>>) target(%arg7 : memref<128x128xf32, #tpu.memory_space<vmem>>) target_semaphore(%run_scoped3A : memref<!tpu.dma_semaphore, #tpu.memory_space<semaphore_mem>>)
      %dma_wait3A = arith.constant 0 : i32
      %dma_wait3A_54 = tpu.memref_slice %arg8[%add3A_32, %dma_wait3A] : memref<10240x128xf32, #tpu.memory_space<vmem_shared>> -> memref<128x128xf32, #tpu.memory_space<vmem_shared>>
      %dma_wait3A_55 = arith.constant 0 : i32
      %dma_wait3A_56 = tpu.memref_slice %arg8[%add3A_32, %dma_wait3A_55] : memref<10240x128xf32, #tpu.memory_space<vmem_shared>> -> memref<128x128xf32, #tpu.memory_space<vmem_shared>>
      tpu.wait_dma2 semaphore(%run_scoped3A : memref<!tpu.dma_semaphore, #tpu.memory_space<semaphore_mem>>) src(%dma_wait3A_56 : memref<128x128xf32, #tpu.memory_space<vmem_shared>>) dst(%arg7 : memref<128x128xf32, #tpu.memory_space<vmem>>)
      tpu.yield
    }) : () -> ()
    %mul3A_33 = arith.constant 10240 : i32
    %mul3A_34 = arith.muli %arg0, %mul3A_33 : i32
    %add3A_35 = arith.addi %mul3A_34, %add3A_32 : i32
    "tpu.region"() ({
      %run_scoped3A = tpu.sem_alloc : memref<!tpu.dma_semaphore, #tpu.memory_space<semaphore_mem>>
      %dma_start3A = arith.constant 0 : i32
      %dma_start3A_51 = tpu.memref_slice %arg5[%add3A_35, %dma_start3A] : memref<20480x128xf32, #tpu.memory_space<hbm>> -> memref<128x128xf32, #tpu.memory_space<hbm>>
      %dma_start3A_52 = arith.constant 0 : i32
      %dma_start3A_53 = tpu.memref_slice %arg5[%add3A_35, %dma_start3A_52] : memref<20480x128xf32, #tpu.memory_space<hbm>> -> memref<128x128xf32, #tpu.memory_space<hbm>>
      tpu.enqueue_dma source(%arg7 : memref<128x128xf32, #tpu.memory_space<vmem>>) target(%dma_start3A_53 : memref<128x128xf32, #tpu.memory_space<hbm>>) target_semaphore(%run_scoped3A : memref<!tpu.dma_semaphore, #tpu.memory_space<semaphore_mem>>)
      %dma_wait3A = arith.constant 0 : i32
      %dma_wait3A_54 = tpu.memref_slice %arg5[%add3A_35, %dma_wait3A] : memref<20480x128xf32, #tpu.memory_space<hbm>> -> memref<128x128xf32, #tpu.memory_space<hbm>>
      %dma_wait3A_55 = arith.constant 0 : i32
      %dma_wait3A_56 = tpu.memref_slice %arg5[%add3A_35, %dma_wait3A_55] : memref<20480x128xf32, #tpu.memory_space<hbm>> -> memref<128x128xf32, #tpu.memory_space<hbm>>
      tpu.wait_dma2 semaphore(%run_scoped3A : memref<!tpu.dma_semaphore, #tpu.memory_space<semaphore_mem>>) src(%arg7 : memref<128x128xf32, #tpu.memory_space<vmem>>) dst(%dma_wait3A_56 : memref<128x128xf32, #tpu.memory_space<hbm>>)
      tpu.yield
    }) : () -> ()
    %add3A_36 = arith.constant 256 : i32
    %add3A_37 = arith.addi %mul3A_0, %add3A_36 : i32
    "tpu.region"() ({
      %run_scoped3A = tpu.sem_alloc : memref<!tpu.dma_semaphore, #tpu.memory_space<semaphore_mem>>
      %dma_start3A = arith.constant 0 : i32
      %dma_start3A_51 = tpu.memref_slice %arg8[%add3A_37, %dma_start3A] : memref<10240x128xf32, #tpu.memory_space<vmem_shared>> -> memref<128x128xf32, #tpu.memory_space<vmem_shared>>
      %dma_start3A_52 = arith.constant 0 : i32
      %dma_start3A_53 = tpu.memref_slice %arg8[%add3A_37, %dma_start3A_52] : memref<10240x128xf32, #tpu.memory_space<vmem_shared>> -> memref<128x128xf32, #tpu.memory_space<vmem_shared>>
      tpu.enqueue_dma source(%dma_start3A_53 : memref<128x128xf32, #tpu.memory_space<vmem_shared>>) target(%arg7 : memref<128x128xf32, #tpu.memory_space<vmem>>) target_semaphore(%run_scoped3A : memref<!tpu.dma_semaphore, #tpu.memory_space<semaphore_mem>>)
      %dma_wait3A = arith.constant 0 : i32
      %dma_wait3A_54 = tpu.memref_slice %arg8[%add3A_37, %dma_wait3A] : memref<10240x128xf32, #tpu.memory_space<vmem_shared>> -> memref<128x128xf32, #tpu.memory_space<vmem_shared>>
      %dma_wait3A_55 = arith.constant 0 : i32
      %dma_wait3A_56 = tpu.memref_slice %arg8[%add3A_37, %dma_wait3A_55] : memref<10240x128xf32, #tpu.memory_space<vmem_shared>> -> memref<128x128xf32, #tpu.memory_space<vmem_shared>>
      tpu.wait_dma2 semaphore(%run_scoped3A : memref<!tpu.dma_semaphore, #tpu.memory_space<semaphore_mem>>) src(%dma_wait3A_56 : memref<128x128xf32, #tpu.memory_space<vmem_shared>>) dst(%arg7 : memref<128x128xf32, #tpu.memory_space<vmem>>)
      tpu.yield
    }) : () -> ()
    %mul3A_38 = arith.constant 10240 : i32
    %mul3A_39 = arith.muli %arg0, %mul3A_38 : i32
    %add3A_40 = arith.addi %mul3A_39, %add3A_37 : i32
    "tpu.region"() ({
      %run_scoped3A = tpu.sem_alloc : memref<!tpu.dma_semaphore, #tpu.memory_space<semaphore_mem>>
      %dma_start3A = arith.constant 0 : i32
      %dma_start3A_51 = tpu.memref_slice %arg5[%add3A_40, %dma_start3A] : memref<20480x128xf32, #tpu.memory_space<hbm>> -> memref<128x128xf32, #tpu.memory_space<hbm>>
      %dma_start3A_52 = arith.constant 0 : i32
      %dma_start3A_53 = tpu.memref_slice %arg5[%add3A_40, %dma_start3A_52] : memref<20480x128xf32, #tpu.memory_space<hbm>> -> memref<128x128xf32, #tpu.memory_space<hbm>>
      tpu.enqueue_dma source(%arg7 : memref<128x128xf32, #tpu.memory_space<vmem>>) target(%dma_start3A_53 : memref<128x128xf32, #tpu.memory_space<hbm>>) target_semaphore(%run_scoped3A : memref<!tpu.dma_semaphore, #tpu.memory_space<semaphore_mem>>)
      %dma_wait3A = arith.constant 0 : i32
      %dma_wait3A_54 = tpu.memref_slice %arg5[%add3A_40, %dma_wait3A] : memref<20480x128xf32, #tpu.memory_space<hbm>> -> memref<128x128xf32, #tpu.memory_space<hbm>>
      %dma_wait3A_55 = arith.constant 0 : i32
      %dma_wait3A_56 = tpu.memref_slice %arg5[%add3A_40, %dma_wait3A_55] : memref<20480x128xf32, #tpu.memory_space<hbm>> -> memref<128x128xf32, #tpu.memory_space<hbm>>
      tpu.wait_dma2 semaphore(%run_scoped3A : memref<!tpu.dma_semaphore, #tpu.memory_space<semaphore_mem>>) src(%arg7 : memref<128x128xf32, #tpu.memory_space<vmem>>) dst(%dma_wait3A_56 : memref<128x128xf32, #tpu.memory_space<hbm>>)
      tpu.yield
    }) : () -> ()
    %add3A_41 = arith.constant 384 : i32
    %add3A_42 = arith.addi %mul3A_0, %add3A_41 : i32
    "tpu.region"() ({
      %run_scoped3A = tpu.sem_alloc : memref<!tpu.dma_semaphore, #tpu.memory_space<semaphore_mem>>
      %dma_start3A = arith.constant 0 : i32
      %dma_start3A_51 = tpu.memref_slice %arg8[%add3A_42, %dma_start3A] : memref<10240x128xf32, #tpu.memory_space<vmem_shared>> -> memref<128x128xf32, #tpu.memory_space<vmem_shared>>
      %dma_start3A_52 = arith.constant 0 : i32
      %dma_start3A_53 = tpu.memref_slice %arg8[%add3A_42, %dma_start3A_52] : memref<10240x128xf32, #tpu.memory_space<vmem_shared>> -> memref<128x128xf32, #tpu.memory_space<vmem_shared>>
      tpu.enqueue_dma source(%dma_start3A_53 : memref<128x128xf32, #tpu.memory_space<vmem_shared>>) target(%arg7 : memref<128x128xf32, #tpu.memory_space<vmem>>) target_semaphore(%run_scoped3A : memref<!tpu.dma_semaphore, #tpu.memory_space<semaphore_mem>>)
      %dma_wait3A = arith.constant 0 : i32
      %dma_wait3A_54 = tpu.memref_slice %arg8[%add3A_42, %dma_wait3A] : memref<10240x128xf32, #tpu.memory_space<vmem_shared>> -> memref<128x128xf32, #tpu.memory_space<vmem_shared>>
      %dma_wait3A_55 = arith.constant 0 : i32
      %dma_wait3A_56 = tpu.memref_slice %arg8[%add3A_42, %dma_wait3A_55] : memref<10240x128xf32, #tpu.memory_space<vmem_shared>> -> memref<128x128xf32, #tpu.memory_space<vmem_shared>>
      tpu.wait_dma2 semaphore(%run_scoped3A : memref<!tpu.dma_semaphore, #tpu.memory_space<semaphore_mem>>) src(%dma_wait3A_56 : memref<128x128xf32, #tpu.memory_space<vmem_shared>>) dst(%arg7 : memref<128x128xf32, #tpu.memory_space<vmem>>)
      tpu.yield
    }) : () -> ()
    %mul3A_43 = arith.constant 10240 : i32
    %mul3A_44 = arith.muli %arg0, %mul3A_43 : i32
    %add3A_45 = arith.addi %mul3A_44, %add3A_42 : i32
    "tpu.region"() ({
      %run_scoped3A = tpu.sem_alloc : memref<!tpu.dma_semaphore, #tpu.memory_space<semaphore_mem>>
      %dma_start3A = arith.constant 0 : i32
      %dma_start3A_51 = tpu.memref_slice %arg5[%add3A_45, %dma_start3A] : memref<20480x128xf32, #tpu.memory_space<hbm>> -> memref<128x128xf32, #tpu.memory_space<hbm>>
      %dma_start3A_52 = arith.constant 0 : i32
      %dma_start3A_53 = tpu.memref_slice %arg5[%add3A_45, %dma_start3A_52] : memref<20480x128xf32, #tpu.memory_space<hbm>> -> memref<128x128xf32, #tpu.memory_space<hbm>>
      tpu.enqueue_dma source(%arg7 : memref<128x128xf32, #tpu.memory_space<vmem>>) target(%dma_start3A_53 : memref<128x128xf32, #tpu.memory_space<hbm>>) target_semaphore(%run_scoped3A : memref<!tpu.dma_semaphore, #tpu.memory_space<semaphore_mem>>)
      %dma_wait3A = arith.constant 0 : i32
      %dma_wait3A_54 = tpu.memref_slice %arg5[%add3A_45, %dma_wait3A] : memref<20480x128xf32, #tpu.memory_space<hbm>> -> memref<128x128xf32, #tpu.memory_space<hbm>>
      %dma_wait3A_55 = arith.constant 0 : i32
      %dma_wait3A_56 = tpu.memref_slice %arg5[%add3A_45, %dma_wait3A_55] : memref<20480x128xf32, #tpu.memory_space<hbm>> -> memref<128x128xf32, #tpu.memory_space<hbm>>
      tpu.wait_dma2 semaphore(%run_scoped3A : memref<!tpu.dma_semaphore, #tpu.memory_space<semaphore_mem>>) src(%arg7 : memref<128x128xf32, #tpu.memory_space<vmem>>) dst(%dma_wait3A_56 : memref<128x128xf32, #tpu.memory_space<hbm>>)
      tpu.yield
    }) : () -> ()
    %add3A_46 = arith.constant 512 : i32
    %add3A_47 = arith.addi %mul3A_0, %add3A_46 : i32
    "tpu.region"() ({
      %run_scoped3A = tpu.sem_alloc : memref<!tpu.dma_semaphore, #tpu.memory_space<semaphore_mem>>
      %dma_start3A = arith.constant 0 : i32
      %dma_start3A_51 = tpu.memref_slice %arg8[%add3A_47, %dma_start3A] : memref<10240x128xf32, #tpu.memory_space<vmem_shared>> -> memref<128x128xf32, #tpu.memory_space<vmem_shared>>
      %dma_start3A_52 = arith.constant 0 : i32
      %dma_start3A_53 = tpu.memref_slice %arg8[%add3A_47, %dma_start3A_52] : memref<10240x128xf32, #tpu.memory_space<vmem_shared>> -> memref<128x128xf32, #tpu.memory_space<vmem_shared>>
      tpu.enqueue_dma source(%dma_start3A_53 : memref<128x128xf32, #tpu.memory_space<vmem_shared>>) target(%arg7 : memref<128x128xf32, #tpu.memory_space<vmem>>) target_semaphore(%run_scoped3A : memref<!tpu.dma_semaphore, #tpu.memory_space<semaphore_mem>>)
      %dma_wait3A = arith.constant 0 : i32
      %dma_wait3A_54 = tpu.memref_slice %arg8[%add3A_47, %dma_wait3A] : memref<10240x128xf32, #tpu.memory_space<vmem_shared>> -> memref<128x128xf32, #tpu.memory_space<vmem_shared>>
      %dma_wait3A_55 = arith.constant 0 : i32
      %dma_wait3A_56 = tpu.memref_slice %arg8[%add3A_47, %dma_wait3A_55] : memref<10240x128xf32, #tpu.memory_space<vmem_shared>> -> memref<128x128xf32, #tpu.memory_space<vmem_shared>>
      tpu.wait_dma2 semaphore(%run_scoped3A : memref<!tpu.dma_semaphore, #tpu.memory_space<semaphore_mem>>) src(%dma_wait3A_56 : memref<128x128xf32, #tpu.memory_space<vmem_shared>>) dst(%arg7 : memref<128x128xf32, #tpu.memory_space<vmem>>)
      tpu.yield
    }) : () -> ()
    %mul3A_48 = arith.constant 10240 : i32
    %mul3A_49 = arith.muli %arg0, %mul3A_48 : i32
    %add3A_50 = arith.addi %mul3A_49, %add3A_47 : i32
    "tpu.region"() ({
      %run_scoped3A = tpu.sem_alloc : memref<!tpu.dma_semaphore, #tpu.memory_space<semaphore_mem>>
      %dma_start3A = arith.constant 0 : i32
      %dma_start3A_51 = tpu.memref_slice %arg5[%add3A_50, %dma_start3A] : memref<20480x128xf32, #tpu.memory_space<hbm>> -> memref<128x128xf32, #tpu.memory_space<hbm>>
      %dma_start3A_52 = arith.constant 0 : i32
      %dma_start3A_53 = tpu.memref_slice %arg5[%add3A_50, %dma_start3A_52] : memref<20480x128xf32, #tpu.memory_space<hbm>> -> memref<128x128xf32, #tpu.memory_space<hbm>>
      tpu.enqueue_dma source(%arg7 : memref<128x128xf32, #tpu.memory_space<vmem>>) target(%dma_start3A_53 : memref<128x128xf32, #tpu.memory_space<hbm>>) target_semaphore(%run_scoped3A : memref<!tpu.dma_semaphore, #tpu.memory_space<semaphore_mem>>)
      %dma_wait3A = arith.constant 0 : i32
      %dma_wait3A_54 = tpu.memref_slice %arg5[%add3A_50, %dma_wait3A] : memref<20480x128xf32, #tpu.memory_space<hbm>> -> memref<128x128xf32, #tpu.memory_space<hbm>>
      %dma_wait3A_55 = arith.constant 0 : i32
      %dma_wait3A_56 = tpu.memref_slice %arg5[%add3A_50, %dma_wait3A_55] : memref<20480x128xf32, #tpu.memory_space<hbm>> -> memref<128x128xf32, #tpu.memory_space<hbm>>
      tpu.wait_dma2 semaphore(%run_scoped3A : memref<!tpu.dma_semaphore, #tpu.memory_space<semaphore_mem>>) src(%arg7 : memref<128x128xf32, #tpu.memory_space<vmem>>) dst(%dma_wait3A_56 : memref<128x128xf32, #tpu.memory_space<hbm>>)
      tpu.yield
    }) : () -> ()
    return
  }
}

#map = affine_map<(d0, d1) -> (0, 0)>
#map1 = affine_map<(d0, d1) -> (0)>
module attributes {stable_mosaic.version = 14 : i64} {
  func.func @k(%arg0: i32, %arg1: i32, %arg2: memref<160000x128xf32, #tpu.memory_space<hbm>>, %arg3: memref<80000xi32, #tpu.memory_space<hbm>>, %arg4: memref<128x128xf32, #tpu.memory_space<hbm>>, %arg5: memref<20480x128xf32, #tpu.memory_space<hbm>>, %arg6: memref<128xi32, #tpu.memory_space<vmem>>, %arg7: memref<128x128xf32, #tpu.memory_space<vmem>>, %arg8: memref<10240x128xf32, #tpu.memory_space<vmem_shared>>) attributes {dimension_semantics = [#tpu.dimension_semantics<core_parallel>, #tpu.dimension_semantics<subcore_parallel>], iteration_bounds = array<i64: 2, 16>, scalar_prefetch = 0 : i64, scratch_operands = 3 : i64, tpu.core_type = #tpu.core_type<sc_vector_subcore>, window_params = [{transform_indices = #map}, {transform_indices = #map1}, {transform_indices = #map}, {transform_indices = #map}]} {
    "tpu.region"() ({
      %run_scoped3A = tpu.sem_alloc : memref<!tpu.dma_semaphore, #tpu.memory_space<semaphore_mem>>
      tpu.enqueue_dma source(%arg4 : memref<128x128xf32, #tpu.memory_space<hbm>>) target(%arg7 : memref<128x128xf32, #tpu.memory_space<vmem>>) target_semaphore(%run_scoped3A : memref<!tpu.dma_semaphore, #tpu.memory_space<semaphore_mem>>)
      tpu.wait_dma2 semaphore(%run_scoped3A : memref<!tpu.dma_semaphore, #tpu.memory_space<semaphore_mem>>) src(%arg4 : memref<128x128xf32, #tpu.memory_space<hbm>>) dst(%arg7 : memref<128x128xf32, #tpu.memory_space<vmem>>)
      tpu.yield
    }) : () -> ()
    %mul3A = arith.constant 640 : i32
    %mul3A_0 = arith.muli %arg1, %mul3A : i32
    %add3A = arith.constant 0 : i32
    %add3A_1 = arith.addi %mul3A_0, %add3A : i32
    "tpu.region"() ({
      %run_scoped3A = tpu.sem_alloc : memref<!tpu.dma_semaphore, #tpu.memory_space<semaphore_mem>>
      %dma_start3A = arith.constant 0 : i32
      %dma_start3A_51 = tpu.memref_slice %arg8[%add3A_1, %dma_start3A] : memref<10240x128xf32, #tpu.memory_space<vmem_shared>> -> memref<128x128xf32, #tpu.memory_space<vmem_shared>>
      %dma_start3A_52 = arith.constant 0 : i32
      %dma_start3A_53 = tpu.memref_slice %arg8[%add3A_1, %dma_start3A_52] : memref<10240x128xf32, #tpu.memory_space<vmem_shared>> -> memref<128x128xf32, #tpu.memory_space<vmem_shared>>
      tpu.enqueue_dma source(%arg7 : memref<128x128xf32, #tpu.memory_space<vmem>>) target(%dma_start3A_53 : memref<128x128xf32, #tpu.memory_space<vmem_shared>>) target_semaphore(%run_scoped3A : memref<!tpu.dma_semaphore, #tpu.memory_space<semaphore_mem>>)
      %dma_wait3A = arith.constant 0 : i32
      %dma_wait3A_54 = tpu.memref_slice %arg8[%add3A_1, %dma_wait3A] : memref<10240x128xf32, #tpu.memory_space<vmem_shared>> -> memref<128x128xf32, #tpu.memory_space<vmem_shared>>
      %dma_wait3A_55 = arith.constant 0 : i32
      %dma_wait3A_56 = tpu.memref_slice %arg8[%add3A_1, %dma_wait3A_55] : memref<10240x128xf32, #tpu.memory_space<vmem_shared>> -> memref<128x128xf32, #tpu.memory_space<vmem_shared>>
      tpu.wait_dma2 semaphore(%run_scoped3A : memref<!tpu.dma_semaphore, #tpu.memory_space<semaphore_mem>>) src(%arg7 : memref<128x128xf32, #tpu.memory_space<vmem>>) dst(%dma_wait3A_56 : memref<128x128xf32, #tpu.memory_space<vmem_shared>>)
      tpu.yield
    }) : () -> ()
    %add3A_2 = arith.constant 128 : i32
    %add3A_3 = arith.addi %mul3A_0, %add3A_2 : i32
    "tpu.region"() ({
      %run_scoped3A = tpu.sem_alloc : memref<!tpu.dma_semaphore, #tpu.memory_space<semaphore_mem>>
      %dma_start3A = arith.constant 0 : i32
      %dma_start3A_51 = tpu.memref_slice %arg8[%add3A_3, %dma_start3A] : memref<10240x128xf32, #tpu.memory_space<vmem_shared>> -> memref<128x128xf32, #tpu.memory_space<vmem_shared>>
      %dma_start3A_52 = arith.constant 0 : i32
      %dma_start3A_53 = tpu.memref_slice %arg8[%add3A_3, %dma_start3A_52] : memref<10240x128xf32, #tpu.memory_space<vmem_shared>> -> memref<128x128xf32, #tpu.memory_space<vmem_shared>>
      tpu.enqueue_dma source(%arg7 : memref<128x128xf32, #tpu.memory_space<vmem>>) target(%dma_start3A_53 : memref<128x128xf32, #tpu.memory_space<vmem_shared>>) target_semaphore(%run_scoped3A : memref<!tpu.dma_semaphore, #tpu.memory_space<semaphore_mem>>)
      %dma_wait3A = arith.constant 0 : i32
      %dma_wait3A_54 = tpu.memref_slice %arg8[%add3A_3, %dma_wait3A] : memref<10240x128xf32, #tpu.memory_space<vmem_shared>> -> memref<128x128xf32, #tpu.memory_space<vmem_shared>>
      %dma_wait3A_55 = arith.constant 0 : i32
      %dma_wait3A_56 = tpu.memref_slice %arg8[%add3A_3, %dma_wait3A_55] : memref<10240x128xf32, #tpu.memory_space<vmem_shared>> -> memref<128x128xf32, #tpu.memory_space<vmem_shared>>
      tpu.wait_dma2 semaphore(%run_scoped3A : memref<!tpu.dma_semaphore, #tpu.memory_space<semaphore_mem>>) src(%arg7 : memref<128x128xf32, #tpu.memory_space<vmem>>) dst(%dma_wait3A_56 : memref<128x128xf32, #tpu.memory_space<vmem_shared>>)
      tpu.yield
    }) : () -> ()
    %add3A_4 = arith.constant 256 : i32
    %add3A_5 = arith.addi %mul3A_0, %add3A_4 : i32
    "tpu.region"() ({
      %run_scoped3A = tpu.sem_alloc : memref<!tpu.dma_semaphore, #tpu.memory_space<semaphore_mem>>
      %dma_start3A = arith.constant 0 : i32
      %dma_start3A_51 = tpu.memref_slice %arg8[%add3A_5, %dma_start3A] : memref<10240x128xf32, #tpu.memory_space<vmem_shared>> -> memref<128x128xf32, #tpu.memory_space<vmem_shared>>
      %dma_start3A_52 = arith.constant 0 : i32
      %dma_start3A_53 = tpu.memref_slice %arg8[%add3A_5, %dma_start3A_52] : memref<10240x128xf32, #tpu.memory_space<vmem_shared>> -> memref<128x128xf32, #tpu.memory_space<vmem_shared>>
      tpu.enqueue_dma source(%arg7 : memref<128x128xf32, #tpu.memory_space<vmem>>) target(%dma_start3A_53 : memref<128x128xf32, #tpu.memory_space<vmem_shared>>) target_semaphore(%run_scoped3A : memref<!tpu.dma_semaphore, #tpu.memory_space<semaphore_mem>>)
      %dma_wait3A = arith.constant 0 : i32
      %dma_wait3A_54 = tpu.memref_slice %arg8[%add3A_5, %dma_wait3A] : memref<10240x128xf32, #tpu.memory_space<vmem_shared>> -> memref<128x128xf32, #tpu.memory_space<vmem_shared>>
      %dma_wait3A_55 = arith.constant 0 : i32
      %dma_wait3A_56 = tpu.memref_slice %arg8[%add3A_5, %dma_wait3A_55] : memref<10240x128xf32, #tpu.memory_space<vmem_shared>> -> memref<128x128xf32, #tpu.memory_space<vmem_shared>>
      tpu.wait_dma2 semaphore(%run_scoped3A : memref<!tpu.dma_semaphore, #tpu.memory_space<semaphore_mem>>) src(%arg7 : memref<128x128xf32, #tpu.memory_space<vmem>>) dst(%dma_wait3A_56 : memref<128x128xf32, #tpu.memory_space<vmem_shared>>)
      tpu.yield
    }) : () -> ()
    %add3A_6 = arith.constant 384 : i32
    %add3A_7 = arith.addi %mul3A_0, %add3A_6 : i32
    "tpu.region"() ({
      %run_scoped3A = tpu.sem_alloc : memref<!tpu.dma_semaphore, #tpu.memory_space<semaphore_mem>>
      %dma_start3A = arith.constant 0 : i32
      %dma_start3A_51 = tpu.memref_slice %arg8[%add3A_7, %dma_start3A] : memref<10240x128xf32, #tpu.memory_space<vmem_shared>> -> memref<128x128xf32, #tpu.memory_space<vmem_shared>>
      %dma_start3A_52 = arith.constant 0 : i32
      %dma_start3A_53 = tpu.memref_slice %arg8[%add3A_7, %dma_start3A_52] : memref<10240x128xf32, #tpu.memory_space<vmem_shared>> -> memref<128x128xf32, #tpu.memory_space<vmem_shared>>
      tpu.enqueue_dma source(%arg7 : memref<128x128xf32, #tpu.memory_space<vmem>>) target(%dma_start3A_53 : memref<128x128xf32, #tpu.memory_space<vmem_shared>>) target_semaphore(%run_scoped3A : memref<!tpu.dma_semaphore, #tpu.memory_space<semaphore_mem>>)
      %dma_wait3A = arith.constant 0 : i32
      %dma_wait3A_54 = tpu.memref_slice %arg8[%add3A_7, %dma_wait3A] : memref<10240x128xf32, #tpu.memory_space<vmem_shared>> -> memref<128x128xf32, #tpu.memory_space<vmem_shared>>
      %dma_wait3A_55 = arith.constant 0 : i32
      %dma_wait3A_56 = tpu.memref_slice %arg8[%add3A_7, %dma_wait3A_55] : memref<10240x128xf32, #tpu.memory_space<vmem_shared>> -> memref<128x128xf32, #tpu.memory_space<vmem_shared>>
      tpu.wait_dma2 semaphore(%run_scoped3A : memref<!tpu.dma_semaphore, #tpu.memory_space<semaphore_mem>>) src(%arg7 : memref<128x128xf32, #tpu.memory_space<vmem>>) dst(%dma_wait3A_56 : memref<128x128xf32, #tpu.memory_space<vmem_shared>>)
      tpu.yield
    }) : () -> ()
    %add3A_8 = arith.constant 512 : i32
    %add3A_9 = arith.addi %mul3A_0, %add3A_8 : i32
    "tpu.region"() ({
      %run_scoped3A = tpu.sem_alloc : memref<!tpu.dma_semaphore, #tpu.memory_space<semaphore_mem>>
      %dma_start3A = arith.constant 0 : i32
      %dma_start3A_51 = tpu.memref_slice %arg8[%add3A_9, %dma_start3A] : memref<10240x128xf32, #tpu.memory_space<vmem_shared>> -> memref<128x128xf32, #tpu.memory_space<vmem_shared>>
      %dma_start3A_52 = arith.constant 0 : i32
      %dma_start3A_53 = tpu.memref_slice %arg8[%add3A_9, %dma_start3A_52] : memref<10240x128xf32, #tpu.memory_space<vmem_shared>> -> memref<128x128xf32, #tpu.memory_space<vmem_shared>>
      tpu.enqueue_dma source(%arg7 : memref<128x128xf32, #tpu.memory_space<vmem>>) target(%dma_start3A_53 : memref<128x128xf32, #tpu.memory_space<vmem_shared>>) target_semaphore(%run_scoped3A : memref<!tpu.dma_semaphore, #tpu.memory_space<semaphore_mem>>)
      %dma_wait3A = arith.constant 0 : i32
      %dma_wait3A_54 = tpu.memref_slice %arg8[%add3A_9, %dma_wait3A] : memref<10240x128xf32, #tpu.memory_space<vmem_shared>> -> memref<128x128xf32, #tpu.memory_space<vmem_shared>>
      %dma_wait3A_55 = arith.constant 0 : i32
      %dma_wait3A_56 = tpu.memref_slice %arg8[%add3A_9, %dma_wait3A_55] : memref<10240x128xf32, #tpu.memory_space<vmem_shared>> -> memref<128x128xf32, #tpu.memory_space<vmem_shared>>
      tpu.wait_dma2 semaphore(%run_scoped3A : memref<!tpu.dma_semaphore, #tpu.memory_space<semaphore_mem>>) src(%arg7 : memref<128x128xf32, #tpu.memory_space<vmem>>) dst(%dma_wait3A_56 : memref<128x128xf32, #tpu.memory_space<vmem_shared>>)
      tpu.yield
    }) : () -> ()
    %barrier3A = arith.constant 0 : index
    tpu.barrier barrier_id(%barrier3A)
    %lt3A = arith.constant 1 : i32
    %lt3A_10 = arith.cmpi slt, %arg1, %lt3A : i32
    %jit3A = arith.constant 1 : i32
    %jit3A_11 = arith.constant 0 : i32
    %select_n3A = arith.select %lt3A_10, %jit3A, %jit3A_11 : i32
    %add3A_12 = arith.constant 39 : i32
    %add3A_13 = arith.addi %add3A_12, %select_n3A : i32
    %while3A = arith.constant 0 : i32
    %while3A_14 = arith.constant 0 : i32
    %while3A_15 = arith.subi %add3A_13, %while3A : i32
    %while3A_16 = arith.addi %while3A, %while3A_15 : i32
    %while3A_17 = arith.constant 1 : i32
    %while3A_18 = arith.divsi %while3A_15, %while3A_17 : i32
    %while3A_19 = arith.muli %while3A_18, %while3A_17 : i32
    %while3A_20 = arith.addi %while3A, %while3A_19 : i32
    %while3A_21 = arith.constant 1 : i32
    %while3A_22 = scf.for %while3A_51 = %while3A to %while3A_20 step %while3A_21 iter_args(%while3A_52 = %while3A_14) -> (i32)  : i32 {
      %mul3A_53 = arith.constant 16 : i32
      %mul3A_54 = arith.muli %while3A_51, %mul3A_53 : i32
      %add3A_55 = arith.addi %arg1, %mul3A_54 : i32
      %mul3A_56 = arith.constant 128 : i32
      %mul3A_57 = arith.muli %add3A_55, %mul3A_56 : i32
      "tpu.region"() ({
        %run_scoped3A = tpu.sem_alloc : memref<!tpu.dma_semaphore, #tpu.memory_space<semaphore_mem>>
        %dma_start3A = tpu.memref_slice %arg3[%mul3A_57] : memref<80000xi32, #tpu.memory_space<hbm>> -> memref<128xi32, #tpu.memory_space<hbm>>
        %dma_start3A_62 = tpu.memref_slice %arg3[%mul3A_57] : memref<80000xi32, #tpu.memory_space<hbm>> -> memref<128xi32, #tpu.memory_space<hbm>>
        tpu.enqueue_dma source(%dma_start3A_62 : memref<128xi32, #tpu.memory_space<hbm>>) target(%arg6 : memref<128xi32, #tpu.memory_space<vmem>>) target_semaphore(%run_scoped3A : memref<!tpu.dma_semaphore, #tpu.memory_space<semaphore_mem>>)
        %dma_wait3A = tpu.memref_slice %arg3[%mul3A_57] : memref<80000xi32, #tpu.memory_space<hbm>> -> memref<128xi32, #tpu.memory_space<hbm>>
        %dma_wait3A_63 = tpu.memref_slice %arg3[%mul3A_57] : memref<80000xi32, #tpu.memory_space<hbm>> -> memref<128xi32, #tpu.memory_space<hbm>>
        tpu.wait_dma2 semaphore(%run_scoped3A : memref<!tpu.dma_semaphore, #tpu.memory_space<semaphore_mem>>) src(%dma_wait3A_63 : memref<128xi32, #tpu.memory_space<hbm>>) dst(%arg6 : memref<128xi32, #tpu.memory_space<vmem>>)
        tpu.yield
      }) : () -> ()
      %mul3A_58 = arith.constant 80000 : i32
      %mul3A_59 = arith.muli %arg0, %mul3A_58 : i32
      %add3A_60 = arith.addi %mul3A_59, %mul3A_57 : i32
      "tpu.region"() ({
        %run_scoped3A = tpu.sem_alloc : memref<!tpu.dma_semaphore, #tpu.memory_space<semaphore_mem>>
        %dma_start3A = arith.constant 0 : i32
        %dma_start3A_62 = tpu.memref_slice %arg2[%add3A_60, %dma_start3A] : memref<160000x128xf32, #tpu.memory_space<hbm>> -> memref<128x128xf32, #tpu.memory_space<hbm>>
        %dma_start3A_63 = arith.constant 0 : i32
        %dma_start3A_64 = tpu.memref_slice %arg2[%add3A_60, %dma_start3A_63] : memref<160000x128xf32, #tpu.memory_space<hbm>> -> memref<128x128xf32, #tpu.memory_space<hbm>>
        tpu.enqueue_dma source(%dma_start3A_64 : memref<128x128xf32, #tpu.memory_space<hbm>>) target(%arg7 : memref<128x128xf32, #tpu.memory_space<vmem>>) target_semaphore(%run_scoped3A : memref<!tpu.dma_semaphore, #tpu.memory_space<semaphore_mem>>)
        %dma_wait3A = arith.constant 0 : i32
        %dma_wait3A_65 = tpu.memref_slice %arg2[%add3A_60, %dma_wait3A] : memref<160000x128xf32, #tpu.memory_space<hbm>> -> memref<128x128xf32, #tpu.memory_space<hbm>>
        %dma_wait3A_66 = arith.constant 0 : i32
        %dma_wait3A_67 = tpu.memref_slice %arg2[%add3A_60, %dma_wait3A_66] : memref<160000x128xf32, #tpu.memory_space<hbm>> -> memref<128x128xf32, #tpu.memory_space<hbm>>
        tpu.wait_dma2 semaphore(%run_scoped3A : memref<!tpu.dma_semaphore, #tpu.memory_space<semaphore_mem>>) src(%dma_wait3A_67 : memref<128x128xf32, #tpu.memory_space<hbm>>) dst(%arg7 : memref<128x128xf32, #tpu.memory_space<vmem>>)
        tpu.yield
      }) : () -> ()
      "tpu.region"() ({
        %run_scoped3A = tpu.sem_alloc : memref<!tpu.dma_semaphore, #tpu.memory_space<semaphore_mem>>
        %dma_start3A = arith.constant 0 : i32
        %dma_start3A_62 = arith.constant 0 : i32
        %dma_start3A_63 = tpu.memref_slice %arg8[%dma_start3A, %dma_start3A_62] : memref<10240x128xf32, #tpu.memory_space<vmem_shared>> -> memref<10240x128xf32, #tpu.memory_space<vmem_shared>>
        tpu.enqueue_indirect_dma source(%arg7 : memref<128x128xf32, #tpu.memory_space<vmem>>) target(%dma_start3A_63 : memref<10240x128xf32, #tpu.memory_space<vmem_shared>>) offsets(%arg6 : memref<128xi32, #tpu.memory_space<vmem>>) semaphore(%run_scoped3A : memref<!tpu.dma_semaphore, #tpu.memory_space<semaphore_mem>>) {add = true}
        %dma_wait3A = arith.constant 0 : i32
        %dma_wait3A_64 = arith.constant 0 : i32
        %dma_wait3A_65 = tpu.memref_slice %arg8[%dma_wait3A, %dma_wait3A_64] : memref<10240x128xf32, #tpu.memory_space<vmem_shared>> -> memref<10240x128xf32, #tpu.memory_space<vmem_shared>>
        tpu.wait_indirect_dma semaphore(%run_scoped3A : memref<!tpu.dma_semaphore, #tpu.memory_space<semaphore_mem>>) src(%arg7 : memref<128x128xf32, #tpu.memory_space<vmem>>) dst(%dma_wait3A_65 : memref<10240x128xf32, #tpu.memory_space<vmem_shared>>)
        tpu.yield
      }) : () -> ()
      %while3A_61 = arith.constant 0 : i32
      scf.yield %while3A_61 : i32
    }
    %while3A_23 = arith.constant 1 : i32
    %while3A_24 = scf.for %while3A_51 = %while3A_20 to %while3A_16 step %while3A_23 iter_args(%while3A_52 = %while3A_22) -> (i32)  : i32 {
      %mul3A_53 = arith.constant 16 : i32
      %mul3A_54 = arith.muli %while3A_51, %mul3A_53 : i32
      %add3A_55 = arith.addi %arg1, %mul3A_54 : i32
      %mul3A_56 = arith.constant 128 : i32
      %mul3A_57 = arith.muli %add3A_55, %mul3A_56 : i32
      "tpu.region"() ({
        %run_scoped3A = tpu.sem_alloc : memref<!tpu.dma_semaphore, #tpu.memory_space<semaphore_mem>>
        %dma_start3A = tpu.memref_slice %arg3[%mul3A_57] : memref<80000xi32, #tpu.memory_space<hbm>> -> memref<128xi32, #tpu.memory_space<hbm>>
        %dma_start3A_62 = tpu.memref_slice %arg3[%mul3A_57] : memref<80000xi32, #tpu.memory_space<hbm>> -> memref<128xi32, #tpu.memory_space<hbm>>
        tpu.enqueue_dma source(%dma_start3A_62 : memref<128xi32, #tpu.memory_space<hbm>>) target(%arg6 : memref<128xi32, #tpu.memory_space<vmem>>) target_semaphore(%run_scoped3A : memref<!tpu.dma_semaphore, #tpu.memory_space<semaphore_mem>>)
        %dma_wait3A = tpu.memref_slice %arg3[%mul3A_57] : memref<80000xi32, #tpu.memory_space<hbm>> -> memref<128xi32, #tpu.memory_space<hbm>>
        %dma_wait3A_63 = tpu.memref_slice %arg3[%mul3A_57] : memref<80000xi32, #tpu.memory_space<hbm>> -> memref<128xi32, #tpu.memory_space<hbm>>
        tpu.wait_dma2 semaphore(%run_scoped3A : memref<!tpu.dma_semaphore, #tpu.memory_space<semaphore_mem>>) src(%dma_wait3A_63 : memref<128xi32, #tpu.memory_space<hbm>>) dst(%arg6 : memref<128xi32, #tpu.memory_space<vmem>>)
        tpu.yield
      }) : () -> ()
      %mul3A_58 = arith.constant 80000 : i32
      %mul3A_59 = arith.muli %arg0, %mul3A_58 : i32
      %add3A_60 = arith.addi %mul3A_59, %mul3A_57 : i32
      "tpu.region"() ({
        %run_scoped3A = tpu.sem_alloc : memref<!tpu.dma_semaphore, #tpu.memory_space<semaphore_mem>>
        %dma_start3A = arith.constant 0 : i32
        %dma_start3A_62 = tpu.memref_slice %arg2[%add3A_60, %dma_start3A] : memref<160000x128xf32, #tpu.memory_space<hbm>> -> memref<128x128xf32, #tpu.memory_space<hbm>>
        %dma_start3A_63 = arith.constant 0 : i32
        %dma_start3A_64 = tpu.memref_slice %arg2[%add3A_60, %dma_start3A_63] : memref<160000x128xf32, #tpu.memory_space<hbm>> -> memref<128x128xf32, #tpu.memory_space<hbm>>
        tpu.enqueue_dma source(%dma_start3A_64 : memref<128x128xf32, #tpu.memory_space<hbm>>) target(%arg7 : memref<128x128xf32, #tpu.memory_space<vmem>>) target_semaphore(%run_scoped3A : memref<!tpu.dma_semaphore, #tpu.memory_space<semaphore_mem>>)
        %dma_wait3A = arith.constant 0 : i32
        %dma_wait3A_65 = tpu.memref_slice %arg2[%add3A_60, %dma_wait3A] : memref<160000x128xf32, #tpu.memory_space<hbm>> -> memref<128x128xf32, #tpu.memory_space<hbm>>
        %dma_wait3A_66 = arith.constant 0 : i32
        %dma_wait3A_67 = tpu.memref_slice %arg2[%add3A_60, %dma_wait3A_66] : memref<160000x128xf32, #tpu.memory_space<hbm>> -> memref<128x128xf32, #tpu.memory_space<hbm>>
        tpu.wait_dma2 semaphore(%run_scoped3A : memref<!tpu.dma_semaphore, #tpu.memory_space<semaphore_mem>>) src(%dma_wait3A_67 : memref<128x128xf32, #tpu.memory_space<hbm>>) dst(%arg7 : memref<128x128xf32, #tpu.memory_space<vmem>>)
        tpu.yield
      }) : () -> ()
      "tpu.region"() ({
        %run_scoped3A = tpu.sem_alloc : memref<!tpu.dma_semaphore, #tpu.memory_space<semaphore_mem>>
        %dma_start3A = arith.constant 0 : i32
        %dma_start3A_62 = arith.constant 0 : i32
        %dma_start3A_63 = tpu.memref_slice %arg8[%dma_start3A, %dma_start3A_62] : memref<10240x128xf32, #tpu.memory_space<vmem_shared>> -> memref<10240x128xf32, #tpu.memory_space<vmem_shared>>
        tpu.enqueue_indirect_dma source(%arg7 : memref<128x128xf32, #tpu.memory_space<vmem>>) target(%dma_start3A_63 : memref<10240x128xf32, #tpu.memory_space<vmem_shared>>) offsets(%arg6 : memref<128xi32, #tpu.memory_space<vmem>>) semaphore(%run_scoped3A : memref<!tpu.dma_semaphore, #tpu.memory_space<semaphore_mem>>) {add = true}
        %dma_wait3A = arith.constant 0 : i32
        %dma_wait3A_64 = arith.constant 0 : i32
        %dma_wait3A_65 = tpu.memref_slice %arg8[%dma_wait3A, %dma_wait3A_64] : memref<10240x128xf32, #tpu.memory_space<vmem_shared>> -> memref<10240x128xf32, #tpu.memory_space<vmem_shared>>
        tpu.wait_indirect_dma semaphore(%run_scoped3A : memref<!tpu.dma_semaphore, #tpu.memory_space<semaphore_mem>>) src(%arg7 : memref<128x128xf32, #tpu.memory_space<vmem>>) dst(%dma_wait3A_65 : memref<10240x128xf32, #tpu.memory_space<vmem_shared>>)
        tpu.yield
      }) : () -> ()
      %while3A_61 = arith.constant 0 : i32
      scf.yield %while3A_61 : i32
    }
    %barrier3A_25 = arith.constant 0 : index
    tpu.barrier barrier_id(%barrier3A_25)
    %add3A_26 = arith.constant 0 : i32
    %add3A_27 = arith.addi %mul3A_0, %add3A_26 : i32
    "tpu.region"() ({
      %run_scoped3A = tpu.sem_alloc : memref<!tpu.dma_semaphore, #tpu.memory_space<semaphore_mem>>
      %dma_start3A = arith.constant 0 : i32
      %dma_start3A_51 = tpu.memref_slice %arg8[%add3A_27, %dma_start3A] : memref<10240x128xf32, #tpu.memory_space<vmem_shared>> -> memref<128x128xf32, #tpu.memory_space<vmem_shared>>
      %dma_start3A_52 = arith.constant 0 : i32
      %dma_start3A_53 = tpu.memref_slice %arg8[%add3A_27, %dma_start3A_52] : memref<10240x128xf32, #tpu.memory_space<vmem_shared>> -> memref<128x128xf32, #tpu.memory_space<vmem_shared>>
      tpu.enqueue_dma source(%dma_start3A_53 : memref<128x128xf32, #tpu.memory_space<vmem_shared>>) target(%arg7 : memref<128x128xf32, #tpu.memory_space<vmem>>) target_semaphore(%run_scoped3A : memref<!tpu.dma_semaphore, #tpu.memory_space<semaphore_mem>>)
      %dma_wait3A = arith.constant 0 : i32
      %dma_wait3A_54 = tpu.memref_slice %arg8[%add3A_27, %dma_wait3A] : memref<10240x128xf32, #tpu.memory_space<vmem_shared>> -> memref<128x128xf32, #tpu.memory_space<vmem_shared>>
      %dma_wait3A_55 = arith.constant 0 : i32
      %dma_wait3A_56 = tpu.memref_slice %arg8[%add3A_27, %dma_wait3A_55] : memref<10240x128xf32, #tpu.memory_space<vmem_shared>> -> memref<128x128xf32, #tpu.memory_space<vmem_shared>>
      tpu.wait_dma2 semaphore(%run_scoped3A : memref<!tpu.dma_semaphore, #tpu.memory_space<semaphore_mem>>) src(%dma_wait3A_56 : memref<128x128xf32, #tpu.memory_space<vmem_shared>>) dst(%arg7 : memref<128x128xf32, #tpu.memory_space<vmem>>)
      tpu.yield
    }) : () -> ()
    %mul3A_28 = arith.constant 10240 : i32
    %mul3A_29 = arith.muli %arg0, %mul3A_28 : i32
    %add3A_30 = arith.addi %mul3A_29, %add3A_27 : i32
    "tpu.region"() ({
      %run_scoped3A = tpu.sem_alloc : memref<!tpu.dma_semaphore, #tpu.memory_space<semaphore_mem>>
      %dma_start3A = arith.constant 0 : i32
      %dma_start3A_51 = tpu.memref_slice %arg5[%add3A_30, %dma_start3A] : memref<20480x128xf32, #tpu.memory_space<hbm>> -> memref<128x128xf32, #tpu.memory_space<hbm>>
      %dma_start3A_52 = arith.constant 0 : i32
      %dma_start3A_53 = tpu.memref_slice %arg5[%add3A_30, %dma_start3A_52] : memref<20480x128xf32, #tpu.memory_space<hbm>> -> memref<128x128xf32, #tpu.memory_space<hbm>>
      tpu.enqueue_dma source(%arg7 : memref<128x128xf32, #tpu.memory_space<vmem>>) target(%dma_start3A_53 : memref<128x128xf32, #tpu.memory_space<hbm>>) target_semaphore(%run_scoped3A : memref<!tpu.dma_semaphore, #tpu.memory_space<semaphore_mem>>)
      %dma_wait3A = arith.constant 0 : i32
      %dma_wait3A_54 = tpu.memref_slice %arg5[%add3A_30, %dma_wait3A] : memref<20480x128xf32, #tpu.memory_space<hbm>> -> memref<128x128xf32, #tpu.memory_space<hbm>>
      %dma_wait3A_55 = arith.constant 0 : i32
      %dma_wait3A_56 = tpu.memref_slice %arg5[%add3A_30, %dma_wait3A_55] : memref<20480x128xf32, #tpu.memory_space<hbm>> -> memref<128x128xf32, #tpu.memory_space<hbm>>
      tpu.wait_dma2 semaphore(%run_scoped3A : memref<!tpu.dma_semaphore, #tpu.memory_space<semaphore_mem>>) src(%arg7 : memref<128x128xf32, #tpu.memory_space<vmem>>) dst(%dma_wait3A_56 : memref<128x128xf32, #tpu.memory_space<hbm>>)
      tpu.yield
    }) : () -> ()
    %add3A_31 = arith.constant 128 : i32
    %add3A_32 = arith.addi %mul3A_0, %add3A_31 : i32
    "tpu.region"() ({
      %run_scoped3A = tpu.sem_alloc : memref<!tpu.dma_semaphore, #tpu.memory_space<semaphore_mem>>
      %dma_start3A = arith.constant 0 : i32
      %dma_start3A_51 = tpu.memref_slice %arg8[%add3A_32, %dma_start3A] : memref<10240x128xf32, #tpu.memory_space<vmem_shared>> -> memref<128x128xf32, #tpu.memory_space<vmem_shared>>
      %dma_start3A_52 = arith.constant 0 : i32
      %dma_start3A_53 = tpu.memref_slice %arg8[%add3A_32, %dma_start3A_52] : memref<10240x128xf32, #tpu.memory_space<vmem_shared>> -> memref<128x128xf32, #tpu.memory_space<vmem_shared>>
      tpu.enqueue_dma source(%dma_start3A_53 : memref<128x128xf32, #tpu.memory_space<vmem_shared>>) target(%arg7 : memref<128x128xf32, #tpu.memory_space<vmem>>) target_semaphore(%run_scoped3A : memref<!tpu.dma_semaphore, #tpu.memory_space<semaphore_mem>>)
      %dma_wait3A = arith.constant 0 : i32
      %dma_wait3A_54 = tpu.memref_slice %arg8[%add3A_32, %dma_wait3A] : memref<10240x128xf32, #tpu.memory_space<vmem_shared>> -> memref<128x128xf32, #tpu.memory_space<vmem_shared>>
      %dma_wait3A_55 = arith.constant 0 : i32
      %dma_wait3A_56 = tpu.memref_slice %arg8[%add3A_32, %dma_wait3A_55] : memref<10240x128xf32, #tpu.memory_space<vmem_shared>> -> memref<128x128xf32, #tpu.memory_space<vmem_shared>>
      tpu.wait_dma2 semaphore(%run_scoped3A : memref<!tpu.dma_semaphore, #tpu.memory_space<semaphore_mem>>) src(%dma_wait3A_56 : memref<128x128xf32, #tpu.memory_space<vmem_shared>>) dst(%arg7 : memref<128x128xf32, #tpu.memory_space<vmem>>)
      tpu.yield
    }) : () -> ()
    %mul3A_33 = arith.constant 10240 : i32
    %mul3A_34 = arith.muli %arg0, %mul3A_33 : i32
    %add3A_35 = arith.addi %mul3A_34, %add3A_32 : i32
    "tpu.region"() ({
      %run_scoped3A = tpu.sem_alloc : memref<!tpu.dma_semaphore, #tpu.memory_space<semaphore_mem>>
      %dma_start3A = arith.constant 0 : i32
      %dma_start3A_51 = tpu.memref_slice %arg5[%add3A_35, %dma_start3A] : memref<20480x128xf32, #tpu.memory_space<hbm>> -> memref<128x128xf32, #tpu.memory_space<hbm>>
      %dma_start3A_52 = arith.constant 0 : i32
      %dma_start3A_53 = tpu.memref_slice %arg5[%add3A_35, %dma_start3A_52] : memref<20480x128xf32, #tpu.memory_space<hbm>> -> memref<128x128xf32, #tpu.memory_space<hbm>>
      tpu.enqueue_dma source(%arg7 : memref<128x128xf32, #tpu.memory_space<vmem>>) target(%dma_start3A_53 : memref<128x128xf32, #tpu.memory_space<hbm>>) target_semaphore(%run_scoped3A : memref<!tpu.dma_semaphore, #tpu.memory_space<semaphore_mem>>)
      %dma_wait3A = arith.constant 0 : i32
      %dma_wait3A_54 = tpu.memref_slice %arg5[%add3A_35, %dma_wait3A] : memref<20480x128xf32, #tpu.memory_space<hbm>> -> memref<128x128xf32, #tpu.memory_space<hbm>>
      %dma_wait3A_55 = arith.constant 0 : i32
      %dma_wait3A_56 = tpu.memref_slice %arg5[%add3A_35, %dma_wait3A_55] : memref<20480x128xf32, #tpu.memory_space<hbm>> -> memref<128x128xf32, #tpu.memory_space<hbm>>
      tpu.wait_dma2 semaphore(%run_scoped3A : memref<!tpu.dma_semaphore, #tpu.memory_space<semaphore_mem>>) src(%arg7 : memref<128x128xf32, #tpu.memory_space<vmem>>) dst(%dma_wait3A_56 : memref<128x128xf32, #tpu.memory_space<hbm>>)
      tpu.yield
    }) : () -> ()
    %add3A_36 = arith.constant 256 : i32
    %add3A_37 = arith.addi %mul3A_0, %add3A_36 : i32
    "tpu.region"() ({
      %run_scoped3A = tpu.sem_alloc : memref<!tpu.dma_semaphore, #tpu.memory_space<semaphore_mem>>
      %dma_start3A = arith.constant 0 : i32
      %dma_start3A_51 = tpu.memref_slice %arg8[%add3A_37, %dma_start3A] : memref<10240x128xf32, #tpu.memory_space<vmem_shared>> -> memref<128x128xf32, #tpu.memory_space<vmem_shared>>
      %dma_start3A_52 = arith.constant 0 : i32
      %dma_start3A_53 = tpu.memref_slice %arg8[%add3A_37, %dma_start3A_52] : memref<10240x128xf32, #tpu.memory_space<vmem_shared>> -> memref<128x128xf32, #tpu.memory_space<vmem_shared>>
      tpu.enqueue_dma source(%dma_start3A_53 : memref<128x128xf32, #tpu.memory_space<vmem_shared>>) target(%arg7 : memref<128x128xf32, #tpu.memory_space<vmem>>) target_semaphore(%run_scoped3A : memref<!tpu.dma_semaphore, #tpu.memory_space<semaphore_mem>>)
      %dma_wait3A = arith.constant 0 : i32
      %dma_wait3A_54 = tpu.memref_slice %arg8[%add3A_37, %dma_wait3A] : memref<10240x128xf32, #tpu.memory_space<vmem_shared>> -> memref<128x128xf32, #tpu.memory_space<vmem_shared>>
      %dma_wait3A_55 = arith.constant 0 : i32
      %dma_wait3A_56 = tpu.memref_slice %arg8[%add3A_37, %dma_wait3A_55] : memref<10240x128xf32, #tpu.memory_space<vmem_shared>> -> memref<128x128xf32, #tpu.memory_space<vmem_shared>>
      tpu.wait_dma2 semaphore(%run_scoped3A : memref<!tpu.dma_semaphore, #tpu.memory_space<semaphore_mem>>) src(%dma_wait3A_56 : memref<128x128xf32, #tpu.memory_space<vmem_shared>>) dst(%arg7 : memref<128x128xf32, #tpu.memory_space<vmem>>)
      tpu.yield
    }) : () -> ()
    %mul3A_38 = arith.constant 10240 : i32
    %mul3A_39 = arith.muli %arg0, %mul3A_38 : i32
    %add3A_40 = arith.addi %mul3A_39, %add3A_37 : i32
    "tpu.region"() ({
      %run_scoped3A = tpu.sem_alloc : memref<!tpu.dma_semaphore, #tpu.memory_space<semaphore_mem>>
      %dma_start3A = arith.constant 0 : i32
      %dma_start3A_51 = tpu.memref_slice %arg5[%add3A_40, %dma_start3A] : memref<20480x128xf32, #tpu.memory_space<hbm>> -> memref<128x128xf32, #tpu.memory_space<hbm>>
      %dma_start3A_52 = arith.constant 0 : i32
      %dma_start3A_53 = tpu.memref_slice %arg5[%add3A_40, %dma_start3A_52] : memref<20480x128xf32, #tpu.memory_space<hbm>> -> memref<128x128xf32, #tpu.memory_space<hbm>>
      tpu.enqueue_dma source(%arg7 : memref<128x128xf32, #tpu.memory_space<vmem>>) target(%dma_start3A_53 : memref<128x128xf32, #tpu.memory_space<hbm>>) target_semaphore(%run_scoped3A : memref<!tpu.dma_semaphore, #tpu.memory_space<semaphore_mem>>)
      %dma_wait3A = arith.constant 0 : i32
      %dma_wait3A_54 = tpu.memref_slice %arg5[%add3A_40, %dma_wait3A] : memref<20480x128xf32, #tpu.memory_space<hbm>> -> memref<128x128xf32, #tpu.memory_space<hbm>>
      %dma_wait3A_55 = arith.constant 0 : i32
      %dma_wait3A_56 = tpu.memref_slice %arg5[%add3A_40, %dma_wait3A_55] : memref<20480x128xf32, #tpu.memory_space<hbm>> -> memref<128x128xf32, #tpu.memory_space<hbm>>
      tpu.wait_dma2 semaphore(%run_scoped3A : memref<!tpu.dma_semaphore, #tpu.memory_space<semaphore_mem>>) src(%arg7 : memref<128x128xf32, #tpu.memory_space<vmem>>) dst(%dma_wait3A_56 : memref<128x128xf32, #tpu.memory_space<hbm>>)
      tpu.yield
    }) : () -> ()
    %add3A_41 = arith.constant 384 : i32
    %add3A_42 = arith.addi %mul3A_0, %add3A_41 : i32
    "tpu.region"() ({
      %run_scoped3A = tpu.sem_alloc : memref<!tpu.dma_semaphore, #tpu.memory_space<semaphore_mem>>
      %dma_start3A = arith.constant 0 : i32
      %dma_start3A_51 = tpu.memref_slice %arg8[%add3A_42, %dma_start3A] : memref<10240x128xf32, #tpu.memory_space<vmem_shared>> -> memref<128x128xf32, #tpu.memory_space<vmem_shared>>
      %dma_start3A_52 = arith.constant 0 : i32
      %dma_start3A_53 = tpu.memref_slice %arg8[%add3A_42, %dma_start3A_52] : memref<10240x128xf32, #tpu.memory_space<vmem_shared>> -> memref<128x128xf32, #tpu.memory_space<vmem_shared>>
      tpu.enqueue_dma source(%dma_start3A_53 : memref<128x128xf32, #tpu.memory_space<vmem_shared>>) target(%arg7 : memref<128x128xf32, #tpu.memory_space<vmem>>) target_semaphore(%run_scoped3A : memref<!tpu.dma_semaphore, #tpu.memory_space<semaphore_mem>>)
      %dma_wait3A = arith.constant 0 : i32
      %dma_wait3A_54 = tpu.memref_slice %arg8[%add3A_42, %dma_wait3A] : memref<10240x128xf32, #tpu.memory_space<vmem_shared>> -> memref<128x128xf32, #tpu.memory_space<vmem_shared>>
      %dma_wait3A_55 = arith.constant 0 : i32
      %dma_wait3A_56 = tpu.memref_slice %arg8[%add3A_42, %dma_wait3A_55] : memref<10240x128xf32, #tpu.memory_space<vmem_shared>> -> memref<128x128xf32, #tpu.memory_space<vmem_shared>>
      tpu.wait_dma2 semaphore(%run_scoped3A : memref<!tpu.dma_semaphore, #tpu.memory_space<semaphore_mem>>) src(%dma_wait3A_56 : memref<128x128xf32, #tpu.memory_space<vmem_shared>>) dst(%arg7 : memref<128x128xf32, #tpu.memory_space<vmem>>)
      tpu.yield
    }) : () -> ()
    %mul3A_43 = arith.constant 10240 : i32
    %mul3A_44 = arith.muli %arg0, %mul3A_43 : i32
    %add3A_45 = arith.addi %mul3A_44, %add3A_42 : i32
    "tpu.region"() ({
      %run_scoped3A = tpu.sem_alloc : memref<!tpu.dma_semaphore, #tpu.memory_space<semaphore_mem>>
      %dma_start3A = arith.constant 0 : i32
      %dma_start3A_51 = tpu.memref_slice %arg5[%add3A_45, %dma_start3A] : memref<20480x128xf32, #tpu.memory_space<hbm>> -> memref<128x128xf32, #tpu.memory_space<hbm>>
      %dma_start3A_52 = arith.constant 0 : i32
      %dma_start3A_53 = tpu.memref_slice %arg5[%add3A_45, %dma_start3A_52] : memref<20480x128xf32, #tpu.memory_space<hbm>> -> memref<128x128xf32, #tpu.memory_space<hbm>>
      tpu.enqueue_dma source(%arg7 : memref<128x128xf32, #tpu.memory_space<vmem>>) target(%dma_start3A_53 : memref<128x128xf32, #tpu.memory_space<hbm>>) target_semaphore(%run_scoped3A : memref<!tpu.dma_semaphore, #tpu.memory_space<semaphore_mem>>)
      %dma_wait3A = arith.constant 0 : i32
      %dma_wait3A_54 = tpu.memref_slice %arg5[%add3A_45, %dma_wait3A] : memref<20480x128xf32, #tpu.memory_space<hbm>> -> memref<128x128xf32, #tpu.memory_space<hbm>>
      %dma_wait3A_55 = arith.constant 0 : i32
      %dma_wait3A_56 = tpu.memref_slice %arg5[%add3A_45, %dma_wait3A_55] : memref<20480x128xf32, #tpu.memory_space<hbm>> -> memref<128x128xf32, #tpu.memory_space<hbm>>
      tpu.wait_dma2 semaphore(%run_scoped3A : memref<!tpu.dma_semaphore, #tpu.memory_space<semaphore_mem>>) src(%arg7 : memref<128x128xf32, #tpu.memory_space<vmem>>) dst(%dma_wait3A_56 : memref<128x128xf32, #tpu.memory_space<hbm>>)
      tpu.yield
    }) : () -> ()
    %add3A_46 = arith.constant 512 : i32
    %add3A_47 = arith.addi %mul3A_0, %add3A_46 : i32
    "tpu.region"() ({
      %run_scoped3A = tpu.sem_alloc : memref<!tpu.dma_semaphore, #tpu.memory_space<semaphore_mem>>
      %dma_start3A = arith.constant 0 : i32
      %dma_start3A_51 = tpu.memref_slice %arg8[%add3A_47, %dma_start3A] : memref<10240x128xf32, #tpu.memory_space<vmem_shared>> -> memref<128x128xf32, #tpu.memory_space<vmem_shared>>
      %dma_start3A_52 = arith.constant 0 : i32
      %dma_start3A_53 = tpu.memref_slice %arg8[%add3A_47, %dma_start3A_52] : memref<10240x128xf32, #tpu.memory_space<vmem_shared>> -> memref<128x128xf32, #tpu.memory_space<vmem_shared>>
      tpu.enqueue_dma source(%dma_start3A_53 : memref<128x128xf32, #tpu.memory_space<vmem_shared>>) target(%arg7 : memref<128x128xf32, #tpu.memory_space<vmem>>) target_semaphore(%run_scoped3A : memref<!tpu.dma_semaphore, #tpu.memory_space<semaphore_mem>>)
      %dma_wait3A = arith.constant 0 : i32
      %dma_wait3A_54 = tpu.memref_slice %arg8[%add3A_47, %dma_wait3A] : memref<10240x128xf32, #tpu.memory_space<vmem_shared>> -> memref<128x128xf32, #tpu.memory_space<vmem_shared>>
      %dma_wait3A_55 = arith.constant 0 : i32
      %dma_wait3A_56 = tpu.memref_slice %arg8[%add3A_47, %dma_wait3A_55] : memref<10240x128xf32, #tpu.memory_space<vmem_shared>> -> memref<128x128xf32, #tpu.memory_space<vmem_shared>>
      tpu.wait_dma2 semaphore(%run_scoped3A : memref<!tpu.dma_semaphore, #tpu.memory_space<semaphore_mem>>) src(%dma_wait3A_56 : memref<128x128xf32, #tpu.memory_space<vmem_shared>>) dst(%arg7 : memref<128x128xf32, #tpu.memory_space<vmem>>)
      tpu.yield
    }) : () -> ()
    %mul3A_48 = arith.constant 10240 : i32
    %mul3A_49 = arith.muli %arg0, %mul3A_48 : i32
    %add3A_50 = arith.addi %mul3A_49, %add3A_47 : i32
    "tpu.region"() ({
      %run_scoped3A = tpu.sem_alloc : memref<!tpu.dma_semaphore, #tpu.memory_space<semaphore_mem>>
      %dma_start3A = arith.constant 0 : i32
      %dma_start3A_51 = tpu.memref_slice %arg5[%add3A_50, %dma_start3A] : memref<20480x128xf32, #tpu.memory_space<hbm>> -> memref<128x128xf32, #tpu.memory_space<hbm>>
      %dma_start3A_52 = arith.constant 0 : i32
      %dma_start3A_53 = tpu.memref_slice %arg5[%add3A_50, %dma_start3A_52] : memref<20480x128xf32, #tpu.memory_space<hbm>> -> memref<128x128xf32, #tpu.memory_space<hbm>>
      tpu.enqueue_dma source(%arg7 : memref<128x128xf32, #tpu.memory_space<vmem>>) target(%dma_start3A_53 : memref<128x128xf32, #tpu.memory_space<hbm>>) target_semaphore(%run_scoped3A : memref<!tpu.dma_semaphore, #tpu.memory_space<semaphore_mem>>)
      %dma_wait3A = arith.constant 0 : i32
      %dma_wait3A_54 = tpu.memref_slice %arg5[%add3A_50, %dma_wait3A] : memref<20480x128xf32, #tpu.memory_space<hbm>> -> memref<128x128xf32, #tpu.memory_space<hbm>>
      %dma_wait3A_55 = arith.constant 0 : i32
      %dma_wait3A_56 = tpu.memref_slice %arg5[%add3A_50, %dma_wait3A_55] : memref<20480x128xf32, #tpu.memory_space<hbm>> -> memref<128x128xf32, #tpu.memory_space<hbm>>
      tpu.wait_dma2 semaphore(%run_scoped3A : memref<!tpu.dma_semaphore, #tpu.memory_space<semaphore_mem>>) src(%arg7 : memref<128x128xf32, #tpu.memory_space<vmem>>) dst(%dma_wait3A_56 : memref<128x128xf32, #tpu.memory_space<hbm>>)
      tpu.yield
    }) : () -> ()
    return
  }
}

module attributes {stable_mosaic.version = 14 : i64} {
  func.func @_edge_tc_kernel(%arg0: i32, %arg1: memref<2x1600x128xf32, #tpu.memory_space<vmem>>, %arg2: memref<1600x16xf32, #tpu.memory_space<vmem>>, %arg3: memref<128x256xbf16, #tpu.memory_space<vmem>>, %arg4: memref<128x256xbf16, #tpu.memory_space<vmem>>, %arg5: memref<16x256xbf16, #tpu.memory_space<vmem>>, %arg6: memref<256xf32, #tpu.memory_space<vmem>>, %arg7: memref<256x256xbf16, #tpu.memory_space<vmem>>, %arg8: memref<256xf32, #tpu.memory_space<vmem>>, %arg9: memref<256x16xbf16, #tpu.memory_space<vmem>>, %arg10: memref<16xf32, #tpu.memory_space<vmem>>, %arg11: memref<128x256xbf16, #tpu.memory_space<vmem>>, %arg12: memref<16x256xbf16, #tpu.memory_space<vmem>>, %arg13: memref<256xf32, #tpu.memory_space<vmem>>, %arg14: memref<256x256xbf16, #tpu.memory_space<vmem>>, %arg15: memref<256xf32, #tpu.memory_space<vmem>>, %arg16: memref<256x256xbf16, #tpu.memory_space<vmem>>, %arg17: memref<256xf32, #tpu.memory_space<vmem>>, %arg18: memref<1600x16xf32, #tpu.memory_space<vmem>>, %arg19: memref<2x1600x128xf32, #tpu.memory_space<vmem>>) attributes {dimension_semantics = [#tpu.dimension_semantics<arbitrary>], iteration_bounds = array<i64: 50>, scalar_prefetch = 0 : i64, scratch_operands = 0 : i64, tpu.core_type = #tpu.core_type<tc>, window_params = [{transform_indices = @transform_0, window_bounds = array<i64: 2, 1600, 128>}, {transform_indices = @transform_1, window_bounds = array<i64: 1600, 16>}, {pipeline_mode = #tpu.pipeline_mode<synchronous>, transform_indices = @transform_2, window_bounds = array<i64: 128, 256>}, {pipeline_mode = #tpu.pipeline_mode<synchronous>, transform_indices = @transform_3, window_bounds = array<i64: 128, 256>}, {pipeline_mode = #tpu.pipeline_mode<synchronous>, transform_indices = @transform_4, window_bounds = array<i64: 16, 256>}, {pipeline_mode = #tpu.pipeline_mode<synchronous>, transform_indices = @transform_5, window_bounds = array<i64: 256>}, {pipeline_mode = #tpu.pipeline_mode<synchronous>, transform_indices = @transform_6, window_bounds = array<i64: 256, 256>}, {pipeline_mode = #tpu.pipeline_mode<synchronous>, transform_indices = @transform_7, window_bounds = array<i64: 256>}, {pipeline_mode = #tpu.pipeline_mode<synchronous>, transform_indices = @transform_8, window_bounds = array<i64: 256, 16>}, {pipeline_mode = #tpu.pipeline_mode<synchronous>, transform_indices = @transform_9, window_bounds = array<i64: 16>}, {pipeline_mode = #tpu.pipeline_mode<synchronous>, transform_indices = @transform_10, window_bounds = array<i64: 128, 256>}, {pipeline_mode = #tpu.pipeline_mode<synchronous>, transform_indices = @transform_11, window_bounds = array<i64: 16, 256>}, {pipeline_mode = #tpu.pipeline_mode<synchronous>, transform_indices = @transform_12, window_bounds = array<i64: 256>}, {pipeline_mode = #tpu.pipeline_mode<synchronous>, transform_indices = @transform_13, window_bounds = array<i64: 256, 256>}, {pipeline_mode = #tpu.pipeline_mode<synchronous>, transform_indices = @transform_14, window_bounds = array<i64: 256>}, {pipeline_mode = #tpu.pipeline_mode<synchronous>, transform_indices = @transform_15, window_bounds = array<i64: 256, 256>}, {pipeline_mode = #tpu.pipeline_mode<synchronous>, transform_indices = @transform_16, window_bounds = array<i64: 256>}, {transform_indices = @transform_17, window_bounds = array<i64: 1600, 16>}, {transform_indices = @transform_18, window_bounds = array<i64: 2, 1600, 128>}]} {
    %get3A = arith.constant 0 : index
    %get3A_0 = arith.constant 0 : index
    %get3A_1 = arith.constant 0 : index
    %get3A_2 = vector.load %arg1[%get3A, %get3A_0, %get3A_1] : memref<2x1600x128xf32, #tpu.memory_space<vmem>>, vector<1x1600x128xf32>
    %get3A_3 = vector.shape_cast %get3A_2 : vector<1x1600x128xf32> to vector<1600x128xf32>
    %convert_element_type3A = arith.truncf %get3A_3 : vector<1600x128xf32> to vector<1600x128xbf16>
    %get3A_4 = arith.constant 1 : index
    %get3A_5 = arith.constant 0 : index
    %get3A_6 = arith.constant 0 : index
    %get3A_7 = vector.load %arg1[%get3A_4, %get3A_5, %get3A_6] : memref<2x1600x128xf32, #tpu.memory_space<vmem>>, vector<1x1600x128xf32>
    %get3A_8 = vector.shape_cast %get3A_7 : vector<1x1600x128xf32> to vector<1600x128xf32>
    %convert_element_type3A_9 = arith.truncf %get3A_8 : vector<1600x128xf32> to vector<1600x128xbf16>
    %get3A_10 = arith.constant 0 : index
    %get3A_11 = arith.constant 0 : index
    %get3A_12 = vector.load %arg2[%get3A_10, %get3A_11] : memref<1600x16xf32, #tpu.memory_space<vmem>>, vector<1600x16xf32>
    %convert_element_type3A_13 = arith.truncf %get3A_12 : vector<1600x16xf32> to vector<1600x16xbf16>
    %get3A_14 = arith.constant 0 : index
    %get3A_15 = arith.constant 0 : index
    %get3A_16 = vector.load %arg3[%get3A_14, %get3A_15] : memref<128x256xbf16, #tpu.memory_space<vmem>>, vector<128x256xbf16>
    %dot_general3A = arith.constant dense<0.000000e+00> : vector<1600x256xf32>
    %dot_general3A_17 = tpu.matmul %convert_element_type3A, %get3A_16, %dot_general3A {dimension_numbers = #tpu.dot_dimension_numbers<[1], [0], [0], [1], [0, 0, 1, 1], [], []>, transpose_lhs_hint = false} : vector<1600x128xbf16>, vector<128x256xbf16>, vector<1600x256xf32> -> vector<1600x256xf32>
    %get3A_18 = arith.constant 0 : index
    %get3A_19 = arith.constant 0 : index
    %get3A_20 = vector.load %arg4[%get3A_18, %get3A_19] : memref<128x256xbf16, #tpu.memory_space<vmem>>, vector<128x256xbf16>
    %dot_general3A_21 = arith.constant dense<0.000000e+00> : vector<1600x256xf32>
    %dot_general3A_22 = tpu.matmul %convert_element_type3A_9, %get3A_20, %dot_general3A_21 {dimension_numbers = #tpu.dot_dimension_numbers<[1], [0], [0], [1], [0, 0, 1, 1], [], []>, transpose_lhs_hint = false} : vector<1600x128xbf16>, vector<128x256xbf16>, vector<1600x256xf32> -> vector<1600x256xf32>
    %add3A = arith.addf %dot_general3A_17, %dot_general3A_22 : vector<1600x256xf32>
    %get3A_23 = arith.constant 0 : index
    %get3A_24 = arith.constant 0 : index
    %get3A_25 = vector.load %arg5[%get3A_23, %get3A_24] : memref<16x256xbf16, #tpu.memory_space<vmem>>, vector<16x256xbf16>
    %dot_general3A_26 = arith.constant dense<0.000000e+00> : vector<1600x256xf32>
    %dot_general3A_27 = tpu.matmul %convert_element_type3A_13, %get3A_25, %dot_general3A_26 {dimension_numbers = #tpu.dot_dimension_numbers<[1], [0], [0], [1], [0, 0, 1, 1], [], []>, transpose_lhs_hint = false} : vector<1600x16xbf16>, vector<16x256xbf16>, vector<1600x256xf32> -> vector<1600x256xf32>
    %add3A_28 = arith.addf %add3A, %dot_general3A_27 : vector<1600x256xf32>
    %get3A_29 = arith.constant 0 : index
    %get3A_30 = vector.load %arg6[%get3A_29] : memref<256xf32, #tpu.memory_space<vmem>>, vector<256xf32>
    %broadcast_in_dim3A = vector.shape_cast %get3A_30 : vector<256xf32> to vector<1x256xf32>
    %add3A_31 = vector.broadcast %broadcast_in_dim3A : vector<1x256xf32> to vector<1600x256xf32>
    %add3A_32 = arith.addf %add3A_28, %add3A_31 : vector<1600x256xf32>
    %max3A = arith.constant 0.000000e+00 : f32
    %max3A_33 = vector.broadcast %max3A : f32 to vector<1600x256xf32>
    %max3A_34 = arith.maximumf %add3A_32, %max3A_33 : vector<1600x256xf32>
    %convert_element_type3A_35 = arith.truncf %max3A_34 : vector<1600x256xf32> to vector<1600x256xbf16>
    %get3A_36 = arith.constant 0 : index
    %get3A_37 = arith.constant 0 : index
    %get3A_38 = vector.load %arg7[%get3A_36, %get3A_37] : memref<256x256xbf16, #tpu.memory_space<vmem>>, vector<256x256xbf16>
    %dot_general3A_39 = arith.constant dense<0.000000e+00> : vector<1600x256xf32>
    %dot_general3A_40 = tpu.matmul %convert_element_type3A_35, %get3A_38, %dot_general3A_39 {dimension_numbers = #tpu.dot_dimension_numbers<[1], [0], [0], [1], [0, 0, 1, 1], [], []>, transpose_lhs_hint = false} : vector<1600x256xbf16>, vector<256x256xbf16>, vector<1600x256xf32> -> vector<1600x256xf32>
    %get3A_41 = arith.constant 0 : index
    %get3A_42 = vector.load %arg8[%get3A_41] : memref<256xf32, #tpu.memory_space<vmem>>, vector<256xf32>
    %broadcast_in_dim3A_43 = vector.shape_cast %get3A_42 : vector<256xf32> to vector<1x256xf32>
    %add3A_44 = vector.broadcast %broadcast_in_dim3A_43 : vector<1x256xf32> to vector<1600x256xf32>
    %add3A_45 = arith.addf %dot_general3A_40, %add3A_44 : vector<1600x256xf32>
    %max3A_46 = arith.constant 0.000000e+00 : f32
    %max3A_47 = vector.broadcast %max3A_46 : f32 to vector<1600x256xf32>
    %max3A_48 = arith.maximumf %add3A_45, %max3A_47 : vector<1600x256xf32>
    %convert_element_type3A_49 = arith.truncf %max3A_48 : vector<1600x256xf32> to vector<1600x256xbf16>
    %get3A_50 = arith.constant 0 : index
    %get3A_51 = arith.constant 0 : index
    %get3A_52 = vector.load %arg9[%get3A_50, %get3A_51] : memref<256x16xbf16, #tpu.memory_space<vmem>>, vector<256x16xbf16>
    %dot_general3A_53 = arith.constant dense<0.000000e+00> : vector<1600x16xf32>
    %dot_general3A_54 = tpu.matmul %convert_element_type3A_49, %get3A_52, %dot_general3A_53 {dimension_numbers = #tpu.dot_dimension_numbers<[1], [0], [0], [1], [0, 0, 1, 1], [], []>, transpose_lhs_hint = false} : vector<1600x256xbf16>, vector<256x16xbf16>, vector<1600x16xf32> -> vector<1600x16xf32>
    %get3A_55 = arith.constant 0 : index
    %get3A_56 = vector.load %arg10[%get3A_55] : memref<16xf32, #tpu.memory_space<vmem>>, vector<16xf32>
    %broadcast_in_dim3A_57 = vector.shape_cast %get3A_56 : vector<16xf32> to vector<1x16xf32>
    %add3A_58 = vector.broadcast %broadcast_in_dim3A_57 : vector<1x16xf32> to vector<1600x16xf32>
    %add3A_59 = arith.addf %dot_general3A_54, %add3A_58 : vector<1600x16xf32>
    %add3A_60 = arith.addf %add3A_59, %get3A_12 : vector<1600x16xf32>
    %swap3A = arith.constant 0 : index
    %swap3A_61 = arith.constant 0 : index
    %swap3A_62 = vector.load %arg18[%swap3A, %swap3A_61] : memref<1600x16xf32, #tpu.memory_space<vmem>>, vector<1600x16xf32>
    tpu.vector_store %arg18[%swap3A, %swap3A_61], %add3A_60 {strides = array<i32>} : memref<1600x16xf32, #tpu.memory_space<vmem>>, vector<1600x16xf32>,
    %get3A_63 = arith.constant 0 : index
    %get3A_64 = arith.constant 0 : index
    %get3A_65 = vector.load %arg11[%get3A_63, %get3A_64] : memref<128x256xbf16, #tpu.memory_space<vmem>>, vector<128x256xbf16>
    %dot_general3A_66 = arith.constant dense<0.000000e+00> : vector<1600x256xf32>
    %dot_general3A_67 = tpu.matmul %convert_element_type3A_9, %get3A_65, %dot_general3A_66 {dimension_numbers = #tpu.dot_dimension_numbers<[1], [0], [0], [1], [0, 0, 1, 1], [], []>, transpose_lhs_hint = false} : vector<1600x128xbf16>, vector<128x256xbf16>, vector<1600x256xf32> -> vector<1600x256xf32>
    %convert_element_type3A_68 = arith.truncf %add3A_60 : vector<1600x16xf32> to vector<1600x16xbf16>
    %get3A_69 = arith.constant 0 : index
    %get3A_70 = arith.constant 0 : index
    %get3A_71 = vector.load %arg12[%get3A_69, %get3A_70] : memref<16x256xbf16, #tpu.memory_space<vmem>>, vector<16x256xbf16>
    %dot_general3A_72 = arith.constant dense<0.000000e+00> : vector<1600x256xf32>
    %dot_general3A_73 = tpu.matmul %convert_element_type3A_68, %get3A_71, %dot_general3A_72 {dimension_numbers = #tpu.dot_dimension_numbers<[1], [0], [0], [1], [0, 0, 1, 1], [], []>, transpose_lhs_hint = false} : vector<1600x16xbf16>, vector<16x256xbf16>, vector<1600x256xf32> -> vector<1600x256xf32>
    %add3A_74 = arith.addf %dot_general3A_67, %dot_general3A_73 : vector<1600x256xf32>
    %get3A_75 = arith.constant 0 : index
    %get3A_76 = vector.load %arg13[%get3A_75] : memref<256xf32, #tpu.memory_space<vmem>>, vector<256xf32>
    %broadcast_in_dim3A_77 = vector.shape_cast %get3A_76 : vector<256xf32> to vector<1x256xf32>
    %add3A_78 = vector.broadcast %broadcast_in_dim3A_77 : vector<1x256xf32> to vector<1600x256xf32>
    %add3A_79 = arith.addf %add3A_74, %add3A_78 : vector<1600x256xf32>
    %max3A_80 = arith.constant 0.000000e+00 : f32
    %max3A_81 = vector.broadcast %max3A_80 : f32 to vector<1600x256xf32>
    %max3A_82 = arith.maximumf %add3A_79, %max3A_81 : vector<1600x256xf32>
    %convert_element_type3A_83 = arith.truncf %max3A_82 : vector<1600x256xf32> to vector<1600x256xbf16>
    %get3A_84 = arith.constant 0 : index
    %get3A_85 = arith.constant 0 : index
    %get3A_86 = vector.load %arg14[%get3A_84, %get3A_85] : memref<256x256xbf16, #tpu.memory_space<vmem>>, vector<256x256xbf16>
    %dot_general3A_87 = arith.constant dense<0.000000e+00> : vector<1600x256xf32>
    %dot_general3A_88 = tpu.matmul %convert_element_type3A_83, %get3A_86, %dot_general3A_87 {dimension_numbers = #tpu.dot_dimension_numbers<[1], [0], [0], [1], [0, 0, 1, 1], [], []>, transpose_lhs_hint = false} : vector<1600x256xbf16>, vector<256x256xbf16>, vector<1600x256xf32> -> vector<1600x256xf32>
    %get3A_89 = arith.constant 0 : index
    %get3A_90 = vector.load %arg15[%get3A_89] : memref<256xf32, #tpu.memory_space<vmem>>, vector<256xf32>
    %broadcast_in_dim3A_91 = vector.shape_cast %get3A_90 : vector<256xf32> to vector<1x256xf32>
    %add3A_92 = vector.broadcast %broadcast_in_dim3A_91 : vector<1x256xf32> to vector<1600x256xf32>
    %add3A_93 = arith.addf %dot_general3A_88, %add3A_92 : vector<1600x256xf32>
    %max3A_94 = arith.constant 0.000000e+00 : f32
    %max3A_95 = vector.broadcast %max3A_94 : f32 to vector<1600x256xf32>
    %max3A_96 = arith.maximumf %add3A_93, %max3A_95 : vector<1600x256xf32>
    %convert_element_type3A_97 = arith.truncf %max3A_96 : vector<1600x256xf32> to vector<1600x256xbf16>
    %get3A_98 = arith.constant 0 : index
    %get3A_99 = arith.constant 0 : index
    %get3A_100 = vector.load %arg16[%get3A_98, %get3A_99] : memref<256x256xbf16, #tpu.memory_space<vmem>>, vector<256x256xbf16>
    %dot_general3A_101 = arith.constant dense<0.000000e+00> : vector<1600x256xf32>
    %dot_general3A_102 = tpu.matmul %convert_element_type3A_97, %get3A_100, %dot_general3A_101 {dimension_numbers = #tpu.dot_dimension_numbers<[1], [0], [0], [1], [0, 0, 1, 1], [], []>, transpose_lhs_hint = false} : vector<1600x256xbf16>, vector<256x256xbf16>, vector<1600x256xf32> -> vector<1600x256xf32>
    %get3A_103 = arith.constant 0 : index
    %get3A_104 = vector.load %arg17[%get3A_103] : memref<256xf32, #tpu.memory_space<vmem>>, vector<256xf32>
    %broadcast_in_dim3A_105 = vector.shape_cast %get3A_104 : vector<256xf32> to vector<1x256xf32>
    %add3A_106 = vector.broadcast %broadcast_in_dim3A_105 : vector<1x256xf32> to vector<1600x256xf32>
    %add3A_107 = arith.addf %dot_general3A_102, %add3A_106 : vector<1600x256xf32>
    %slice3A = vector.extract_strided_slice %add3A_107 {offsets = [0, 0], sizes = [1600, 128], strides = [1, 1]} : vector<1600x256xf32> to vector<1600x128xf32>
    %swap3A_108 = arith.constant 0 : index
    %swap3A_109 = arith.constant 0 : index
    %swap3A_110 = arith.constant 0 : index
    %swap3A_111 = vector.load %arg19[%swap3A_108, %swap3A_109, %swap3A_110] : memref<2x1600x128xf32, #tpu.memory_space<vmem>>, vector<1x1600x128xf32>
    %swap3A_112 = vector.shape_cast %swap3A_111 : vector<1x1600x128xf32> to vector<1600x128xf32>
    %swap3A_113 = vector.shape_cast %slice3A : vector<1600x128xf32> to vector<1x1600x128xf32>
    tpu.vector_store %arg19[%swap3A_108, %swap3A_109, %swap3A_110], %swap3A_113 {strides = array<i32>} : memref<2x1600x128xf32, #tpu.memory_space<vmem>>, vector<1x1600x128xf32>,
    %slice3A_114 = vector.extract_strided_slice %add3A_107 {offsets = [0, 128], sizes = [1600, 128], strides = [1, 1]} : vector<1600x256xf32> to vector<1600x128xf32>
    %swap3A_115 = arith.constant 1 : index
    %swap3A_116 = arith.constant 0 : index
    %swap3A_117 = arith.constant 0 : index
    %swap3A_118 = vector.load %arg19[%swap3A_115, %swap3A_116, %swap3A_117] : memref<2x1600x128xf32, #tpu.memory_space<vmem>>, vector<1x1600x128xf32>
    %swap3A_119 = vector.shape_cast %swap3A_118 : vector<1x1600x128xf32> to vector<1600x128xf32>
    %swap3A_120 = vector.shape_cast %slice3A_114 : vector<1600x128xf32> to vector<1x1600x128xf32>
    tpu.vector_store %arg19[%swap3A_115, %swap3A_116, %swap3A_117], %swap3A_120 {strides = array<i32>} : memref<2x1600x128xf32, #tpu.memory_space<vmem>>, vector<1x1600x128xf32>,
    return
  }
  func.func @transform_0(%arg0: i32) -> (i32, i32, i32) {
    %c0_i32 = arith.constant 0 : i32
    %c0_i32_0 = arith.constant 0 : i32
    %c0_i32_1 = arith.constant 0 : i32
    return %c0_i32, %arg0, %c0_i32_0 : i32, i32, i32
  }
  func.func @transform_1(%arg0: i32) -> (i32, i32) {
    %c0_i32 = arith.constant 0 : i32
    %c0_i32_0 = arith.constant 0 : i32
    return %arg0, %c0_i32 : i32, i32
  }
  func.func @transform_2(%arg0: i32) -> (i32, i32) {
    %c0_i32 = arith.constant 0 : i32
    %c0_i32_0 = arith.constant 0 : i32
    %c0_i32_1 = arith.constant 0 : i32
    return %c0_i32, %c0_i32_0 : i32, i32
  }
  func.func @transform_3(%arg0: i32) -> (i32, i32) {
    %c0_i32 = arith.constant 0 : i32
    %c0_i32_0 = arith.constant 0 : i32
    %c0_i32_1 = arith.constant 0 : i32
    return %c0_i32, %c0_i32_0 : i32, i32
  }
  func.func @transform_4(%arg0: i32) -> (i32, i32) {
    %c0_i32 = arith.constant 0 : i32
    %c0_i32_0 = arith.constant 0 : i32
    %c0_i32_1 = arith.constant 0 : i32
    return %c0_i32, %c0_i32_0 : i32, i32
  }
  func.func @transform_5(%arg0: i32) -> i32 {
    %c0_i32 = arith.constant 0 : i32
    %c0_i32_0 = arith.constant 0 : i32
    return %c0_i32 : i32
  }
  func.func @transform_6(%arg0: i32) -> (i32, i32) {
    %c0_i32 = arith.constant 0 : i32
    %c0_i32_0 = arith.constant 0 : i32
    %c0_i32_1 = arith.constant 0 : i32
    return %c0_i32, %c0_i32_0 : i32, i32
  }
  func.func @transform_7(%arg0: i32) -> i32 {
    %c0_i32 = arith.constant 0 : i32
    %c0_i32_0 = arith.constant 0 : i32
    return %c0_i32 : i32
  }
  func.func @transform_8(%arg0: i32) -> (i32, i32) {
    %c0_i32 = arith.constant 0 : i32
    %c0_i32_0 = arith.constant 0 : i32
    %c0_i32_1 = arith.constant 0 : i32
    return %c0_i32, %c0_i32_0 : i32, i32
  }
  func.func @transform_9(%arg0: i32) -> i32 {
    %c0_i32 = arith.constant 0 : i32
    %c0_i32_0 = arith.constant 0 : i32
    return %c0_i32 : i32
  }
  func.func @transform_10(%arg0: i32) -> (i32, i32) {
    %c0_i32 = arith.constant 0 : i32
    %c0_i32_0 = arith.constant 0 : i32
    %c0_i32_1 = arith.constant 0 : i32
    return %c0_i32, %c0_i32_0 : i32, i32
  }
  func.func @transform_11(%arg0: i32) -> (i32, i32) {
    %c0_i32 = arith.constant 0 : i32
    %c0_i32_0 = arith.constant 0 : i32
    %c0_i32_1 = arith.constant 0 : i32
    return %c0_i32, %c0_i32_0 : i32, i32
  }
  func.func @transform_12(%arg0: i32) -> i32 {
    %c0_i32 = arith.constant 0 : i32
    %c0_i32_0 = arith.constant 0 : i32
    return %c0_i32 : i32
  }
  func.func @transform_13(%arg0: i32) -> (i32, i32) {
    %c0_i32 = arith.constant 0 : i32
    %c0_i32_0 = arith.constant 0 : i32
    %c0_i32_1 = arith.constant 0 : i32
    return %c0_i32, %c0_i32_0 : i32, i32
  }
  func.func @transform_14(%arg0: i32) -> i32 {
    %c0_i32 = arith.constant 0 : i32
    %c0_i32_0 = arith.constant 0 : i32
    return %c0_i32 : i32
  }
  func.func @transform_15(%arg0: i32) -> (i32, i32) {
    %c0_i32 = arith.constant 0 : i32
    %c0_i32_0 = arith.constant 0 : i32
    %c0_i32_1 = arith.constant 0 : i32
    return %c0_i32, %c0_i32_0 : i32, i32
  }
  func.func @transform_16(%arg0: i32) -> i32 {
    %c0_i32 = arith.constant 0 : i32
    %c0_i32_0 = arith.constant 0 : i32
    return %c0_i32 : i32
  }
  func.func @transform_17(%arg0: i32) -> (i32, i32) {
    %c0_i32 = arith.constant 0 : i32
    %c0_i32_0 = arith.constant 0 : i32
    return %arg0, %c0_i32 : i32, i32
  }
  func.func @transform_18(%arg0: i32) -> (i32, i32, i32) {
    %c0_i32 = arith.constant 0 : i32
    %c0_i32_0 = arith.constant 0 : i32
    %c0_i32_1 = arith.constant 0 : i32
    return %c0_i32, %arg0, %c0_i32_0 : i32, i32, i32
  }
}

module attributes {stable_mosaic.version = 14 : i64} {
  func.func @_node_tc_kernel(%arg0: i32, %arg1: memref<1024x128xf32, #tpu.memory_space<vmem>>, %arg2: memref<1024x128xf32, #tpu.memory_space<vmem>>, %arg3: memref<1024x128xf32, #tpu.memory_space<vmem>>, %arg4: memref<1024x128xf32, #tpu.memory_space<vmem>>, %arg5: memref<1024x128xf32, #tpu.memory_space<vmem>>, %arg6: memref<1024x128xf32, #tpu.memory_space<vmem>>, %arg7: memref<1024x128xf32, #tpu.memory_space<vmem>>, %arg8: memref<1024x128xf32, #tpu.memory_space<vmem>>, %arg9: memref<1024x128xf32, #tpu.memory_space<vmem>>, %arg10: memref<1024x128xf32, #tpu.memory_space<vmem>>, %arg11: memref<1024x128xf32, #tpu.memory_space<vmem>>, %arg12: memref<128x256xf32, #tpu.memory_space<vmem>>, %arg13: memref<128x256xf32, #tpu.memory_space<vmem>>, %arg14: memref<128x256xf32, #tpu.memory_space<vmem>>, %arg15: memref<256xf32, #tpu.memory_space<vmem>>, %arg16: memref<256x256xf32, #tpu.memory_space<vmem>>, %arg17: memref<256xf32, #tpu.memory_space<vmem>>, %arg18: memref<256x128xf32, #tpu.memory_space<vmem>>, %arg19: memref<128xf32, #tpu.memory_space<vmem>>, %arg20: memref<1024x128xf32, #tpu.memory_space<vmem>>) attributes {dimension_semantics = [#tpu.dimension_semantics<arbitrary>], iteration_bounds = array<i64: 10>, scalar_prefetch = 0 : i64, scratch_operands = 0 : i64, tpu.core_type = #tpu.core_type<tc>, window_params = [{transform_indices = @transform_0, window_bounds = array<i64: 1024, 128>}, {transform_indices = @transform_1, window_bounds = array<i64: 1024, 128>}, {transform_indices = @transform_2, window_bounds = array<i64: 1024, 128>}, {transform_indices = @transform_3, window_bounds = array<i64: 1024, 128>}, {transform_indices = @transform_4, window_bounds = array<i64: 1024, 128>}, {transform_indices = @transform_5, window_bounds = array<i64: 1024, 128>}, {transform_indices = @transform_6, window_bounds = array<i64: 1024, 128>}, {transform_indices = @transform_7, window_bounds = array<i64: 1024, 128>}, {transform_indices = @transform_8, window_bounds = array<i64: 1024, 128>}, {transform_indices = @transform_9, window_bounds = array<i64: 1024, 128>}, {transform_indices = @transform_10, window_bounds = array<i64: 1024, 128>}, {pipeline_mode = #tpu.pipeline_mode<synchronous>, transform_indices = @transform_11, window_bounds = array<i64: 128, 256>}, {pipeline_mode = #tpu.pipeline_mode<synchronous>, transform_indices = @transform_12, window_bounds = array<i64: 128, 256>}, {pipeline_mode = #tpu.pipeline_mode<synchronous>, transform_indices = @transform_13, window_bounds = array<i64: 128, 256>}, {pipeline_mode = #tpu.pipeline_mode<synchronous>, transform_indices = @transform_14, window_bounds = array<i64: 256>}, {pipeline_mode = #tpu.pipeline_mode<synchronous>, transform_indices = @transform_15, window_bounds = array<i64: 256, 256>}, {pipeline_mode = #tpu.pipeline_mode<synchronous>, transform_indices = @transform_16, window_bounds = array<i64: 256>}, {pipeline_mode = #tpu.pipeline_mode<synchronous>, transform_indices = @transform_17, window_bounds = array<i64: 256, 128>}, {pipeline_mode = #tpu.pipeline_mode<synchronous>, transform_indices = @transform_18, window_bounds = array<i64: 128>}, {transform_indices = @transform_19, window_bounds = array<i64: 1024, 128>}]} {
    %get3A = arith.constant 0 : index
    %get3A_0 = arith.constant 0 : index
    %get3A_1 = vector.load %arg1[%get3A, %get3A_0] : memref<1024x128xf32, #tpu.memory_space<vmem>>, vector<1024x128xf32>
    %get3A_2 = arith.constant 0 : index
    %get3A_3 = arith.constant 0 : index
    %get3A_4 = vector.load %arg2[%get3A_2, %get3A_3] : memref<1024x128xf32, #tpu.memory_space<vmem>>, vector<1024x128xf32>
    %get3A_5 = arith.constant 0 : index
    %get3A_6 = arith.constant 0 : index
    %get3A_7 = vector.load %arg4[%get3A_5, %get3A_6] : memref<1024x128xf32, #tpu.memory_space<vmem>>, vector<1024x128xf32>
    %add3A = arith.addf %get3A_4, %get3A_7 : vector<1024x128xf32>
    %get3A_8 = arith.constant 0 : index
    %get3A_9 = arith.constant 0 : index
    %get3A_10 = vector.load %arg6[%get3A_8, %get3A_9] : memref<1024x128xf32, #tpu.memory_space<vmem>>, vector<1024x128xf32>
    %add3A_11 = arith.addf %add3A, %get3A_10 : vector<1024x128xf32>
    %get3A_12 = arith.constant 0 : index
    %get3A_13 = arith.constant 0 : index
    %get3A_14 = vector.load %arg8[%get3A_12, %get3A_13] : memref<1024x128xf32, #tpu.memory_space<vmem>>, vector<1024x128xf32>
    %add3A_15 = arith.addf %add3A_11, %get3A_14 : vector<1024x128xf32>
    %get3A_16 = arith.constant 0 : index
    %get3A_17 = arith.constant 0 : index
    %get3A_18 = vector.load %arg3[%get3A_16, %get3A_17] : memref<1024x128xf32, #tpu.memory_space<vmem>>, vector<1024x128xf32>
    %get3A_19 = arith.constant 0 : index
    %get3A_20 = arith.constant 0 : index
    %get3A_21 = vector.load %arg5[%get3A_19, %get3A_20] : memref<1024x128xf32, #tpu.memory_space<vmem>>, vector<1024x128xf32>
    %add3A_22 = arith.addf %get3A_18, %get3A_21 : vector<1024x128xf32>
    %get3A_23 = arith.constant 0 : index
    %get3A_24 = arith.constant 0 : index
    %get3A_25 = vector.load %arg7[%get3A_23, %get3A_24] : memref<1024x128xf32, #tpu.memory_space<vmem>>, vector<1024x128xf32>
    %add3A_26 = arith.addf %add3A_22, %get3A_25 : vector<1024x128xf32>
    %get3A_27 = arith.constant 0 : index
    %get3A_28 = arith.constant 0 : index
    %get3A_29 = vector.load %arg9[%get3A_27, %get3A_28] : memref<1024x128xf32, #tpu.memory_space<vmem>>, vector<1024x128xf32>
    %add3A_30 = arith.addf %add3A_26, %get3A_29 : vector<1024x128xf32>
    %get3A_31 = arith.constant 0 : index
    %get3A_32 = arith.constant 0 : index
    %get3A_33 = vector.load %arg10[%get3A_31, %get3A_32] : memref<1024x128xf32, #tpu.memory_space<vmem>>, vector<1024x128xf32>
    %slice3A = vector.extract_strided_slice %get3A_33 {offsets = [0, 0], sizes = [1024, 1], strides = [1, 1]} : vector<1024x128xf32> to vector<1024x1xf32>
    %get3A_34 = arith.constant 0 : index
    %get3A_35 = arith.constant 0 : index
    %get3A_36 = vector.load %arg11[%get3A_34, %get3A_35] : memref<1024x128xf32, #tpu.memory_space<vmem>>, vector<1024x128xf32>
    %slice3A_37 = vector.extract_strided_slice %get3A_36 {offsets = [0, 0], sizes = [1024, 1], strides = [1, 1]} : vector<1024x128xf32> to vector<1024x1xf32>
    %add3A_38 = arith.addf %slice3A, %slice3A_37 : vector<1024x1xf32>
    %max3A = arith.constant 1.000000e+00 : f32
    %max3A_39 = vector.broadcast %max3A : f32 to vector<1024x1xf32>
    %max3A_40 = arith.maximumf %add3A_38, %max3A_39 : vector<1024x1xf32>
    %div3A = arith.constant 1.000000e+00 : f32
    %div3A_41 = vector.broadcast %div3A : f32 to vector<1024x1xf32>
    %div3A_42 = arith.divf %div3A_41, %max3A_40 : vector<1024x1xf32>
    %mul3A = vector.broadcast %div3A_42 : vector<1024x1xf32> to vector<1024x128xf32>
    %mul3A_43 = arith.mulf %add3A_15, %mul3A : vector<1024x128xf32>
    %mul3A_44 = vector.broadcast %div3A_42 : vector<1024x1xf32> to vector<1024x128xf32>
    %mul3A_45 = arith.mulf %add3A_30, %mul3A_44 : vector<1024x128xf32>
    %get3A_46 = arith.constant 0 : index
    %get3A_47 = arith.constant 0 : index
    %get3A_48 = vector.load %arg12[%get3A_46, %get3A_47] : memref<128x256xf32, #tpu.memory_space<vmem>>, vector<128x256xf32>
    %dot_general3A = arith.constant dense<0.000000e+00> : vector<1024x256xf32>
    %dot_general3A_49 = tpu.matmul %get3A_1, %get3A_48, %dot_general3A {dimension_numbers = #tpu.dot_dimension_numbers<[1], [0], [0], [1], [0, 0, 1, 1], [], []>, transpose_lhs_hint = false} : vector<1024x128xf32>, vector<128x256xf32>, vector<1024x256xf32> -> vector<1024x256xf32>
    %get3A_50 = arith.constant 0 : index
    %get3A_51 = arith.constant 0 : index
    %get3A_52 = vector.load %arg13[%get3A_50, %get3A_51] : memref<128x256xf32, #tpu.memory_space<vmem>>, vector<128x256xf32>
    %dot_general3A_53 = arith.constant dense<0.000000e+00> : vector<1024x256xf32>
    %dot_general3A_54 = tpu.matmul %mul3A_43, %get3A_52, %dot_general3A_53 {dimension_numbers = #tpu.dot_dimension_numbers<[1], [0], [0], [1], [0, 0, 1, 1], [], []>, transpose_lhs_hint = false} : vector<1024x128xf32>, vector<128x256xf32>, vector<1024x256xf32> -> vector<1024x256xf32>
    %add3A_55 = arith.addf %dot_general3A_49, %dot_general3A_54 : vector<1024x256xf32>
    %get3A_56 = arith.constant 0 : index
    %get3A_57 = arith.constant 0 : index
    %get3A_58 = vector.load %arg14[%get3A_56, %get3A_57] : memref<128x256xf32, #tpu.memory_space<vmem>>, vector<128x256xf32>
    %dot_general3A_59 = arith.constant dense<0.000000e+00> : vector<1024x256xf32>
    %dot_general3A_60 = tpu.matmul %mul3A_45, %get3A_58, %dot_general3A_59 {dimension_numbers = #tpu.dot_dimension_numbers<[1], [0], [0], [1], [0, 0, 1, 1], [], []>, transpose_lhs_hint = false} : vector<1024x128xf32>, vector<128x256xf32>, vector<1024x256xf32> -> vector<1024x256xf32>
    %add3A_61 = arith.addf %add3A_55, %dot_general3A_60 : vector<1024x256xf32>
    %get3A_62 = arith.constant 0 : index
    %get3A_63 = vector.load %arg15[%get3A_62] : memref<256xf32, #tpu.memory_space<vmem>>, vector<256xf32>
    %broadcast_in_dim3A = vector.shape_cast %get3A_63 : vector<256xf32> to vector<1x256xf32>
    %add3A_64 = vector.broadcast %broadcast_in_dim3A : vector<1x256xf32> to vector<1024x256xf32>
    %add3A_65 = arith.addf %add3A_61, %add3A_64 : vector<1024x256xf32>
    %max3A_66 = arith.constant 0.000000e+00 : f32
    %max3A_67 = vector.broadcast %max3A_66 : f32 to vector<1024x256xf32>
    %max3A_68 = arith.maximumf %add3A_65, %max3A_67 : vector<1024x256xf32>
    %get3A_69 = arith.constant 0 : index
    %get3A_70 = arith.constant 0 : index
    %get3A_71 = vector.load %arg16[%get3A_69, %get3A_70] : memref<256x256xf32, #tpu.memory_space<vmem>>, vector<256x256xf32>
    %dot_general3A_72 = arith.constant dense<0.000000e+00> : vector<1024x256xf32>
    %dot_general3A_73 = tpu.matmul %max3A_68, %get3A_71, %dot_general3A_72 {dimension_numbers = #tpu.dot_dimension_numbers<[1], [0], [0], [1], [0, 0, 1, 1], [], []>, transpose_lhs_hint = false} : vector<1024x256xf32>, vector<256x256xf32>, vector<1024x256xf32> -> vector<1024x256xf32>
    %get3A_74 = arith.constant 0 : index
    %get3A_75 = vector.load %arg17[%get3A_74] : memref<256xf32, #tpu.memory_space<vmem>>, vector<256xf32>
    %broadcast_in_dim3A_76 = vector.shape_cast %get3A_75 : vector<256xf32> to vector<1x256xf32>
    %add3A_77 = vector.broadcast %broadcast_in_dim3A_76 : vector<1x256xf32> to vector<1024x256xf32>
    %add3A_78 = arith.addf %dot_general3A_73, %add3A_77 : vector<1024x256xf32>
    %max3A_79 = arith.constant 0.000000e+00 : f32
    %max3A_80 = vector.broadcast %max3A_79 : f32 to vector<1024x256xf32>
    %max3A_81 = arith.maximumf %add3A_78, %max3A_80 : vector<1024x256xf32>
    %get3A_82 = arith.constant 0 : index
    %get3A_83 = arith.constant 0 : index
    %get3A_84 = vector.load %arg18[%get3A_82, %get3A_83] : memref<256x128xf32, #tpu.memory_space<vmem>>, vector<256x128xf32>
    %dot_general3A_85 = arith.constant dense<0.000000e+00> : vector<1024x128xf32>
    %dot_general3A_86 = tpu.matmul %max3A_81, %get3A_84, %dot_general3A_85 {dimension_numbers = #tpu.dot_dimension_numbers<[1], [0], [0], [1], [0, 0, 1, 1], [], []>, transpose_lhs_hint = false} : vector<1024x256xf32>, vector<256x128xf32>, vector<1024x128xf32> -> vector<1024x128xf32>
    %get3A_87 = arith.constant 0 : index
    %get3A_88 = vector.load %arg19[%get3A_87] : memref<128xf32, #tpu.memory_space<vmem>>, vector<128xf32>
    %broadcast_in_dim3A_89 = vector.shape_cast %get3A_88 : vector<128xf32> to vector<1x128xf32>
    %add3A_90 = vector.broadcast %broadcast_in_dim3A_89 : vector<1x128xf32> to vector<1024x128xf32>
    %add3A_91 = arith.addf %dot_general3A_86, %add3A_90 : vector<1024x128xf32>
    %add3A_92 = arith.addf %add3A_91, %get3A_1 : vector<1024x128xf32>
    %swap3A = arith.constant 0 : index
    %swap3A_93 = arith.constant 0 : index
    %swap3A_94 = vector.load %arg20[%swap3A, %swap3A_93] : memref<1024x128xf32, #tpu.memory_space<vmem>>, vector<1024x128xf32>
    tpu.vector_store %arg20[%swap3A, %swap3A_93], %add3A_92 {strides = array<i32>} : memref<1024x128xf32, #tpu.memory_space<vmem>>, vector<1024x128xf32>,
    return
  }
  func.func @transform_0(%arg0: i32) -> (i32, i32) {
    %c0_i32 = arith.constant 0 : i32
    %c0_i32_0 = arith.constant 0 : i32
    return %arg0, %c0_i32 : i32, i32
  }
  func.func @transform_1(%arg0: i32) -> (i32, i32) {
    %c0_i32 = arith.constant 0 : i32
    %c0_i32_0 = arith.constant 0 : i32
    return %arg0, %c0_i32 : i32, i32
  }
  func.func @transform_2(%arg0: i32) -> (i32, i32) {
    %add3A = arith.constant 10 : i32
    %add3A_0 = arith.addi %add3A, %arg0 : i32
    %c0_i32 = arith.constant 0 : i32
    %c0_i32_1 = arith.constant 0 : i32
    return %add3A_0, %c0_i32 : i32, i32
  }
  func.func @transform_3(%arg0: i32) -> (i32, i32) {
    %c0_i32 = arith.constant 0 : i32
    %c0_i32_0 = arith.constant 0 : i32
    return %arg0, %c0_i32 : i32, i32
  }
  func.func @transform_4(%arg0: i32) -> (i32, i32) {
    %add3A = arith.constant 10 : i32
    %add3A_0 = arith.addi %add3A, %arg0 : i32
    %c0_i32 = arith.constant 0 : i32
    %c0_i32_1 = arith.constant 0 : i32
    return %add3A_0, %c0_i32 : i32, i32
  }
  func.func @transform_5(%arg0: i32) -> (i32, i32) {
    %c0_i32 = arith.constant 0 : i32
    %c0_i32_0 = arith.constant 0 : i32
    return %arg0, %c0_i32 : i32, i32
  }
  func.func @transform_6(%arg0: i32) -> (i32, i32) {
    %add3A = arith.constant 10 : i32
    %add3A_0 = arith.addi %add3A, %arg0 : i32
    %c0_i32 = arith.constant 0 : i32
    %c0_i32_1 = arith.constant 0 : i32
    return %add3A_0, %c0_i32 : i32, i32
  }
  func.func @transform_7(%arg0: i32) -> (i32, i32) {
    %c0_i32 = arith.constant 0 : i32
    %c0_i32_0 = arith.constant 0 : i32
    return %arg0, %c0_i32 : i32, i32
  }
  func.func @transform_8(%arg0: i32) -> (i32, i32) {
    %add3A = arith.constant 10 : i32
    %add3A_0 = arith.addi %add3A, %arg0 : i32
    %c0_i32 = arith.constant 0 : i32
    %c0_i32_1 = arith.constant 0 : i32
    return %add3A_0, %c0_i32 : i32, i32
  }
  func.func @transform_9(%arg0: i32) -> (i32, i32) {
    %c0_i32 = arith.constant 0 : i32
    %c0_i32_0 = arith.constant 0 : i32
    return %arg0, %c0_i32 : i32, i32
  }
  func.func @transform_10(%arg0: i32) -> (i32, i32) {
    %add3A = arith.constant 10 : i32
    %add3A_0 = arith.addi %add3A, %arg0 : i32
    %c0_i32 = arith.constant 0 : i32
    %c0_i32_1 = arith.constant 0 : i32
    return %add3A_0, %c0_i32 : i32, i32
  }
  func.func @transform_11(%arg0: i32) -> (i32, i32) {
    %c0_i32 = arith.constant 0 : i32
    %c0_i32_0 = arith.constant 0 : i32
    %c0_i32_1 = arith.constant 0 : i32
    return %c0_i32, %c0_i32_0 : i32, i32
  }
  func.func @transform_12(%arg0: i32) -> (i32, i32) {
    %c0_i32 = arith.constant 0 : i32
    %c0_i32_0 = arith.constant 0 : i32
    %c0_i32_1 = arith.constant 0 : i32
    return %c0_i32, %c0_i32_0 : i32, i32
  }
  func.func @transform_13(%arg0: i32) -> (i32, i32) {
    %c0_i32 = arith.constant 0 : i32
    %c0_i32_0 = arith.constant 0 : i32
    %c0_i32_1 = arith.constant 0 : i32
    return %c0_i32, %c0_i32_0 : i32, i32
  }
  func.func @transform_14(%arg0: i32) -> i32 {
    %c0_i32 = arith.constant 0 : i32
    %c0_i32_0 = arith.constant 0 : i32
    return %c0_i32 : i32
  }
  func.func @transform_15(%arg0: i32) -> (i32, i32) {
    %c0_i32 = arith.constant 0 : i32
    %c0_i32_0 = arith.constant 0 : i32
    %c0_i32_1 = arith.constant 0 : i32
    return %c0_i32, %c0_i32_0 : i32, i32
  }
  func.func @transform_16(%arg0: i32) -> i32 {
    %c0_i32 = arith.constant 0 : i32
    %c0_i32_0 = arith.constant 0 : i32
    return %c0_i32 : i32
  }
  func.func @transform_17(%arg0: i32) -> (i32, i32) {
    %c0_i32 = arith.constant 0 : i32
    %c0_i32_0 = arith.constant 0 : i32
    %c0_i32_1 = arith.constant 0 : i32
    return %c0_i32, %c0_i32_0 : i32, i32
  }
  func.func @transform_18(%arg0: i32) -> i32 {
    %c0_i32 = arith.constant 0 : i32
    %c0_i32_0 = arith.constant 0 : i32
    return %c0_i32 : i32
  }
  func.func @transform_19(%arg0: i32) -> (i32, i32) {
    %c0_i32 = arith.constant 0 : i32
    %c0_i32_0 = arith.constant 0 : i32
    return %arg0, %c0_i32 : i32, i32
  }
}

</mosaic_0001>

<sc_bundles>
// kernel: kernel.16.cloned.1.call-start
scs
__scs_entry_jumppad:
0x0: {  	(pc) =	sbr.rel $0x88, $3  }
0x1: {  	(tag) =	ssettag $0x0;
	lr =	simm.s32 $0x1  }
0x2: {  	[smem:$0x3F8C] =	sst lr;
	_ =	strace $0xD0000000  }
0x3: {  	_ = 	snop  }
0x4: {  	_ = 	snop  }
0x5: {  	_ = 	snop  }
0x6: {  	_ = 	snop  }
0x7: {  	_ = 	snop  }
__scs_overlays_trampoline_lowered:
0x8: {  	[smem:$0x3F9B] =	sst s0  }
0x9: {  	[smem:$0x3F9C] =	sst s1  }
0xa: {  	[smem:$0x3F9D] =	sst s2  }
0xb: {  	[smem:$0x3F9E] =	sst s3  }
0xc: {  	[smem:$0x3F9F] =	sst s4  }
0xd: {  	[smem:$0x3FA0] =	sst s5  }
0xe: {  	[smem:$0x3FA1] =	sst s6  }
0xf: {  	[smem:$0x3FA2] =	sst s7  }
0x10: {  	[smem:$0x3FA3] =	sst s8  }
0x11: {  	[smem:$0x3FA4] =	sst s9;
	s0 =	simm.s32 @!p0 $0x0  }
0x12: {  	s1 =	sld [smem:$0x3F8A];
	s0 =	simm.s32 @p0 $0x1  }
0x13: {  	[smem:$0x3FA5] =	sst s0;
	s0 =	simm.s32 @!p1 $0x0  }
0x14: {  	s2 =	sld [smem:$0x3F89];
	s0 =	simm.s32 @p1 $0x1  }
0x15: {  	[smem:$0x3FA6] =	sst s0;
	s0 =	simm.s32 @!p2 $0x0  }
0x16: {  	s3 =	sld [smem:$0x3FDB];
	s0 =	simm.s32 @p2 $0x1  }
0x17: {  	s4 =	simm.s32 $0x1BF5;
	[smem:$0x3FA8] =	sst s0  }
0x18: {  	s0 =	sld [smem:$0x3F8B];
	_ =	swait.ge [sflag:s4], $0x0  }
0x19: {  	s7 =	sld [smem:$0x3F8C]  }
0x1a: {  	s8 =	sadd.s32 $0xFFFFE003, lr  }
0x1b: {  	s9 =	sadd.s32 $0xFFFFFEF7, lr;
	s5 =	simm.s32 $0xFFFFFFFF;
	p2 =	slt.u32 s8, $0xFFFFF086  }
0x1c: {  	p1 =	slt.u32 s9, $0xF7A;
	s5 =	simm.s32 @!p2 $0x0  }
0x1d: {  	s5 =	simm.s32 @p1 $0x1;
	p0 =	seq.s32 s7, s2  }
0x1e: {  	s7 =	smul.u32 @!p0 $0xF7A, s2;
	p2 =	seq.s32 @!p0 s5, $0x0  }
0x1f: {  	s9 =	smul.u32 $0xF7A, s1;
	s8 =	simm.s32 @!p0 $0x1BF5;
	p2 =	por !p2, p0  }
0x20: {  	[sflag:s8] =	ssyncset.s32 @!p0 $0xFFFFF086;
	s6 =	sadd.s32 @!p0 s3, s7;
	s7 =	simm.s32 @!p0 $0x108  }
0x21: {  	s3 =	sadd.s32 s3, s9;
	s6 =	sadd.s32 @!p0 $0x88, s6;
	s7 =	simm.s32 @p2 $0x1082  }
0x22: {  	[simem:s7], [sflag:s8] =	dma.local @!p0 [hbm:s6], $0xF7A  }
0x23: {  	s9 =	sor.u32 $0xD0000000, s2;
	s6 =	simm.s32 $0x108;
	_ =	swait.ge @!p0 [sflag:s8], $0x0  }
0x24: {  	s3 =	sadd.s32 $0x88, s3;
	s6 =	simm.s32 @!p1 $0x1082;
	[sflag:s4] =	ssyncset.s32 $0xFFFFF086  }
0x25: {  	[simem:s6], [sflag:s4] =	dma.local [hbm:s3], $0xF7A  }
0x26: {  	[smem:$0x3F8C] =	sst s1;
	(tag) =	ssettag s2;
	_ =	strace s9  }
0x27: {  	s1 =	sld [smem:$0x3F9C]  }
0x28: {  	s2 =	sld [smem:$0x3F9D]  }
0x29: {  	s4 =	sld [smem:$0x3F9F]  }
0x2a: {  	p0 =	seq.s32 s5, $0x0;
	s5 =	sld [smem:$0x3FA0]  }
0x2b: {  	s6 =	sld [smem:$0x3FA1]  }
0x2c: {  	s7 =	sld [smem:$0x3FA2]  }
0x2d: {  	s3 =	simm.s32 $0x108;
	s8 =	sld [smem:$0x3FA3]  }
0x2e: {  	s3 =	simm.s32 @!p0 $0x1082;
	s9 =	sld [smem:$0x3FA4]  }
0x2f: {  	lr =	sadd.s32 s0, s3;
	s0 =	sld [smem:$0x3F9B]  }
0x30: {  	s3 =	sld [smem:$0x3F9E]  }
0x31: {  	[smem:$0x3FA7] =	sst s10  }
0x32: {  	s10 =	sld [smem:$0x3FA5];
	_ =	sdelay $0x3  }
0x33: {  	p0 =	seq.s32 s10, $0x1;
	s10 =	sld [smem:$0x3FA7];
	_ =	sdelay $0x3  }
0x34: {  	[smem:$0x3FA7] =	sst s10  }
0x35: {  	s10 =	sld [smem:$0x3FA6];
	_ =	sdelay $0x3  }
0x36: {  	p1 =	seq.s32 s10, $0x1;
	s10 =	sld [smem:$0x3FA7];
	_ =	sdelay $0x3  }
0x37: {  	[smem:$0x3FA7] =	sst s10  }
0x38: {  	s10 =	sld [smem:$0x3FA8]  }
0x39: {  	_ = 	snop;
	(pc) =	sbr.ind lr, $3  }
0x3a: {  	_ = 	snop  }
0x3b: {  	_ = 	snop  }
0x3c: {  	p2 =	seq.s32 s10, $0x1;
	s10 =	sld [smem:$0x3FA7]  }
0x3d: {  	_ =	shalt  }
0x3e: {  	_ =	shalt  }
0x3f: {  	_ =	shalt  }
0x40: {  	_ =	shalt  }
0x41: {  	_ =	shalt  }
0x42: {  	_ =	shalt  }
0x43: {  	_ =	shalt  }
0x44: {  	_ =	shalt  }
0x45: {  	_ =	shalt  }
0x46: {  	_ =	shalt  }
0x47: {  	_ =	shalt  }
0x48: {  	_ =	shalt  }
0x49: {  	_ =	shalt  }
0x4a: {  	_ =	shalt  }
0x4b: {  	_ =	shalt  }
0x4c: {  	_ =	shalt  }
0x4d: {  	_ =	shalt  }
0x4e: {  	_ =	shalt  }
0x4f: {  	_ =	shalt  }
0x50: {  	_ =	shalt  }
0x51: {  	_ =	shalt  }
0x52: {  	_ =	shalt  }
0x53: {  	_ =	shalt  }
0x54: {  	_ =	shalt  }
0x55: {  	_ =	shalt  }
0x56: {  	_ =	shalt  }
0x57: {  	_ =	shalt  }
0x58: {  	_ =	shalt  }
0x59: {  	_ =	shalt  }
0x5a: {  	_ =	shalt  }
0x5b: {  	_ =	shalt  }
0x5c: {  	_ =	shalt  }
0x5d: {  	_ =	shalt  }
0x5e: {  	_ =	shalt  }
0x5f: {  	_ =	shalt  }
0x60: {  	_ =	shalt  }
0x61: {  	_ =	shalt  }
0x62: {  	_ =	shalt  }
0x63: {  	_ =	shalt  }
0x64: {  	_ =	shalt  }
0x65: {  	_ =	shalt  }
0x66: {  	_ =	shalt  }
0x67: {  	_ =	shalt  }
0x68: {  	_ =	shalt  }
0x69: {  	_ =	shalt  }
0x6a: {  	_ =	shalt  }
0x6b: {  	_ =	shalt  }
0x6c: {  	_ =	shalt  }
0x6d: {  	_ =	shalt  }
0x6e: {  	_ =	shalt  }
0x6f: {  	_ =	shalt  }
0x70: {  	_ =	shalt  }
0x71: {  	_ =	shalt  }
0x72: {  	_ =	shalt  }
0x73: {  	_ =	shalt  }
0x74: {  	_ =	shalt  }
0x75: {  	_ =	shalt  }
0x76: {  	_ =	shalt  }
0x77: {  	_ =	shalt  }
0x78: {  	_ =	shalt  }
0x79: {  	_ =	shalt  }
0x7a: {  	_ =	shalt  }
0x7b: {  	_ =	shalt  }
0x7c: {  	_ =	shalt  }
0x7d: {  	_ =	shalt  }
0x7e: {  	_ =	shalt  }
0x7f: {  	_ =	shalt  }
0x80: {  	_ =	shalt  }
0x81: {  	_ =	shalt  }
0x82: {  	_ =	shalt  }
0x83: {  	_ =	shalt  }
0x84: {  	_ =	shalt  }
0x85: {  	_ =	shalt  }
0x86: {  	_ =	shalt  }
0x87: {  	_ =	shalt  }
.Lfunc_end0:
.L_simem_size_0:
called_computation_lowered:
.L_overlay_start_0:
0x88: {  	s2 =	sld [smem:$0x3FD9]  }
0x89: {  	s3 =	sld [smem:$0x3FFE];
	_ =	sdelay $0x1  }
0x8a: {  	s1 =	srdreg.scid  }
0x8b: {  	s0 =	sand.u32 $0x1, s1  }
0x8c: {  	s17 =	sshll.u32 s0, $0xA;
	s2 =	sadd.s32 s3, s2  }
0x8d: {  	s2 =	sadd.s32 s2, s17  }
0x8e: {  	[smem:$0x3FB3] =	sst s2  }
0x8f: {  	_ = 	snop  }
0x90: {  	s18 =	sld [smem:$0x3FC9];
	(tm) =	ssettm $0x1  }
0x91: {  	s19 =	sld [smem:$0x3FFB];
	_ =	sdelay $0x3  }
0x92: {  	_ =	strace s19  }
0x93: {  	s2 =	sld [smem:$0x3FFC];
	_ =	sdelay $0x3  }
0x94: {  	_ =	strace s2  }
0x95: {  	s2 =	sld [smem:$0x3FFD];
	_ =	sdelay $0x3  }
0x96: {  	_ =	strace s2  }
0x97: {  	_ =	strace $0x8FFFFFFF  }
0x98: {  	s20 =	sld [smem:$0x3FDB];
	_ =	sdelay $0x1  }
0x99: {  	s4 =	simm.s32 $_scs_section_size  }
0x9a: {  	s5 =	simm.s32 $_size__tile_overlayer_lowered;
	s6 =	simm.s32 $_tile_overlayer_lowered  }
0x9b: {  	s7 =	simm.s32 $0x1BFF;
	s21 =	sshll.u32 s6, $0x1;
	s4 =	sadd.s32 s4, s20  }
0x9c: {  	s22 =	simm.s32 $0x0;
	s5 =	sshll.u32 s5, $0x1;
	s6 =	sadd.s32 s21, s4  }
0x9d: {  	[timem:s22], [sflag:s7] =	dma.local [hbm:s6], s5  }
0x9e: {  	_ =	swait.ge [sflag:s7], s5  }
0x9f: {  	s5 =	ssub.s32 $0x0, s5;
	[sflag:s7] =	ssyncset.done $0x0  }
0xa0: {  	[sflag:s7] =	ssyncadd.s32 s5;
	_ =	sdelay $0x1  }
0xa1: {  	s23 =	simm.s32 $0x1B8B  }
0xa2: {  	_ =	swait.ge [sflag:s23], $0x1  }
0xa3: {  	[sflag:s23] =	ssyncset.done $0x0  }
0xa4: {  	[sflag:s23] =	ssyncadd.s32 $0xFFFFFFFF  }
0xa5: {  	s5 =	sld [smem:$0x0]  }
0xa6: {  	s6 =	sand.u32 $0xFFFFFFFE, s1  }
0xa7: {  	p0 =	sne.s32 s1, s6  }
0xa8: {  	s6 =	sshll.u32 @p0 s6, $0xE  }
0xa9: {  	s6 =	sadd.s32 @p0 $0x11B8D, s6;
	s7 =	sshll.u32 @p0 s5, $0x11  }
0xaa: {  	s6 =	sor.u32 @p0 s7, s6  }
0xab: {  	[sflag:s6] =	ssyncadd.remote.s32 @p0 $0x1;
	_ =	sdelay $0x1  }
0xac: {  	s6 =	simm.s32 @p0 $0x1B8D  }
0xad: {  	_ =	swait.eq @p0 [sflag:s6], $0x1  }
0xae: {  	[sflag:s6] =	ssyncadd.s32 @p0 $0xFFFFFFFF  }
0xaf: {  	s7 =	sshll.u32 @!p0 s1, $0xE  }
0xb0: {  	s7 =	sor.u32 @!p0 $0x4000, s7;
	s6 =	simm.s32 @!p0 $0x1B8D  }
0xb1: {  	s5 =	sshll.u32 @!p0 s5, $0x11;
	s7 =	sadd.s32 @!p0 $0x11B8D, s7;
	_ =	swait.eq @!p0 [sflag:s6], $0x1  }
0xb2: {  	s5 =	sor.u32 @!p0 s5, s7;
	[sflag:s6] =	ssyncadd.s32 @!p0 $0xFFFFFFFF  }
0xb3: {  	s25 =	simm.s32 $0x1B8E;
	s24 =	sld [smem:$0x3FFE];
	[sflag:s5] =	ssyncadd.remote.s32 @!p0 $0x1  }
0xb4: {  	s26 =	simm.s32 $execute0_lowered;
	[smem:$0x3FD2] =	sst s25  }
0xb5: {  	s6 =	sshll.u32 s26, $0x1;
	_ =	strace $0x8000004F;
	[dreg:$0x1] =	wrdreg $0xFFFFFFFF  }
0xb6: {  	s28 =	simm.s32 $_size_execute0_lowered;
	s4 =	sadd.s32 s4, s6;
	[dreg:$0x0] =	wrdreg $0x0  }
0xb7: {  	s6 =	sshll.u32 s28, $0x1;
	[dreg:$0x2] =	wrdreg s4  }
0xb8: {  	[dreg:$0x3] =	wrdreg s6  }
0xb9: {  	[dreg:$0x4] =	wrdreg $0xC0  }
0xba: {  	_ =	task [dreg:s22], $0x5FFFF  }
0xbb: {  	[dreg:$0x1] =	wrdreg $0xFFFFFFFF  }
0xbc: {  	[dreg:$0x0] =	wrdreg $0x60  }
0xbd: {  	[dreg:$0x2] =	wrdreg s18  }
0xbe: {  	[dreg:$0x3] =	wrdreg s24  }
0xbf: {  	[dreg:$0x4] =	wrdreg $0xA  }
0xc0: {  	_ =	task.clear_ibuf [dreg:s22], $0x5FFFF;
	_ =	strace $0x9000004F  }
0xc1: {  	s29 =	simm.s32 $0xA;
	_ =	strace $0x80000051  }
0xc2: {  	_ =	swait.ge [sflag:s29], $0x1  }
0xc3: {  	[sflag:s29] =	ssyncadd.s32 $0xFFFFFFFF  }
0xc4: {  	_ =	strace $0x90000051  }
0xc5: {  	_ =	sfence  }
0xc6: {  	s30 =	sld [smem:$0x0];
	_ =	sdelay $0x2  }
0xc7: {  	s31 =	sshll.u32 s1, $0xD;
	s1 =	sshrl.u32 s1, $0x2  }
0xc8: {  	s4 =	sand.u32 $0x4000, s31;
	s1 =	sadd.s32 s1, s30  }
0xc9: {  	s0 =	sor.u32 s4, s0;
	s1 =	sshll.u32 s1, $0x11  }
0xca: {  	s0 =	sor.u32 s1, s0  }
0xcb: {  	s0 =	sadd.s32 $0x8F2B, s0  }
0xcc: {  	[sflag:s0] =	ssyncadd.remote.s32 $0x1  }
0xcd: {  	_ =	sfence.sel $0xFFFF  }
0xce: {  	[dreg:$0x0] =	wrdreg $0xFFFFFFFF;
	(pc) =	sbr.abs _section_cstart, $3  }
0xcf: {  	[dreg:$0x1] =	wrdreg $0xFFFFFFFF  }
0xd0: {  	_ =	task.clear_ibuf [dreg:s22], $0x2FFFF;
	_ =	strace $0x9FFFFFFF  }
0xd1: {  	(tm) =	ssettm $0x7FFFFFFF  }
tec
execute0_lowered:
.L_overlay_start_1:
0x0: {  	(tag) =	ssettag $0x1  }
0x1: {  	s1 =	srdreg.scid;
	s2 =	rddreg [dreg:$0x0]  }
0x2: {  	s0 =	stileid.u32;
	s4 =	rddreg [dreg:$0x1]  }
0x3: {  	s3 =	simm.s32 $0x0;
	s12 =	simm.s32 $0x100;
	s13 =	simm.s32 $0x4100  }
0x4: {  	s14 =	simm.s32 $0x1;
	s15 =	simm.s32 $0x2;
	s16 =	simm.s32 $0x0  }
0x5: {  	s5 =	sand.u32 $0x1, s1;
	s6 =	sshll.u32 s0, $0x8;
	s1 =	rddreg [dreg:$0x2]  }
0x6: {  	[smem:$0x7FF] =	sst s3;
	s8 =	sadd.s32 $0x778400, s4;
	s29 =	sshll.u32 s0, $0x1  }
0x7: {  	s30 =	sshll.u32 s0, $0xF;
	s31 =	sshll.u32 s0, $0xC;
	s7 =	sshll.u32 s5, $0x7  }
0x8: {  	s26 =	ssub.s32 $0x2, s5;
	_ =	strace $0x80000050;
	s10 =	sshll.u32 s5, $0xE  }
0x9: {  	s11 =	sshll.u32 s5, $0xB;
	s6 =	sor.u32 s7, s6;
	s28 =	sshrl.u32 s26, $0x1  }
0xa: {  	s7 =	sor.u32 s10, s30;
	s10 =	sadd.s32 s31, s8;
	s6 =	sshrl.u32 s6, $0x3  }
0xb: {  	s7 =	sadd.s32 $0x9C4000, s7;
	s9 =	sadd.s32 s6, s4;
	s4 =	sor.u32 s5, s29  }
0xc: {  	s6 =	ssub.s32 s26, s28;
	s7 =	sshrl.u32 s7, $0x3;
	p0 =	slt.u32 s4, $0x11  }
0xd: {  	s4 =	simm.s32 $0x14;
	s5 =	smax.u32 s6, $0x1;
	s6 =	sadd.s32 s7, s8  }
0xe: {  	s7 =	sadd.s32 s11, s10;
	s8 =	sadd.s32 $0x773400, s9;
	s9 =	sadd.s32 $0x775C00, s9  }
0xf: {  	s10 =	simm.s32 $0x3;
	s11 =	simm.s32 $0x80;
	s4 =	simm.s32 @!p0 $0x13  }
.LBB2_1:
0x10: {  	[tilespmem:s3], [sflag:$0x3] =	stream.linear.gather [hbm4b:s9+s3], $0x80, $0x38;
	[tilespmem:$0x8100] =	vst v63  }
0x11: {  	_ =	swait.ge [sflag:s10], $0x80  }
0x12: {  	[sflag:s10] =	ssyncset.done $0x0  }
0x13: {  	[sflag:s10] =	ssyncadd.s32 $0xFFFFFF80  }
0x14: {  	[tilespmem:s11], [sflag:$0x3] =	stream.linear.gather [hbm4b:s8+s3], $0x80, $0x38;
	[tilespmem:$0x8100] =	vst v63  }
0x15: {  	_ =	swait.ge [sflag:s10], $0x80  }
0x16: {  	[sflag:s10] =	ssyncset.done $0x0  }
0x17: {  	[sflag:s10] =	ssyncadd.s32 $0xFFFFFF80  }
0x18: {  	[tilespmem:s12], [sflag:$0x1] =	stream.indirect.gather [hbm4b:s2+s11], $0x80, s3, s11, $0xb8;
	[tilespmem:$0x8100] =	vst v63  }
0x19: {  	_ = 	snop  }
0x1a: {  	[tilespmem:s13], [sflag:$0x2] =	stream.indirect.gather [hbm4b:s2+s11], $0x80, s11, s11, $0xb8;
	[tilespmem:$0x8100] =	vst v63  }
0x1b: {  	_ =	swait.ge [sflag:s14], $0x4000  }
0x1c: {  	[sflag:s14] =	ssyncset.done $0x0  }
0x1d: {  	[sflag:s14] =	ssyncadd.s32 $0xFFFFC000  }
0x1e: {  	_ =	swait.ge [sflag:s15], $0x4000  }
0x1f: {  	[sflag:s15] =	ssyncset.done $0x0  }
0x20: {  	[sflag:s15] =	ssyncadd.s32 $0xFFFFC000  }
0x21: {  	[hbm4b:s7+s3] =	stream.linear.scatter [tilespmem:s12], [sflag:$0x3], $0x4000, $0x38;
	[tilespmem:$0x8100] =	vst v63  }
0x22: {  	p0 =	sne.s32 s4, $0x1;
	_ =	swait.ge [sflag:s10], $0x4000  }
.Ltmp0:
0x23: {  	[sflag:s10] =	ssyncset.done $0x0;
	(pc) =	sbr.rel @!p0 .LBB2_3-.Ltmp0, $4  }
0x24: {  	s17 =	sadd.s32 $0xFFFFFFFF, s4;
	[sflag:s10] =	ssyncadd.s32 $0xFFFFC000  }
0x25: {  	[hbm4b:s6+s3] =	stream.linear.scatter [tilespmem:s13], [sflag:$0x3], $0x4000, $0x38;
	[tilespmem:$0x8100] =	vst v63  }
0x26: {  	s18 =	sadd.s32 $0x200, s8;
	s19 =	sadd.s32 $0x200, s9;
	_ =	swait.ge [sflag:s10], $0x4000  }
0x27: {  	s20 =	smov.u32 s6;
	s21 =	smov.u32 s7;
	[sflag:s10] =	ssyncset.done $0x0  }
.LBB2_2:
0x28: {  	[sflag:s10] =	ssyncadd.s32 $0xFFFFC000;
	s20 =	sadd.s32 $0x10000, s20;
	s21 =	sadd.s32 $0x10000, s21  }
0x29: {  	[tilespmem:s3], [sflag:$0x3] =	stream.linear.gather [hbm4b:s19+s3], $0x80, $0x38;
	[tilespmem:$0x8100] =	vst v63  }
0x2a: {  	p0 =	sne.s32 s17, $0x1;
	s17 =	sadd.s32 $0xFFFFFFFF, s17;
	_ =	swait.ge [sflag:s10], $0x80  }
0x2b: {  	[sflag:s10] =	ssyncset.done $0x0  }
0x2c: {  	[sflag:s10] =	ssyncadd.s32 $0xFFFFFF80  }
0x2d: {  	[tilespmem:s11], [sflag:$0x3] =	stream.linear.gather [hbm4b:s18+s3], $0x80, $0x38;
	[tilespmem:$0x8100] =	vst v63  }
0x2e: {  	_ =	swait.ge [sflag:s10], $0x80  }
0x2f: {  	[sflag:s10] =	ssyncset.done $0x0  }
0x30: {  	[sflag:s10] =	ssyncadd.s32 $0xFFFFFF80  }
0x31: {  	[tilespmem:s12], [sflag:$0x1] =	stream.indirect.gather [hbm4b:s2+s11], $0x80, s3, s11, $0xb8;
	[tilespmem:$0x8100] =	vst v63  }
0x32: {  	_ = 	snop  }
0x33: {  	[tilespmem:s13], [sflag:$0x2] =	stream.indirect.gather [hbm4b:s2+s11], $0x80, s11, s11, $0xb8;
	[tilespmem:$0x8100] =	vst v63  }
0x34: {  	_ =	swait.ge [sflag:s14], $0x4000  }
0x35: {  	[sflag:s14] =	ssyncset.done $0x0  }
0x36: {  	[sflag:s14] =	ssyncadd.s32 $0xFFFFC000  }
0x37: {  	_ =	swait.ge [sflag:s15], $0x4000  }
0x38: {  	[sflag:s15] =	ssyncset.done $0x0  }
0x39: {  	[sflag:s15] =	ssyncadd.s32 $0xFFFFC000  }
0x3a: {  	[hbm4b:s21+s3] =	stream.linear.scatter [tilespmem:s12], [sflag:$0x3], $0x4000, $0x38;
	[tilespmem:$0x8100] =	vst v63  }
0x3b: {  	_ =	swait.ge [sflag:s10], $0x4000  }
.Ltmp1:
0x3c: {  	[sflag:s10] =	ssyncset.done $0x0;
	(pc) =	sbr.rel @p0 .LBB2_2-.Ltmp1, $4  }
0x3d: {  	[sflag:s10] =	ssyncadd.s32 $0xFFFFC000  }
0x3e: {  	[hbm4b:s20+s3] =	stream.linear.scatter [tilespmem:s13], [sflag:$0x3], $0x4000, $0x38;
	[tilespmem:$0x8100] =	vst v63  }
0x3f: {  	_ =	swait.ge [sflag:s10], $0x4000  }
0x40: {  	s19 =	sadd.s32 $0x200, s19;
	s18 =	sadd.s32 $0x200, s18;
	[sflag:s10] =	ssyncset.done $0x0  }
.LBB2_3:
0x41: {  	s16 =	sadd.s32 $0x1, s16  }
0x42: {  	p0 =	sne.s32 s16, s5  }
.Ltmp2:
0x43: {  	_ = 	snop;
	(pc) =	sbr.rel @p0 .LBB2_1-.Ltmp2, $2  }
0x44: {  	_ =	sdelay $0x2  }
0x45: {  	[sflag:s10] =	ssyncadd.s32 $0xFFFFC000  }
0x46: {  	_ =	sfence.sel $0x180000  }
0x47: {  	[bflag:$0x0] =	sbarrier.arrive $0xFFFF  }
0x48: {  	p0 =	sne.s32 s0, $0x0;
	_ =	strace $0x90000050  }
0x49: {  	s0 =	sadd.s32 @!p0 $0x100000, s1;
	[bflag:$0x2] =	sbarrier.arrive $0xFFFF  }
0x4a: {  	[sflag:s0] =	ssyncadd.tile.s32 @!p0 $0x1;
	_ =	shalt  }
.Lfunc_end2:
_tile_overlayer_lowered:
.L_overlay_start_2:
0x4b: {  	(tag) =	ssettag $0x2  }
0x4c: {  	s0 =	rddreg [dreg:$0x0];
	s2 =	stileid.u32  }
0x4d: {  	s1 =	rddreg [dreg:$0x1];
	p0 =	sne.s32 s2, $0x0  }
0x4e: {  	s3 =	rddreg [dreg:$0x2];
	[bflag:$0x3] =	sbarrier.arrive $0xFFFF;
	s2 =	simm.s32 @!p0 $0x1C03  }
0x4f: {  	[timem:s3], [sflag:s2] =	dma.local @!p0 [hbm:s0], s1  }
0x50: {  	s0 =	simm.s32 @!p0 $0x3  }
0x51: {  	_ =	swait.ge @!p0 [sflag:s0], s1  }
0x52: {  	s1 =	ssub.s32 @!p0 $0x0, s1;
	[sflag:s0] =	ssyncset.done @!p0 $0x0  }
0x53: {  	[sflag:s0] =	ssyncadd.s32 @!p0 s1  }
0x54: {  	[bflag:$0x3] =	sbarrier.arrive $0xFFFF  }
0x55: {  	_ =	shalt  }

// kernel: kernel.19.cloned.1.call-start
scs
__scs_entry_jumppad:
0x0: {  	(pc) =	sbr.rel $0x88, $3  }
0x1: {  	(tag) =	ssettag $0x0;
	lr =	simm.s32 $0x1  }
0x2: {  	[smem:$0x3F8C] =	sst lr;
	_ =	strace $0xD0000000  }
0x3: {  	_ = 	snop  }
0x4: {  	_ = 	snop  }
0x5: {  	_ = 	snop  }
0x6: {  	_ = 	snop  }
0x7: {  	_ = 	snop  }
__scs_overlays_trampoline_lowered:
0x8: {  	[smem:$0x3F9B] =	sst s0  }
0x9: {  	[smem:$0x3F9C] =	sst s1  }
0xa: {  	[smem:$0x3F9D] =	sst s2  }
0xb: {  	[smem:$0x3F9E] =	sst s3  }
0xc: {  	[smem:$0x3F9F] =	sst s4  }
0xd: {  	[smem:$0x3FA0] =	sst s5  }
0xe: {  	[smem:$0x3FA1] =	sst s6  }
0xf: {  	[smem:$0x3FA2] =	sst s7  }
0x10: {  	[smem:$0x3FA3] =	sst s8  }
0x11: {  	[smem:$0x3FA4] =	sst s9;
	s0 =	simm.s32 @!p0 $0x0  }
0x12: {  	s1 =	sld [smem:$0x3F8A];
	s0 =	simm.s32 @p0 $0x1  }
0x13: {  	[smem:$0x3FA5] =	sst s0;
	s0 =	simm.s32 @!p1 $0x0  }
0x14: {  	s2 =	sld [smem:$0x3F89];
	s0 =	simm.s32 @p1 $0x1  }
0x15: {  	[smem:$0x3FA6] =	sst s0;
	s0 =	simm.s32 @!p2 $0x0  }
0x16: {  	s3 =	sld [smem:$0x3FDB];
	s0 =	simm.s32 @p2 $0x1  }
0x17: {  	s4 =	simm.s32 $0x1BF5;
	[smem:$0x3FA8] =	sst s0  }
0x18: {  	s0 =	sld [smem:$0x3F8B];
	_ =	swait.ge [sflag:s4], $0x0  }
0x19: {  	s7 =	sld [smem:$0x3F8C]  }
0x1a: {  	s8 =	sadd.s32 $0xFFFFE003, lr  }
0x1b: {  	s9 =	sadd.s32 $0xFFFFFEF7, lr;
	s5 =	simm.s32 $0xFFFFFFFF;
	p2 =	slt.u32 s8, $0xFFFFF086  }
0x1c: {  	p1 =	slt.u32 s9, $0xF7A;
	s5 =	simm.s32 @!p2 $0x0  }
0x1d: {  	s5 =	simm.s32 @p1 $0x1;
	p0 =	seq.s32 s7, s2  }
0x1e: {  	s7 =	smul.u32 @!p0 $0xF7A, s2;
	p2 =	seq.s32 @!p0 s5, $0x0  }
0x1f: {  	s9 =	smul.u32 $0xF7A, s1;
	s8 =	simm.s32 @!p0 $0x1BF5;
	p2 =	por !p2, p0  }
0x20: {  	[sflag:s8] =	ssyncset.s32 @!p0 $0xFFFFF086;
	s6 =	sadd.s32 @!p0 s3, s7;
	s7 =	simm.s32 @!p0 $0x108  }
0x21: {  	s3 =	sadd.s32 s3, s9;
	s6 =	sadd.s32 @!p0 $0x88, s6;
	s7 =	simm.s32 @p2 $0x1082  }
0x22: {  	[simem:s7], [sflag:s8] =	dma.local @!p0 [hbm:s6], $0xF7A  }
0x23: {  	s9 =	sor.u32 $0xD0000000, s2;
	s6 =	simm.s32 $0x108;
	_ =	swait.ge @!p0 [sflag:s8], $0x0  }
0x24: {  	s3 =	sadd.s32 $0x88, s3;
	s6 =	simm.s32 @!p1 $0x1082;
	[sflag:s4] =	ssyncset.s32 $0xFFFFF086  }
0x25: {  	[simem:s6], [sflag:s4] =	dma.local [hbm:s3], $0xF7A  }
0x26: {  	[smem:$0x3F8C] =	sst s1;
	(tag) =	ssettag s2;
	_ =	strace s9  }
0x27: {  	s1 =	sld [smem:$0x3F9C]  }
0x28: {  	s2 =	sld [smem:$0x3F9D]  }
0x29: {  	s4 =	sld [smem:$0x3F9F]  }
0x2a: {  	p0 =	seq.s32 s5, $0x0;
	s5 =	sld [smem:$0x3FA0]  }
0x2b: {  	s6 =	sld [smem:$0x3FA1]  }
0x2c: {  	s7 =	sld [smem:$0x3FA2]  }
0x2d: {  	s3 =	simm.s32 $0x108;
	s8 =	sld [smem:$0x3FA3]  }
0x2e: {  	s3 =	simm.s32 @!p0 $0x1082;
	s9 =	sld [smem:$0x3FA4]  }
0x2f: {  	lr =	sadd.s32 s0, s3;
	s0 =	sld [smem:$0x3F9B]  }
0x30: {  	s3 =	sld [smem:$0x3F9E]  }
0x31: {  	[smem:$0x3FA7] =	sst s10  }
0x32: {  	s10 =	sld [smem:$0x3FA5];
	_ =	sdelay $0x3  }
0x33: {  	p0 =	seq.s32 s10, $0x1;
	s10 =	sld [smem:$0x3FA7];
	_ =	sdelay $0x3  }
0x34: {  	[smem:$0x3FA7] =	sst s10  }
0x35: {  	s10 =	sld [smem:$0x3FA6];
	_ =	sdelay $0x3  }
0x36: {  	p1 =	seq.s32 s10, $0x1;
	s10 =	sld [smem:$0x3FA7];
	_ =	sdelay $0x3  }
0x37: {  	[smem:$0x3FA7] =	sst s10  }
0x38: {  	s10 =	sld [smem:$0x3FA8]  }
0x39: {  	_ = 	snop;
	(pc) =	sbr.ind lr, $3  }
0x3a: {  	_ = 	snop  }
0x3b: {  	_ = 	snop  }
0x3c: {  	p2 =	seq.s32 s10, $0x1;
	s10 =	sld [smem:$0x3FA7]  }
0x3d: {  	_ =	shalt  }
0x3e: {  	_ =	shalt  }
0x3f: {  	_ =	shalt  }
0x40: {  	_ =	shalt  }
0x41: {  	_ =	shalt  }
0x42: {  	_ =	shalt  }
0x43: {  	_ =	shalt  }
0x44: {  	_ =	shalt  }
0x45: {  	_ =	shalt  }
0x46: {  	_ =	shalt  }
0x47: {  	_ =	shalt  }
0x48: {  	_ =	shalt  }
0x49: {  	_ =	shalt  }
0x4a: {  	_ =	shalt  }
0x4b: {  	_ =	shalt  }
0x4c: {  	_ =	shalt  }
0x4d: {  	_ =	shalt  }
0x4e: {  	_ =	shalt  }
0x4f: {  	_ =	shalt  }
0x50: {  	_ =	shalt  }
0x51: {  	_ =	shalt  }
0x52: {  	_ =	shalt  }
0x53: {  	_ =	shalt  }
0x54: {  	_ =	shalt  }
0x55: {  	_ =	shalt  }
0x56: {  	_ =	shalt  }
0x57: {  	_ =	shalt  }
0x58: {  	_ =	shalt  }
0x59: {  	_ =	shalt  }
0x5a: {  	_ =	shalt  }
0x5b: {  	_ =	shalt  }
0x5c: {  	_ =	shalt  }
0x5d: {  	_ =	shalt  }
0x5e: {  	_ =	shalt  }
0x5f: {  	_ =	shalt  }
0x60: {  	_ =	shalt  }
0x61: {  	_ =	shalt  }
0x62: {  	_ =	shalt  }
0x63: {  	_ =	shalt  }
0x64: {  	_ =	shalt  }
0x65: {  	_ =	shalt  }
0x66: {  	_ =	shalt  }
0x67: {  	_ =	shalt  }
0x68: {  	_ =	shalt  }
0x69: {  	_ =	shalt  }
0x6a: {  	_ =	shalt  }
0x6b: {  	_ =	shalt  }
0x6c: {  	_ =	shalt  }
0x6d: {  	_ =	shalt  }
0x6e: {  	_ =	shalt  }
0x6f: {  	_ =	shalt  }
0x70: {  	_ =	shalt  }
0x71: {  	_ =	shalt  }
0x72: {  	_ =	shalt  }
0x73: {  	_ =	shalt  }
0x74: {  	_ =	shalt  }
0x75: {  	_ =	shalt  }
0x76: {  	_ =	shalt  }
0x77: {  	_ =	shalt  }
0x78: {  	_ =	shalt  }
0x79: {  	_ =	shalt  }
0x7a: {  	_ =	shalt  }
0x7b: {  	_ =	shalt  }
0x7c: {  	_ =	shalt  }
0x7d: {  	_ =	shalt  }
0x7e: {  	_ =	shalt  }
0x7f: {  	_ =	shalt  }
0x80: {  	_ =	shalt  }
0x81: {  	_ =	shalt  }
0x82: {  	_ =	shalt  }
0x83: {  	_ =	shalt  }
0x84: {  	_ =	shalt  }
0x85: {  	_ =	shalt  }
0x86: {  	_ =	shalt  }
0x87: {  	_ =	shalt  }
.Lfunc_end0:
.L_simem_size_0:
called_computation.1_lowered:
.L_overlay_start_0:
0x88: {  	s2 =	sld [smem:$0x3FD9]  }
0x89: {  	s3 =	sld [smem:$0x3FFE];
	_ =	sdelay $0x1  }
0x8a: {  	s1 =	srdreg.scid  }
0x8b: {  	s0 =	sand.u32 $0x1, s1  }
0x8c: {  	s17 =	sshll.u32 s0, $0xA;
	s2 =	sadd.s32 s3, s2  }
0x8d: {  	s2 =	sadd.s32 s2, s17  }
0x8e: {  	[smem:$0x3FB3] =	sst s2  }
0x8f: {  	_ = 	snop  }
0x90: {  	s18 =	sld [smem:$0x3FC9];
	(tm) =	ssettm $0x1  }
0x91: {  	s19 =	sld [smem:$0x3FFB];
	_ =	sdelay $0x3  }
0x92: {  	_ =	strace s19  }
0x93: {  	s2 =	sld [smem:$0x3FFC];
	_ =	sdelay $0x3  }
0x94: {  	_ =	strace s2  }
0x95: {  	s2 =	sld [smem:$0x3FFD];
	_ =	sdelay $0x3  }
0x96: {  	_ =	strace s2  }
0x97: {  	_ =	strace $0x8FFFFFFF  }
0x98: {  	s20 =	sld [smem:$0x3FDB];
	_ =	sdelay $0x1  }
0x99: {  	s4 =	simm.s32 $_scs_section_size  }
0x9a: {  	s5 =	simm.s32 $_size__tile_overlayer_lowered;
	s6 =	simm.s32 $_tile_overlayer_lowered  }
0x9b: {  	s7 =	simm.s32 $0x1BFF;
	s21 =	sshll.u32 s6, $0x1;
	s4 =	sadd.s32 s4, s20  }
0x9c: {  	s22 =	simm.s32 $0x0;
	s5 =	sshll.u32 s5, $0x1;
	s6 =	sadd.s32 s21, s4  }
0x9d: {  	[timem:s22], [sflag:s7] =	dma.local [hbm:s6], s5  }
0x9e: {  	_ =	swait.ge [sflag:s7], s5  }
0x9f: {  	s5 =	ssub.s32 $0x0, s5;
	[sflag:s7] =	ssyncset.done $0x0  }
0xa0: {  	[sflag:s7] =	ssyncadd.s32 s5;
	_ =	sdelay $0x1  }
0xa1: {  	s23 =	simm.s32 $0x1B8B  }
0xa2: {  	_ =	swait.ge [sflag:s23], $0x1  }
0xa3: {  	[sflag:s23] =	ssyncset.done $0x0  }
0xa4: {  	[sflag:s23] =	ssyncadd.s32 $0xFFFFFFFF  }
0xa5: {  	s5 =	sld [smem:$0x0]  }
0xa6: {  	s6 =	sand.u32 $0xFFFFFFFE, s1  }
0xa7: {  	p0 =	sne.s32 s1, s6  }
0xa8: {  	s6 =	sshll.u32 @p0 s6, $0xE  }
0xa9: {  	s6 =	sadd.s32 @p0 $0x11B8D, s6;
	s7 =	sshll.u32 @p0 s5, $0x11  }
0xaa: {  	s6 =	sor.u32 @p0 s7, s6  }
0xab: {  	[sflag:s6] =	ssyncadd.remote.s32 @p0 $0x1;
	_ =	sdelay $0x1  }
0xac: {  	s6 =	simm.s32 @p0 $0x1B8D  }
0xad: {  	_ =	swait.eq @p0 [sflag:s6], $0x1  }
0xae: {  	[sflag:s6] =	ssyncadd.s32 @p0 $0xFFFFFFFF  }
0xaf: {  	s7 =	sshll.u32 @!p0 s1, $0xE  }
0xb0: {  	s7 =	sor.u32 @!p0 $0x4000, s7;
	s6 =	simm.s32 @!p0 $0x1B8D  }
0xb1: {  	s5 =	sshll.u32 @!p0 s5, $0x11;
	s7 =	sadd.s32 @!p0 $0x11B8D, s7;
	_ =	swait.eq @!p0 [sflag:s6], $0x1  }
0xb2: {  	s5 =	sor.u32 @!p0 s5, s7;
	[sflag:s6] =	ssyncadd.s32 @!p0 $0xFFFFFFFF  }
0xb3: {  	s25 =	simm.s32 $0x1B8E;
	s24 =	sld [smem:$0x3FFE];
	[sflag:s5] =	ssyncadd.remote.s32 @!p0 $0x1  }
0xb4: {  	s26 =	simm.s32 $execute0_lowered;
	[smem:$0x3FD2] =	sst s25  }
0xb5: {  	s6 =	sshll.u32 s26, $0x1;
	_ =	strace $0x8000004C;
	[dreg:$0x1] =	wrdreg $0xFFFFFFFF  }
0xb6: {  	s28 =	simm.s32 $_size_execute0_lowered;
	s4 =	sadd.s32 s4, s6;
	[dreg:$0x0] =	wrdreg $0x0  }
0xb7: {  	s6 =	sshll.u32 s28, $0x1;
	[dreg:$0x2] =	wrdreg s4  }
0xb8: {  	[dreg:$0x3] =	wrdreg s6  }
0xb9: {  	[dreg:$0x4] =	wrdreg $0xC0  }
0xba: {  	_ =	task [dreg:s22], $0x5FFFF  }
0xbb: {  	[dreg:$0x1] =	wrdreg $0xFFFFFFFF  }
0xbc: {  	[dreg:$0x0] =	wrdreg $0x60  }
0xbd: {  	[dreg:$0x2] =	wrdreg s18  }
0xbe: {  	[dreg:$0x3] =	wrdreg s24  }
0xbf: {  	[dreg:$0x4] =	wrdreg $0xC  }
0xc0: {  	_ =	task.clear_ibuf [dreg:s22], $0x5FFFF;
	_ =	strace $0x9000004C  }
0xc1: {  	s29 =	simm.s32 $0xC;
	_ =	strace $0x8000004E  }
0xc2: {  	_ =	swait.ge [sflag:s29], $0x1  }
0xc3: {  	[sflag:s29] =	ssyncadd.s32 $0xFFFFFFFF  }
0xc4: {  	_ =	strace $0x9000004E  }
0xc5: {  	_ =	sfence  }
0xc6: {  	s30 =	sld [smem:$0x0];
	_ =	sdelay $0x2  }
0xc7: {  	s31 =	sshll.u32 s1, $0xD;
	s1 =	sshrl.u32 s1, $0x2  }
0xc8: {  	s4 =	sand.u32 $0x4000, s31;
	s1 =	sadd.s32 s1, s30  }
0xc9: {  	s0 =	sor.u32 s4, s0;
	s1 =	sshll.u32 s1, $0x11  }
0xca: {  	s0 =	sor.u32 s1, s0  }
0xcb: {  	s0 =	sadd.s32 $0x8F2B, s0  }
0xcc: {  	[sflag:s0] =	ssyncadd.remote.s32 $0x1  }
0xcd: {  	_ =	sfence.sel $0xFFFF  }
0xce: {  	[dreg:$0x0] =	wrdreg $0xFFFFFFFF;
	(pc) =	sbr.abs _section_cstart, $3  }
0xcf: {  	[dreg:$0x1] =	wrdreg $0xFFFFFFFF  }
0xd0: {  	_ =	task.clear_ibuf [dreg:s22], $0x2FFFF;
	_ =	strace $0x9FFFFFFF  }
0xd1: {  	(tm) =	ssettm $0x7FFFFFFF  }
tec
execute0_lowered:
.L_overlay_start_1:
0x0: {  	(tag) =	ssettag $0x1  }
0x1: {  	s1 =	srdreg.scid;
	s2 =	rddreg [dreg:$0x0]  }
0x2: {  	s0 =	stileid.u32;
	s4 =	rddreg [dreg:$0x1]  }
0x3: {  	s3 =	simm.s32 $0x0;
	s12 =	simm.s32 $0x100;
	s13 =	simm.s32 $0x4100  }
0x4: {  	s14 =	simm.s32 $0x1;
	s15 =	simm.s32 $0x2;
	s16 =	simm.s32 $0x0  }
0x5: {  	s5 =	sand.u32 $0x1, s1;
	s6 =	sshll.u32 s0, $0x8;
	s1 =	rddreg [dreg:$0x2]  }
0x6: {  	[smem:$0x7FF] =	sst s3;
	s8 =	sadd.s32 $0x502400, s4;
	s29 =	sshll.u32 s0, $0x1  }
0x7: {  	s30 =	sshll.u32 s0, $0xF;
	s31 =	sshll.u32 s0, $0xC;
	s7 =	sshll.u32 s5, $0x7  }
0x8: {  	s26 =	ssub.s32 $0x2, s5;
	_ =	strace $0x8000004D;
	s10 =	sshll.u32 s5, $0xE  }
0x9: {  	s11 =	sshll.u32 s5, $0xB;
	s6 =	sor.u32 s7, s6;
	s28 =	sshrl.u32 s26, $0x1  }
0xa: {  	s7 =	sor.u32 s10, s30;
	s10 =	sadd.s32 s31, s8;
	s6 =	sshrl.u32 s6, $0x3  }
0xb: {  	s7 =	sadd.s32 $0x9C4000, s7;
	s9 =	sadd.s32 s6, s4;
	s4 =	sor.u32 s5, s29  }
0xc: {  	s6 =	ssub.s32 s26, s28;
	s7 =	sshrl.u32 s7, $0x3;
	p0 =	slt.u32 s4, $0x11  }
0xd: {  	s4 =	simm.s32 $0x14;
	s5 =	smax.u32 s6, $0x1;
	s6 =	sadd.s32 s7, s8  }
0xe: {  	s7 =	sadd.s32 s11, s10;
	s8 =	sadd.s32 $0x16400, s9;
	s9 =	sadd.s32 $0x1DC00, s9  }
0xf: {  	s10 =	simm.s32 $0x3;
	s11 =	simm.s32 $0x80;
	s4 =	simm.s32 @!p0 $0x13  }
.LBB2_1:
0x10: {  	[tilespmem:s3], [sflag:$0x3] =	stream.linear.gather [hbm4b:s9+s3], $0x80, $0x38;
	[tilespmem:$0x8100] =	vst v63  }
0x11: {  	_ =	swait.ge [sflag:s10], $0x80  }
0x12: {  	[sflag:s10] =	ssyncset.done $0x0  }
0x13: {  	[sflag:s10] =	ssyncadd.s32 $0xFFFFFF80  }
0x14: {  	[tilespmem:s11], [sflag:$0x3] =	stream.linear.gather [hbm4b:s8+s3], $0x80, $0x38;
	[tilespmem:$0x8100] =	vst v63  }
0x15: {  	_ =	swait.ge [sflag:s10], $0x80  }
0x16: {  	[sflag:s10] =	ssyncset.done $0x0  }
0x17: {  	[sflag:s10] =	ssyncadd.s32 $0xFFFFFF80  }
0x18: {  	[tilespmem:s12], [sflag:$0x1] =	stream.indirect.gather [hbm4b:s2+s11], $0x80, s3, s11, $0xb8;
	[tilespmem:$0x8100] =	vst v63  }
0x19: {  	_ = 	snop  }
0x1a: {  	[tilespmem:s13], [sflag:$0x2] =	stream.indirect.gather [hbm4b:s2+s11], $0x80, s11, s11, $0xb8;
	[tilespmem:$0x8100] =	vst v63  }
0x1b: {  	_ =	swait.ge [sflag:s14], $0x4000  }
0x1c: {  	[sflag:s14] =	ssyncset.done $0x0  }
0x1d: {  	[sflag:s14] =	ssyncadd.s32 $0xFFFFC000  }
0x1e: {  	_ =	swait.ge [sflag:s15], $0x4000  }
0x1f: {  	[sflag:s15] =	ssyncset.done $0x0  }
0x20: {  	[sflag:s15] =	ssyncadd.s32 $0xFFFFC000  }
0x21: {  	[hbm4b:s7+s3] =	stream.linear.scatter [tilespmem:s12], [sflag:$0x3], $0x4000, $0x38;
	[tilespmem:$0x8100] =	vst v63  }
0x22: {  	p0 =	sne.s32 s4, $0x1;
	_ =	swait.ge [sflag:s10], $0x4000  }
.Ltmp0:
0x23: {  	[sflag:s10] =	ssyncset.done $0x0;
	(pc) =	sbr.rel @!p0 .LBB2_3-.Ltmp0, $4  }
0x24: {  	s17 =	sadd.s32 $0xFFFFFFFF, s4;
	[sflag:s10] =	ssyncadd.s32 $0xFFFFC000  }
0x25: {  	[hbm4b:s6+s3] =	stream.linear.scatter [tilespmem:s13], [sflag:$0x3], $0x4000, $0x38;
	[tilespmem:$0x8100] =	vst v63  }
0x26: {  	s18 =	sadd.s32 $0x200, s8;
	s19 =	sadd.s32 $0x200, s9;
	_ =	swait.ge [sflag:s10], $0x4000  }
0x27: {  	s20 =	smov.u32 s6;
	s21 =	smov.u32 s7;
	[sflag:s10] =	ssyncset.done $0x0  }
.LBB2_2:
0x28: {  	[sflag:s10] =	ssyncadd.s32 $0xFFFFC000;
	s20 =	sadd.s32 $0x10000, s20;
	s21 =	sadd.s32 $0x10000, s21  }
0x29: {  	[tilespmem:s3], [sflag:$0x3] =	stream.linear.gather [hbm4b:s19+s3], $0x80, $0x38;
	[tilespmem:$0x8100] =	vst v63  }
0x2a: {  	p0 =	sne.s32 s17, $0x1;
	s17 =	sadd.s32 $0xFFFFFFFF, s17;
	_ =	swait.ge [sflag:s10], $0x80  }
0x2b: {  	[sflag:s10] =	ssyncset.done $0x0  }
0x2c: {  	[sflag:s10] =	ssyncadd.s32 $0xFFFFFF80  }
0x2d: {  	[tilespmem:s11], [sflag:$0x3] =	stream.linear.gather [hbm4b:s18+s3], $0x80, $0x38;
	[tilespmem:$0x8100] =	vst v63  }
0x2e: {  	_ =	swait.ge [sflag:s10], $0x80  }
0x2f: {  	[sflag:s10] =	ssyncset.done $0x0  }
0x30: {  	[sflag:s10] =	ssyncadd.s32 $0xFFFFFF80  }
0x31: {  	[tilespmem:s12], [sflag:$0x1] =	stream.indirect.gather [hbm4b:s2+s11], $0x80, s3, s11, $0xb8;
	[tilespmem:$0x8100] =	vst v63  }
0x32: {  	_ = 	snop  }
0x33: {  	[tilespmem:s13], [sflag:$0x2] =	stream.indirect.gather [hbm4b:s2+s11], $0x80, s11, s11, $0xb8;
	[tilespmem:$0x8100] =	vst v63  }
0x34: {  	_ =	swait.ge [sflag:s14], $0x4000  }
0x35: {  	[sflag:s14] =	ssyncset.done $0x0  }
0x36: {  	[sflag:s14] =	ssyncadd.s32 $0xFFFFC000  }
0x37: {  	_ =	swait.ge [sflag:s15], $0x4000  }
0x38: {  	[sflag:s15] =	ssyncset.done $0x0  }
0x39: {  	[sflag:s15] =	ssyncadd.s32 $0xFFFFC000  }
0x3a: {  	[hbm4b:s21+s3] =	stream.linear.scatter [tilespmem:s12], [sflag:$0x3], $0x4000, $0x38;
	[tilespmem:$0x8100] =	vst v63  }
0x3b: {  	_ =	swait.ge [sflag:s10], $0x4000  }
.Ltmp1:
0x3c: {  	[sflag:s10] =	ssyncset.done $0x0;
	(pc) =	sbr.rel @p0 .LBB2_2-.Ltmp1, $4  }
0x3d: {  	[sflag:s10] =	ssyncadd.s32 $0xFFFFC000  }
0x3e: {  	[hbm4b:s20+s3] =	stream.linear.scatter [tilespmem:s13], [sflag:$0x3], $0x4000, $0x38;
	[tilespmem:$0x8100] =	vst v63  }
0x3f: {  	_ =	swait.ge [sflag:s10], $0x4000  }
0x40: {  	s19 =	sadd.s32 $0x200, s19;
	s18 =	sadd.s32 $0x200, s18;
	[sflag:s10] =	ssyncset.done $0x0  }
.LBB2_3:
0x41: {  	s16 =	sadd.s32 $0x1, s16  }
0x42: {  	p0 =	sne.s32 s16, s5  }
.Ltmp2:
0x43: {  	_ = 	snop;
	(pc) =	sbr.rel @p0 .LBB2_1-.Ltmp2, $2  }
0x44: {  	_ =	sdelay $0x2  }
0x45: {  	[sflag:s10] =	ssyncadd.s32 $0xFFFFC000  }
0x46: {  	_ =	sfence.sel $0x180000  }
0x47: {  	[bflag:$0x0] =	sbarrier.arrive $0xFFFF  }
0x48: {  	p0 =	sne.s32 s0, $0x0;
	_ =	strace $0x9000004D  }
0x49: {  	s0 =	sadd.s32 @!p0 $0x100000, s1;
	[bflag:$0x2] =	sbarrier.arrive $0xFFFF  }
0x4a: {  	[sflag:s0] =	ssyncadd.tile.s32 @!p0 $0x1;
	_ =	shalt  }
.Lfunc_end2:
_tile_overlayer_lowered:
.L_overlay_start_2:
0x4b: {  	(tag) =	ssettag $0x2  }
0x4c: {  	s0 =	rddreg [dreg:$0x0];
	s2 =	stileid.u32  }
0x4d: {  	s1 =	rddreg [dreg:$0x1];
	p0 =	sne.s32 s2, $0x0  }
0x4e: {  	s3 =	rddreg [dreg:$0x2];
	[bflag:$0x3] =	sbarrier.arrive $0xFFFF;
	s2 =	simm.s32 @!p0 $0x1C03  }
0x4f: {  	[timem:s3], [sflag:s2] =	dma.local @!p0 [hbm:s0], s1  }
0x50: {  	s0 =	simm.s32 @!p0 $0x3  }
0x51: {  	_ =	swait.ge @!p0 [sflag:s0], s1  }
0x52: {  	s1 =	ssub.s32 @!p0 $0x0, s1;
	[sflag:s0] =	ssyncset.done @!p0 $0x0  }
0x53: {  	[sflag:s0] =	ssyncadd.s32 @!p0 s1  }
0x54: {  	[bflag:$0x3] =	sbarrier.arrive $0xFFFF  }
0x55: {  	_ =	shalt  }

// kernel: kernel.22.cloned.1.call-start
scs
__scs_entry_jumppad:
0x0: {  	(pc) =	sbr.rel $0x88, $3  }
0x1: {  	(tag) =	ssettag $0x0;
	lr =	simm.s32 $0x1  }
0x2: {  	[smem:$0x3F8C] =	sst lr;
	_ =	strace $0xD0000000  }
0x3: {  	_ = 	snop  }
0x4: {  	_ = 	snop  }
0x5: {  	_ = 	snop  }
0x6: {  	_ = 	snop  }
0x7: {  	_ = 	snop  }
__scs_overlays_trampoline_lowered:
0x8: {  	[smem:$0x3F9B] =	sst s0  }
0x9: {  	[smem:$0x3F9C] =	sst s1  }
0xa: {  	[smem:$0x3F9D] =	sst s2  }
0xb: {  	[smem:$0x3F9E] =	sst s3  }
0xc: {  	[smem:$0x3F9F] =	sst s4  }
0xd: {  	[smem:$0x3FA0] =	sst s5  }
0xe: {  	[smem:$0x3FA1] =	sst s6  }
0xf: {  	[smem:$0x3FA2] =	sst s7  }
0x10: {  	[smem:$0x3FA3] =	sst s8  }
0x11: {  	[smem:$0x3FA4] =	sst s9;
	s0 =	simm.s32 @!p0 $0x0  }
0x12: {  	s1 =	sld [smem:$0x3F8A];
	s0 =	simm.s32 @p0 $0x1  }
0x13: {  	[smem:$0x3FA5] =	sst s0;
	s0 =	simm.s32 @!p1 $0x0  }
0x14: {  	s2 =	sld [smem:$0x3F89];
	s0 =	simm.s32 @p1 $0x1  }
0x15: {  	[smem:$0x3FA6] =	sst s0;
	s0 =	simm.s32 @!p2 $0x0  }
0x16: {  	s3 =	sld [smem:$0x3FDB];
	s0 =	simm.s32 @p2 $0x1  }
0x17: {  	s4 =	simm.s32 $0x1BF5;
	[smem:$0x3FA8] =	sst s0  }
0x18: {  	s0 =	sld [smem:$0x3F8B];
	_ =	swait.ge [sflag:s4], $0x0  }
0x19: {  	s7 =	sld [smem:$0x3F8C]  }
0x1a: {  	s8 =	sadd.s32 $0xFFFFE003, lr  }
0x1b: {  	s9 =	sadd.s32 $0xFFFFFEF7, lr;
	s5 =	simm.s32 $0xFFFFFFFF;
	p2 =	slt.u32 s8, $0xFFFFF086  }
0x1c: {  	p1 =	slt.u32 s9, $0xF7A;
	s5 =	simm.s32 @!p2 $0x0  }
0x1d: {  	s5 =	simm.s32 @p1 $0x1;
	p0 =	seq.s32 s7, s2  }
0x1e: {  	s7 =	smul.u32 @!p0 $0xF7A, s2;
	p2 =	seq.s32 @!p0 s5, $0x0  }
0x1f: {  	s9 =	smul.u32 $0xF7A, s1;
	s8 =	simm.s32 @!p0 $0x1BF5;
	p2 =	por !p2, p0  }
0x20: {  	[sflag:s8] =	ssyncset.s32 @!p0 $0xFFFFF086;
	s6 =	sadd.s32 @!p0 s3, s7;
	s7 =	simm.s32 @!p0 $0x108  }
0x21: {  	s3 =	sadd.s32 s3, s9;
	s6 =	sadd.s32 @!p0 $0x88, s6;
	s7 =	simm.s32 @p2 $0x1082  }
0x22: {  	[simem:s7], [sflag:s8] =	dma.local @!p0 [hbm:s6], $0xF7A  }
0x23: {  	s9 =	sor.u32 $0xD0000000, s2;
	s6 =	simm.s32 $0x108;
	_ =	swait.ge @!p0 [sflag:s8], $0x0  }
0x24: {  	s3 =	sadd.s32 $0x88, s3;
	s6 =	simm.s32 @!p1 $0x1082;
	[sflag:s4] =	ssyncset.s32 $0xFFFFF086  }
0x25: {  	[simem:s6], [sflag:s4] =	dma.local [hbm:s3], $0xF7A  }
0x26: {  	[smem:$0x3F8C] =	sst s1;
	(tag) =	ssettag s2;
	_ =	strace s9  }
0x27: {  	s1 =	sld [smem:$0x3F9C]  }
0x28: {  	s2 =	sld [smem:$0x3F9D]  }
0x29: {  	s4 =	sld [smem:$0x3F9F]  }
0x2a: {  	p0 =	seq.s32 s5, $0x0;
	s5 =	sld [smem:$0x3FA0]  }
0x2b: {  	s6 =	sld [smem:$0x3FA1]  }
0x2c: {  	s7 =	sld [smem:$0x3FA2]  }
0x2d: {  	s3 =	simm.s32 $0x108;
	s8 =	sld [smem:$0x3FA3]  }
0x2e: {  	s3 =	simm.s32 @!p0 $0x1082;
	s9 =	sld [smem:$0x3FA4]  }
0x2f: {  	lr =	sadd.s32 s0, s3;
	s0 =	sld [smem:$0x3F9B]  }
0x30: {  	s3 =	sld [smem:$0x3F9E]  }
0x31: {  	[smem:$0x3FA7] =	sst s10  }
0x32: {  	s10 =	sld [smem:$0x3FA5];
	_ =	sdelay $0x3  }
0x33: {  	p0 =	seq.s32 s10, $0x1;
	s10 =	sld [smem:$0x3FA7];
	_ =	sdelay $0x3  }
0x34: {  	[smem:$0x3FA7] =	sst s10  }
0x35: {  	s10 =	sld [smem:$0x3FA6];
	_ =	sdelay $0x3  }
0x36: {  	p1 =	seq.s32 s10, $0x1;
	s10 =	sld [smem:$0x3FA7];
	_ =	sdelay $0x3  }
0x37: {  	[smem:$0x3FA7] =	sst s10  }
0x38: {  	s10 =	sld [smem:$0x3FA8]  }
0x39: {  	_ = 	snop;
	(pc) =	sbr.ind lr, $3  }
0x3a: {  	_ = 	snop  }
0x3b: {  	_ = 	snop  }
0x3c: {  	p2 =	seq.s32 s10, $0x1;
	s10 =	sld [smem:$0x3FA7]  }
0x3d: {  	_ =	shalt  }
0x3e: {  	_ =	shalt  }
0x3f: {  	_ =	shalt  }
0x40: {  	_ =	shalt  }
0x41: {  	_ =	shalt  }
0x42: {  	_ =	shalt  }
0x43: {  	_ =	shalt  }
0x44: {  	_ =	shalt  }
0x45: {  	_ =	shalt  }
0x46: {  	_ =	shalt  }
0x47: {  	_ =	shalt  }
0x48: {  	_ =	shalt  }
0x49: {  	_ =	shalt  }
0x4a: {  	_ =	shalt  }
0x4b: {  	_ =	shalt  }
0x4c: {  	_ =	shalt  }
0x4d: {  	_ =	shalt  }
0x4e: {  	_ =	shalt  }
0x4f: {  	_ =	shalt  }
0x50: {  	_ =	shalt  }
0x51: {  	_ =	shalt  }
0x52: {  	_ =	shalt  }
0x53: {  	_ =	shalt  }
0x54: {  	_ =	shalt  }
0x55: {  	_ =	shalt  }
0x56: {  	_ =	shalt  }
0x57: {  	_ =	shalt  }
0x58: {  	_ =	shalt  }
0x59: {  	_ =	shalt  }
0x5a: {  	_ =	shalt  }
0x5b: {  	_ =	shalt  }
0x5c: {  	_ =	shalt  }
0x5d: {  	_ =	shalt  }
0x5e: {  	_ =	shalt  }
0x5f: {  	_ =	shalt  }
0x60: {  	_ =	shalt  }
0x61: {  	_ =	shalt  }
0x62: {  	_ =	shalt  }
0x63: {  	_ =	shalt  }
0x64: {  	_ =	shalt  }
0x65: {  	_ =	shalt  }
0x66: {  	_ =	shalt  }
0x67: {  	_ =	shalt  }
0x68: {  	_ =	shalt  }
0x69: {  	_ =	shalt  }
0x6a: {  	_ =	shalt  }
0x6b: {  	_ =	shalt  }
0x6c: {  	_ =	shalt  }
0x6d: {  	_ =	shalt  }
0x6e: {  	_ =	shalt  }
0x6f: {  	_ =	shalt  }
0x70: {  	_ =	shalt  }
0x71: {  	_ =	shalt  }
0x72: {  	_ =	shalt  }
0x73: {  	_ =	shalt  }
0x74: {  	_ =	shalt  }
0x75: {  	_ =	shalt  }
0x76: {  	_ =	shalt  }
0x77: {  	_ =	shalt  }
0x78: {  	_ =	shalt  }
0x79: {  	_ =	shalt  }
0x7a: {  	_ =	shalt  }
0x7b: {  	_ =	shalt  }
0x7c: {  	_ =	shalt  }
0x7d: {  	_ =	shalt  }
0x7e: {  	_ =	shalt  }
0x7f: {  	_ =	shalt  }
0x80: {  	_ =	shalt  }
0x81: {  	_ =	shalt  }
0x82: {  	_ =	shalt  }
0x83: {  	_ =	shalt  }
0x84: {  	_ =	shalt  }
0x85: {  	_ =	shalt  }
0x86: {  	_ =	shalt  }
0x87: {  	_ =	shalt  }
.Lfunc_end0:
.L_simem_size_0:
called_computation.2_lowered:
.L_overlay_start_0:
0x88: {  	s2 =	sld [smem:$0x3FD9]  }
0x89: {  	s3 =	sld [smem:$0x3FFE];
	_ =	sdelay $0x1  }
0x8a: {  	s1 =	srdreg.scid  }
0x8b: {  	s0 =	sand.u32 $0x1, s1  }
0x8c: {  	s17 =	sshll.u32 s0, $0xA;
	s2 =	sadd.s32 s3, s2  }
0x8d: {  	s2 =	sadd.s32 s2, s17  }
0x8e: {  	[smem:$0x3FB3] =	sst s2  }
0x8f: {  	_ = 	snop  }
0x90: {  	(tm) =	ssettm $0x1  }
0x91: {  	s18 =	sld [smem:$0x3FFB];
	_ =	sdelay $0x3  }
0x92: {  	_ =	strace s18  }
0x93: {  	s2 =	sld [smem:$0x3FFC];
	_ =	sdelay $0x3  }
0x94: {  	_ =	strace s2  }
0x95: {  	s2 =	sld [smem:$0x3FFD];
	_ =	sdelay $0x3  }
0x96: {  	_ =	strace s2  }
0x97: {  	_ =	strace $0x8FFFFFFF  }
0x98: {  	s19 =	sld [smem:$0x3FDB];
	_ =	sdelay $0x1  }
0x99: {  	s20 =	simm.s32 $_scs_section_size  }
0x9a: {  	s4 =	simm.s32 $_size__tile_overlayer_lowered;
	s5 =	simm.s32 $_tile_overlayer_lowered  }
0x9b: {  	s6 =	simm.s32 $0x1BFF;
	s21 =	sshll.u32 s5, $0x1;
	s3 =	sadd.s32 s20, s19  }
0x9c: {  	s22 =	simm.s32 $0x0;
	s4 =	sshll.u32 s4, $0x1;
	s5 =	sadd.s32 s21, s3  }
0x9d: {  	[timem:s22], [sflag:s6] =	dma.local [hbm:s5], s4  }
0x9e: {  	_ =	swait.ge [sflag:s6], s4  }
0x9f: {  	s4 =	ssub.s32 $0x0, s4;
	[sflag:s6] =	ssyncset.done $0x0  }
0xa0: {  	[sflag:s6] =	ssyncadd.s32 s4;
	_ =	sdelay $0x1  }
0xa1: {  	s23 =	simm.s32 $0x1B8B  }
0xa2: {  	_ =	swait.ge [sflag:s23], $0x1  }
0xa3: {  	[sflag:s23] =	ssyncset.done $0x0  }
0xa4: {  	[sflag:s23] =	ssyncadd.s32 $0xFFFFFFFF  }
0xa5: {  	s4 =	sld [smem:$0x0]  }
0xa6: {  	s5 =	sand.u32 $0xFFFFFFFE, s1  }
0xa7: {  	p0 =	sne.s32 s1, s5  }
0xa8: {  	s5 =	sshll.u32 @p0 s5, $0xE  }
0xa9: {  	s5 =	sadd.s32 @p0 $0x11B8D, s5;
	s6 =	sshll.u32 @p0 s4, $0x11  }
0xaa: {  	s5 =	sor.u32 @p0 s6, s5  }
0xab: {  	[sflag:s5] =	ssyncadd.remote.s32 @p0 $0x1;
	_ =	sdelay $0x1  }
0xac: {  	s5 =	simm.s32 @p0 $0x1B8D  }
0xad: {  	_ =	swait.eq @p0 [sflag:s5], $0x1  }
0xae: {  	[sflag:s5] =	ssyncadd.s32 @p0 $0xFFFFFFFF  }
0xaf: {  	s6 =	sshll.u32 @!p0 s1, $0xE  }
0xb0: {  	s6 =	sor.u32 @!p0 $0x4000, s6;
	s5 =	simm.s32 @!p0 $0x1B8D  }
0xb1: {  	s4 =	sshll.u32 @!p0 s4, $0x11;
	s6 =	sadd.s32 @!p0 $0x11B8D, s6;
	_ =	swait.eq @!p0 [sflag:s5], $0x1  }
0xb2: {  	s4 =	sor.u32 @!p0 s4, s6;
	[sflag:s5] =	ssyncadd.s32 @!p0 $0xFFFFFFFF  }
0xb3: {  	s25 =	simm.s32 $0x1B8E;
	s24 =	sld [smem:$0x3FFE];
	[sflag:s4] =	ssyncadd.remote.s32 @!p0 $0x1  }
0xb4: {  	s26 =	simm.s32 $execute0_lowered;
	[smem:$0x3FD2] =	sst s25  }
0xb5: {  	s5 =	sshll.u32 s26, $0x1;
	_ =	strace $0x80000052;
	[dreg:$0x1] =	wrdreg $0xFFFFFFFF  }
0xb6: {  	s28 =	simm.s32 $_size_execute0_lowered;
	s3 =	sadd.s32 s3, s5;
	[dreg:$0x0] =	wrdreg $0x0  }
0xb7: {  	s5 =	sshll.u32 s28, $0x1;
	[dreg:$0x2] =	wrdreg s3  }
0xb8: {  	[dreg:$0x3] =	wrdreg s5  }
0xb9: {  	[dreg:$0x4] =	wrdreg $0xC0  }
0xba: {  	_ =	task [dreg:s22], $0x5FFFF  }
0xbb: {  	[dreg:$0x1] =	wrdreg $0xFFFFFFFF  }
0xbc: {  	[dreg:$0x0] =	wrdreg $0x60  }
0xbd: {  	[dreg:$0x2] =	wrdreg s24  }
0xbe: {  	[dreg:$0x3] =	wrdreg $0x80800  }
0xbf: {  	[dreg:$0x4] =	wrdreg $0x9  }
0xc0: {  	_ =	task.clear_ibuf [dreg:s22], $0x5FFFF;
	_ =	strace $0x90000052  }
0xc1: {  	s29 =	simm.s32 $0x9;
	_ =	strace $0x80000054  }
0xc2: {  	_ =	swait.ge [sflag:s29], $0x1  }
0xc3: {  	[sflag:s29] =	ssyncadd.s32 $0xFFFFFFFF  }
0xc4: {  	_ =	strace $0x90000054  }
0xc5: {  	_ =	sfence  }
0xc6: {  	s30 =	sld [smem:$0x0];
	_ =	sdelay $0x2  }
0xc7: {  	s31 =	sshll.u32 s1, $0xD;
	s1 =	sshrl.u32 s1, $0x2  }
0xc8: {  	s4 =	sand.u32 $0x4000, s31;
	s1 =	sadd.s32 s1, s30  }
0xc9: {  	s0 =	sor.u32 s4, s0;
	s1 =	sshll.u32 s1, $0x11  }
0xca: {  	s0 =	sor.u32 s1, s0  }
0xcb: {  	s0 =	sadd.s32 $0x8F2B, s0  }
0xcc: {  	[sflag:s0] =	ssyncadd.remote.s32 $0x1  }
0xcd: {  	_ =	sfence.sel $0xFFFF  }
0xce: {  	[dreg:$0x0] =	wrdreg $0xFFFFFFFF;
	(pc) =	sbr.abs _section_cstart, $3  }
0xcf: {  	[dreg:$0x1] =	wrdreg $0xFFFFFFFF  }
0xd0: {  	_ =	task.clear_ibuf [dreg:s22], $0x2FFFF;
	_ =	strace $0x9FFFFFFF  }
0xd1: {  	(tm) =	ssettm $0x7FFFFFFF  }
tec
execute0_lowered:
.L_overlay_start_1:
0x0: {  	(tag) =	ssettag $0x1  }
0x1: {  	s6 =	rddreg [dreg:$0x0]  }
0x2: {  	s0 =	srdreg.scid;
	s2 =	rddreg [dreg:$0x1]  }
0x3: {  	s3 =	simm.s32 $0x0;
	s1 =	stileid.u32;
	s22 =	simm.s32 $0x0  }
0x4: {  	s8 =	sand.u32 $0x1, s0;
	s0 =	rddreg [dreg:$0x2];
	s11 =	smul.u32 $0x280, s1  }
0x5: {  	[smem:$0x7FF] =	sst s3;
	s5 =	sadd.s32 $0x9E9C00, s6;
	s9 =	smul.u32 $0x50000, s1  }
0x6: {  	s16 =	sadd.s32 $0x9EA400, s6;
	p0 =	slt.u32 s1, $0x2;
	s4 =	smul.u32 $0x4E2, s8  }
0x7: {  	_ =	strace $0x80000053;
	s7 =	ssub.s32 $0x2, s8;
	s20 =	smul.u32 $0x2800, s8  }
0x8: {  	s26 =	sshrl.u32 s7, $0x1;
	s12 =	sadd.s32 $0x80, s11;
	s28 =	sshrl.u32 s9, $0x2  }
0x9: {  	s14 =	sadd.s32 $0x100, s11;
	s15 =	sadd.s32 $0x180, s11;
	s19 =	sadd.s32 $0x200, s11  }
0xa: {  	s4 =	sadd.s32 s1, s4;
	s17 =	ssub.s32 s7, s26;
	s29 =	sshll.u32 s12, $0x7  }
0xb: {  	s30 =	sshll.u32 s14, $0x7;
	s10 =	sshll.u32 s15, $0x7;
	s13 =	sshll.u32 s19, $0x7  }
0xc: {  	s31 =	sadd.s32 s11, s20;
	s12 =	sadd.s32 s20, s12;
	s11 =	simm.s32 $0x4F  }
0xd: {  	s14 =	sadd.s32 s20, s14;
	s15 =	sadd.s32 s20, s15;
	s19 =	sadd.s32 s20, s19  }
0xe: {  	s20 =	simm.s32 $0x1;
	s4 =	sshll.u32 s4, $0x4;
	s7 =	sadd.s32 s29, s2  }
0xf: {  	s8 =	sadd.s32 s30, s2;
	s9 =	sadd.s32 s10, s2;
	s10 =	sadd.s32 s13, s2  }
0x10: {  	s13 =	sshll.u32 s31, $0x4;
	s21 =	sshll.u32 s12, $0x4;
	s11 =	simm.s32 @!p0 $0x4E  }
0x11: {  	s14 =	sshll.u32 s14, $0x4;
	s15 =	sshll.u32 s15, $0x4;
	s19 =	sshll.u32 s19, $0x4  }
0x12: {  	s17 =	smax.u32 s17, $0x1;
	s18 =	sadd.s32 s4, s6;
	s4 =	sadd.s32 $0x9E9400, s6  }
0x13: {  	s6 =	sadd.s32 s28, s2;
	s12 =	sadd.s32 s16, s13;
	s13 =	sadd.s32 s16, s21  }
0x14: {  	s14 =	sadd.s32 s16, s14;
	s15 =	sadd.s32 s16, s15;
	s16 =	sadd.s32 s16, s19  }
0x15: {  	s19 =	simm.s32 $0x4080;
	s21 =	simm.s32 $0x80;
	s18 =	sadd.s32 $0x7600, s18  }
.LBB2_1:
0x16: {  	[tilespmem:s19], [sflag:$0x1] =	stream.linear.gather [hbm4b:s4+s3], $0x4000, $0x38;
	[tilespmem:$0x1C080] =	vst v63  }
0x17: {  	_ =	swait.ge [sflag:s20], $0x4000  }
0x18: {  	[sflag:s20] =	ssyncset.done $0x0  }
0x19: {  	[sflag:s20] =	ssyncadd.s32 $0xFFFFC000  }
0x1a: {  	[tilespmem:s21], [sflag:$0x1] =	stream.linear.gather [hbm4b:s5+s3], $0x4000, $0x38;
	[tilespmem:$0x1C080] =	vst v63  }
0x1b: {  	_ =	swait.ge [sflag:s20], $0x4000  }
0x1c: {  	[sflag:s20] =	ssyncset.done $0x0  }
0x1d: {  	[sflag:s20] =	ssyncadd.s32 $0xFFFFC000  }
0x1e: {  	[spmem:s6] =	stream.linear.scatter [tilespmem:s19], [sflag:$0x1], $0x4000, $0x38;
	[tilespmem:$0x1C080] =	vst v63  }
0x1f: {  	_ =	swait.ge [sflag:s20], $0x4000  }
0x20: {  	[sflag:s20] =	ssyncset.done $0x0  }
0x21: {  	[sflag:s20] =	ssyncadd.s32 $0xFFFFC000  }
0x22: {  	[spmem:s7] =	stream.linear.scatter [tilespmem:s19], [sflag:$0x1], $0x4000, $0x38;
	[tilespmem:$0x1C080] =	vst v63  }
0x23: {  	_ =	swait.ge [sflag:s20], $0x4000  }
0x24: {  	[sflag:s20] =	ssyncset.done $0x0  }
0x25: {  	[sflag:s20] =	ssyncadd.s32 $0xFFFFC000  }
0x26: {  	[spmem:s8] =	stream.linear.scatter [tilespmem:s19], [sflag:$0x1], $0x4000, $0x38;
	[tilespmem:$0x1C080] =	vst v63  }
0x27: {  	_ =	swait.ge [sflag:s20], $0x4000  }
0x28: {  	[sflag:s20] =	ssyncset.done $0x0  }
0x29: {  	[sflag:s20] =	ssyncadd.s32 $0xFFFFC000  }
0x2a: {  	[spmem:s9] =	stream.linear.scatter [tilespmem:s19], [sflag:$0x1], $0x4000, $0x38;
	[tilespmem:$0x1C080] =	vst v63  }
0x2b: {  	_ =	swait.ge [sflag:s20], $0x4000  }
0x2c: {  	[sflag:s20] =	ssyncset.done $0x0  }
0x2d: {  	[sflag:s20] =	ssyncadd.s32 $0xFFFFC000  }
0x2e: {  	[spmem:s10] =	stream.linear.scatter [tilespmem:s19], [sflag:$0x1], $0x4000, $0x38;
	[tilespmem:$0x1C080] =	vst v63  }
0x2f: {  	_ =	swait.ge [sflag:s20], $0x4000  }
0x30: {  	[sflag:s20] =	ssyncset.done $0x0  }
0x31: {  	[sflag:s20] =	ssyncadd.s32 $0xFFFFC000  }
0x32: {  	[bflag:$0x0] =	sbarrier.arrive $0xFFFF  }
0x33: {  	[tilespmem:s3], [sflag:$0x1] =	stream.linear.gather [hbm4b:s18+s3], $0x80, $0x38;
	[tilespmem:$0x1C080] =	vst v63  }
0x34: {  	p0 =	sne.s32 s11, $0x1;
	_ =	swait.ge [sflag:s20], $0x80  }
.Ltmp0:
0x35: {  	[sflag:s20] =	ssyncset.done $0x0;
	(pc) =	sbr.rel @!p0 .LBB2_3-.Ltmp0, $4  }
0x36: {  	[sflag:s20] =	ssyncadd.s32 $0xFFFFFF80  }
0x37: {  	[spmem:s2] =	stream.indirect.scatter.add.f32 [tilespmem:s21], [sflag:$0x1], $0x80, s3, s21, $0xb8;
	[tilespmem:$0x1C080] =	vst v63  }
0x38: {  	_ =	swait.ge [sflag:s20], $0x4000  }
0x39: {  	s23 =	sadd.s32 $0xFFFFFFFF, s11;
	s24 =	smov.u32 s18;
	[sflag:s20] =	ssyncset.done $0x0  }
.LBB2_2:
0x3a: {  	p0 =	sne.s32 s23, $0x1;
	[sflag:s20] =	ssyncadd.s32 $0xFFFFC000;
	s24 =	sadd.s32 $0x100, s24  }
0x3b: {  	[tilespmem:s3], [sflag:$0x1] =	stream.linear.gather [hbm4b:s24+s3], $0x80, $0x38;
	[tilespmem:$0x1C080] =	vst v63  }
0x3c: {  	s23 =	sadd.s32 $0xFFFFFFFF, s23;
	_ =	swait.ge [sflag:s20], $0x80  }
.Ltmp1:
0x3d: {  	[sflag:s20] =	ssyncset.done $0x0;
	(pc) =	sbr.rel @p0 .LBB2_2-.Ltmp1, $4  }
0x3e: {  	[sflag:s20] =	ssyncadd.s32 $0xFFFFFF80  }
0x3f: {  	[spmem:s2] =	stream.indirect.scatter.add.f32 [tilespmem:s21], [sflag:$0x1], $0x80, s3, s21, $0xb8;
	[tilespmem:$0x1C080] =	vst v63  }
0x40: {  	_ =	swait.ge [sflag:s20], $0x4000  }
0x41: {  	[sflag:s20] =	ssyncset.done $0x0  }
.LBB2_3:
0x42: {  	[sflag:s20] =	ssyncadd.s32 $0xFFFFC000  }
0x43: {  	[bflag:$0x0] =	sbarrier.arrive $0xFFFF  }
0x44: {  	[tilespmem:s19], [sflag:$0x1] =	stream.linear.gather [spmem:s6], $0x4000, $0x38;
	[tilespmem:$0x1C080] =	vst v63  }
0x45: {  	_ =	swait.ge [sflag:s20], $0x4000  }
0x46: {  	[sflag:s20] =	ssyncset.done $0x0  }
0x47: {  	[sflag:s20] =	ssyncadd.s32 $0xFFFFC000  }
0x48: {  	[hbm4b:s12+s3] =	stream.linear.scatter [tilespmem:s19], [sflag:$0x1], $0x4000, $0x38;
	[tilespmem:$0x1C080] =	vst v63  }
0x49: {  	_ =	swait.ge [sflag:s20], $0x4000  }
0x4a: {  	[sflag:s20] =	ssyncset.done $0x0  }
0x4b: {  	[sflag:s20] =	ssyncadd.s32 $0xFFFFC000  }
0x4c: {  	[tilespmem:s19], [sflag:$0x1] =	stream.linear.gather [spmem:s7], $0x4000, $0x38;
	[tilespmem:$0x1C080] =	vst v63  }
0x4d: {  	_ =	swait.ge [sflag:s20], $0x4000  }
0x4e: {  	[sflag:s20] =	ssyncset.done $0x0  }
0x4f: {  	[sflag:s20] =	ssyncadd.s32 $0xFFFFC000  }
0x50: {  	[hbm4b:s13+s3] =	stream.linear.scatter [tilespmem:s19], [sflag:$0x1], $0x4000, $0x38;
	[tilespmem:$0x1C080] =	vst v63  }
0x51: {  	_ =	swait.ge [sflag:s20], $0x4000  }
0x52: {  	[sflag:s20] =	ssyncset.done $0x0  }
0x53: {  	[sflag:s20] =	ssyncadd.s32 $0xFFFFC000  }
0x54: {  	[tilespmem:s19], [sflag:$0x1] =	stream.linear.gather [spmem:s8], $0x4000, $0x38;
	[tilespmem:$0x1C080] =	vst v63  }
0x55: {  	_ =	swait.ge [sflag:s20], $0x4000  }
0x56: {  	[sflag:s20] =	ssyncset.done $0x0  }
0x57: {  	[sflag:s20] =	ssyncadd.s32 $0xFFFFC000  }
0x58: {  	[hbm4b:s14+s3] =	stream.linear.scatter [tilespmem:s19], [sflag:$0x1], $0x4000, $0x38;
	[tilespmem:$0x1C080] =	vst v63  }
0x59: {  	_ =	swait.ge [sflag:s20], $0x4000  }
0x5a: {  	[sflag:s20] =	ssyncset.done $0x0  }
0x5b: {  	[sflag:s20] =	ssyncadd.s32 $0xFFFFC000  }
0x5c: {  	[tilespmem:s19], [sflag:$0x1] =	stream.linear.gather [spmem:s9], $0x4000, $0x38;
	[tilespmem:$0x1C080] =	vst v63  }
0x5d: {  	_ =	swait.ge [sflag:s20], $0x4000  }
0x5e: {  	[sflag:s20] =	ssyncset.done $0x0  }
0x5f: {  	[sflag:s20] =	ssyncadd.s32 $0xFFFFC000  }
0x60: {  	[hbm4b:s15+s3] =	stream.linear.scatter [tilespmem:s19], [sflag:$0x1], $0x4000, $0x38;
	[tilespmem:$0x1C080] =	vst v63  }
0x61: {  	_ =	swait.ge [sflag:s20], $0x4000  }
0x62: {  	[sflag:s20] =	ssyncset.done $0x0  }
0x63: {  	[sflag:s20] =	ssyncadd.s32 $0xFFFFC000  }
0x64: {  	[tilespmem:s19], [sflag:$0x1] =	stream.linear.gather [spmem:s10], $0x4000, $0x38;
	[tilespmem:$0x1C080] =	vst v63  }
0x65: {  	s22 =	sadd.s32 $0x1, s22;
	_ =	swait.ge [sflag:s20], $0x4000  }
0x66: {  	p0 =	sne.s32 s22, s17;
	[sflag:s20] =	ssyncset.done $0x0  }
.Ltmp2:
0x67: {  	[sflag:s20] =	ssyncadd.s32 $0xFFFFC000;
	(pc) =	sbr.rel @p0 .LBB2_1-.Ltmp2, $4  }
0x68: {  	[hbm4b:s16+s3] =	stream.linear.scatter [tilespmem:s19], [sflag:$0x1], $0x4000, $0x38;
	[tilespmem:$0x1C080] =	vst v63  }
0x69: {  	_ =	swait.ge [sflag:s20], $0x4000  }
0x6a: {  	[sflag:s20] =	ssyncset.done $0x0  }
0x6b: {  	[sflag:s20] =	ssyncadd.s32 $0xFFFFC000  }
0x6c: {  	_ =	sfence.sel $0x180000  }
0x6d: {  	[bflag:$0x0] =	sbarrier.arrive $0xFFFF  }
0x6e: {  	p0 =	sne.s32 s1, $0x0;
	_ =	strace $0x90000053  }
0x6f: {  	s0 =	sadd.s32 @!p0 $0x100000, s0;
	[bflag:$0x2] =	sbarrier.arrive $0xFFFF  }
0x70: {  	[sflag:s0] =	ssyncadd.tile.s32 @!p0 $0x1;
	_ =	shalt  }
.Lfunc_end2:
_tile_overlayer_lowered:
.L_overlay_start_2:
0x71: {  	(tag) =	ssettag $0x2  }
0x72: {  	s0 =	rddreg [dreg:$0x0];
	s2 =	stileid.u32  }
0x73: {  	s1 =	rddreg [dreg:$0x1];
	p0 =	sne.s32 s2, $0x0  }
0x74: {  	s3 =	rddreg [dreg:$0x2];
	[bflag:$0x3] =	sbarrier.arrive $0xFFFF;
	s2 =	simm.s32 @!p0 $0x1C01  }
0x75: {  	[timem:s3], [sflag:s2] =	dma.local @!p0 [hbm:s0], s1  }
0x76: {  	s0 =	simm.s32 @!p0 $0x1  }
0x77: {  	_ =	swait.ge @!p0 [sflag:s0], s1  }
0x78: {  	s1 =	ssub.s32 @!p0 $0x0, s1;
	[sflag:s0] =	ssyncset.done @!p0 $0x0  }
0x79: {  	[sflag:s0] =	ssyncadd.s32 @!p0 s1  }
0x7a: {  	[bflag:$0x3] =	sbarrier.arrive $0xFFFF  }
0x7b: {  	_ =	shalt  }

// kernel: kernel.25.cloned.1.call-start
scs
__scs_entry_jumppad:
0x0: {  	(pc) =	sbr.rel $0x88, $3  }
0x1: {  	(tag) =	ssettag $0x0;
	lr =	simm.s32 $0x1  }
0x2: {  	[smem:$0x3F8C] =	sst lr;
	_ =	strace $0xD0000000  }
0x3: {  	_ = 	snop  }
0x4: {  	_ = 	snop  }
0x5: {  	_ = 	snop  }
0x6: {  	_ = 	snop  }
0x7: {  	_ = 	snop  }
__scs_overlays_trampoline_lowered:
0x8: {  	[smem:$0x3F9B] =	sst s0  }
0x9: {  	[smem:$0x3F9C] =	sst s1  }
0xa: {  	[smem:$0x3F9D] =	sst s2  }
0xb: {  	[smem:$0x3F9E] =	sst s3  }
0xc: {  	[smem:$0x3F9F] =	sst s4  }
0xd: {  	[smem:$0x3FA0] =	sst s5  }
0xe: {  	[smem:$0x3FA1] =	sst s6  }
0xf: {  	[smem:$0x3FA2] =	sst s7  }
0x10: {  	[smem:$0x3FA3] =	sst s8  }
0x11: {  	[smem:$0x3FA4] =	sst s9;
	s0 =	simm.s32 @!p0 $0x0  }
0x12: {  	s1 =	sld [smem:$0x3F8A];
	s0 =	simm.s32 @p0 $0x1  }
0x13: {  	[smem:$0x3FA5] =	sst s0;
	s0 =	simm.s32 @!p1 $0x0  }
0x14: {  	s2 =	sld [smem:$0x3F89];
	s0 =	simm.s32 @p1 $0x1  }
0x15: {  	[smem:$0x3FA6] =	sst s0;
	s0 =	simm.s32 @!p2 $0x0  }
0x16: {  	s3 =	sld [smem:$0x3FDB];
	s0 =	simm.s32 @p2 $0x1  }
0x17: {  	s4 =	simm.s32 $0x1BF5;
	[smem:$0x3FA8] =	sst s0  }
0x18: {  	s0 =	sld [smem:$0x3F8B];
	_ =	swait.ge [sflag:s4], $0x0  }
0x19: {  	s7 =	sld [smem:$0x3F8C]  }
0x1a: {  	s8 =	sadd.s32 $0xFFFFE003, lr  }
0x1b: {  	s9 =	sadd.s32 $0xFFFFFEF7, lr;
	s5 =	simm.s32 $0xFFFFFFFF;
	p2 =	slt.u32 s8, $0xFFFFF086  }
0x1c: {  	p1 =	slt.u32 s9, $0xF7A;
	s5 =	simm.s32 @!p2 $0x0  }
0x1d: {  	s5 =	simm.s32 @p1 $0x1;
	p0 =	seq.s32 s7, s2  }
0x1e: {  	s7 =	smul.u32 @!p0 $0xF7A, s2;
	p2 =	seq.s32 @!p0 s5, $0x0  }
0x1f: {  	s9 =	smul.u32 $0xF7A, s1;
	s8 =	simm.s32 @!p0 $0x1BF5;
	p2 =	por !p2, p0  }
0x20: {  	[sflag:s8] =	ssyncset.s32 @!p0 $0xFFFFF086;
	s6 =	sadd.s32 @!p0 s3, s7;
	s7 =	simm.s32 @!p0 $0x108  }
0x21: {  	s3 =	sadd.s32 s3, s9;
	s6 =	sadd.s32 @!p0 $0x88, s6;
	s7 =	simm.s32 @p2 $0x1082  }
0x22: {  	[simem:s7], [sflag:s8] =	dma.local @!p0 [hbm:s6], $0xF7A  }
0x23: {  	s9 =	sor.u32 $0xD0000000, s2;
	s6 =	simm.s32 $0x108;
	_ =	swait.ge @!p0 [sflag:s8], $0x0  }
0x24: {  	s3 =	sadd.s32 $0x88, s3;
	s6 =	simm.s32 @!p1 $0x1082;
	[sflag:s4] =	ssyncset.s32 $0xFFFFF086  }
0x25: {  	[simem:s6], [sflag:s4] =	dma.local [hbm:s3], $0xF7A  }
0x26: {  	[smem:$0x3F8C] =	sst s1;
	(tag) =	ssettag s2;
	_ =	strace s9  }
0x27: {  	s1 =	sld [smem:$0x3F9C]  }
0x28: {  	s2 =	sld [smem:$0x3F9D]  }
0x29: {  	s4 =	sld [smem:$0x3F9F]  }
0x2a: {  	p0 =	seq.s32 s5, $0x0;
	s5 =	sld [smem:$0x3FA0]  }
0x2b: {  	s6 =	sld [smem:$0x3FA1]  }
0x2c: {  	s7 =	sld [smem:$0x3FA2]  }
0x2d: {  	s3 =	simm.s32 $0x108;
	s8 =	sld [smem:$0x3FA3]  }
0x2e: {  	s3 =	simm.s32 @!p0 $0x1082;
	s9 =	sld [smem:$0x3FA4]  }
0x2f: {  	lr =	sadd.s32 s0, s3;
	s0 =	sld [smem:$0x3F9B]  }
0x30: {  	s3 =	sld [smem:$0x3F9E]  }
0x31: {  	[smem:$0x3FA7] =	sst s10  }
0x32: {  	s10 =	sld [smem:$0x3FA5];
	_ =	sdelay $0x3  }
0x33: {  	p0 =	seq.s32 s10, $0x1;
	s10 =	sld [smem:$0x3FA7];
	_ =	sdelay $0x3  }
0x34: {  	[smem:$0x3FA7] =	sst s10  }
0x35: {  	s10 =	sld [smem:$0x3FA6];
	_ =	sdelay $0x3  }
0x36: {  	p1 =	seq.s32 s10, $0x1;
	s10 =	sld [smem:$0x3FA7];
	_ =	sdelay $0x3  }
0x37: {  	[smem:$0x3FA7] =	sst s10  }
0x38: {  	s10 =	sld [smem:$0x3FA8]  }
0x39: {  	_ = 	snop;
	(pc) =	sbr.ind lr, $3  }
0x3a: {  	_ = 	snop  }
0x3b: {  	_ = 	snop  }
0x3c: {  	p2 =	seq.s32 s10, $0x1;
	s10 =	sld [smem:$0x3FA7]  }
0x3d: {  	_ =	shalt  }
0x3e: {  	_ =	shalt  }
0x3f: {  	_ =	shalt  }
0x40: {  	_ =	shalt  }
0x41: {  	_ =	shalt  }
0x42: {  	_ =	shalt  }
0x43: {  	_ =	shalt  }
0x44: {  	_ =	shalt  }
0x45: {  	_ =	shalt  }
0x46: {  	_ =	shalt  }
0x47: {  	_ =	shalt  }
0x48: {  	_ =	shalt  }
0x49: {  	_ =	shalt  }
0x4a: {  	_ =	shalt  }
0x4b: {  	_ =	shalt  }
0x4c: {  	_ =	shalt  }
0x4d: {  	_ =	shalt  }
0x4e: {  	_ =	shalt  }
0x4f: {  	_ =	shalt  }
0x50: {  	_ =	shalt  }
0x51: {  	_ =	shalt  }
0x52: {  	_ =	shalt  }
0x53: {  	_ =	shalt  }
0x54: {  	_ =	shalt  }
0x55: {  	_ =	shalt  }
0x56: {  	_ =	shalt  }
0x57: {  	_ =	shalt  }
0x58: {  	_ =	shalt  }
0x59: {  	_ =	shalt  }
0x5a: {  	_ =	shalt  }
0x5b: {  	_ =	shalt  }
0x5c: {  	_ =	shalt  }
0x5d: {  	_ =	shalt  }
0x5e: {  	_ =	shalt  }
0x5f: {  	_ =	shalt  }
0x60: {  	_ =	shalt  }
0x61: {  	_ =	shalt  }
0x62: {  	_ =	shalt  }
0x63: {  	_ =	shalt  }
0x64: {  	_ =	shalt  }
0x65: {  	_ =	shalt  }
0x66: {  	_ =	shalt  }
0x67: {  	_ =	shalt  }
0x68: {  	_ =	shalt  }
0x69: {  	_ =	shalt  }
0x6a: {  	_ =	shalt  }
0x6b: {  	_ =	shalt  }
0x6c: {  	_ =	shalt  }
0x6d: {  	_ =	shalt  }
0x6e: {  	_ =	shalt  }
0x6f: {  	_ =	shalt  }
0x70: {  	_ =	shalt  }
0x71: {  	_ =	shalt  }
0x72: {  	_ =	shalt  }
0x73: {  	_ =	shalt  }
0x74: {  	_ =	shalt  }
0x75: {  	_ =	shalt  }
0x76: {  	_ =	shalt  }
0x77: {  	_ =	shalt  }
0x78: {  	_ =	shalt  }
0x79: {  	_ =	shalt  }
0x7a: {  	_ =	shalt  }
0x7b: {  	_ =	shalt  }
0x7c: {  	_ =	shalt  }
0x7d: {  	_ =	shalt  }
0x7e: {  	_ =	shalt  }
0x7f: {  	_ =	shalt  }
0x80: {  	_ =	shalt  }
0x81: {  	_ =	shalt  }
0x82: {  	_ =	shalt  }
0x83: {  	_ =	shalt  }
0x84: {  	_ =	shalt  }
0x85: {  	_ =	shalt  }
0x86: {  	_ =	shalt  }
0x87: {  	_ =	shalt  }
.Lfunc_end0:
.L_simem_size_0:
called_computation.3_lowered:
.L_overlay_start_0:
0x88: {  	s2 =	sld [smem:$0x3FD9]  }
0x89: {  	s3 =	sld [smem:$0x3FFE];
	_ =	sdelay $0x1  }
0x8a: {  	s1 =	srdreg.scid  }
0x8b: {  	s0 =	sand.u32 $0x1, s1  }
0x8c: {  	s17 =	sshll.u32 s0, $0xA;
	s2 =	sadd.s32 s3, s2  }
0x8d: {  	s2 =	sadd.s32 s2, s17  }
0x8e: {  	[smem:$0x3FB3] =	sst s2  }
0x8f: {  	_ = 	snop  }
0x90: {  	s18 =	sld [smem:$0x3FC9];
	(tm) =	ssettm $0x1  }
0x91: {  	s19 =	sld [smem:$0x3FFB];
	_ =	sdelay $0x3  }
0x92: {  	_ =	strace s19  }
0x93: {  	s2 =	sld [smem:$0x3FFC];
	_ =	sdelay $0x3  }
0x94: {  	_ =	strace s2  }
0x95: {  	s2 =	sld [smem:$0x3FFD];
	_ =	sdelay $0x3  }
0x96: {  	_ =	strace s2  }
0x97: {  	_ =	strace $0x8FFFFFFF  }
0x98: {  	s20 =	sld [smem:$0x3FDB];
	_ =	sdelay $0x1  }
0x99: {  	s4 =	simm.s32 $_scs_section_size  }
0x9a: {  	s5 =	simm.s32 $_size__tile_overlayer_lowered;
	s6 =	simm.s32 $_tile_overlayer_lowered  }
0x9b: {  	s7 =	simm.s32 $0x1BFF;
	s21 =	sshll.u32 s6, $0x1;
	s4 =	sadd.s32 s4, s20  }
0x9c: {  	s22 =	simm.s32 $0x0;
	s5 =	sshll.u32 s5, $0x1;
	s6 =	sadd.s32 s21, s4  }
0x9d: {  	[timem:s22], [sflag:s7] =	dma.local [hbm:s6], s5  }
0x9e: {  	_ =	swait.ge [sflag:s7], s5  }
0x9f: {  	s5 =	ssub.s32 $0x0, s5;
	[sflag:s7] =	ssyncset.done $0x0  }
0xa0: {  	[sflag:s7] =	ssyncadd.s32 s5;
	_ =	sdelay $0x1  }
0xa1: {  	s23 =	simm.s32 $0x1B8B  }
0xa2: {  	_ =	swait.ge [sflag:s23], $0x1  }
0xa3: {  	[sflag:s23] =	ssyncset.done $0x0  }
0xa4: {  	[sflag:s23] =	ssyncadd.s32 $0xFFFFFFFF  }
0xa5: {  	s5 =	sld [smem:$0x0]  }
0xa6: {  	s6 =	sand.u32 $0xFFFFFFFE, s1  }
0xa7: {  	p0 =	sne.s32 s1, s6  }
0xa8: {  	s6 =	sshll.u32 @p0 s6, $0xE  }
0xa9: {  	s6 =	sadd.s32 @p0 $0x11B8D, s6;
	s7 =	sshll.u32 @p0 s5, $0x11  }
0xaa: {  	s6 =	sor.u32 @p0 s7, s6  }
0xab: {  	[sflag:s6] =	ssyncadd.remote.s32 @p0 $0x1;
	_ =	sdelay $0x1  }
0xac: {  	s6 =	simm.s32 @p0 $0x1B8D  }
0xad: {  	_ =	swait.eq @p0 [sflag:s6], $0x1  }
0xae: {  	[sflag:s6] =	ssyncadd.s32 @p0 $0xFFFFFFFF  }
0xaf: {  	s7 =	sshll.u32 @!p0 s1, $0xE  }
0xb0: {  	s7 =	sor.u32 @!p0 $0x4000, s7;
	s6 =	simm.s32 @!p0 $0x1B8D  }
0xb1: {  	s5 =	sshll.u32 @!p0 s5, $0x11;
	s7 =	sadd.s32 @!p0 $0x11B8D, s7;
	_ =	swait.eq @!p0 [sflag:s6], $0x1  }
0xb2: {  	s5 =	sor.u32 @!p0 s5, s7;
	[sflag:s6] =	ssyncadd.s32 @!p0 $0xFFFFFFFF  }
0xb3: {  	s25 =	simm.s32 $0x1B8E;
	s24 =	sld [smem:$0x3FFE];
	[sflag:s5] =	ssyncadd.remote.s32 @!p0 $0x1  }
0xb4: {  	s26 =	simm.s32 $execute0_lowered;
	[smem:$0x3FD2] =	sst s25  }
0xb5: {  	s6 =	sshll.u32 s26, $0x1;
	_ =	strace $0x80000049;
	[dreg:$0x1] =	wrdreg $0xFFFFFFFF  }
0xb6: {  	s28 =	simm.s32 $_size_execute0_lowered;
	s4 =	sadd.s32 s4, s6;
	[dreg:$0x0] =	wrdreg $0x0  }
0xb7: {  	s6 =	sshll.u32 s28, $0x1;
	[dreg:$0x2] =	wrdreg s4  }
0xb8: {  	[dreg:$0x3] =	wrdreg s6  }
0xb9: {  	[dreg:$0x4] =	wrdreg $0xC0  }
0xba: {  	_ =	task [dreg:s22], $0x5FFFF  }
0xbb: {  	[dreg:$0x1] =	wrdreg $0xFFFFFFFF  }
0xbc: {  	[dreg:$0x0] =	wrdreg $0x60  }
0xbd: {  	[dreg:$0x2] =	wrdreg s18  }
0xbe: {  	[dreg:$0x3] =	wrdreg s24  }
0xbf: {  	[dreg:$0x4] =	wrdreg $0xD  }
0xc0: {  	_ =	task.clear_ibuf [dreg:s22], $0x5FFFF;
	_ =	strace $0x90000049  }
0xc1: {  	s29 =	simm.s32 $0xD;
	_ =	strace $0x8000004B  }
0xc2: {  	_ =	swait.ge [sflag:s29], $0x1  }
0xc3: {  	[sflag:s29] =	ssyncadd.s32 $0xFFFFFFFF  }
0xc4: {  	_ =	strace $0x9000004B  }
0xc5: {  	_ =	sfence  }
0xc6: {  	s30 =	sld [smem:$0x0];
	_ =	sdelay $0x2  }
0xc7: {  	s31 =	sshll.u32 s1, $0xD;
	s1 =	sshrl.u32 s1, $0x2  }
0xc8: {  	s4 =	sand.u32 $0x4000, s31;
	s1 =	sadd.s32 s1, s30  }
0xc9: {  	s0 =	sor.u32 s4, s0;
	s1 =	sshll.u32 s1, $0x11  }
0xca: {  	s0 =	sor.u32 s1, s0  }
0xcb: {  	s0 =	sadd.s32 $0x8F2B, s0  }
0xcc: {  	[sflag:s0] =	ssyncadd.remote.s32 $0x1  }
0xcd: {  	_ =	sfence.sel $0xFFFF  }
0xce: {  	[dreg:$0x0] =	wrdreg $0xFFFFFFFF;
	(pc) =	sbr.abs _section_cstart, $3  }
0xcf: {  	[dreg:$0x1] =	wrdreg $0xFFFFFFFF  }
0xd0: {  	_ =	task.clear_ibuf [dreg:s22], $0x2FFFF;
	_ =	strace $0x9FFFFFFF  }
0xd1: {  	(tm) =	ssettm $0x7FFFFFFF  }
tec
execute0_lowered:
.L_overlay_start_1:
0x0: {  	(tag) =	ssettag $0x1  }
0x1: {  	s1 =	srdreg.scid;
	s2 =	rddreg [dreg:$0x0]  }
0x2: {  	s0 =	stileid.u32;
	s4 =	rddreg [dreg:$0x1]  }
0x3: {  	s3 =	simm.s32 $0x0;
	s12 =	simm.s32 $0x100;
	s13 =	simm.s32 $0x4100  }
0x4: {  	s14 =	simm.s32 $0x1;
	s15 =	simm.s32 $0x2;
	s16 =	simm.s32 $0x0  }
0x5: {  	s5 =	sand.u32 $0x1, s1;
	s6 =	sshll.u32 s0, $0x8;
	s1 =	rddreg [dreg:$0x2]  }
0x6: {  	[smem:$0x7FF] =	sst s3;
	s8 =	sadd.s32 $0x291400, s4;
	s29 =	sshll.u32 s0, $0x1  }
0x7: {  	s30 =	sshll.u32 s0, $0xF;
	s31 =	sshll.u32 s0, $0xC;
	s7 =	sshll.u32 s5, $0x7  }
0x8: {  	s26 =	ssub.s32 $0x2, s5;
	_ =	strace $0x8000004A;
	s10 =	sshll.u32 s5, $0xE  }
0x9: {  	s11 =	sshll.u32 s5, $0xB;
	s6 =	sor.u32 s7, s6;
	s28 =	sshrl.u32 s26, $0x1  }
0xa: {  	s7 =	sor.u32 s10, s30;
	s10 =	sadd.s32 s31, s8;
	s6 =	sshrl.u32 s6, $0x3  }
0xb: {  	s7 =	sadd.s32 $0x9C4000, s7;
	s9 =	sadd.s32 s6, s4;
	s4 =	sor.u32 s5, s29  }
0xc: {  	s6 =	ssub.s32 s26, s28;
	s7 =	sshrl.u32 s7, $0x3;
	p0 =	slt.u32 s4, $0x11  }
0xd: {  	s4 =	simm.s32 $0x14;
	s5 =	smax.u32 s6, $0x1;
	s6 =	sadd.s32 s7, s8  }
0xe: {  	s7 =	sadd.s32 s11, s10;
	s8 =	sadd.s32 $0x13C00, s9;
	s9 =	sadd.s32 $0x1B400, s9  }
0xf: {  	s10 =	simm.s32 $0x3;
	s11 =	simm.s32 $0x80;
	s4 =	simm.s32 @!p0 $0x13  }
.LBB2_1:
0x10: {  	[tilespmem:s3], [sflag:$0x3] =	stream.linear.gather [hbm4b:s9+s3], $0x80, $0x38;
	[tilespmem:$0x8100] =	vst v63  }
0x11: {  	_ =	swait.ge [sflag:s10], $0x80  }
0x12: {  	[sflag:s10] =	ssyncset.done $0x0  }
0x13: {  	[sflag:s10] =	ssyncadd.s32 $0xFFFFFF80  }
0x14: {  	[tilespmem:s11], [sflag:$0x3] =	stream.linear.gather [hbm4b:s8+s3], $0x80, $0x38;
	[tilespmem:$0x8100] =	vst v63  }
0x15: {  	_ =	swait.ge [sflag:s10], $0x80  }
0x16: {  	[sflag:s10] =	ssyncset.done $0x0  }
0x17: {  	[sflag:s10] =	ssyncadd.s32 $0xFFFFFF80  }
0x18: {  	[tilespmem:s12], [sflag:$0x1] =	stream.indirect.gather [hbm4b:s2+s11], $0x80, s3, s11, $0xb8;
	[tilespmem:$0x8100] =	vst v63  }
0x19: {  	_ = 	snop  }
0x1a: {  	[tilespmem:s13], [sflag:$0x2] =	stream.indirect.gather [hbm4b:s2+s11], $0x80, s11, s11, $0xb8;
	[tilespmem:$0x8100] =	vst v63  }
0x1b: {  	_ =	swait.ge [sflag:s14], $0x4000  }
0x1c: {  	[sflag:s14] =	ssyncset.done $0x0  }
0x1d: {  	[sflag:s14] =	ssyncadd.s32 $0xFFFFC000  }
0x1e: {  	_ =	swait.ge [sflag:s15], $0x4000  }
0x1f: {  	[sflag:s15] =	ssyncset.done $0x0  }
0x20: {  	[sflag:s15] =	ssyncadd.s32 $0xFFFFC000  }
0x21: {  	[hbm4b:s7+s3] =	stream.linear.scatter [tilespmem:s12], [sflag:$0x3], $0x4000, $0x38;
	[tilespmem:$0x8100] =	vst v63  }
0x22: {  	p0 =	sne.s32 s4, $0x1;
	_ =	swait.ge [sflag:s10], $0x4000  }
.Ltmp0:
0x23: {  	[sflag:s10] =	ssyncset.done $0x0;
	(pc) =	sbr.rel @!p0 .LBB2_3-.Ltmp0, $4  }
0x24: {  	s17 =	sadd.s32 $0xFFFFFFFF, s4;
	[sflag:s10] =	ssyncadd.s32 $0xFFFFC000  }
0x25: {  	[hbm4b:s6+s3] =	stream.linear.scatter [tilespmem:s13], [sflag:$0x3], $0x4000, $0x38;
	[tilespmem:$0x8100] =	vst v63  }
0x26: {  	s18 =	sadd.s32 $0x200, s8;
	s19 =	sadd.s32 $0x200, s9;
	_ =	swait.ge [sflag:s10], $0x4000  }
0x27: {  	s20 =	smov.u32 s6;
	s21 =	smov.u32 s7;
	[sflag:s10] =	ssyncset.done $0x0  }
.LBB2_2:
0x28: {  	[sflag:s10] =	ssyncadd.s32 $0xFFFFC000;
	s20 =	sadd.s32 $0x10000, s20;
	s21 =	sadd.s32 $0x10000, s21  }
0x29: {  	[tilespmem:s3], [sflag:$0x3] =	stream.linear.gather [hbm4b:s19+s3], $0x80, $0x38;
	[tilespmem:$0x8100] =	vst v63  }
0x2a: {  	p0 =	sne.s32 s17, $0x1;
	s17 =	sadd.s32 $0xFFFFFFFF, s17;
	_ =	swait.ge [sflag:s10], $0x80  }
0x2b: {  	[sflag:s10] =	ssyncset.done $0x0  }
0x2c: {  	[sflag:s10] =	ssyncadd.s32 $0xFFFFFF80  }
0x2d: {  	[tilespmem:s11], [sflag:$0x3] =	stream.linear.gather [hbm4b:s18+s3], $0x80, $0x38;
	[tilespmem:$0x8100] =	vst v63  }
0x2e: {  	_ =	swait.ge [sflag:s10], $0x80  }
0x2f: {  	[sflag:s10] =	ssyncset.done $0x0  }
0x30: {  	[sflag:s10] =	ssyncadd.s32 $0xFFFFFF80  }
0x31: {  	[tilespmem:s12], [sflag:$0x1] =	stream.indirect.gather [hbm4b:s2+s11], $0x80, s3, s11, $0xb8;
	[tilespmem:$0x8100] =	vst v63  }
0x32: {  	_ = 	snop  }
0x33: {  	[tilespmem:s13], [sflag:$0x2] =	stream.indirect.gather [hbm4b:s2+s11], $0x80, s11, s11, $0xb8;
	[tilespmem:$0x8100] =	vst v63  }
0x34: {  	_ =	swait.ge [sflag:s14], $0x4000  }
0x35: {  	[sflag:s14] =	ssyncset.done $0x0  }
0x36: {  	[sflag:s14] =	ssyncadd.s32 $0xFFFFC000  }
0x37: {  	_ =	swait.ge [sflag:s15], $0x4000  }
0x38: {  	[sflag:s15] =	ssyncset.done $0x0  }
0x39: {  	[sflag:s15] =	ssyncadd.s32 $0xFFFFC000  }
0x3a: {  	[hbm4b:s21+s3] =	stream.linear.scatter [tilespmem:s12], [sflag:$0x3], $0x4000, $0x38;
	[tilespmem:$0x8100] =	vst v63  }
0x3b: {  	_ =	swait.ge [sflag:s10], $0x4000  }
.Ltmp1:
0x3c: {  	[sflag:s10] =	ssyncset.done $0x0;
	(pc) =	sbr.rel @p0 .LBB2_2-.Ltmp1, $4  }
0x3d: {  	[sflag:s10] =	ssyncadd.s32 $0xFFFFC000  }
0x3e: {  	[hbm4b:s20+s3] =	stream.linear.scatter [tilespmem:s13], [sflag:$0x3], $0x4000, $0x38;
	[tilespmem:$0x8100] =	vst v63  }
0x3f: {  	_ =	swait.ge [sflag:s10], $0x4000  }
0x40: {  	s19 =	sadd.s32 $0x200, s19;
	s18 =	sadd.s32 $0x200, s18;
	[sflag:s10] =	ssyncset.done $0x0  }
.LBB2_3:
0x41: {  	s16 =	sadd.s32 $0x1, s16  }
0x42: {  	p0 =	sne.s32 s16, s5  }
.Ltmp2:
0x43: {  	_ = 	snop;
	(pc) =	sbr.rel @p0 .LBB2_1-.Ltmp2, $2  }
0x44: {  	_ =	sdelay $0x2  }
0x45: {  	[sflag:s10] =	ssyncadd.s32 $0xFFFFC000  }
0x46: {  	_ =	sfence.sel $0x180000  }
0x47: {  	[bflag:$0x0] =	sbarrier.arrive $0xFFFF  }
0x48: {  	p0 =	sne.s32 s0, $0x0;
	_ =	strace $0x9000004A  }
0x49: {  	s0 =	sadd.s32 @!p0 $0x100000, s1;
	[bflag:$0x2] =	sbarrier.arrive $0xFFFF  }
0x4a: {  	[sflag:s0] =	ssyncadd.tile.s32 @!p0 $0x1;
	_ =	shalt  }
.Lfunc_end2:
_tile_overlayer_lowered:
.L_overlay_start_2:
0x4b: {  	(tag) =	ssettag $0x2  }
0x4c: {  	s0 =	rddreg [dreg:$0x0];
	s2 =	stileid.u32  }
0x4d: {  	s1 =	rddreg [dreg:$0x1];
	p0 =	sne.s32 s2, $0x0  }
0x4e: {  	s3 =	rddreg [dreg:$0x2];
	[bflag:$0x3] =	sbarrier.arrive $0xFFFF;
	s2 =	simm.s32 @!p0 $0x1C03  }
0x4f: {  	[timem:s3], [sflag:s2] =	dma.local @!p0 [hbm:s0], s1  }
0x50: {  	s0 =	simm.s32 @!p0 $0x3  }
0x51: {  	_ =	swait.ge @!p0 [sflag:s0], s1  }
0x52: {  	s1 =	ssub.s32 @!p0 $0x0, s1;
	[sflag:s0] =	ssyncset.done @!p0 $0x0  }
0x53: {  	[sflag:s0] =	ssyncadd.s32 @!p0 s1  }
0x54: {  	[bflag:$0x3] =	sbarrier.arrive $0xFFFF  }
0x55: {  	_ =	shalt  }

// kernel: kernel.28.cloned.1.call-start
scs
__scs_entry_jumppad:
0x0: {  	(pc) =	sbr.rel $0x88, $3  }
0x1: {  	(tag) =	ssettag $0x0;
	lr =	simm.s32 $0x1  }
0x2: {  	[smem:$0x3F8C] =	sst lr;
	_ =	strace $0xD0000000  }
0x3: {  	_ = 	snop  }
0x4: {  	_ = 	snop  }
0x5: {  	_ = 	snop  }
0x6: {  	_ = 	snop  }
0x7: {  	_ = 	snop  }
__scs_overlays_trampoline_lowered:
0x8: {  	[smem:$0x3F9B] =	sst s0  }
0x9: {  	[smem:$0x3F9C] =	sst s1  }
0xa: {  	[smem:$0x3F9D] =	sst s2  }
0xb: {  	[smem:$0x3F9E] =	sst s3  }
0xc: {  	[smem:$0x3F9F] =	sst s4  }
0xd: {  	[smem:$0x3FA0] =	sst s5  }
0xe: {  	[smem:$0x3FA1] =	sst s6  }
0xf: {  	[smem:$0x3FA2] =	sst s7  }
0x10: {  	[smem:$0x3FA3] =	sst s8  }
0x11: {  	[smem:$0x3FA4] =	sst s9;
	s0 =	simm.s32 @!p0 $0x0  }
0x12: {  	s1 =	sld [smem:$0x3F8A];
	s0 =	simm.s32 @p0 $0x1  }
0x13: {  	[smem:$0x3FA5] =	sst s0;
	s0 =	simm.s32 @!p1 $0x0  }
0x14: {  	s2 =	sld [smem:$0x3F89];
	s0 =	simm.s32 @p1 $0x1  }
0x15: {  	[smem:$0x3FA6] =	sst s0;
	s0 =	simm.s32 @!p2 $0x0  }
0x16: {  	s3 =	sld [smem:$0x3FDB];
	s0 =	simm.s32 @p2 $0x1  }
0x17: {  	s4 =	simm.s32 $0x1BF5;
	[smem:$0x3FA8] =	sst s0  }
0x18: {  	s0 =	sld [smem:$0x3F8B];
	_ =	swait.ge [sflag:s4], $0x0  }
0x19: {  	s7 =	sld [smem:$0x3F8C]  }
0x1a: {  	s8 =	sadd.s32 $0xFFFFE003, lr  }
0x1b: {  	s9 =	sadd.s32 $0xFFFFFEF7, lr;
	s5 =	simm.s32 $0xFFFFFFFF;
	p2 =	slt.u32 s8, $0xFFFFF086  }
0x1c: {  	p1 =	slt.u32 s9, $0xF7A;
	s5 =	simm.s32 @!p2 $0x0  }
0x1d: {  	s5 =	simm.s32 @p1 $0x1;
	p0 =	seq.s32 s7, s2  }
0x1e: {  	s7 =	smul.u32 @!p0 $0xF7A, s2;
	p2 =	seq.s32 @!p0 s5, $0x0  }
0x1f: {  	s9 =	smul.u32 $0xF7A, s1;
	s8 =	simm.s32 @!p0 $0x1BF5;
	p2 =	por !p2, p0  }
0x20: {  	[sflag:s8] =	ssyncset.s32 @!p0 $0xFFFFF086;
	s6 =	sadd.s32 @!p0 s3, s7;
	s7 =	simm.s32 @!p0 $0x108  }
0x21: {  	s3 =	sadd.s32 s3, s9;
	s6 =	sadd.s32 @!p0 $0x88, s6;
	s7 =	simm.s32 @p2 $0x1082  }
0x22: {  	[simem:s7], [sflag:s8] =	dma.local @!p0 [hbm:s6], $0xF7A  }
0x23: {  	s9 =	sor.u32 $0xD0000000, s2;
	s6 =	simm.s32 $0x108;
	_ =	swait.ge @!p0 [sflag:s8], $0x0  }
0x24: {  	s3 =	sadd.s32 $0x88, s3;
	s6 =	simm.s32 @!p1 $0x1082;
	[sflag:s4] =	ssyncset.s32 $0xFFFFF086  }
0x25: {  	[simem:s6], [sflag:s4] =	dma.local [hbm:s3], $0xF7A  }
0x26: {  	[smem:$0x3F8C] =	sst s1;
	(tag) =	ssettag s2;
	_ =	strace s9  }
0x27: {  	s1 =	sld [smem:$0x3F9C]  }
0x28: {  	s2 =	sld [smem:$0x3F9D]  }
0x29: {  	s4 =	sld [smem:$0x3F9F]  }
0x2a: {  	p0 =	seq.s32 s5, $0x0;
	s5 =	sld [smem:$0x3FA0]  }
0x2b: {  	s6 =	sld [smem:$0x3FA1]  }
0x2c: {  	s7 =	sld [smem:$0x3FA2]  }
0x2d: {  	s3 =	simm.s32 $0x108;
	s8 =	sld [smem:$0x3FA3]  }
0x2e: {  	s3 =	simm.s32 @!p0 $0x1082;
	s9 =	sld [smem:$0x3FA4]  }
0x2f: {  	lr =	sadd.s32 s0, s3;
	s0 =	sld [smem:$0x3F9B]  }
0x30: {  	s3 =	sld [smem:$0x3F9E]  }
0x31: {  	[smem:$0x3FA7] =	sst s10  }
0x32: {  	s10 =	sld [smem:$0x3FA5];
	_ =	sdelay $0x3  }
0x33: {  	p0 =	seq.s32 s10, $0x1;
	s10 =	sld [smem:$0x3FA7];
	_ =	sdelay $0x3  }
0x34: {  	[smem:$0x3FA7] =	sst s10  }
0x35: {  	s10 =	sld [smem:$0x3FA6];
	_ =	sdelay $0x3  }
0x36: {  	p1 =	seq.s32 s10, $0x1;
	s10 =	sld [smem:$0x3FA7];
	_ =	sdelay $0x3  }
0x37: {  	[smem:$0x3FA7] =	sst s10  }
0x38: {  	s10 =	sld [smem:$0x3FA8]  }
0x39: {  	_ = 	snop;
	(pc) =	sbr.ind lr, $3  }
0x3a: {  	_ = 	snop  }
0x3b: {  	_ = 	snop  }
0x3c: {  	p2 =	seq.s32 s10, $0x1;
	s10 =	sld [smem:$0x3FA7]  }
0x3d: {  	_ =	shalt  }
0x3e: {  	_ =	shalt  }
0x3f: {  	_ =	shalt  }
0x40: {  	_ =	shalt  }
0x41: {  	_ =	shalt  }
0x42: {  	_ =	shalt  }
0x43: {  	_ =	shalt  }
0x44: {  	_ =	shalt  }
0x45: {  	_ =	shalt  }
0x46: {  	_ =	shalt  }
0x47: {  	_ =	shalt  }
0x48: {  	_ =	shalt  }
0x49: {  	_ =	shalt  }
0x4a: {  	_ =	shalt  }
0x4b: {  	_ =	shalt  }
0x4c: {  	_ =	shalt  }
0x4d: {  	_ =	shalt  }
0x4e: {  	_ =	shalt  }
0x4f: {  	_ =	shalt  }
0x50: {  	_ =	shalt  }
0x51: {  	_ =	shalt  }
0x52: {  	_ =	shalt  }
0x53: {  	_ =	shalt  }
0x54: {  	_ =	shalt  }
0x55: {  	_ =	shalt  }
0x56: {  	_ =	shalt  }
0x57: {  	_ =	shalt  }
0x58: {  	_ =	shalt  }
0x59: {  	_ =	shalt  }
0x5a: {  	_ =	shalt  }
0x5b: {  	_ =	shalt  }
0x5c: {  	_ =	shalt  }
0x5d: {  	_ =	shalt  }
0x5e: {  	_ =	shalt  }
0x5f: {  	_ =	shalt  }
0x60: {  	_ =	shalt  }
0x61: {  	_ =	shalt  }
0x62: {  	_ =	shalt  }
0x63: {  	_ =	shalt  }
0x64: {  	_ =	shalt  }
0x65: {  	_ =	shalt  }
0x66: {  	_ =	shalt  }
0x67: {  	_ =	shalt  }
0x68: {  	_ =	shalt  }
0x69: {  	_ =	shalt  }
0x6a: {  	_ =	shalt  }
0x6b: {  	_ =	shalt  }
0x6c: {  	_ =	shalt  }
0x6d: {  	_ =	shalt  }
0x6e: {  	_ =	shalt  }
0x6f: {  	_ =	shalt  }
0x70: {  	_ =	shalt  }
0x71: {  	_ =	shalt  }
0x72: {  	_ =	shalt  }
0x73: {  	_ =	shalt  }
0x74: {  	_ =	shalt  }
0x75: {  	_ =	shalt  }
0x76: {  	_ =	shalt  }
0x77: {  	_ =	shalt  }
0x78: {  	_ =	shalt  }
0x79: {  	_ =	shalt  }
0x7a: {  	_ =	shalt  }
0x7b: {  	_ =	shalt  }
0x7c: {  	_ =	shalt  }
0x7d: {  	_ =	shalt  }
0x7e: {  	_ =	shalt  }
0x7f: {  	_ =	shalt  }
0x80: {  	_ =	shalt  }
0x81: {  	_ =	shalt  }
0x82: {  	_ =	shalt  }
0x83: {  	_ =	shalt  }
0x84: {  	_ =	shalt  }
0x85: {  	_ =	shalt  }
0x86: {  	_ =	shalt  }
0x87: {  	_ =	shalt  }
.Lfunc_end0:
.L_simem_size_0:
called_computation.4_lowered:
.L_overlay_start_0:
0x88: {  	s2 =	sld [smem:$0x3FD9]  }
0x89: {  	s3 =	sld [smem:$0x3FFE];
	_ =	sdelay $0x1  }
0x8a: {  	s1 =	srdreg.scid  }
0x8b: {  	s0 =	sand.u32 $0x1, s1  }
0x8c: {  	s17 =	sshll.u32 s0, $0xA;
	s2 =	sadd.s32 s3, s2  }
0x8d: {  	s2 =	sadd.s32 s2, s17  }
0x8e: {  	[smem:$0x3FB3] =	sst s2  }
0x8f: {  	_ = 	snop  }
0x90: {  	(tm) =	ssettm $0x1  }
0x91: {  	s18 =	sld [smem:$0x3FFB];
	_ =	sdelay $0x3  }
0x92: {  	_ =	strace s18  }
0x93: {  	s2 =	sld [smem:$0x3FFC];
	_ =	sdelay $0x3  }
0x94: {  	_ =	strace s2  }
0x95: {  	s2 =	sld [smem:$0x3FFD];
	_ =	sdelay $0x3  }
0x96: {  	_ =	strace s2  }
0x97: {  	_ =	strace $0x8FFFFFFF  }
0x98: {  	s19 =	sld [smem:$0x3FDB];
	_ =	sdelay $0x1  }
0x99: {  	s20 =	simm.s32 $_scs_section_size  }
0x9a: {  	s4 =	simm.s32 $_size__tile_overlayer_lowered;
	s5 =	simm.s32 $_tile_overlayer_lowered  }
0x9b: {  	s6 =	simm.s32 $0x1BFF;
	s21 =	sshll.u32 s5, $0x1;
	s3 =	sadd.s32 s20, s19  }
0x9c: {  	s22 =	simm.s32 $0x0;
	s4 =	sshll.u32 s4, $0x1;
	s5 =	sadd.s32 s21, s3  }
0x9d: {  	[timem:s22], [sflag:s6] =	dma.local [hbm:s5], s4  }
0x9e: {  	_ =	swait.ge [sflag:s6], s4  }
0x9f: {  	s4 =	ssub.s32 $0x0, s4;
	[sflag:s6] =	ssyncset.done $0x0  }
0xa0: {  	[sflag:s6] =	ssyncadd.s32 s4;
	_ =	sdelay $0x1  }
0xa1: {  	s23 =	simm.s32 $0x1B8B  }
0xa2: {  	_ =	swait.ge [sflag:s23], $0x1  }
0xa3: {  	[sflag:s23] =	ssyncset.done $0x0  }
0xa4: {  	[sflag:s23] =	ssyncadd.s32 $0xFFFFFFFF  }
0xa5: {  	s4 =	sld [smem:$0x0]  }
0xa6: {  	s5 =	sand.u32 $0xFFFFFFFE, s1  }
0xa7: {  	p0 =	sne.s32 s1, s5  }
0xa8: {  	s5 =	sshll.u32 @p0 s5, $0xE  }
0xa9: {  	s5 =	sadd.s32 @p0 $0x11B8D, s5;
	s6 =	sshll.u32 @p0 s4, $0x11  }
0xaa: {  	s5 =	sor.u32 @p0 s6, s5  }
0xab: {  	[sflag:s5] =	ssyncadd.remote.s32 @p0 $0x1;
	_ =	sdelay $0x1  }
0xac: {  	s5 =	simm.s32 @p0 $0x1B8D  }
0xad: {  	_ =	swait.eq @p0 [sflag:s5], $0x1  }
0xae: {  	[sflag:s5] =	ssyncadd.s32 @p0 $0xFFFFFFFF  }
0xaf: {  	s6 =	sshll.u32 @!p0 s1, $0xE  }
0xb0: {  	s6 =	sor.u32 @!p0 $0x4000, s6;
	s5 =	simm.s32 @!p0 $0x1B8D  }
0xb1: {  	s4 =	sshll.u32 @!p0 s4, $0x11;
	s6 =	sadd.s32 @!p0 $0x11B8D, s6;
	_ =	swait.eq @!p0 [sflag:s5], $0x1  }
0xb2: {  	s4 =	sor.u32 @!p0 s4, s6;
	[sflag:s5] =	ssyncadd.s32 @!p0 $0xFFFFFFFF  }
0xb3: {  	s25 =	simm.s32 $0x1B8E;
	s24 =	sld [smem:$0x3FFE];
	[sflag:s4] =	ssyncadd.remote.s32 @!p0 $0x1  }
0xb4: {  	s26 =	simm.s32 $execute0_lowered;
	[smem:$0x3FD2] =	sst s25  }
0xb5: {  	s5 =	sshll.u32 s26, $0x1;
	_ =	strace $0x8000005E;
	[dreg:$0x1] =	wrdreg $0xFFFFFFFF  }
0xb6: {  	s28 =	simm.s32 $_size_execute0_lowered;
	s3 =	sadd.s32 s3, s5;
	[dreg:$0x0] =	wrdreg $0x0  }
0xb7: {  	s5 =	sshll.u32 s28, $0x1;
	[dreg:$0x2] =	wrdreg s3  }
0xb8: {  	[dreg:$0x3] =	wrdreg s5  }
0xb9: {  	[dreg:$0x4] =	wrdreg $0xC0  }
0xba: {  	_ =	task [dreg:s22], $0x5FFFF  }
0xbb: {  	[dreg:$0x1] =	wrdreg $0xFFFFFFFF  }
0xbc: {  	[dreg:$0x0] =	wrdreg $0x60  }
0xbd: {  	[dreg:$0x2] =	wrdreg s24  }
0xbe: {  	[dreg:$0x3] =	wrdreg $0x40800  }
0xbf: {  	[dreg:$0x4] =	wrdreg $0xA  }
0xc0: {  	_ =	task.clear_ibuf [dreg:s22], $0x5FFFF;
	_ =	strace $0x9000005E  }
0xc1: {  	s29 =	simm.s32 $0xA;
	_ =	strace $0x80000060  }
0xc2: {  	_ =	swait.ge [sflag:s29], $0x1  }
0xc3: {  	[sflag:s29] =	ssyncadd.s32 $0xFFFFFFFF  }
0xc4: {  	_ =	strace $0x90000060  }
0xc5: {  	_ =	sfence  }
0xc6: {  	s30 =	sld [smem:$0x0];
	_ =	sdelay $0x2  }
0xc7: {  	s31 =	sshll.u32 s1, $0xD;
	s1 =	sshrl.u32 s1, $0x2  }
0xc8: {  	s4 =	sand.u32 $0x4000, s31;
	s1 =	sadd.s32 s1, s30  }
0xc9: {  	s0 =	sor.u32 s4, s0;
	s1 =	sshll.u32 s1, $0x11  }
0xca: {  	s0 =	sor.u32 s1, s0  }
0xcb: {  	s0 =	sadd.s32 $0x8F2B, s0  }
0xcc: {  	[sflag:s0] =	ssyncadd.remote.s32 $0x1  }
0xcd: {  	_ =	sfence.sel $0xFFFF  }
0xce: {  	[dreg:$0x0] =	wrdreg $0xFFFFFFFF;
	(pc) =	sbr.abs _section_cstart, $3  }
0xcf: {  	[dreg:$0x1] =	wrdreg $0xFFFFFFFF  }
0xd0: {  	_ =	task.clear_ibuf [dreg:s22], $0x2FFFF;
	_ =	strace $0x9FFFFFFF  }
0xd1: {  	(tm) =	ssettm $0x7FFFFFFF  }
tec
execute0_lowered:
.L_overlay_start_1:
0x0: {  	(tag) =	ssettag $0x1  }
0x1: {  	s5 =	rddreg [dreg:$0x0]  }
0x2: {  	s1 =	rddreg [dreg:$0x1]  }
0x3: {  	s3 =	srdreg.scid;
	s0 =	rddreg [dreg:$0x2];
	s2 =	simm.s32 $0x0  }
0x4: {  	s9 =	sand.u32 $0x1, s3;
	[smem:$0x7FF] =	sst s2  }
0x5: {  	s21 =	simm.s32 $0x0;
	s3 =	stileid.u32;
	s4 =	smul.u32 $0x138800, s9  }
0x6: {  	s15 =	sadd.s32 $0x20400, s5;
	_ =	strace $0x8000005F;
	s11 =	smul.u32 $0x280, s3  }
0x7: {  	s24 =	sshll.u32 s3, $0x4;
	s6 =	ssub.s32 $0x2, s9;
	s7 =	smul.u32 $0x50000, s3  }
0x8: {  	s20 =	smul.u32 $0x2800, s9;
	p0 =	seq.s32 s3, $0x0;
	s30 =	sshll.u32 s3, $0xB  }
0x9: {  	s18 =	sadd.s32 s24, s5;
	s25 =	sshrl.u32 s6, $0x1;
	s16 =	sadd.s32 s4, s5  }
0xa: {  	s4 =	sadd.s32 $0x9E9400, s5;
	s17 =	ssub.s32 s6, s25;
	s26 =	sshrl.u32 s7, $0x2  }
0xb: {  	s12 =	sadd.s32 $0x80, s11;
	s13 =	sadd.s32 $0x100, s11;
	s14 =	sadd.s32 $0x180, s11  }
0xc: {  	s19 =	sadd.s32 $0x200, s11;
	s11 =	sadd.s32 s11, s20;
	s18 =	sadd.s32 $0x775C00, s18  }
0xd: {  	s5 =	sadd.s32 s26, s1;
	s28 =	sshll.u32 s12, $0x7;
	s29 =	sshll.u32 s13, $0x7  }
0xe: {  	s8 =	sshll.u32 s14, $0x7;
	s10 =	sshll.u32 s19, $0x7;
	s12 =	sadd.s32 s20, s12  }
0xf: {  	s11 =	sshll.u32 s11, $0x4;
	s13 =	sadd.s32 s20, s13;
	s14 =	sadd.s32 s20, s14  }
0x10: {  	s19 =	sadd.s32 s20, s19;
	s31 =	sadd.s32 s30, s16;
	s16 =	smax.u32 s17, $0x1  }
0x11: {  	s20 =	simm.s32 $0x1;
	s6 =	sadd.s32 s28, s1;
	s7 =	sadd.s32 s29, s1  }
0x12: {  	s8 =	sadd.s32 s8, s1;
	s9 =	sadd.s32 s10, s1;
	s10 =	simm.s32 $0x28  }
0x13: {  	s12 =	sshll.u32 s12, $0x4;
	s11 =	sadd.s32 s15, s11;
	s13 =	sshll.u32 s13, $0x4  }
0x14: {  	s14 =	sshll.u32 s14, $0x4;
	s19 =	sshll.u32 s19, $0x4;
	s17 =	sadd.s32 $0x502400, s31  }
0x15: {  	s10 =	simm.s32 @!p0 $0x27;
	s12 =	sadd.s32 s15, s12;
	s13 =	sadd.s32 s15, s13  }
0x16: {  	s14 =	sadd.s32 s15, s14;
	s15 =	sadd.s32 s15, s19;
	s19 =	simm.s32 $0x80  }
.LBB2_1:
0x17: {  	[tilespmem:s19], [sflag:$0x1] =	stream.linear.gather [hbm4b:s4+s2], $0x4000, $0x38;
	[tilespmem:$0x18080] =	vst v63  }
0x18: {  	_ =	swait.ge [sflag:s20], $0x4000  }
0x19: {  	[sflag:s20] =	ssyncset.done $0x0  }
0x1a: {  	[sflag:s20] =	ssyncadd.s32 $0xFFFFC000  }
0x1b: {  	[spmem:s5] =	stream.linear.scatter [tilespmem:s19], [sflag:$0x1], $0x4000, $0x38;
	[tilespmem:$0x18080] =	vst v63  }
0x1c: {  	_ =	swait.ge [sflag:s20], $0x4000  }
0x1d: {  	[sflag:s20] =	ssyncset.done $0x0  }
0x1e: {  	[sflag:s20] =	ssyncadd.s32 $0xFFFFC000  }
0x1f: {  	[spmem:s6] =	stream.linear.scatter [tilespmem:s19], [sflag:$0x1], $0x4000, $0x38;
	[tilespmem:$0x18080] =	vst v63  }
0x20: {  	_ =	swait.ge [sflag:s20], $0x4000  }
0x21: {  	[sflag:s20] =	ssyncset.done $0x0  }
0x22: {  	[sflag:s20] =	ssyncadd.s32 $0xFFFFC000  }
0x23: {  	[spmem:s7] =	stream.linear.scatter [tilespmem:s19], [sflag:$0x1], $0x4000, $0x38;
	[tilespmem:$0x18080] =	vst v63  }
0x24: {  	_ =	swait.ge [sflag:s20], $0x4000  }
0x25: {  	[sflag:s20] =	ssyncset.done $0x0  }
0x26: {  	[sflag:s20] =	ssyncadd.s32 $0xFFFFC000  }
0x27: {  	[spmem:s8] =	stream.linear.scatter [tilespmem:s19], [sflag:$0x1], $0x4000, $0x38;
	[tilespmem:$0x18080] =	vst v63  }
0x28: {  	_ =	swait.ge [sflag:s20], $0x4000  }
0x29: {  	[sflag:s20] =	ssyncset.done $0x0  }
0x2a: {  	[sflag:s20] =	ssyncadd.s32 $0xFFFFC000  }
0x2b: {  	[spmem:s9] =	stream.linear.scatter [tilespmem:s19], [sflag:$0x1], $0x4000, $0x38;
	[tilespmem:$0x18080] =	vst v63  }
0x2c: {  	_ =	swait.ge [sflag:s20], $0x4000  }
0x2d: {  	[sflag:s20] =	ssyncset.done $0x0  }
0x2e: {  	[sflag:s20] =	ssyncadd.s32 $0xFFFFC000  }
0x2f: {  	[bflag:$0x0] =	sbarrier.arrive $0xFFFF  }
0x30: {  	[tilespmem:s2], [sflag:$0x1] =	stream.linear.gather [hbm4b:s18+s2], $0x80, $0x38;
	[tilespmem:$0x18080] =	vst v63  }
0x31: {  	_ =	swait.ge [sflag:s20], $0x80  }
0x32: {  	[sflag:s20] =	ssyncset.done $0x0  }
0x33: {  	[sflag:s20] =	ssyncadd.s32 $0xFFFFFF80  }
0x34: {  	[tilespmem:s19], [sflag:$0x1] =	stream.linear.gather [hbm4b:s17+s2], $0x4000, $0x38;
	[tilespmem:$0x18080] =	vst v63  }
0x35: {  	p0 =	sne.s32 s10, $0x1;
	_ =	swait.ge [sflag:s20], $0x4000  }
.Ltmp0:
0x36: {  	[sflag:s20] =	ssyncset.done $0x0;
	(pc) =	sbr.rel @!p0 .LBB2_3-.Ltmp0, $4  }
0x37: {  	[sflag:s20] =	ssyncadd.s32 $0xFFFFC000  }
0x38: {  	[spmem:s1] =	stream.indirect.scatter.add.f32 [tilespmem:s19], [sflag:$0x1], $0x80, s2, s19, $0xb8;
	[tilespmem:$0x18080] =	vst v63  }
0x39: {  	s22 =	sadd.s32 $0xFFFFFFFF, s10;
	_ =	swait.ge [sflag:s20], $0x4000  }
0x3a: {  	s23 =	smov.u32 s17;
	s24 =	smov.u32 s18;
	[sflag:s20] =	ssyncset.done $0x0  }
.LBB2_2:
0x3b: {  	[sflag:s20] =	ssyncadd.s32 $0xFFFFC000;
	s23 =	sadd.s32 $0x8000, s23;
	s24 =	sadd.s32 $0x100, s24  }
0x3c: {  	[tilespmem:s2], [sflag:$0x1] =	stream.linear.gather [hbm4b:s24+s2], $0x80, $0x38;
	[tilespmem:$0x18080] =	vst v63  }
0x3d: {  	p0 =	sne.s32 s22, $0x1;
	s22 =	sadd.s32 $0xFFFFFFFF, s22;
	_ =	swait.ge [sflag:s20], $0x80  }
0x3e: {  	[sflag:s20] =	ssyncset.done $0x0  }
0x3f: {  	[sflag:s20] =	ssyncadd.s32 $0xFFFFFF80  }
0x40: {  	[tilespmem:s19], [sflag:$0x1] =	stream.linear.gather [hbm4b:s23+s2], $0x4000, $0x38;
	[tilespmem:$0x18080] =	vst v63  }
0x41: {  	_ =	swait.ge [sflag:s20], $0x4000  }
.Ltmp1:
0x42: {  	[sflag:s20] =	ssyncset.done $0x0;
	(pc) =	sbr.rel @p0 .LBB2_2-.Ltmp1, $4  }
0x43: {  	[sflag:s20] =	ssyncadd.s32 $0xFFFFC000  }
0x44: {  	[spmem:s1] =	stream.indirect.scatter.add.f32 [tilespmem:s19], [sflag:$0x1], $0x80, s2, s19, $0xb8;
	[tilespmem:$0x18080] =	vst v63  }
0x45: {  	_ =	swait.ge [sflag:s20], $0x4000  }
0x46: {  	[sflag:s20] =	ssyncset.done $0x0  }
.LBB2_3:
0x47: {  	[sflag:s20] =	ssyncadd.s32 $0xFFFFC000  }
0x48: {  	[bflag:$0x0] =	sbarrier.arrive $0xFFFF  }
0x49: {  	[tilespmem:s19], [sflag:$0x1] =	stream.linear.gather [spmem:s5], $0x4000, $0x38;
	[tilespmem:$0x18080] =	vst v63  }
0x4a: {  	_ =	swait.ge [sflag:s20], $0x4000  }
0x4b: {  	[sflag:s20] =	ssyncset.done $0x0  }
0x4c: {  	[sflag:s20] =	ssyncadd.s32 $0xFFFFC000  }
0x4d: {  	[hbm4b:s11+s2] =	stream.linear.scatter [tilespmem:s19], [sflag:$0x1], $0x4000, $0x38;
	[tilespmem:$0x18080] =	vst v63  }
0x4e: {  	_ =	swait.ge [sflag:s20], $0x4000  }
0x4f: {  	[sflag:s20] =	ssyncset.done $0x0  }
0x50: {  	[sflag:s20] =	ssyncadd.s32 $0xFFFFC000  }
0x51: {  	[tilespmem:s19], [sflag:$0x1] =	stream.linear.gather [spmem:s6], $0x4000, $0x38;
	[tilespmem:$0x18080] =	vst v63  }
0x52: {  	_ =	swait.ge [sflag:s20], $0x4000  }
0x53: {  	[sflag:s20] =	ssyncset.done $0x0  }
0x54: {  	[sflag:s20] =	ssyncadd.s32 $0xFFFFC000  }
0x55: {  	[hbm4b:s12+s2] =	stream.linear.scatter [tilespmem:s19], [sflag:$0x1], $0x4000, $0x38;
	[tilespmem:$0x18080] =	vst v63  }
0x56: {  	_ =	swait.ge [sflag:s20], $0x4000  }
0x57: {  	[sflag:s20] =	ssyncset.done $0x0  }
0x58: {  	[sflag:s20] =	ssyncadd.s32 $0xFFFFC000  }
0x59: {  	[tilespmem:s19], [sflag:$0x1] =	stream.linear.gather [spmem:s7], $0x4000, $0x38;
	[tilespmem:$0x18080] =	vst v63  }
0x5a: {  	_ =	swait.ge [sflag:s20], $0x4000  }
0x5b: {  	[sflag:s20] =	ssyncset.done $0x0  }
0x5c: {  	[sflag:s20] =	ssyncadd.s32 $0xFFFFC000  }
0x5d: {  	[hbm4b:s13+s2] =	stream.linear.scatter [tilespmem:s19], [sflag:$0x1], $0x4000, $0x38;
	[tilespmem:$0x18080] =	vst v63  }
0x5e: {  	_ =	swait.ge [sflag:s20], $0x4000  }
0x5f: {  	[sflag:s20] =	ssyncset.done $0x0  }
0x60: {  	[sflag:s20] =	ssyncadd.s32 $0xFFFFC000  }
0x61: {  	[tilespmem:s19], [sflag:$0x1] =	stream.linear.gather [spmem:s8], $0x4000, $0x38;
	[tilespmem:$0x18080] =	vst v63  }
0x62: {  	_ =	swait.ge [sflag:s20], $0x4000  }
0x63: {  	[sflag:s20] =	ssyncset.done $0x0  }
0x64: {  	[sflag:s20] =	ssyncadd.s32 $0xFFFFC000  }
0x65: {  	[hbm4b:s14+s2] =	stream.linear.scatter [tilespmem:s19], [sflag:$0x1], $0x4000, $0x38;
	[tilespmem:$0x18080] =	vst v63  }
0x66: {  	_ =	swait.ge [sflag:s20], $0x4000  }
0x67: {  	[sflag:s20] =	ssyncset.done $0x0  }
0x68: {  	[sflag:s20] =	ssyncadd.s32 $0xFFFFC000  }
0x69: {  	[tilespmem:s19], [sflag:$0x1] =	stream.linear.gather [spmem:s9], $0x4000, $0x38;
	[tilespmem:$0x18080] =	vst v63  }
0x6a: {  	s21 =	sadd.s32 $0x1, s21;
	_ =	swait.ge [sflag:s20], $0x4000  }
0x6b: {  	p0 =	sne.s32 s21, s16;
	[sflag:s20] =	ssyncset.done $0x0  }
.Ltmp2:
0x6c: {  	[sflag:s20] =	ssyncadd.s32 $0xFFFFC000;
	(pc) =	sbr.rel @p0 .LBB2_1-.Ltmp2, $4  }
0x6d: {  	[hbm4b:s15+s2] =	stream.linear.scatter [tilespmem:s19], [sflag:$0x1], $0x4000, $0x38;
	[tilespmem:$0x18080] =	vst v63  }
0x6e: {  	_ =	swait.ge [sflag:s20], $0x4000  }
0x6f: {  	[sflag:s20] =	ssyncset.done $0x0  }
0x70: {  	[sflag:s20] =	ssyncadd.s32 $0xFFFFC000  }
0x71: {  	_ =	sfence.sel $0x180000  }
0x72: {  	[bflag:$0x0] =	sbarrier.arrive $0xFFFF  }
0x73: {  	p0 =	sne.s32 s3, $0x0;
	_ =	strace $0x9000005F  }
0x74: {  	s0 =	sadd.s32 @!p0 $0x100000, s0;
	[bflag:$0x2] =	sbarrier.arrive $0xFFFF  }
0x75: {  	[sflag:s0] =	ssyncadd.tile.s32 @!p0 $0x1;
	_ =	shalt  }
.Lfunc_end2:
_tile_overlayer_lowered:
.L_overlay_start_2:
0x76: {  	(tag) =	ssettag $0x2  }
0x77: {  	s0 =	rddreg [dreg:$0x0];
	s2 =	stileid.u32  }
0x78: {  	s1 =	rddreg [dreg:$0x1];
	p0 =	sne.s32 s2, $0x0  }
0x79: {  	s3 =	rddreg [dreg:$0x2];
	[bflag:$0x3] =	sbarrier.arrive $0xFFFF;
	s2 =	simm.s32 @!p0 $0x1C01  }
0x7a: {  	[timem:s3], [sflag:s2] =	dma.local @!p0 [hbm:s0], s1  }
0x7b: {  	s0 =	simm.s32 @!p0 $0x1  }
0x7c: {  	_ =	swait.ge @!p0 [sflag:s0], s1  }
0x7d: {  	s1 =	ssub.s32 @!p0 $0x0, s1;
	[sflag:s0] =	ssyncset.done @!p0 $0x0  }
0x7e: {  	[sflag:s0] =	ssyncadd.s32 @!p0 s1  }
0x7f: {  	[bflag:$0x3] =	sbarrier.arrive $0xFFFF  }
0x80: {  	_ =	shalt  }

// kernel: kernel.31.cloned.1.call-start
scs
__scs_entry_jumppad:
0x0: {  	(pc) =	sbr.rel $0x88, $3  }
0x1: {  	(tag) =	ssettag $0x0;
	lr =	simm.s32 $0x1  }
0x2: {  	[smem:$0x3F8C] =	sst lr;
	_ =	strace $0xD0000000  }
0x3: {  	_ = 	snop  }
0x4: {  	_ = 	snop  }
0x5: {  	_ = 	snop  }
0x6: {  	_ = 	snop  }
0x7: {  	_ = 	snop  }
__scs_overlays_trampoline_lowered:
0x8: {  	[smem:$0x3F9B] =	sst s0  }
0x9: {  	[smem:$0x3F9C] =	sst s1  }
0xa: {  	[smem:$0x3F9D] =	sst s2  }
0xb: {  	[smem:$0x3F9E] =	sst s3  }
0xc: {  	[smem:$0x3F9F] =	sst s4  }
0xd: {  	[smem:$0x3FA0] =	sst s5  }
0xe: {  	[smem:$0x3FA1] =	sst s6  }
0xf: {  	[smem:$0x3FA2] =	sst s7  }
0x10: {  	[smem:$0x3FA3] =	sst s8  }
0x11: {  	[smem:$0x3FA4] =	sst s9;
	s0 =	simm.s32 @!p0 $0x0  }
0x12: {  	s1 =	sld [smem:$0x3F8A];
	s0 =	simm.s32 @p0 $0x1  }
0x13: {  	[smem:$0x3FA5] =	sst s0;
	s0 =	simm.s32 @!p1 $0x0  }
0x14: {  	s2 =	sld [smem:$0x3F89];
	s0 =	simm.s32 @p1 $0x1  }
0x15: {  	[smem:$0x3FA6] =	sst s0;
	s0 =	simm.s32 @!p2 $0x0  }
0x16: {  	s3 =	sld [smem:$0x3FDB];
	s0 =	simm.s32 @p2 $0x1  }
0x17: {  	s4 =	simm.s32 $0x1BF5;
	[smem:$0x3FA8] =	sst s0  }
0x18: {  	s0 =	sld [smem:$0x3F8B];
	_ =	swait.ge [sflag:s4], $0x0  }
0x19: {  	s7 =	sld [smem:$0x3F8C]  }
0x1a: {  	s8 =	sadd.s32 $0xFFFFE003, lr  }
0x1b: {  	s9 =	sadd.s32 $0xFFFFFEF7, lr;
	s5 =	simm.s32 $0xFFFFFFFF;
	p2 =	slt.u32 s8, $0xFFFFF086  }
0x1c: {  	p1 =	slt.u32 s9, $0xF7A;
	s5 =	simm.s32 @!p2 $0x0  }
0x1d: {  	s5 =	simm.s32 @p1 $0x1;
	p0 =	seq.s32 s7, s2  }
0x1e: {  	s7 =	smul.u32 @!p0 $0xF7A, s2;
	p2 =	seq.s32 @!p0 s5, $0x0  }
0x1f: {  	s9 =	smul.u32 $0xF7A, s1;
	s8 =	simm.s32 @!p0 $0x1BF5;
	p2 =	por !p2, p0  }
0x20: {  	[sflag:s8] =	ssyncset.s32 @!p0 $0xFFFFF086;
	s6 =	sadd.s32 @!p0 s3, s7;
	s7 =	simm.s32 @!p0 $0x108  }
0x21: {  	s3 =	sadd.s32 s3, s9;
	s6 =	sadd.s32 @!p0 $0x88, s6;
	s7 =	simm.s32 @p2 $0x1082  }
0x22: {  	[simem:s7], [sflag:s8] =	dma.local @!p0 [hbm:s6], $0xF7A  }
0x23: {  	s9 =	sor.u32 $0xD0000000, s2;
	s6 =	simm.s32 $0x108;
	_ =	swait.ge @!p0 [sflag:s8], $0x0  }
0x24: {  	s3 =	sadd.s32 $0x88, s3;
	s6 =	simm.s32 @!p1 $0x1082;
	[sflag:s4] =	ssyncset.s32 $0xFFFFF086  }
0x25: {  	[simem:s6], [sflag:s4] =	dma.local [hbm:s3], $0xF7A  }
0x26: {  	[smem:$0x3F8C] =	sst s1;
	(tag) =	ssettag s2;
	_ =	strace s9  }
0x27: {  	s1 =	sld [smem:$0x3F9C]  }
0x28: {  	s2 =	sld [smem:$0x3F9D]  }
0x29: {  	s4 =	sld [smem:$0x3F9F]  }
0x2a: {  	p0 =	seq.s32 s5, $0x0;
	s5 =	sld [smem:$0x3FA0]  }
0x2b: {  	s6 =	sld [smem:$0x3FA1]  }
0x2c: {  	s7 =	sld [smem:$0x3FA2]  }
0x2d: {  	s3 =	simm.s32 $0x108;
	s8 =	sld [smem:$0x3FA3]  }
0x2e: {  	s3 =	simm.s32 @!p0 $0x1082;
	s9 =	sld [smem:$0x3FA4]  }
0x2f: {  	lr =	sadd.s32 s0, s3;
	s0 =	sld [smem:$0x3F9B]  }
0x30: {  	s3 =	sld [smem:$0x3F9E]  }
0x31: {  	[smem:$0x3FA7] =	sst s10  }
0x32: {  	s10 =	sld [smem:$0x3FA5];
	_ =	sdelay $0x3  }
0x33: {  	p0 =	seq.s32 s10, $0x1;
	s10 =	sld [smem:$0x3FA7];
	_ =	sdelay $0x3  }
0x34: {  	[smem:$0x3FA7] =	sst s10  }
0x35: {  	s10 =	sld [smem:$0x3FA6];
	_ =	sdelay $0x3  }
0x36: {  	p1 =	seq.s32 s10, $0x1;
	s10 =	sld [smem:$0x3FA7];
	_ =	sdelay $0x3  }
0x37: {  	[smem:$0x3FA7] =	sst s10  }
0x38: {  	s10 =	sld [smem:$0x3FA8]  }
0x39: {  	_ = 	snop;
	(pc) =	sbr.ind lr, $3  }
0x3a: {  	_ = 	snop  }
0x3b: {  	_ = 	snop  }
0x3c: {  	p2 =	seq.s32 s10, $0x1;
	s10 =	sld [smem:$0x3FA7]  }
0x3d: {  	_ =	shalt  }
0x3e: {  	_ =	shalt  }
0x3f: {  	_ =	shalt  }
0x40: {  	_ =	shalt  }
0x41: {  	_ =	shalt  }
0x42: {  	_ =	shalt  }
0x43: {  	_ =	shalt  }
0x44: {  	_ =	shalt  }
0x45: {  	_ =	shalt  }
0x46: {  	_ =	shalt  }
0x47: {  	_ =	shalt  }
0x48: {  	_ =	shalt  }
0x49: {  	_ =	shalt  }
0x4a: {  	_ =	shalt  }
0x4b: {  	_ =	shalt  }
0x4c: {  	_ =	shalt  }
0x4d: {  	_ =	shalt  }
0x4e: {  	_ =	shalt  }
0x4f: {  	_ =	shalt  }
0x50: {  	_ =	shalt  }
0x51: {  	_ =	shalt  }
0x52: {  	_ =	shalt  }
0x53: {  	_ =	shalt  }
0x54: {  	_ =	shalt  }
0x55: {  	_ =	shalt  }
0x56: {  	_ =	shalt  }
0x57: {  	_ =	shalt  }
0x58: {  	_ =	shalt  }
0x59: {  	_ =	shalt  }
0x5a: {  	_ =	shalt  }
0x5b: {  	_ =	shalt  }
0x5c: {  	_ =	shalt  }
0x5d: {  	_ =	shalt  }
0x5e: {  	_ =	shalt  }
0x5f: {  	_ =	shalt  }
0x60: {  	_ =	shalt  }
0x61: {  	_ =	shalt  }
0x62: {  	_ =	shalt  }
0x63: {  	_ =	shalt  }
0x64: {  	_ =	shalt  }
0x65: {  	_ =	shalt  }
0x66: {  	_ =	shalt  }
0x67: {  	_ =	shalt  }
0x68: {  	_ =	shalt  }
0x69: {  	_ =	shalt  }
0x6a: {  	_ =	shalt  }
0x6b: {  	_ =	shalt  }
0x6c: {  	_ =	shalt  }
0x6d: {  	_ =	shalt  }
0x6e: {  	_ =	shalt  }
0x6f: {  	_ =	shalt  }
0x70: {  	_ =	shalt  }
0x71: {  	_ =	shalt  }
0x72: {  	_ =	shalt  }
0x73: {  	_ =	shalt  }
0x74: {  	_ =	shalt  }
0x75: {  	_ =	shalt  }
0x76: {  	_ =	shalt  }
0x77: {  	_ =	shalt  }
0x78: {  	_ =	shalt  }
0x79: {  	_ =	shalt  }
0x7a: {  	_ =	shalt  }
0x7b: {  	_ =	shalt  }
0x7c: {  	_ =	shalt  }
0x7d: {  	_ =	shalt  }
0x7e: {  	_ =	shalt  }
0x7f: {  	_ =	shalt  }
0x80: {  	_ =	shalt  }
0x81: {  	_ =	shalt  }
0x82: {  	_ =	shalt  }
0x83: {  	_ =	shalt  }
0x84: {  	_ =	shalt  }
0x85: {  	_ =	shalt  }
0x86: {  	_ =	shalt  }
0x87: {  	_ =	shalt  }
.Lfunc_end0:
.L_simem_size_0:
called_computation.5_lowered:
.L_overlay_start_0:
0x88: {  	s2 =	sld [smem:$0x3FD9]  }
0x89: {  	s3 =	sld [smem:$0x3FFE];
	_ =	sdelay $0x1  }
0x8a: {  	s1 =	srdreg.scid  }
0x8b: {  	s0 =	sand.u32 $0x1, s1  }
0x8c: {  	s17 =	sshll.u32 s0, $0xA;
	s2 =	sadd.s32 s3, s2  }
0x8d: {  	s2 =	sadd.s32 s2, s17  }
0x8e: {  	[smem:$0x3FB3] =	sst s2  }
0x8f: {  	_ = 	snop  }
0x90: {  	s2 =	sld [smem:$0x3FC9];
	(tm) =	ssettm $0x1  }
0x91: {  	s18 =	sld [smem:$0x3FFB];
	_ =	sdelay $0x3  }
0x92: {  	_ =	strace s18  }
0x93: {  	s3 =	sld [smem:$0x3FFC];
	_ =	sdelay $0x3  }
0x94: {  	_ =	strace s3  }
0x95: {  	s3 =	sld [smem:$0x3FFD];
	_ =	sdelay $0x3  }
0x96: {  	_ =	strace s3  }
0x97: {  	_ =	strace $0x8FFFFFFF  }
0x98: {  	s19 =	sld [smem:$0x3FDB];
	_ =	sdelay $0x1  }
0x99: {  	s4 =	simm.s32 $_scs_section_size  }
0x9a: {  	s5 =	simm.s32 $_size__tile_overlayer_lowered;
	s6 =	simm.s32 $_tile_overlayer_lowered  }
0x9b: {  	s22 =	simm.s32 $0x1BFF;
	s21 =	sshll.u32 s6, $0x1;
	s3 =	sadd.s32 s4, s19  }
0x9c: {  	s7 =	simm.s32 $0x0;
	s20 =	sshll.u32 s5, $0x1;
	s5 =	sadd.s32 s21, s3  }
0x9d: {  	[timem:s7], [sflag:s22] =	dma.local [hbm:s5], s20  }
0x9e: {  	_ =	swait.ge [sflag:s22], s20  }
0x9f: {  	s4 =	ssub.s32 $0x0, s20;
	[sflag:s22] =	ssyncset.done $0x0  }
0xa0: {  	[sflag:s22] =	ssyncadd.s32 s4;
	_ =	sdelay $0x1  }
0xa1: {  	s23 =	simm.s32 $0x1B8B  }
0xa2: {  	_ =	swait.ge [sflag:s23], $0x1  }
0xa3: {  	[sflag:s23] =	ssyncset.done $0x0  }
0xa4: {  	s25 =	simm.s32 $0x1B8E;
	s24 =	sld [smem:$0x3FFE];
	[sflag:s23] =	ssyncadd.s32 $0xFFFFFFFF  }
0xa5: {  	s26 =	simm.s32 $execute0_lowered;
	[smem:$0x3FD2] =	sst s25  }
0xa6: {  	s5 =	sshll.u32 s26, $0x1;
	_ =	strace $0x80000046;
	[dreg:$0x1] =	wrdreg $0xFFFFFFFF  }
0xa7: {  	s28 =	simm.s32 $_size_execute0_lowered;
	s3 =	sadd.s32 s3, s5;
	[dreg:$0x0] =	wrdreg $0x0  }
0xa8: {  	s5 =	sshll.u32 s28, $0x1;
	[dreg:$0x2] =	wrdreg s3  }
0xa9: {  	[dreg:$0x3] =	wrdreg s5  }
0xaa: {  	[dreg:$0x4] =	wrdreg $0xC0  }
0xab: {  	_ =	task [dreg:s7], $0x5FFFF  }
0xac: {  	[dreg:$0x1] =	wrdreg $0xFFFFFFFF  }
0xad: {  	[dreg:$0x0] =	wrdreg $0x60  }
0xae: {  	[dreg:$0x2] =	wrdreg s2  }
0xaf: {  	[dreg:$0x3] =	wrdreg s24  }
0xb0: {  	[dreg:$0x4] =	wrdreg $0xB  }
0xb1: {  	_ =	task.clear_ibuf [dreg:s7], $0x5FFFF;
	_ =	strace $0x90000046  }
0xb2: {  	s29 =	simm.s32 $0xB;
	_ =	strace $0x80000048  }
0xb3: {  	_ =	swait.ge [sflag:s29], $0x1  }
0xb4: {  	[sflag:s29] =	ssyncadd.s32 $0xFFFFFFFF  }
0xb5: {  	_ =	strace $0x90000048  }
0xb6: {  	_ =	sfence  }
0xb7: {  	s30 =	sld [smem:$0x0];
	_ =	sdelay $0x2  }
0xb8: {  	s31 =	sshll.u32 s1, $0xD;
	s1 =	sshrl.u32 s1, $0x2  }
0xb9: {  	s3 =	sand.u32 $0x4000, s31;
	s1 =	sadd.s32 s1, s30  }
0xba: {  	s0 =	sor.u32 s3, s0;
	s1 =	sshll.u32 s1, $0x11  }
0xbb: {  	s0 =	sor.u32 s1, s0  }
0xbc: {  	s0 =	sadd.s32 $0x8F2B, s0  }
0xbd: {  	[sflag:s0] =	ssyncadd.remote.s32 $0x1  }
0xbe: {  	_ =	sfence.sel $0xFFFF  }
0xbf: {  	[dreg:$0x0] =	wrdreg $0xFFFFFFFF;
	(pc) =	sbr.abs _section_cstart, $3  }
0xc0: {  	[dreg:$0x1] =	wrdreg $0xFFFFFFFF  }
0xc1: {  	_ =	task.clear_ibuf [dreg:s7], $0x2FFFF;
	_ =	strace $0x9FFFFFFF  }
0xc2: {  	(tm) =	ssettm $0x7FFFFFFF  }
0xc3: {  	_ =	shalt  }
tec
execute0_lowered:
.L_overlay_start_1:
0x0: {  	(tag) =	ssettag $0x1  }
0x1: {  	s1 =	srdreg.scid;
	s2 =	rddreg [dreg:$0x0]  }
0x2: {  	s0 =	stileid.u32;
	s4 =	rddreg [dreg:$0x1]  }
0x3: {  	s3 =	simm.s32 $0x0;
	s12 =	simm.s32 $0x100;
	s13 =	simm.s32 $0x4100  }
0x4: {  	s14 =	simm.s32 $0x1;
	s15 =	simm.s32 $0x2;
	s16 =	simm.s32 $0x0  }
0x5: {  	s5 =	sand.u32 $0x1, s1;
	s6 =	sshll.u32 s0, $0x8;
	s1 =	rddreg [dreg:$0x2]  }
0x6: {  	[smem:$0x7FF] =	sst s3;
	s8 =	sadd.s32 $0x20400, s4;
	s29 =	sshll.u32 s0, $0x1  }
0x7: {  	s30 =	sshll.u32 s0, $0xF;
	s31 =	sshll.u32 s0, $0xC;
	s7 =	sshll.u32 s5, $0x7  }
0x8: {  	s26 =	ssub.s32 $0x2, s5;
	_ =	strace $0x80000047;
	s10 =	sshll.u32 s5, $0xE  }
0x9: {  	s11 =	sshll.u32 s5, $0xB;
	s6 =	sor.u32 s7, s6;
	s28 =	sshrl.u32 s26, $0x1  }
0xa: {  	s7 =	sor.u32 s10, s30;
	s10 =	sadd.s32 s31, s8;
	s6 =	sshrl.u32 s6, $0x3  }
0xb: {  	s7 =	sadd.s32 $0x9C4000, s7;
	s9 =	sadd.s32 s6, s4;
	s4 =	sor.u32 s5, s29  }
0xc: {  	s6 =	ssub.s32 s26, s28;
	s7 =	sshrl.u32 s7, $0x3;
	p0 =	slt.u32 s4, $0x11  }
0xd: {  	s4 =	simm.s32 $0x14;
	s5 =	smax.u32 s6, $0x1;
	s6 =	sadd.s32 s7, s8  }
0xe: {  	s7 =	sadd.s32 s11, s10;
	s8 =	sadd.s32 $0x11400, s9;
	s9 =	sadd.s32 $0x18C00, s9  }
0xf: {  	s10 =	simm.s32 $0x3;
	s11 =	simm.s32 $0x80;
	s4 =	simm.s32 @!p0 $0x13  }
.LBB2_1:
0x10: {  	[tilespmem:s3], [sflag:$0x3] =	stream.linear.gather [hbm4b:s9+s3], $0x80, $0x38;
	[tilespmem:$0x8100] =	vst v63  }
0x11: {  	_ =	swait.ge [sflag:s10], $0x80  }
0x12: {  	[sflag:s10] =	ssyncset.done $0x0  }
0x13: {  	[sflag:s10] =	ssyncadd.s32 $0xFFFFFF80  }
0x14: {  	[tilespmem:s11], [sflag:$0x3] =	stream.linear.gather [hbm4b:s8+s3], $0x80, $0x38;
	[tilespmem:$0x8100] =	vst v63  }
0x15: {  	_ =	swait.ge [sflag:s10], $0x80  }
0x16: {  	[sflag:s10] =	ssyncset.done $0x0  }
0x17: {  	[sflag:s10] =	ssyncadd.s32 $0xFFFFFF80  }
0x18: {  	[tilespmem:s12], [sflag:$0x1] =	stream.indirect.gather [hbm4b:s2+s11], $0x80, s3, s11, $0xb8;
	[tilespmem:$0x8100] =	vst v63  }
0x19: {  	_ = 	snop  }
0x1a: {  	[tilespmem:s13], [sflag:$0x2] =	stream.indirect.gather [hbm4b:s2+s11], $0x80, s11, s11, $0xb8;
	[tilespmem:$0x8100] =	vst v63  }
0x1b: {  	_ =	swait.ge [sflag:s14], $0x4000  }
0x1c: {  	[sflag:s14] =	ssyncset.done $0x0  }
0x1d: {  	[sflag:s14] =	ssyncadd.s32 $0xFFFFC000  }
0x1e: {  	_ =	swait.ge [sflag:s15], $0x4000  }
0x1f: {  	[sflag:s15] =	ssyncset.done $0x0  }
0x20: {  	[sflag:s15] =	ssyncadd.s32 $0xFFFFC000  }
0x21: {  	[hbm4b:s7+s3] =	stream.linear.scatter [tilespmem:s12], [sflag:$0x3], $0x4000, $0x38;
	[tilespmem:$0x8100] =	vst v63  }
0x22: {  	p0 =	sne.s32 s4, $0x1;
	_ =	swait.ge [sflag:s10], $0x4000  }
.Ltmp0:
0x23: {  	[sflag:s10] =	ssyncset.done $0x0;
	(pc) =	sbr.rel @!p0 .LBB2_3-.Ltmp0, $4  }
0x24: {  	s17 =	sadd.s32 $0xFFFFFFFF, s4;
	[sflag:s10] =	ssyncadd.s32 $0xFFFFC000  }
0x25: {  	[hbm4b:s6+s3] =	stream.linear.scatter [tilespmem:s13], [sflag:$0x3], $0x4000, $0x38;
	[tilespmem:$0x8100] =	vst v63  }
0x26: {  	s18 =	sadd.s32 $0x200, s8;
	s19 =	sadd.s32 $0x200, s9;
	_ =	swait.ge [sflag:s10], $0x4000  }
0x27: {  	s20 =	smov.u32 s6;
	s21 =	smov.u32 s7;
	[sflag:s10] =	ssyncset.done $0x0  }
.LBB2_2:
0x28: {  	[sflag:s10] =	ssyncadd.s32 $0xFFFFC000;
	s20 =	sadd.s32 $0x10000, s20;
	s21 =	sadd.s32 $0x10000, s21  }
0x29: {  	[tilespmem:s3], [sflag:$0x3] =	stream.linear.gather [hbm4b:s19+s3], $0x80, $0x38;
	[tilespmem:$0x8100] =	vst v63  }
0x2a: {  	p0 =	sne.s32 s17, $0x1;
	s17 =	sadd.s32 $0xFFFFFFFF, s17;
	_ =	swait.ge [sflag:s10], $0x80  }
0x2b: {  	[sflag:s10] =	ssyncset.done $0x0  }
0x2c: {  	[sflag:s10] =	ssyncadd.s32 $0xFFFFFF80  }
0x2d: {  	[tilespmem:s11], [sflag:$0x3] =	stream.linear.gather [hbm4b:s18+s3], $0x80, $0x38;
	[tilespmem:$0x8100] =	vst v63  }
0x2e: {  	_ =	swait.ge [sflag:s10], $0x80  }
0x2f: {  	[sflag:s10] =	ssyncset.done $0x0  }
0x30: {  	[sflag:s10] =	ssyncadd.s32 $0xFFFFFF80  }
0x31: {  	[tilespmem:s12], [sflag:$0x1] =	stream.indirect.gather [hbm4b:s2+s11], $0x80, s3, s11, $0xb8;
	[tilespmem:$0x8100] =	vst v63  }
0x32: {  	_ = 	snop  }
0x33: {  	[tilespmem:s13], [sflag:$0x2] =	stream.indirect.gather [hbm4b:s2+s11], $0x80, s11, s11, $0xb8;
	[tilespmem:$0x8100] =	vst v63  }
0x34: {  	_ =	swait.ge [sflag:s14], $0x4000  }
0x35: {  	[sflag:s14] =	ssyncset.done $0x0  }
0x36: {  	[sflag:s14] =	ssyncadd.s32 $0xFFFFC000  }
0x37: {  	_ =	swait.ge [sflag:s15], $0x4000  }
0x38: {  	[sflag:s15] =	ssyncset.done $0x0  }
0x39: {  	[sflag:s15] =	ssyncadd.s32 $0xFFFFC000  }
0x3a: {  	[hbm4b:s21+s3] =	stream.linear.scatter [tilespmem:s12], [sflag:$0x3], $0x4000, $0x38;
	[tilespmem:$0x8100] =	vst v63  }
0x3b: {  	_ =	swait.ge [sflag:s10], $0x4000  }
.Ltmp1:
0x3c: {  	[sflag:s10] =	ssyncset.done $0x0;
	(pc) =	sbr.rel @p0 .LBB2_2-.Ltmp1, $4  }
0x3d: {  	[sflag:s10] =	ssyncadd.s32 $0xFFFFC000  }
0x3e: {  	[hbm4b:s20+s3] =	stream.linear.scatter [tilespmem:s13], [sflag:$0x3], $0x4000, $0x38;
	[tilespmem:$0x8100] =	vst v63  }
0x3f: {  	_ =	swait.ge [sflag:s10], $0x4000  }
0x40: {  	s19 =	sadd.s32 $0x200, s19;
	s18 =	sadd.s32 $0x200, s18;
	[sflag:s10] =	ssyncset.done $0x0  }
.LBB2_3:
0x41: {  	s16 =	sadd.s32 $0x1, s16  }
0x42: {  	p0 =	sne.s32 s16, s5  }
.Ltmp2:
0x43: {  	_ = 	snop;
	(pc) =	sbr.rel @p0 .LBB2_1-.Ltmp2, $2  }
0x44: {  	_ =	sdelay $0x2  }
0x45: {  	[sflag:s10] =	ssyncadd.s32 $0xFFFFC000  }
0x46: {  	_ =	sfence.sel $0x180000  }
0x47: {  	[bflag:$0x0] =	sbarrier.arrive $0xFFFF  }
0x48: {  	p0 =	sne.s32 s0, $0x0;
	_ =	strace $0x90000047  }
0x49: {  	s0 =	sadd.s32 @!p0 $0x100000, s1;
	[bflag:$0x2] =	sbarrier.arrive $0xFFFF  }
0x4a: {  	[sflag:s0] =	ssyncadd.tile.s32 @!p0 $0x1;
	_ =	shalt  }
.Lfunc_end2:
_tile_overlayer_lowered:
.L_overlay_start_2:
0x4b: {  	(tag) =	ssettag $0x2  }
0x4c: {  	s0 =	rddreg [dreg:$0x0];
	s2 =	stileid.u32  }
0x4d: {  	s1 =	rddreg [dreg:$0x1];
	p0 =	sne.s32 s2, $0x0  }
0x4e: {  	s3 =	rddreg [dreg:$0x2];
	[bflag:$0x3] =	sbarrier.arrive $0xFFFF;
	s2 =	simm.s32 @!p0 $0x1C03  }
0x4f: {  	[timem:s3], [sflag:s2] =	dma.local @!p0 [hbm:s0], s1  }
0x50: {  	s0 =	simm.s32 @!p0 $0x3  }
0x51: {  	_ =	swait.ge @!p0 [sflag:s0], s1  }
0x52: {  	s1 =	ssub.s32 @!p0 $0x0, s1;
	[sflag:s0] =	ssyncset.done @!p0 $0x0  }
0x53: {  	[sflag:s0] =	ssyncadd.s32 @!p0 s1  }
0x54: {  	[bflag:$0x3] =	sbarrier.arrive $0xFFFF  }
0x55: {  	_ =	shalt  }

// kernel: kernel.34.cloned.1.call-start
scs
__scs_entry_jumppad:
0x0: {  	(pc) =	sbr.rel $0x88, $3  }
0x1: {  	(tag) =	ssettag $0x0;
	lr =	simm.s32 $0x1  }
0x2: {  	[smem:$0x3F8C] =	sst lr;
	_ =	strace $0xD0000000  }
0x3: {  	_ = 	snop  }
0x4: {  	_ = 	snop  }
0x5: {  	_ = 	snop  }
0x6: {  	_ = 	snop  }
0x7: {  	_ = 	snop  }
__scs_overlays_trampoline_lowered:
0x8: {  	[smem:$0x3F9B] =	sst s0  }
0x9: {  	[smem:$0x3F9C] =	sst s1  }
0xa: {  	[smem:$0x3F9D] =	sst s2  }
0xb: {  	[smem:$0x3F9E] =	sst s3  }
0xc: {  	[smem:$0x3F9F] =	sst s4  }
0xd: {  	[smem:$0x3FA0] =	sst s5  }
0xe: {  	[smem:$0x3FA1] =	sst s6  }
0xf: {  	[smem:$0x3FA2] =	sst s7  }
0x10: {  	[smem:$0x3FA3] =	sst s8  }
0x11: {  	[smem:$0x3FA4] =	sst s9;
	s0 =	simm.s32 @!p0 $0x0  }
0x12: {  	s1 =	sld [smem:$0x3F8A];
	s0 =	simm.s32 @p0 $0x1  }
0x13: {  	[smem:$0x3FA5] =	sst s0;
	s0 =	simm.s32 @!p1 $0x0  }
0x14: {  	s2 =	sld [smem:$0x3F89];
	s0 =	simm.s32 @p1 $0x1  }
0x15: {  	[smem:$0x3FA6] =	sst s0;
	s0 =	simm.s32 @!p2 $0x0  }
0x16: {  	s3 =	sld [smem:$0x3FDB];
	s0 =	simm.s32 @p2 $0x1  }
0x17: {  	s4 =	simm.s32 $0x1BF5;
	[smem:$0x3FA8] =	sst s0  }
0x18: {  	s0 =	sld [smem:$0x3F8B];
	_ =	swait.ge [sflag:s4], $0x0  }
0x19: {  	s7 =	sld [smem:$0x3F8C]  }
0x1a: {  	s8 =	sadd.s32 $0xFFFFE003, lr  }
0x1b: {  	s9 =	sadd.s32 $0xFFFFFEF7, lr;
	s5 =	simm.s32 $0xFFFFFFFF;
	p2 =	slt.u32 s8, $0xFFFFF086  }
0x1c: {  	p1 =	slt.u32 s9, $0xF7A;
	s5 =	simm.s32 @!p2 $0x0  }
0x1d: {  	s5 =	simm.s32 @p1 $0x1;
	p0 =	seq.s32 s7, s2  }
0x1e: {  	s7 =	smul.u32 @!p0 $0xF7A, s2;
	p2 =	seq.s32 @!p0 s5, $0x0  }
0x1f: {  	s9 =	smul.u32 $0xF7A, s1;
	s8 =	simm.s32 @!p0 $0x1BF5;
	p2 =	por !p2, p0  }
0x20: {  	[sflag:s8] =	ssyncset.s32 @!p0 $0xFFFFF086;
	s6 =	sadd.s32 @!p0 s3, s7;
	s7 =	simm.s32 @!p0 $0x108  }
0x21: {  	s3 =	sadd.s32 s3, s9;
	s6 =	sadd.s32 @!p0 $0x88, s6;
	s7 =	simm.s32 @p2 $0x1082  }
0x22: {  	[simem:s7], [sflag:s8] =	dma.local @!p0 [hbm:s6], $0xF7A  }
0x23: {  	s9 =	sor.u32 $0xD0000000, s2;
	s6 =	simm.s32 $0x108;
	_ =	swait.ge @!p0 [sflag:s8], $0x0  }
0x24: {  	s3 =	sadd.s32 $0x88, s3;
	s6 =	simm.s32 @!p1 $0x1082;
	[sflag:s4] =	ssyncset.s32 $0xFFFFF086  }
0x25: {  	[simem:s6], [sflag:s4] =	dma.local [hbm:s3], $0xF7A  }
0x26: {  	[smem:$0x3F8C] =	sst s1;
	(tag) =	ssettag s2;
	_ =	strace s9  }
0x27: {  	s1 =	sld [smem:$0x3F9C]  }
0x28: {  	s2 =	sld [smem:$0x3F9D]  }
0x29: {  	s4 =	sld [smem:$0x3F9F]  }
0x2a: {  	p0 =	seq.s32 s5, $0x0;
	s5 =	sld [smem:$0x3FA0]  }
0x2b: {  	s6 =	sld [smem:$0x3FA1]  }
0x2c: {  	s7 =	sld [smem:$0x3FA2]  }
0x2d: {  	s3 =	simm.s32 $0x108;
	s8 =	sld [smem:$0x3FA3]  }
0x2e: {  	s3 =	simm.s32 @!p0 $0x1082;
	s9 =	sld [smem:$0x3FA4]  }
0x2f: {  	lr =	sadd.s32 s0, s3;
	s0 =	sld [smem:$0x3F9B]  }
0x30: {  	s3 =	sld [smem:$0x3F9E]  }
0x31: {  	[smem:$0x3FA7] =	sst s10  }
0x32: {  	s10 =	sld [smem:$0x3FA5];
	_ =	sdelay $0x3  }
0x33: {  	p0 =	seq.s32 s10, $0x1;
	s10 =	sld [smem:$0x3FA7];
	_ =	sdelay $0x3  }
0x34: {  	[smem:$0x3FA7] =	sst s10  }
0x35: {  	s10 =	sld [smem:$0x3FA6];
	_ =	sdelay $0x3  }
0x36: {  	p1 =	seq.s32 s10, $0x1;
	s10 =	sld [smem:$0x3FA7];
	_ =	sdelay $0x3  }
0x37: {  	[smem:$0x3FA7] =	sst s10  }
0x38: {  	s10 =	sld [smem:$0x3FA8]  }
0x39: {  	_ = 	snop;
	(pc) =	sbr.ind lr, $3  }
0x3a: {  	_ = 	snop  }
0x3b: {  	_ = 	snop  }
0x3c: {  	p2 =	seq.s32 s10, $0x1;
	s10 =	sld [smem:$0x3FA7]  }
0x3d: {  	_ =	shalt  }
0x3e: {  	_ =	shalt  }
0x3f: {  	_ =	shalt  }
0x40: {  	_ =	shalt  }
0x41: {  	_ =	shalt  }
0x42: {  	_ =	shalt  }
0x43: {  	_ =	shalt  }
0x44: {  	_ =	shalt  }
0x45: {  	_ =	shalt  }
0x46: {  	_ =	shalt  }
0x47: {  	_ =	shalt  }
0x48: {  	_ =	shalt  }
0x49: {  	_ =	shalt  }
0x4a: {  	_ =	shalt  }
0x4b: {  	_ =	shalt  }
0x4c: {  	_ =	shalt  }
0x4d: {  	_ =	shalt  }
0x4e: {  	_ =	shalt  }
0x4f: {  	_ =	shalt  }
0x50: {  	_ =	shalt  }
0x51: {  	_ =	shalt  }
0x52: {  	_ =	shalt  }
0x53: {  	_ =	shalt  }
0x54: {  	_ =	shalt  }
0x55: {  	_ =	shalt  }
0x56: {  	_ =	shalt  }
0x57: {  	_ =	shalt  }
0x58: {  	_ =	shalt  }
0x59: {  	_ =	shalt  }
0x5a: {  	_ =	shalt  }
0x5b: {  	_ =	shalt  }
0x5c: {  	_ =	shalt  }
0x5d: {  	_ =	shalt  }
0x5e: {  	_ =	shalt  }
0x5f: {  	_ =	shalt  }
0x60: {  	_ =	shalt  }
0x61: {  	_ =	shalt  }
0x62: {  	_ =	shalt  }
0x63: {  	_ =	shalt  }
0x64: {  	_ =	shalt  }
0x65: {  	_ =	shalt  }
0x66: {  	_ =	shalt  }
0x67: {  	_ =	shalt  }
0x68: {  	_ =	shalt  }
0x69: {  	_ =	shalt  }
0x6a: {  	_ =	shalt  }
0x6b: {  	_ =	shalt  }
0x6c: {  	_ =	shalt  }
0x6d: {  	_ =	shalt  }
0x6e: {  	_ =	shalt  }
0x6f: {  	_ =	shalt  }
0x70: {  	_ =	shalt  }
0x71: {  	_ =	shalt  }
0x72: {  	_ =	shalt  }
0x73: {  	_ =	shalt  }
0x74: {  	_ =	shalt  }
0x75: {  	_ =	shalt  }
0x76: {  	_ =	shalt  }
0x77: {  	_ =	shalt  }
0x78: {  	_ =	shalt  }
0x79: {  	_ =	shalt  }
0x7a: {  	_ =	shalt  }
0x7b: {  	_ =	shalt  }
0x7c: {  	_ =	shalt  }
0x7d: {  	_ =	shalt  }
0x7e: {  	_ =	shalt  }
0x7f: {  	_ =	shalt  }
0x80: {  	_ =	shalt  }
0x81: {  	_ =	shalt  }
0x82: {  	_ =	shalt  }
0x83: {  	_ =	shalt  }
0x84: {  	_ =	shalt  }
0x85: {  	_ =	shalt  }
0x86: {  	_ =	shalt  }
0x87: {  	_ =	shalt  }
.Lfunc_end0:
.L_simem_size_0:
called_computation.6_lowered:
.L_overlay_start_0:
0x88: {  	s2 =	sld [smem:$0x3FD9]  }
0x89: {  	s3 =	sld [smem:$0x3FFE];
	_ =	sdelay $0x1  }
0x8a: {  	s1 =	srdreg.scid  }
0x8b: {  	s0 =	sand.u32 $0x1, s1  }
0x8c: {  	s17 =	sshll.u32 s0, $0xA;
	s2 =	sadd.s32 s3, s2  }
0x8d: {  	s2 =	sadd.s32 s2, s17  }
0x8e: {  	[smem:$0x3FB3] =	sst s2  }
0x8f: {  	_ = 	snop  }
0x90: {  	(tm) =	ssettm $0x1  }
0x91: {  	s18 =	sld [smem:$0x3FFB];
	_ =	sdelay $0x3  }
0x92: {  	_ =	strace s18  }
0x93: {  	s2 =	sld [smem:$0x3FFC];
	_ =	sdelay $0x3  }
0x94: {  	_ =	strace s2  }
0x95: {  	s2 =	sld [smem:$0x3FFD];
	_ =	sdelay $0x3  }
0x96: {  	_ =	strace s2  }
0x97: {  	_ =	strace $0x8FFFFFFF  }
0x98: {  	s19 =	sld [smem:$0x3FDB];
	_ =	sdelay $0x1  }
0x99: {  	s20 =	simm.s32 $_scs_section_size  }
0x9a: {  	s4 =	simm.s32 $_size__tile_overlayer_lowered;
	s5 =	simm.s32 $_tile_overlayer_lowered  }
0x9b: {  	s6 =	simm.s32 $0x1BFF;
	s21 =	sshll.u32 s5, $0x1;
	s3 =	sadd.s32 s20, s19  }
0x9c: {  	s22 =	simm.s32 $0x0;
	s4 =	sshll.u32 s4, $0x1;
	s5 =	sadd.s32 s21, s3  }
0x9d: {  	[timem:s22], [sflag:s6] =	dma.local [hbm:s5], s4  }
0x9e: {  	_ =	swait.ge [sflag:s6], s4  }
0x9f: {  	s4 =	ssub.s32 $0x0, s4;
	[sflag:s6] =	ssyncset.done $0x0  }
0xa0: {  	[sflag:s6] =	ssyncadd.s32 s4;
	_ =	sdelay $0x1  }
0xa1: {  	s23 =	simm.s32 $0x1B8B  }
0xa2: {  	_ =	swait.ge [sflag:s23], $0x1  }
0xa3: {  	[sflag:s23] =	ssyncset.done $0x0  }
0xa4: {  	[sflag:s23] =	ssyncadd.s32 $0xFFFFFFFF  }
0xa5: {  	s4 =	sld [smem:$0x0]  }
0xa6: {  	s5 =	sand.u32 $0xFFFFFFFE, s1  }
0xa7: {  	p0 =	sne.s32 s1, s5  }
0xa8: {  	s5 =	sshll.u32 @p0 s5, $0xE  }
0xa9: {  	s5 =	sadd.s32 @p0 $0x11B8D, s5;
	s6 =	sshll.u32 @p0 s4, $0x11  }
0xaa: {  	s5 =	sor.u32 @p0 s6, s5  }
0xab: {  	[sflag:s5] =	ssyncadd.remote.s32 @p0 $0x1;
	_ =	sdelay $0x1  }
0xac: {  	s5 =	simm.s32 @p0 $0x1B8D  }
0xad: {  	_ =	swait.eq @p0 [sflag:s5], $0x1  }
0xae: {  	[sflag:s5] =	ssyncadd.s32 @p0 $0xFFFFFFFF  }
0xaf: {  	s6 =	sshll.u32 @!p0 s1, $0xE  }
0xb0: {  	s6 =	sor.u32 @!p0 $0x4000, s6;
	s5 =	simm.s32 @!p0 $0x1B8D  }
0xb1: {  	s4 =	sshll.u32 @!p0 s4, $0x11;
	s6 =	sadd.s32 @!p0 $0x11B8D, s6;
	_ =	swait.eq @!p0 [sflag:s5], $0x1  }
0xb2: {  	s4 =	sor.u32 @!p0 s4, s6;
	[sflag:s5] =	ssyncadd.s32 @!p0 $0xFFFFFFFF  }
0xb3: {  	s25 =	simm.s32 $0x1B8E;
	s24 =	sld [smem:$0x3FFE];
	[sflag:s4] =	ssyncadd.remote.s32 @!p0 $0x1  }
0xb4: {  	s26 =	simm.s32 $execute0_lowered;
	[smem:$0x3FD2] =	sst s25  }
0xb5: {  	s5 =	sshll.u32 s26, $0x1;
	_ =	strace $0x8000005B;
	[dreg:$0x1] =	wrdreg $0xFFFFFFFF  }
0xb6: {  	s28 =	simm.s32 $_size_execute0_lowered;
	s3 =	sadd.s32 s3, s5;
	[dreg:$0x0] =	wrdreg $0x0  }
0xb7: {  	s5 =	sshll.u32 s28, $0x1;
	[dreg:$0x2] =	wrdreg s3  }
0xb8: {  	[dreg:$0x3] =	wrdreg s5  }
0xb9: {  	[dreg:$0x4] =	wrdreg $0xC0  }
0xba: {  	_ =	task [dreg:s22], $0x5FFFF  }
0xbb: {  	[dreg:$0x1] =	wrdreg $0xFFFFFFFF  }
0xbc: {  	[dreg:$0x0] =	wrdreg $0x60  }
0xbd: {  	[dreg:$0x2] =	wrdreg s24  }
0xbe: {  	[dreg:$0x3] =	wrdreg $0x40800  }
0xbf: {  	[dreg:$0x4] =	wrdreg $0xC  }
0xc0: {  	_ =	task.clear_ibuf [dreg:s22], $0x5FFFF;
	_ =	strace $0x9000005B  }
0xc1: {  	s29 =	simm.s32 $0xC;
	_ =	strace $0x8000005D  }
0xc2: {  	_ =	swait.ge [sflag:s29], $0x1  }
0xc3: {  	[sflag:s29] =	ssyncadd.s32 $0xFFFFFFFF  }
0xc4: {  	_ =	strace $0x9000005D  }
0xc5: {  	_ =	sfence  }
0xc6: {  	s30 =	sld [smem:$0x0];
	_ =	sdelay $0x2  }
0xc7: {  	s31 =	sshll.u32 s1, $0xD;
	s1 =	sshrl.u32 s1, $0x2  }
0xc8: {  	s4 =	sand.u32 $0x4000, s31;
	s1 =	sadd.s32 s1, s30  }
0xc9: {  	s0 =	sor.u32 s4, s0;
	s1 =	sshll.u32 s1, $0x11  }
0xca: {  	s0 =	sor.u32 s1, s0  }
0xcb: {  	s0 =	sadd.s32 $0x8F2B, s0  }
0xcc: {  	[sflag:s0] =	ssyncadd.remote.s32 $0x1  }
0xcd: {  	_ =	sfence.sel $0xFFFF  }
0xce: {  	[dreg:$0x0] =	wrdreg $0xFFFFFFFF;
	(pc) =	sbr.abs _section_cstart, $3  }
0xcf: {  	[dreg:$0x1] =	wrdreg $0xFFFFFFFF  }
0xd0: {  	_ =	task.clear_ibuf [dreg:s22], $0x2FFFF;
	_ =	strace $0x9FFFFFFF  }
0xd1: {  	(tm) =	ssettm $0x7FFFFFFF  }
tec
execute0_lowered:
.L_overlay_start_1:
0x0: {  	(tag) =	ssettag $0x1  }
0x1: {  	s5 =	rddreg [dreg:$0x0]  }
0x2: {  	s1 =	rddreg [dreg:$0x1]  }
0x3: {  	s3 =	srdreg.scid;
	s0 =	rddreg [dreg:$0x2];
	s2 =	simm.s32 $0x0  }
0x4: {  	s9 =	sand.u32 $0x1, s3;
	[smem:$0x7FF] =	sst s2  }
0x5: {  	s3 =	stileid.u32;
	s15 =	sadd.s32 $0xADA400, s5;
	s4 =	smul.u32 $0x138800, s9  }
0x6: {  	s21 =	simm.s32 $0x0;
	_ =	strace $0x8000005C;
	s11 =	smul.u32 $0x280, s3  }
0x7: {  	s24 =	sshll.u32 s3, $0x4;
	s6 =	ssub.s32 $0x2, s9;
	s7 =	smul.u32 $0x50000, s3  }
0x8: {  	s20 =	smul.u32 $0x2800, s9;
	p0 =	seq.s32 s3, $0x0;
	s30 =	sshll.u32 s3, $0xB  }
0x9: {  	s18 =	sadd.s32 s24, s5;
	s25 =	sshrl.u32 s6, $0x1;
	s16 =	sadd.s32 s4, s5  }
0xa: {  	s4 =	sadd.s32 $0x9E9400, s5;
	s17 =	ssub.s32 s6, s25;
	s26 =	sshrl.u32 s7, $0x2  }
0xb: {  	s12 =	sadd.s32 $0x80, s11;
	s13 =	sadd.s32 $0x100, s11;
	s14 =	sadd.s32 $0x180, s11  }
0xc: {  	s19 =	sadd.s32 $0x200, s11;
	s11 =	sadd.s32 s11, s20;
	s18 =	sadd.s32 $0x1DC00, s18  }
0xd: {  	s5 =	sadd.s32 s26, s1;
	s28 =	sshll.u32 s12, $0x7;
	s29 =	sshll.u32 s13, $0x7  }
0xe: {  	s8 =	sshll.u32 s14, $0x7;
	s10 =	sshll.u32 s19, $0x7;
	s12 =	sadd.s32 s20, s12  }
0xf: {  	s11 =	sshll.u32 s11, $0x4;
	s13 =	sadd.s32 s20, s13;
	s14 =	sadd.s32 s20, s14  }
0x10: {  	s19 =	sadd.s32 s20, s19;
	s31 =	sadd.s32 s30, s16;
	s16 =	smax.u32 s17, $0x1  }
0x11: {  	s20 =	simm.s32 $0x1;
	s6 =	sadd.s32 s28, s1;
	s7 =	sadd.s32 s29, s1  }
0x12: {  	s8 =	sadd.s32 s8, s1;
	s9 =	sadd.s32 s10, s1;
	s10 =	simm.s32 $0x28  }
0x13: {  	s12 =	sshll.u32 s12, $0x4;
	s11 =	sadd.s32 s15, s11;
	s13 =	sshll.u32 s13, $0x4  }
0x14: {  	s14 =	sshll.u32 s14, $0x4;
	s19 =	sshll.u32 s19, $0x4;
	s17 =	sadd.s32 $0x118D400, s31  }
0x15: {  	s10 =	simm.s32 @!p0 $0x27;
	s12 =	sadd.s32 s15, s12;
	s13 =	sadd.s32 s15, s13  }
0x16: {  	s14 =	sadd.s32 s15, s14;
	s15 =	sadd.s32 s15, s19;
	s19 =	simm.s32 $0x80  }
.LBB2_1:
0x17: {  	[tilespmem:s19], [sflag:$0x1] =	stream.linear.gather [hbm4b:s4+s2], $0x4000, $0x38;
	[tilespmem:$0x18080] =	vst v63  }
0x18: {  	_ =	swait.ge [sflag:s20], $0x4000  }
0x19: {  	[sflag:s20] =	ssyncset.done $0x0  }
0x1a: {  	[sflag:s20] =	ssyncadd.s32 $0xFFFFC000  }
0x1b: {  	[spmem:s5] =	stream.linear.scatter [tilespmem:s19], [sflag:$0x1], $0x4000, $0x38;
	[tilespmem:$0x18080] =	vst v63  }
0x1c: {  	_ =	swait.ge [sflag:s20], $0x4000  }
0x1d: {  	[sflag:s20] =	ssyncset.done $0x0  }
0x1e: {  	[sflag:s20] =	ssyncadd.s32 $0xFFFFC000  }
0x1f: {  	[spmem:s6] =	stream.linear.scatter [tilespmem:s19], [sflag:$0x1], $0x4000, $0x38;
	[tilespmem:$0x18080] =	vst v63  }
0x20: {  	_ =	swait.ge [sflag:s20], $0x4000  }
0x21: {  	[sflag:s20] =	ssyncset.done $0x0  }
0x22: {  	[sflag:s20] =	ssyncadd.s32 $0xFFFFC000  }
0x23: {  	[spmem:s7] =	stream.linear.scatter [tilespmem:s19], [sflag:$0x1], $0x4000, $0x38;
	[tilespmem:$0x18080] =	vst v63  }
0x24: {  	_ =	swait.ge [sflag:s20], $0x4000  }
0x25: {  	[sflag:s20] =	ssyncset.done $0x0  }
0x26: {  	[sflag:s20] =	ssyncadd.s32 $0xFFFFC000  }
0x27: {  	[spmem:s8] =	stream.linear.scatter [tilespmem:s19], [sflag:$0x1], $0x4000, $0x38;
	[tilespmem:$0x18080] =	vst v63  }
0x28: {  	_ =	swait.ge [sflag:s20], $0x4000  }
0x29: {  	[sflag:s20] =	ssyncset.done $0x0  }
0x2a: {  	[sflag:s20] =	ssyncadd.s32 $0xFFFFC000  }
0x2b: {  	[spmem:s9] =	stream.linear.scatter [tilespmem:s19], [sflag:$0x1], $0x4000, $0x38;
	[tilespmem:$0x18080] =	vst v63  }
0x2c: {  	_ =	swait.ge [sflag:s20], $0x4000  }
0x2d: {  	[sflag:s20] =	ssyncset.done $0x0  }
0x2e: {  	[sflag:s20] =	ssyncadd.s32 $0xFFFFC000  }
0x2f: {  	[bflag:$0x0] =	sbarrier.arrive $0xFFFF  }
0x30: {  	[tilespmem:s2], [sflag:$0x1] =	stream.linear.gather [hbm4b:s18+s2], $0x80, $0x38;
	[tilespmem:$0x18080] =	vst v63  }
0x31: {  	_ =	swait.ge [sflag:s20], $0x80  }
0x32: {  	[sflag:s20] =	ssyncset.done $0x0  }
0x33: {  	[sflag:s20] =	ssyncadd.s32 $0xFFFFFF80  }
0x34: {  	[tilespmem:s19], [sflag:$0x1] =	stream.linear.gather [hbm4b:s17+s2], $0x4000, $0x38;
	[tilespmem:$0x18080] =	vst v63  }
0x35: {  	p0 =	sne.s32 s10, $0x1;
	_ =	swait.ge [sflag:s20], $0x4000  }
.Ltmp0:
0x36: {  	[sflag:s20] =	ssyncset.done $0x0;
	(pc) =	sbr.rel @!p0 .LBB2_3-.Ltmp0, $4  }
0x37: {  	[sflag:s20] =	ssyncadd.s32 $0xFFFFC000  }
0x38: {  	[spmem:s1] =	stream.indirect.scatter.add.f32 [tilespmem:s19], [sflag:$0x1], $0x80, s2, s19, $0xb8;
	[tilespmem:$0x18080] =	vst v63  }
0x39: {  	s22 =	sadd.s32 $0xFFFFFFFF, s10;
	_ =	swait.ge [sflag:s20], $0x4000  }
0x3a: {  	s23 =	smov.u32 s17;
	s24 =	smov.u32 s18;
	[sflag:s20] =	ssyncset.done $0x0  }
.LBB2_2:
0x3b: {  	[sflag:s20] =	ssyncadd.s32 $0xFFFFC000;
	s23 =	sadd.s32 $0x8000, s23;
	s24 =	sadd.s32 $0x100, s24  }
0x3c: {  	[tilespmem:s2], [sflag:$0x1] =	stream.linear.gather [hbm4b:s24+s2], $0x80, $0x38;
	[tilespmem:$0x18080] =	vst v63  }
0x3d: {  	p0 =	sne.s32 s22, $0x1;
	s22 =	sadd.s32 $0xFFFFFFFF, s22;
	_ =	swait.ge [sflag:s20], $0x80  }
0x3e: {  	[sflag:s20] =	ssyncset.done $0x0  }
0x3f: {  	[sflag:s20] =	ssyncadd.s32 $0xFFFFFF80  }
0x40: {  	[tilespmem:s19], [sflag:$0x1] =	stream.linear.gather [hbm4b:s23+s2], $0x4000, $0x38;
	[tilespmem:$0x18080] =	vst v63  }
0x41: {  	_ =	swait.ge [sflag:s20], $0x4000  }
.Ltmp1:
0x42: {  	[sflag:s20] =	ssyncset.done $0x0;
	(pc) =	sbr.rel @p0 .LBB2_2-.Ltmp1, $4  }
0x43: {  	[sflag:s20] =	ssyncadd.s32 $0xFFFFC000  }
0x44: {  	[spmem:s1] =	stream.indirect.scatter.add.f32 [tilespmem:s19], [sflag:$0x1], $0x80, s2, s19, $0xb8;
	[tilespmem:$0x18080] =	vst v63  }
0x45: {  	_ =	swait.ge [sflag:s20], $0x4000  }
0x46: {  	[sflag:s20] =	ssyncset.done $0x0  }
.LBB2_3:
0x47: {  	[sflag:s20] =	ssyncadd.s32 $0xFFFFC000  }
0x48: {  	[bflag:$0x0] =	sbarrier.arrive $0xFFFF  }
0x49: {  	[tilespmem:s19], [sflag:$0x1] =	stream.linear.gather [spmem:s5], $0x4000, $0x38;
	[tilespmem:$0x18080] =	vst v63  }
0x4a: {  	_ =	swait.ge [sflag:s20], $0x4000  }
0x4b: {  	[sflag:s20] =	ssyncset.done $0x0  }
0x4c: {  	[sflag:s20] =	ssyncadd.s32 $0xFFFFC000  }
0x4d: {  	[hbm4b:s11+s2] =	stream.linear.scatter [tilespmem:s19], [sflag:$0x1], $0x4000, $0x38;
	[tilespmem:$0x18080] =	vst v63  }
0x4e: {  	_ =	swait.ge [sflag:s20], $0x4000  }
0x4f: {  	[sflag:s20] =	ssyncset.done $0x0  }
0x50: {  	[sflag:s20] =	ssyncadd.s32 $0xFFFFC000  }
0x51: {  	[tilespmem:s19], [sflag:$0x1] =	stream.linear.gather [spmem:s6], $0x4000, $0x38;
	[tilespmem:$0x18080] =	vst v63  }
0x52: {  	_ =	swait.ge [sflag:s20], $0x4000  }
0x53: {  	[sflag:s20] =	ssyncset.done $0x0  }
0x54: {  	[sflag:s20] =	ssyncadd.s32 $0xFFFFC000  }
0x55: {  	[hbm4b:s12+s2] =	stream.linear.scatter [tilespmem:s19], [sflag:$0x1], $0x4000, $0x38;
	[tilespmem:$0x18080] =	vst v63  }
0x56: {  	_ =	swait.ge [sflag:s20], $0x4000  }
0x57: {  	[sflag:s20] =	ssyncset.done $0x0  }
0x58: {  	[sflag:s20] =	ssyncadd.s32 $0xFFFFC000  }
0x59: {  	[tilespmem:s19], [sflag:$0x1] =	stream.linear.gather [spmem:s7], $0x4000, $0x38;
	[tilespmem:$0x18080] =	vst v63  }
0x5a: {  	_ =	swait.ge [sflag:s20], $0x4000  }
0x5b: {  	[sflag:s20] =	ssyncset.done $0x0  }
0x5c: {  	[sflag:s20] =	ssyncadd.s32 $0xFFFFC000  }
0x5d: {  	[hbm4b:s13+s2] =	stream.linear.scatter [tilespmem:s19], [sflag:$0x1], $0x4000, $0x38;
	[tilespmem:$0x18080] =	vst v63  }
0x5e: {  	_ =	swait.ge [sflag:s20], $0x4000  }
0x5f: {  	[sflag:s20] =	ssyncset.done $0x0  }
0x60: {  	[sflag:s20] =	ssyncadd.s32 $0xFFFFC000  }
0x61: {  	[tilespmem:s19], [sflag:$0x1] =	stream.linear.gather [spmem:s8], $0x4000, $0x38;
	[tilespmem:$0x18080] =	vst v63  }
0x62: {  	_ =	swait.ge [sflag:s20], $0x4000  }
0x63: {  	[sflag:s20] =	ssyncset.done $0x0  }
0x64: {  	[sflag:s20] =	ssyncadd.s32 $0xFFFFC000  }
0x65: {  	[hbm4b:s14+s2] =	stream.linear.scatter [tilespmem:s19], [sflag:$0x1], $0x4000, $0x38;
	[tilespmem:$0x18080] =	vst v63  }
0x66: {  	_ =	swait.ge [sflag:s20], $0x4000  }
0x67: {  	[sflag:s20] =	ssyncset.done $0x0  }
0x68: {  	[sflag:s20] =	ssyncadd.s32 $0xFFFFC000  }
0x69: {  	[tilespmem:s19], [sflag:$0x1] =	stream.linear.gather [spmem:s9], $0x4000, $0x38;
	[tilespmem:$0x18080] =	vst v63  }
0x6a: {  	s21 =	sadd.s32 $0x1, s21;
	_ =	swait.ge [sflag:s20], $0x4000  }
0x6b: {  	p0 =	sne.s32 s21, s16;
	[sflag:s20] =	ssyncset.done $0x0  }
.Ltmp2:
0x6c: {  	[sflag:s20] =	ssyncadd.s32 $0xFFFFC000;
	(pc) =	sbr.rel @p0 .LBB2_1-.Ltmp2, $4  }
0x6d: {  	[hbm4b:s15+s2] =	stream.linear.scatter [tilespmem:s19], [sflag:$0x1], $0x4000, $0x38;
	[tilespmem:$0x18080] =	vst v63  }
0x6e: {  	_ =	swait.ge [sflag:s20], $0x4000  }
0x6f: {  	[sflag:s20] =	ssyncset.done $0x0  }
0x70: {  	[sflag:s20] =	ssyncadd.s32 $0xFFFFC000  }
0x71: {  	_ =	sfence.sel $0x180000  }
0x72: {  	[bflag:$0x0] =	sbarrier.arrive $0xFFFF  }
0x73: {  	p0 =	sne.s32 s3, $0x0;
	_ =	strace $0x9000005C  }
0x74: {  	s0 =	sadd.s32 @!p0 $0x100000, s0;
	[bflag:$0x2] =	sbarrier.arrive $0xFFFF  }
0x75: {  	[sflag:s0] =	ssyncadd.tile.s32 @!p0 $0x1;
	_ =	shalt  }
.Lfunc_end2:
_tile_overlayer_lowered:
.L_overlay_start_2:
0x76: {  	(tag) =	ssettag $0x2  }
0x77: {  	s0 =	rddreg [dreg:$0x0];
	s2 =	stileid.u32  }
0x78: {  	s1 =	rddreg [dreg:$0x1];
	p0 =	sne.s32 s2, $0x0  }
0x79: {  	s3 =	rddreg [dreg:$0x2];
	[bflag:$0x3] =	sbarrier.arrive $0xFFFF;
	s2 =	simm.s32 @!p0 $0x1C01  }
0x7a: {  	[timem:s3], [sflag:s2] =	dma.local @!p0 [hbm:s0], s1  }
0x7b: {  	s0 =	simm.s32 @!p0 $0x1  }
0x7c: {  	_ =	swait.ge @!p0 [sflag:s0], s1  }
0x7d: {  	s1 =	ssub.s32 @!p0 $0x0, s1;
	[sflag:s0] =	ssyncset.done @!p0 $0x0  }
0x7e: {  	[sflag:s0] =	ssyncadd.s32 @!p0 s1  }
0x7f: {  	[bflag:$0x3] =	sbarrier.arrive $0xFFFF  }
0x80: {  	_ =	shalt  }

// kernel: kernel.37.cloned.1.call-start
scs
__scs_entry_jumppad:
0x0: {  	(pc) =	sbr.rel $0x88, $3  }
0x1: {  	(tag) =	ssettag $0x0;
	lr =	simm.s32 $0x1  }
0x2: {  	[smem:$0x3F8C] =	sst lr;
	_ =	strace $0xD0000000  }
0x3: {  	_ = 	snop  }
0x4: {  	_ = 	snop  }
0x5: {  	_ = 	snop  }
0x6: {  	_ = 	snop  }
0x7: {  	_ = 	snop  }
__scs_overlays_trampoline_lowered:
0x8: {  	[smem:$0x3F9B] =	sst s0  }
0x9: {  	[smem:$0x3F9C] =	sst s1  }
0xa: {  	[smem:$0x3F9D] =	sst s2  }
0xb: {  	[smem:$0x3F9E] =	sst s3  }
0xc: {  	[smem:$0x3F9F] =	sst s4  }
0xd: {  	[smem:$0x3FA0] =	sst s5  }
0xe: {  	[smem:$0x3FA1] =	sst s6  }
0xf: {  	[smem:$0x3FA2] =	sst s7  }
0x10: {  	[smem:$0x3FA3] =	sst s8  }
0x11: {  	[smem:$0x3FA4] =	sst s9;
	s0 =	simm.s32 @!p0 $0x0  }
0x12: {  	s1 =	sld [smem:$0x3F8A];
	s0 =	simm.s32 @p0 $0x1  }
0x13: {  	[smem:$0x3FA5] =	sst s0;
	s0 =	simm.s32 @!p1 $0x0  }
0x14: {  	s2 =	sld [smem:$0x3F89];
	s0 =	simm.s32 @p1 $0x1  }
0x15: {  	[smem:$0x3FA6] =	sst s0;
	s0 =	simm.s32 @!p2 $0x0  }
0x16: {  	s3 =	sld [smem:$0x3FDB];
	s0 =	simm.s32 @p2 $0x1  }
0x17: {  	s4 =	simm.s32 $0x1BF5;
	[smem:$0x3FA8] =	sst s0  }
0x18: {  	s0 =	sld [smem:$0x3F8B];
	_ =	swait.ge [sflag:s4], $0x0  }
0x19: {  	s7 =	sld [smem:$0x3F8C]  }
0x1a: {  	s8 =	sadd.s32 $0xFFFFE003, lr  }
0x1b: {  	s9 =	sadd.s32 $0xFFFFFEF7, lr;
	s5 =	simm.s32 $0xFFFFFFFF;
	p2 =	slt.u32 s8, $0xFFFFF086  }
0x1c: {  	p1 =	slt.u32 s9, $0xF7A;
	s5 =	simm.s32 @!p2 $0x0  }
0x1d: {  	s5 =	simm.s32 @p1 $0x1;
	p0 =	seq.s32 s7, s2  }
0x1e: {  	s7 =	smul.u32 @!p0 $0xF7A, s2;
	p2 =	seq.s32 @!p0 s5, $0x0  }
0x1f: {  	s9 =	smul.u32 $0xF7A, s1;
	s8 =	simm.s32 @!p0 $0x1BF5;
	p2 =	por !p2, p0  }
0x20: {  	[sflag:s8] =	ssyncset.s32 @!p0 $0xFFFFF086;
	s6 =	sadd.s32 @!p0 s3, s7;
	s7 =	simm.s32 @!p0 $0x108  }
0x21: {  	s3 =	sadd.s32 s3, s9;
	s6 =	sadd.s32 @!p0 $0x88, s6;
	s7 =	simm.s32 @p2 $0x1082  }
0x22: {  	[simem:s7], [sflag:s8] =	dma.local @!p0 [hbm:s6], $0xF7A  }
0x23: {  	s9 =	sor.u32 $0xD0000000, s2;
	s6 =	simm.s32 $0x108;
	_ =	swait.ge @!p0 [sflag:s8], $0x0  }
0x24: {  	s3 =	sadd.s32 $0x88, s3;
	s6 =	simm.s32 @!p1 $0x1082;
	[sflag:s4] =	ssyncset.s32 $0xFFFFF086  }
0x25: {  	[simem:s6], [sflag:s4] =	dma.local [hbm:s3], $0xF7A  }
0x26: {  	[smem:$0x3F8C] =	sst s1;
	(tag) =	ssettag s2;
	_ =	strace s9  }
0x27: {  	s1 =	sld [smem:$0x3F9C]  }
0x28: {  	s2 =	sld [smem:$0x3F9D]  }
0x29: {  	s4 =	sld [smem:$0x3F9F]  }
0x2a: {  	p0 =	seq.s32 s5, $0x0;
	s5 =	sld [smem:$0x3FA0]  }
0x2b: {  	s6 =	sld [smem:$0x3FA1]  }
0x2c: {  	s7 =	sld [smem:$0x3FA2]  }
0x2d: {  	s3 =	simm.s32 $0x108;
	s8 =	sld [smem:$0x3FA3]  }
0x2e: {  	s3 =	simm.s32 @!p0 $0x1082;
	s9 =	sld [smem:$0x3FA4]  }
0x2f: {  	lr =	sadd.s32 s0, s3;
	s0 =	sld [smem:$0x3F9B]  }
0x30: {  	s3 =	sld [smem:$0x3F9E]  }
0x31: {  	[smem:$0x3FA7] =	sst s10  }
0x32: {  	s10 =	sld [smem:$0x3FA5];
	_ =	sdelay $0x3  }
0x33: {  	p0 =	seq.s32 s10, $0x1;
	s10 =	sld [smem:$0x3FA7];
	_ =	sdelay $0x3  }
0x34: {  	[smem:$0x3FA7] =	sst s10  }
0x35: {  	s10 =	sld [smem:$0x3FA6];
	_ =	sdelay $0x3  }
0x36: {  	p1 =	seq.s32 s10, $0x1;
	s10 =	sld [smem:$0x3FA7];
	_ =	sdelay $0x3  }
0x37: {  	[smem:$0x3FA7] =	sst s10  }
0x38: {  	s10 =	sld [smem:$0x3FA8]  }
0x39: {  	_ = 	snop;
	(pc) =	sbr.ind lr, $3  }
0x3a: {  	_ = 	snop  }
0x3b: {  	_ = 	snop  }
0x3c: {  	p2 =	seq.s32 s10, $0x1;
	s10 =	sld [smem:$0x3FA7]  }
0x3d: {  	_ =	shalt  }
0x3e: {  	_ =	shalt  }
0x3f: {  	_ =	shalt  }
0x40: {  	_ =	shalt  }
0x41: {  	_ =	shalt  }
0x42: {  	_ =	shalt  }
0x43: {  	_ =	shalt  }
0x44: {  	_ =	shalt  }
0x45: {  	_ =	shalt  }
0x46: {  	_ =	shalt  }
0x47: {  	_ =	shalt  }
0x48: {  	_ =	shalt  }
0x49: {  	_ =	shalt  }
0x4a: {  	_ =	shalt  }
0x4b: {  	_ =	shalt  }
0x4c: {  	_ =	shalt  }
0x4d: {  	_ =	shalt  }
0x4e: {  	_ =	shalt  }
0x4f: {  	_ =	shalt  }
0x50: {  	_ =	shalt  }
0x51: {  	_ =	shalt  }
0x52: {  	_ =	shalt  }
0x53: {  	_ =	shalt  }
0x54: {  	_ =	shalt  }
0x55: {  	_ =	shalt  }
0x56: {  	_ =	shalt  }
0x57: {  	_ =	shalt  }
0x58: {  	_ =	shalt  }
0x59: {  	_ =	shalt  }
0x5a: {  	_ =	shalt  }
0x5b: {  	_ =	shalt  }
0x5c: {  	_ =	shalt  }
0x5d: {  	_ =	shalt  }
0x5e: {  	_ =	shalt  }
0x5f: {  	_ =	shalt  }
0x60: {  	_ =	shalt  }
0x61: {  	_ =	shalt  }
0x62: {  	_ =	shalt  }
0x63: {  	_ =	shalt  }
0x64: {  	_ =	shalt  }
0x65: {  	_ =	shalt  }
0x66: {  	_ =	shalt  }
0x67: {  	_ =	shalt  }
0x68: {  	_ =	shalt  }
0x69: {  	_ =	shalt  }
0x6a: {  	_ =	shalt  }
0x6b: {  	_ =	shalt  }
0x6c: {  	_ =	shalt  }
0x6d: {  	_ =	shalt  }
0x6e: {  	_ =	shalt  }
0x6f: {  	_ =	shalt  }
0x70: {  	_ =	shalt  }
0x71: {  	_ =	shalt  }
0x72: {  	_ =	shalt  }
0x73: {  	_ =	shalt  }
0x74: {  	_ =	shalt  }
0x75: {  	_ =	shalt  }
0x76: {  	_ =	shalt  }
0x77: {  	_ =	shalt  }
0x78: {  	_ =	shalt  }
0x79: {  	_ =	shalt  }
0x7a: {  	_ =	shalt  }
0x7b: {  	_ =	shalt  }
0x7c: {  	_ =	shalt  }
0x7d: {  	_ =	shalt  }
0x7e: {  	_ =	shalt  }
0x7f: {  	_ =	shalt  }
0x80: {  	_ =	shalt  }
0x81: {  	_ =	shalt  }
0x82: {  	_ =	shalt  }
0x83: {  	_ =	shalt  }
0x84: {  	_ =	shalt  }
0x85: {  	_ =	shalt  }
0x86: {  	_ =	shalt  }
0x87: {  	_ =	shalt  }
.Lfunc_end0:
.L_simem_size_0:
called_computation.7_lowered:
.L_overlay_start_0:
0x88: {  	s2 =	sld [smem:$0x3FD9]  }
0x89: {  	s3 =	sld [smem:$0x3FFE];
	_ =	sdelay $0x1  }
0x8a: {  	s1 =	srdreg.scid  }
0x8b: {  	s0 =	sand.u32 $0x1, s1  }
0x8c: {  	s17 =	sshll.u32 s0, $0xA;
	s2 =	sadd.s32 s3, s2  }
0x8d: {  	s2 =	sadd.s32 s2, s17  }
0x8e: {  	[smem:$0x3FB3] =	sst s2  }
0x8f: {  	_ = 	snop  }
0x90: {  	(tm) =	ssettm $0x1  }
0x91: {  	s18 =	sld [smem:$0x3FFB];
	_ =	sdelay $0x3  }
0x92: {  	_ =	strace s18  }
0x93: {  	s2 =	sld [smem:$0x3FFC];
	_ =	sdelay $0x3  }
0x94: {  	_ =	strace s2  }
0x95: {  	s2 =	sld [smem:$0x3FFD];
	_ =	sdelay $0x3  }
0x96: {  	_ =	strace s2  }
0x97: {  	_ =	strace $0x8FFFFFFF  }
0x98: {  	s19 =	sld [smem:$0x3FDB];
	_ =	sdelay $0x1  }
0x99: {  	s20 =	simm.s32 $_scs_section_size  }
0x9a: {  	s4 =	simm.s32 $_size__tile_overlayer_lowered;
	s5 =	simm.s32 $_tile_overlayer_lowered  }
0x9b: {  	s6 =	simm.s32 $0x1BFF;
	s21 =	sshll.u32 s5, $0x1;
	s3 =	sadd.s32 s20, s19  }
0x9c: {  	s22 =	simm.s32 $0x0;
	s4 =	sshll.u32 s4, $0x1;
	s5 =	sadd.s32 s21, s3  }
0x9d: {  	[timem:s22], [sflag:s6] =	dma.local [hbm:s5], s4  }
0x9e: {  	_ =	swait.ge [sflag:s6], s4  }
0x9f: {  	s4 =	ssub.s32 $0x0, s4;
	[sflag:s6] =	ssyncset.done $0x0  }
0xa0: {  	[sflag:s6] =	ssyncadd.s32 s4;
	_ =	sdelay $0x1  }
0xa1: {  	s23 =	simm.s32 $0x1B8B  }
0xa2: {  	_ =	swait.ge [sflag:s23], $0x1  }
0xa3: {  	[sflag:s23] =	ssyncset.done $0x0  }
0xa4: {  	[sflag:s23] =	ssyncadd.s32 $0xFFFFFFFF  }
0xa5: {  	s4 =	sld [smem:$0x0]  }
0xa6: {  	s5 =	sand.u32 $0xFFFFFFFE, s1  }
0xa7: {  	p0 =	sne.s32 s1, s5  }
0xa8: {  	s5 =	sshll.u32 @p0 s5, $0xE  }
0xa9: {  	s5 =	sadd.s32 @p0 $0x11B8D, s5;
	s6 =	sshll.u32 @p0 s4, $0x11  }
0xaa: {  	s5 =	sor.u32 @p0 s6, s5  }
0xab: {  	[sflag:s5] =	ssyncadd.remote.s32 @p0 $0x1;
	_ =	sdelay $0x1  }
0xac: {  	s5 =	simm.s32 @p0 $0x1B8D  }
0xad: {  	_ =	swait.eq @p0 [sflag:s5], $0x1  }
0xae: {  	[sflag:s5] =	ssyncadd.s32 @p0 $0xFFFFFFFF  }
0xaf: {  	s6 =	sshll.u32 @!p0 s1, $0xE  }
0xb0: {  	s6 =	sor.u32 @!p0 $0x4000, s6;
	s5 =	simm.s32 @!p0 $0x1B8D  }
0xb1: {  	s4 =	sshll.u32 @!p0 s4, $0x11;
	s6 =	sadd.s32 @!p0 $0x11B8D, s6;
	_ =	swait.eq @!p0 [sflag:s5], $0x1  }
0xb2: {  	s4 =	sor.u32 @!p0 s4, s6;
	[sflag:s5] =	ssyncadd.s32 @!p0 $0xFFFFFFFF  }
0xb3: {  	s25 =	simm.s32 $0x1B8E;
	s24 =	sld [smem:$0x3FFE];
	[sflag:s4] =	ssyncadd.remote.s32 @!p0 $0x1  }
0xb4: {  	s26 =	simm.s32 $execute0_lowered;
	[smem:$0x3FD2] =	sst s25  }
0xb5: {  	s5 =	sshll.u32 s26, $0x1;
	_ =	strace $0x80000058;
	[dreg:$0x1] =	wrdreg $0xFFFFFFFF  }
0xb6: {  	s28 =	simm.s32 $_size_execute0_lowered;
	s3 =	sadd.s32 s3, s5;
	[dreg:$0x0] =	wrdreg $0x0  }
0xb7: {  	s5 =	sshll.u32 s28, $0x1;
	[dreg:$0x2] =	wrdreg s3  }
0xb8: {  	[dreg:$0x3] =	wrdreg s5  }
0xb9: {  	[dreg:$0x4] =	wrdreg $0xC0  }
0xba: {  	_ =	task [dreg:s22], $0x5FFFF  }
0xbb: {  	[dreg:$0x1] =	wrdreg $0xFFFFFFFF  }
0xbc: {  	[dreg:$0x0] =	wrdreg $0x60  }
0xbd: {  	[dreg:$0x2] =	wrdreg s24  }
0xbe: {  	[dreg:$0x3] =	wrdreg $0x40800  }
0xbf: {  	[dreg:$0x4] =	wrdreg $0xD  }
0xc0: {  	_ =	task.clear_ibuf [dreg:s22], $0x5FFFF;
	_ =	strace $0x90000058  }
0xc1: {  	s29 =	simm.s32 $0xD;
	_ =	strace $0x8000005A  }
0xc2: {  	_ =	swait.ge [sflag:s29], $0x1  }
0xc3: {  	[sflag:s29] =	ssyncadd.s32 $0xFFFFFFFF  }
0xc4: {  	_ =	strace $0x9000005A  }
0xc5: {  	_ =	sfence  }
0xc6: {  	s30 =	sld [smem:$0x0];
	_ =	sdelay $0x2  }
0xc7: {  	s31 =	sshll.u32 s1, $0xD;
	s1 =	sshrl.u32 s1, $0x2  }
0xc8: {  	s4 =	sand.u32 $0x4000, s31;
	s1 =	sadd.s32 s1, s30  }
0xc9: {  	s0 =	sor.u32 s4, s0;
	s1 =	sshll.u32 s1, $0x11  }
0xca: {  	s0 =	sor.u32 s1, s0  }
0xcb: {  	s0 =	sadd.s32 $0x8F2B, s0  }
0xcc: {  	[sflag:s0] =	ssyncadd.remote.s32 $0x1  }
0xcd: {  	_ =	sfence.sel $0xFFFF  }
0xce: {  	[dreg:$0x0] =	wrdreg $0xFFFFFFFF;
	(pc) =	sbr.abs _section_cstart, $3  }
0xcf: {  	[dreg:$0x1] =	wrdreg $0xFFFFFFFF  }
0xd0: {  	_ =	task.clear_ibuf [dreg:s22], $0x2FFFF;
	_ =	strace $0x9FFFFFFF  }
0xd1: {  	(tm) =	ssettm $0x7FFFFFFF  }
tec
execute0_lowered:
.L_overlay_start_1:
0x0: {  	(tag) =	ssettag $0x1  }
0x1: {  	s5 =	rddreg [dreg:$0x0]  }
0x2: {  	s1 =	rddreg [dreg:$0x1]  }
0x3: {  	s3 =	srdreg.scid;
	s0 =	rddreg [dreg:$0x2];
	s2 =	simm.s32 $0x0  }
0x4: {  	s9 =	sand.u32 $0x1, s3;
	[smem:$0x7FF] =	sst s2  }
0x5: {  	s3 =	stileid.u32;
	s15 =	sadd.s32 $0xA8A400, s5;
	s4 =	smul.u32 $0x138800, s9  }
0x6: {  	s21 =	simm.s32 $0x0;
	_ =	strace $0x80000059;
	s11 =	smul.u32 $0x280, s3  }
0x7: {  	s24 =	sshll.u32 s3, $0x4;
	s6 =	ssub.s32 $0x2, s9;
	s7 =	smul.u32 $0x50000, s3  }
0x8: {  	s20 =	smul.u32 $0x2800, s9;
	p0 =	seq.s32 s3, $0x0;
	s30 =	sshll.u32 s3, $0xB  }
0x9: {  	s18 =	sadd.s32 s24, s5;
	s25 =	sshrl.u32 s6, $0x1;
	s16 =	sadd.s32 s4, s5  }
0xa: {  	s4 =	sadd.s32 $0x9E9400, s5;
	s17 =	ssub.s32 s6, s25;
	s26 =	sshrl.u32 s7, $0x2  }
0xb: {  	s12 =	sadd.s32 $0x80, s11;
	s13 =	sadd.s32 $0x100, s11;
	s14 =	sadd.s32 $0x180, s11  }
0xc: {  	s19 =	sadd.s32 $0x200, s11;
	s11 =	sadd.s32 s11, s20;
	s18 =	sadd.s32 $0x1B400, s18  }
0xd: {  	s5 =	sadd.s32 s26, s1;
	s28 =	sshll.u32 s12, $0x7;
	s29 =	sshll.u32 s13, $0x7  }
0xe: {  	s8 =	sshll.u32 s14, $0x7;
	s10 =	sshll.u32 s19, $0x7;
	s12 =	sadd.s32 s20, s12  }
0xf: {  	s11 =	sshll.u32 s11, $0x4;
	s13 =	sadd.s32 s20, s13;
	s14 =	sadd.s32 s20, s14  }
0x10: {  	s19 =	sadd.s32 s20, s19;
	s31 =	sadd.s32 s30, s16;
	s16 =	smax.u32 s17, $0x1  }
0x11: {  	s20 =	simm.s32 $0x1;
	s6 =	sadd.s32 s28, s1;
	s7 =	sadd.s32 s29, s1  }
0x12: {  	s8 =	sadd.s32 s8, s1;
	s9 =	sadd.s32 s10, s1;
	s10 =	simm.s32 $0x28  }
0x13: {  	s12 =	sshll.u32 s12, $0x4;
	s11 =	sadd.s32 s15, s11;
	s13 =	sshll.u32 s13, $0x4  }
0x14: {  	s14 =	sshll.u32 s14, $0x4;
	s19 =	sshll.u32 s19, $0x4;
	s17 =	sadd.s32 $0xF1C400, s31  }
0x15: {  	s10 =	simm.s32 @!p0 $0x27;
	s12 =	sadd.s32 s15, s12;
	s13 =	sadd.s32 s15, s13  }
0x16: {  	s14 =	sadd.s32 s15, s14;
	s15 =	sadd.s32 s15, s19;
	s19 =	simm.s32 $0x80  }
.LBB2_1:
0x17: {  	[tilespmem:s19], [sflag:$0x1] =	stream.linear.gather [hbm4b:s4+s2], $0x4000, $0x38;
	[tilespmem:$0x18080] =	vst v63  }
0x18: {  	_ =	swait.ge [sflag:s20], $0x4000  }
0x19: {  	[sflag:s20] =	ssyncset.done $0x0  }
0x1a: {  	[sflag:s20] =	ssyncadd.s32 $0xFFFFC000  }
0x1b: {  	[spmem:s5] =	stream.linear.scatter [tilespmem:s19], [sflag:$0x1], $0x4000, $0x38;
	[tilespmem:$0x18080] =	vst v63  }
0x1c: {  	_ =	swait.ge [sflag:s20], $0x4000  }
0x1d: {  	[sflag:s20] =	ssyncset.done $0x0  }
0x1e: {  	[sflag:s20] =	ssyncadd.s32 $0xFFFFC000  }
0x1f: {  	[spmem:s6] =	stream.linear.scatter [tilespmem:s19], [sflag:$0x1], $0x4000, $0x38;
	[tilespmem:$0x18080] =	vst v63  }
0x20: {  	_ =	swait.ge [sflag:s20], $0x4000  }
0x21: {  	[sflag:s20] =	ssyncset.done $0x0  }
0x22: {  	[sflag:s20] =	ssyncadd.s32 $0xFFFFC000  }
0x23: {  	[spmem:s7] =	stream.linear.scatter [tilespmem:s19], [sflag:$0x1], $0x4000, $0x38;
	[tilespmem:$0x18080] =	vst v63  }
0x24: {  	_ =	swait.ge [sflag:s20], $0x4000  }
0x25: {  	[sflag:s20] =	ssyncset.done $0x0  }
0x26: {  	[sflag:s20] =	ssyncadd.s32 $0xFFFFC000  }
0x27: {  	[spmem:s8] =	stream.linear.scatter [tilespmem:s19], [sflag:$0x1], $0x4000, $0x38;
	[tilespmem:$0x18080] =	vst v63  }
0x28: {  	_ =	swait.ge [sflag:s20], $0x4000  }
0x29: {  	[sflag:s20] =	ssyncset.done $0x0  }
0x2a: {  	[sflag:s20] =	ssyncadd.s32 $0xFFFFC000  }
0x2b: {  	[spmem:s9] =	stream.linear.scatter [tilespmem:s19], [sflag:$0x1], $0x4000, $0x38;
	[tilespmem:$0x18080] =	vst v63  }
0x2c: {  	_ =	swait.ge [sflag:s20], $0x4000  }
0x2d: {  	[sflag:s20] =	ssyncset.done $0x0  }
0x2e: {  	[sflag:s20] =	ssyncadd.s32 $0xFFFFC000  }
0x2f: {  	[bflag:$0x0] =	sbarrier.arrive $0xFFFF  }
0x30: {  	[tilespmem:s2], [sflag:$0x1] =	stream.linear.gather [hbm4b:s18+s2], $0x80, $0x38;
	[tilespmem:$0x18080] =	vst v63  }
0x31: {  	_ =	swait.ge [sflag:s20], $0x80  }
0x32: {  	[sflag:s20] =	ssyncset.done $0x0  }
0x33: {  	[sflag:s20] =	ssyncadd.s32 $0xFFFFFF80  }
0x34: {  	[tilespmem:s19], [sflag:$0x1] =	stream.linear.gather [hbm4b:s17+s2], $0x4000, $0x38;
	[tilespmem:$0x18080] =	vst v63  }
0x35: {  	p0 =	sne.s32 s10, $0x1;
	_ =	swait.ge [sflag:s20], $0x4000  }
.Ltmp0:
0x36: {  	[sflag:s20] =	ssyncset.done $0x0;
	(pc) =	sbr.rel @!p0 .LBB2_3-.Ltmp0, $4  }
0x37: {  	[sflag:s20] =	ssyncadd.s32 $0xFFFFC000  }
0x38: {  	[spmem:s1] =	stream.indirect.scatter.add.f32 [tilespmem:s19], [sflag:$0x1], $0x80, s2, s19, $0xb8;
	[tilespmem:$0x18080] =	vst v63  }
0x39: {  	s22 =	sadd.s32 $0xFFFFFFFF, s10;
	_ =	swait.ge [sflag:s20], $0x4000  }
0x3a: {  	s23 =	smov.u32 s17;
	s24 =	smov.u32 s18;
	[sflag:s20] =	ssyncset.done $0x0  }
.LBB2_2:
0x3b: {  	[sflag:s20] =	ssyncadd.s32 $0xFFFFC000;
	s23 =	sadd.s32 $0x8000, s23;
	s24 =	sadd.s32 $0x100, s24  }
0x3c: {  	[tilespmem:s2], [sflag:$0x1] =	stream.linear.gather [hbm4b:s24+s2], $0x80, $0x38;
	[tilespmem:$0x18080] =	vst v63  }
0x3d: {  	p0 =	sne.s32 s22, $0x1;
	s22 =	sadd.s32 $0xFFFFFFFF, s22;
	_ =	swait.ge [sflag:s20], $0x80  }
0x3e: {  	[sflag:s20] =	ssyncset.done $0x0  }
0x3f: {  	[sflag:s20] =	ssyncadd.s32 $0xFFFFFF80  }
0x40: {  	[tilespmem:s19], [sflag:$0x1] =	stream.linear.gather [hbm4b:s23+s2], $0x4000, $0x38;
	[tilespmem:$0x18080] =	vst v63  }
0x41: {  	_ =	swait.ge [sflag:s20], $0x4000  }
.Ltmp1:
0x42: {  	[sflag:s20] =	ssyncset.done $0x0;
	(pc) =	sbr.rel @p0 .LBB2_2-.Ltmp1, $4  }
0x43: {  	[sflag:s20] =	ssyncadd.s32 $0xFFFFC000  }
0x44: {  	[spmem:s1] =	stream.indirect.scatter.add.f32 [tilespmem:s19], [sflag:$0x1], $0x80, s2, s19, $0xb8;
	[tilespmem:$0x18080] =	vst v63  }
0x45: {  	_ =	swait.ge [sflag:s20], $0x4000  }
0x46: {  	[sflag:s20] =	ssyncset.done $0x0  }
.LBB2_3:
0x47: {  	[sflag:s20] =	ssyncadd.s32 $0xFFFFC000  }
0x48: {  	[bflag:$0x0] =	sbarrier.arrive $0xFFFF  }
0x49: {  	[tilespmem:s19], [sflag:$0x1] =	stream.linear.gather [spmem:s5], $0x4000, $0x38;
	[tilespmem:$0x18080] =	vst v63  }
0x4a: {  	_ =	swait.ge [sflag:s20], $0x4000  }
0x4b: {  	[sflag:s20] =	ssyncset.done $0x0  }
0x4c: {  	[sflag:s20] =	ssyncadd.s32 $0xFFFFC000  }
0x4d: {  	[hbm4b:s11+s2] =	stream.linear.scatter [tilespmem:s19], [sflag:$0x1], $0x4000, $0x38;
	[tilespmem:$0x18080] =	vst v63  }
0x4e: {  	_ =	swait.ge [sflag:s20], $0x4000  }
0x4f: {  	[sflag:s20] =	ssyncset.done $0x0  }
0x50: {  	[sflag:s20] =	ssyncadd.s32 $0xFFFFC000  }
0x51: {  	[tilespmem:s19], [sflag:$0x1] =	stream.linear.gather [spmem:s6], $0x4000, $0x38;
	[tilespmem:$0x18080] =	vst v63  }
0x52: {  	_ =	swait.ge [sflag:s20], $0x4000  }
0x53: {  	[sflag:s20] =	ssyncset.done $0x0  }
0x54: {  	[sflag:s20] =	ssyncadd.s32 $0xFFFFC000  }
0x55: {  	[hbm4b:s12+s2] =	stream.linear.scatter [tilespmem:s19], [sflag:$0x1], $0x4000, $0x38;
	[tilespmem:$0x18080] =	vst v63  }
0x56: {  	_ =	swait.ge [sflag:s20], $0x4000  }
0x57: {  	[sflag:s20] =	ssyncset.done $0x0  }
0x58: {  	[sflag:s20] =	ssyncadd.s32 $0xFFFFC000  }
0x59: {  	[tilespmem:s19], [sflag:$0x1] =	stream.linear.gather [spmem:s7], $0x4000, $0x38;
	[tilespmem:$0x18080] =	vst v63  }
0x5a: {  	_ =	swait.ge [sflag:s20], $0x4000  }
0x5b: {  	[sflag:s20] =	ssyncset.done $0x0  }
0x5c: {  	[sflag:s20] =	ssyncadd.s32 $0xFFFFC000  }
0x5d: {  	[hbm4b:s13+s2] =	stream.linear.scatter [tilespmem:s19], [sflag:$0x1], $0x4000, $0x38;
	[tilespmem:$0x18080] =	vst v63  }
0x5e: {  	_ =	swait.ge [sflag:s20], $0x4000  }
0x5f: {  	[sflag:s20] =	ssyncset.done $0x0  }
0x60: {  	[sflag:s20] =	ssyncadd.s32 $0xFFFFC000  }
0x61: {  	[tilespmem:s19], [sflag:$0x1] =	stream.linear.gather [spmem:s8], $0x4000, $0x38;
	[tilespmem:$0x18080] =	vst v63  }
0x62: {  	_ =	swait.ge [sflag:s20], $0x4000  }
0x63: {  	[sflag:s20] =	ssyncset.done $0x0  }
0x64: {  	[sflag:s20] =	ssyncadd.s32 $0xFFFFC000  }
0x65: {  	[hbm4b:s14+s2] =	stream.linear.scatter [tilespmem:s19], [sflag:$0x1], $0x4000, $0x38;
	[tilespmem:$0x18080] =	vst v63  }
0x66: {  	_ =	swait.ge [sflag:s20], $0x4000  }
0x67: {  	[sflag:s20] =	ssyncset.done $0x0  }
0x68: {  	[sflag:s20] =	ssyncadd.s32 $0xFFFFC000  }
0x69: {  	[tilespmem:s19], [sflag:$0x1] =	stream.linear.gather [spmem:s9], $0x4000, $0x38;
	[tilespmem:$0x18080] =	vst v63  }
0x6a: {  	s21 =	sadd.s32 $0x1, s21;
	_ =	swait.ge [sflag:s20], $0x4000  }
0x6b: {  	p0 =	sne.s32 s21, s16;
	[sflag:s20] =	ssyncset.done $0x0  }
.Ltmp2:
0x6c: {  	[sflag:s20] =	ssyncadd.s32 $0xFFFFC000;
	(pc) =	sbr.rel @p0 .LBB2_1-.Ltmp2, $4  }
0x6d: {  	[hbm4b:s15+s2] =	stream.linear.scatter [tilespmem:s19], [sflag:$0x1], $0x4000, $0x38;
	[tilespmem:$0x18080] =	vst v63  }
0x6e: {  	_ =	swait.ge [sflag:s20], $0x4000  }
0x6f: {  	[sflag:s20] =	ssyncset.done $0x0  }
0x70: {  	[sflag:s20] =	ssyncadd.s32 $0xFFFFC000  }
0x71: {  	_ =	sfence.sel $0x180000  }
0x72: {  	[bflag:$0x0] =	sbarrier.arrive $0xFFFF  }
0x73: {  	p0 =	sne.s32 s3, $0x0;
	_ =	strace $0x90000059  }
0x74: {  	s0 =	sadd.s32 @!p0 $0x100000, s0;
	[bflag:$0x2] =	sbarrier.arrive $0xFFFF  }
0x75: {  	[sflag:s0] =	ssyncadd.tile.s32 @!p0 $0x1;
	_ =	shalt  }
.Lfunc_end2:
_tile_overlayer_lowered:
.L_overlay_start_2:
0x76: {  	(tag) =	ssettag $0x2  }
0x77: {  	s0 =	rddreg [dreg:$0x0];
	s2 =	stileid.u32  }
0x78: {  	s1 =	rddreg [dreg:$0x1];
	p0 =	sne.s32 s2, $0x0  }
0x79: {  	s3 =	rddreg [dreg:$0x2];
	[bflag:$0x3] =	sbarrier.arrive $0xFFFF;
	s2 =	simm.s32 @!p0 $0x1C01  }
0x7a: {  	[timem:s3], [sflag:s2] =	dma.local @!p0 [hbm:s0], s1  }
0x7b: {  	s0 =	simm.s32 @!p0 $0x1  }
0x7c: {  	_ =	swait.ge @!p0 [sflag:s0], s1  }
0x7d: {  	s1 =	ssub.s32 @!p0 $0x0, s1;
	[sflag:s0] =	ssyncset.done @!p0 $0x0  }
0x7e: {  	[sflag:s0] =	ssyncadd.s32 @!p0 s1  }
0x7f: {  	[bflag:$0x3] =	sbarrier.arrive $0xFFFF  }
0x80: {  	_ =	shalt  }

// kernel: kernel.40.cloned.1.call-start
scs
__scs_entry_jumppad:
0x0: {  	(pc) =	sbr.rel $0x88, $3  }
0x1: {  	(tag) =	ssettag $0x0;
	lr =	simm.s32 $0x1  }
0x2: {  	[smem:$0x3F8C] =	sst lr;
	_ =	strace $0xD0000000  }
0x3: {  	_ = 	snop  }
0x4: {  	_ = 	snop  }
0x5: {  	_ = 	snop  }
0x6: {  	_ = 	snop  }
0x7: {  	_ = 	snop  }
__scs_overlays_trampoline_lowered:
0x8: {  	[smem:$0x3F9B] =	sst s0  }
0x9: {  	[smem:$0x3F9C] =	sst s1  }
0xa: {  	[smem:$0x3F9D] =	sst s2  }
0xb: {  	[smem:$0x3F9E] =	sst s3  }
0xc: {  	[smem:$0x3F9F] =	sst s4  }
0xd: {  	[smem:$0x3FA0] =	sst s5  }
0xe: {  	[smem:$0x3FA1] =	sst s6  }
0xf: {  	[smem:$0x3FA2] =	sst s7  }
0x10: {  	[smem:$0x3FA3] =	sst s8  }
0x11: {  	[smem:$0x3FA4] =	sst s9;
	s0 =	simm.s32 @!p0 $0x0  }
0x12: {  	s1 =	sld [smem:$0x3F8A];
	s0 =	simm.s32 @p0 $0x1  }
0x13: {  	[smem:$0x3FA5] =	sst s0;
	s0 =	simm.s32 @!p1 $0x0  }
0x14: {  	s2 =	sld [smem:$0x3F89];
	s0 =	simm.s32 @p1 $0x1  }
0x15: {  	[smem:$0x3FA6] =	sst s0;
	s0 =	simm.s32 @!p2 $0x0  }
0x16: {  	s3 =	sld [smem:$0x3FDB];
	s0 =	simm.s32 @p2 $0x1  }
0x17: {  	s4 =	simm.s32 $0x1BF5;
	[smem:$0x3FA8] =	sst s0  }
0x18: {  	s0 =	sld [smem:$0x3F8B];
	_ =	swait.ge [sflag:s4], $0x0  }
0x19: {  	s7 =	sld [smem:$0x3F8C]  }
0x1a: {  	s8 =	sadd.s32 $0xFFFFE003, lr  }
0x1b: {  	s9 =	sadd.s32 $0xFFFFFEF7, lr;
	s5 =	simm.s32 $0xFFFFFFFF;
	p2 =	slt.u32 s8, $0xFFFFF086  }
0x1c: {  	p1 =	slt.u32 s9, $0xF7A;
	s5 =	simm.s32 @!p2 $0x0  }
0x1d: {  	s5 =	simm.s32 @p1 $0x1;
	p0 =	seq.s32 s7, s2  }
0x1e: {  	s7 =	smul.u32 @!p0 $0xF7A, s2;
	p2 =	seq.s32 @!p0 s5, $0x0  }
0x1f: {  	s9 =	smul.u32 $0xF7A, s1;
	s8 =	simm.s32 @!p0 $0x1BF5;
	p2 =	por !p2, p0  }
0x20: {  	[sflag:s8] =	ssyncset.s32 @!p0 $0xFFFFF086;
	s6 =	sadd.s32 @!p0 s3, s7;
	s7 =	simm.s32 @!p0 $0x108  }
0x21: {  	s3 =	sadd.s32 s3, s9;
	s6 =	sadd.s32 @!p0 $0x88, s6;
	s7 =	simm.s32 @p2 $0x1082  }
0x22: {  	[simem:s7], [sflag:s8] =	dma.local @!p0 [hbm:s6], $0xF7A  }
0x23: {  	s9 =	sor.u32 $0xD0000000, s2;
	s6 =	simm.s32 $0x108;
	_ =	swait.ge @!p0 [sflag:s8], $0x0  }
0x24: {  	s3 =	sadd.s32 $0x88, s3;
	s6 =	simm.s32 @!p1 $0x1082;
	[sflag:s4] =	ssyncset.s32 $0xFFFFF086  }
0x25: {  	[simem:s6], [sflag:s4] =	dma.local [hbm:s3], $0xF7A  }
0x26: {  	[smem:$0x3F8C] =	sst s1;
	(tag) =	ssettag s2;
	_ =	strace s9  }
0x27: {  	s1 =	sld [smem:$0x3F9C]  }
0x28: {  	s2 =	sld [smem:$0x3F9D]  }
0x29: {  	s4 =	sld [smem:$0x3F9F]  }
0x2a: {  	p0 =	seq.s32 s5, $0x0;
	s5 =	sld [smem:$0x3FA0]  }
0x2b: {  	s6 =	sld [smem:$0x3FA1]  }
0x2c: {  	s7 =	sld [smem:$0x3FA2]  }
0x2d: {  	s3 =	simm.s32 $0x108;
	s8 =	sld [smem:$0x3FA3]  }
0x2e: {  	s3 =	simm.s32 @!p0 $0x1082;
	s9 =	sld [smem:$0x3FA4]  }
0x2f: {  	lr =	sadd.s32 s0, s3;
	s0 =	sld [smem:$0x3F9B]  }
0x30: {  	s3 =	sld [smem:$0x3F9E]  }
0x31: {  	[smem:$0x3FA7] =	sst s10  }
0x32: {  	s10 =	sld [smem:$0x3FA5];
	_ =	sdelay $0x3  }
0x33: {  	p0 =	seq.s32 s10, $0x1;
	s10 =	sld [smem:$0x3FA7];
	_ =	sdelay $0x3  }
0x34: {  	[smem:$0x3FA7] =	sst s10  }
0x35: {  	s10 =	sld [smem:$0x3FA6];
	_ =	sdelay $0x3  }
0x36: {  	p1 =	seq.s32 s10, $0x1;
	s10 =	sld [smem:$0x3FA7];
	_ =	sdelay $0x3  }
0x37: {  	[smem:$0x3FA7] =	sst s10  }
0x38: {  	s10 =	sld [smem:$0x3FA8]  }
0x39: {  	_ = 	snop;
	(pc) =	sbr.ind lr, $3  }
0x3a: {  	_ = 	snop  }
0x3b: {  	_ = 	snop  }
0x3c: {  	p2 =	seq.s32 s10, $0x1;
	s10 =	sld [smem:$0x3FA7]  }
0x3d: {  	_ =	shalt  }
0x3e: {  	_ =	shalt  }
0x3f: {  	_ =	shalt  }
0x40: {  	_ =	shalt  }
0x41: {  	_ =	shalt  }
0x42: {  	_ =	shalt  }
0x43: {  	_ =	shalt  }
0x44: {  	_ =	shalt  }
0x45: {  	_ =	shalt  }
0x46: {  	_ =	shalt  }
0x47: {  	_ =	shalt  }
0x48: {  	_ =	shalt  }
0x49: {  	_ =	shalt  }
0x4a: {  	_ =	shalt  }
0x4b: {  	_ =	shalt  }
0x4c: {  	_ =	shalt  }
0x4d: {  	_ =	shalt  }
0x4e: {  	_ =	shalt  }
0x4f: {  	_ =	shalt  }
0x50: {  	_ =	shalt  }
0x51: {  	_ =	shalt  }
0x52: {  	_ =	shalt  }
0x53: {  	_ =	shalt  }
0x54: {  	_ =	shalt  }
0x55: {  	_ =	shalt  }
0x56: {  	_ =	shalt  }
0x57: {  	_ =	shalt  }
0x58: {  	_ =	shalt  }
0x59: {  	_ =	shalt  }
0x5a: {  	_ =	shalt  }
0x5b: {  	_ =	shalt  }
0x5c: {  	_ =	shalt  }
0x5d: {  	_ =	shalt  }
0x5e: {  	_ =	shalt  }
0x5f: {  	_ =	shalt  }
0x60: {  	_ =	shalt  }
0x61: {  	_ =	shalt  }
0x62: {  	_ =	shalt  }
0x63: {  	_ =	shalt  }
0x64: {  	_ =	shalt  }
0x65: {  	_ =	shalt  }
0x66: {  	_ =	shalt  }
0x67: {  	_ =	shalt  }
0x68: {  	_ =	shalt  }
0x69: {  	_ =	shalt  }
0x6a: {  	_ =	shalt  }
0x6b: {  	_ =	shalt  }
0x6c: {  	_ =	shalt  }
0x6d: {  	_ =	shalt  }
0x6e: {  	_ =	shalt  }
0x6f: {  	_ =	shalt  }
0x70: {  	_ =	shalt  }
0x71: {  	_ =	shalt  }
0x72: {  	_ =	shalt  }
0x73: {  	_ =	shalt  }
0x74: {  	_ =	shalt  }
0x75: {  	_ =	shalt  }
0x76: {  	_ =	shalt  }
0x77: {  	_ =	shalt  }
0x78: {  	_ =	shalt  }
0x79: {  	_ =	shalt  }
0x7a: {  	_ =	shalt  }
0x7b: {  	_ =	shalt  }
0x7c: {  	_ =	shalt  }
0x7d: {  	_ =	shalt  }
0x7e: {  	_ =	shalt  }
0x7f: {  	_ =	shalt  }
0x80: {  	_ =	shalt  }
0x81: {  	_ =	shalt  }
0x82: {  	_ =	shalt  }
0x83: {  	_ =	shalt  }
0x84: {  	_ =	shalt  }
0x85: {  	_ =	shalt  }
0x86: {  	_ =	shalt  }
0x87: {  	_ =	shalt  }
.Lfunc_end0:
.L_simem_size_0:
called_computation.8_lowered:
.L_overlay_start_0:
0x88: {  	s2 =	sld [smem:$0x3FD9]  }
0x89: {  	s3 =	sld [smem:$0x3FFE];
	_ =	sdelay $0x1  }
0x8a: {  	s1 =	srdreg.scid  }
0x8b: {  	s0 =	sand.u32 $0x1, s1  }
0x8c: {  	s17 =	sshll.u32 s0, $0xA;
	s2 =	sadd.s32 s3, s2  }
0x8d: {  	s2 =	sadd.s32 s2, s17  }
0x8e: {  	[smem:$0x3FB3] =	sst s2  }
0x8f: {  	_ = 	snop  }
0x90: {  	(tm) =	ssettm $0x1  }
0x91: {  	s18 =	sld [smem:$0x3FFB];
	_ =	sdelay $0x3  }
0x92: {  	_ =	strace s18  }
0x93: {  	s2 =	sld [smem:$0x3FFC];
	_ =	sdelay $0x3  }
0x94: {  	_ =	strace s2  }
0x95: {  	s2 =	sld [smem:$0x3FFD];
	_ =	sdelay $0x3  }
0x96: {  	_ =	strace s2  }
0x97: {  	_ =	strace $0x8FFFFFFF  }
0x98: {  	s19 =	sld [smem:$0x3FDB];
	_ =	sdelay $0x1  }
0x99: {  	s20 =	simm.s32 $_scs_section_size  }
0x9a: {  	s4 =	simm.s32 $_size__tile_overlayer_lowered;
	s5 =	simm.s32 $_tile_overlayer_lowered  }
0x9b: {  	s6 =	simm.s32 $0x1BFF;
	s21 =	sshll.u32 s5, $0x1;
	s3 =	sadd.s32 s20, s19  }
0x9c: {  	s22 =	simm.s32 $0x0;
	s4 =	sshll.u32 s4, $0x1;
	s5 =	sadd.s32 s21, s3  }
0x9d: {  	[timem:s22], [sflag:s6] =	dma.local [hbm:s5], s4  }
0x9e: {  	_ =	swait.ge [sflag:s6], s4  }
0x9f: {  	s4 =	ssub.s32 $0x0, s4;
	[sflag:s6] =	ssyncset.done $0x0  }
0xa0: {  	[sflag:s6] =	ssyncadd.s32 s4;
	_ =	sdelay $0x1  }
0xa1: {  	s23 =	simm.s32 $0x1B8B  }
0xa2: {  	_ =	swait.ge [sflag:s23], $0x1  }
0xa3: {  	[sflag:s23] =	ssyncset.done $0x0  }
0xa4: {  	[sflag:s23] =	ssyncadd.s32 $0xFFFFFFFF  }
0xa5: {  	s4 =	sld [smem:$0x0]  }
0xa6: {  	s5 =	sand.u32 $0xFFFFFFFE, s1  }
0xa7: {  	p0 =	sne.s32 s1, s5  }
0xa8: {  	s5 =	sshll.u32 @p0 s5, $0xE  }
0xa9: {  	s5 =	sadd.s32 @p0 $0x11B8D, s5;
	s6 =	sshll.u32 @p0 s4, $0x11  }
0xaa: {  	s5 =	sor.u32 @p0 s6, s5  }
0xab: {  	[sflag:s5] =	ssyncadd.remote.s32 @p0 $0x1;
	_ =	sdelay $0x1  }
0xac: {  	s5 =	simm.s32 @p0 $0x1B8D  }
0xad: {  	_ =	swait.eq @p0 [sflag:s5], $0x1  }
0xae: {  	[sflag:s5] =	ssyncadd.s32 @p0 $0xFFFFFFFF  }
0xaf: {  	s6 =	sshll.u32 @!p0 s1, $0xE  }
0xb0: {  	s6 =	sor.u32 @!p0 $0x4000, s6;
	s5 =	simm.s32 @!p0 $0x1B8D  }
0xb1: {  	s4 =	sshll.u32 @!p0 s4, $0x11;
	s6 =	sadd.s32 @!p0 $0x11B8D, s6;
	_ =	swait.eq @!p0 [sflag:s5], $0x1  }
0xb2: {  	s4 =	sor.u32 @!p0 s4, s6;
	[sflag:s5] =	ssyncadd.s32 @!p0 $0xFFFFFFFF  }
0xb3: {  	s25 =	simm.s32 $0x1B8E;
	s24 =	sld [smem:$0x3FFE];
	[sflag:s4] =	ssyncadd.remote.s32 @!p0 $0x1  }
0xb4: {  	s26 =	simm.s32 $execute0_lowered;
	[smem:$0x3FD2] =	sst s25  }
0xb5: {  	s5 =	sshll.u32 s26, $0x1;
	_ =	strace $0x80000055;
	[dreg:$0x1] =	wrdreg $0xFFFFFFFF  }
0xb6: {  	s28 =	simm.s32 $_size_execute0_lowered;
	s3 =	sadd.s32 s3, s5;
	[dreg:$0x0] =	wrdreg $0x0  }
0xb7: {  	s5 =	sshll.u32 s28, $0x1;
	[dreg:$0x2] =	wrdreg s3  }
0xb8: {  	[dreg:$0x3] =	wrdreg s5  }
0xb9: {  	[dreg:$0x4] =	wrdreg $0xC0  }
0xba: {  	_ =	task [dreg:s22], $0x5FFFF  }
0xbb: {  	[dreg:$0x1] =	wrdreg $0xFFFFFFFF  }
0xbc: {  	[dreg:$0x0] =	wrdreg $0x60  }
0xbd: {  	[dreg:$0x2] =	wrdreg s24  }
0xbe: {  	[dreg:$0x3] =	wrdreg $0x40800  }
0xbf: {  	[dreg:$0x4] =	wrdreg $0xB  }
0xc0: {  	_ =	task.clear_ibuf [dreg:s22], $0x5FFFF;
	_ =	strace $0x90000055  }
0xc1: {  	s29 =	simm.s32 $0xB;
	_ =	strace $0x80000057  }
0xc2: {  	_ =	swait.ge [sflag:s29], $0x1  }
0xc3: {  	[sflag:s29] =	ssyncadd.s32 $0xFFFFFFFF  }
0xc4: {  	_ =	strace $0x90000057  }
0xc5: {  	_ =	sfence  }
0xc6: {  	s30 =	sld [smem:$0x0];
	_ =	sdelay $0x2  }
0xc7: {  	s31 =	sshll.u32 s1, $0xD;
	s1 =	sshrl.u32 s1, $0x2  }
0xc8: {  	s4 =	sand.u32 $0x4000, s31;
	s1 =	sadd.s32 s1, s30  }
0xc9: {  	s0 =	sor.u32 s4, s0;
	s1 =	sshll.u32 s1, $0x11  }
0xca: {  	s0 =	sor.u32 s1, s0  }
0xcb: {  	s0 =	sadd.s32 $0x8F2B, s0  }
0xcc: {  	[sflag:s0] =	ssyncadd.remote.s32 $0x1  }
0xcd: {  	_ =	sfence.sel $0xFFFF  }
0xce: {  	[dreg:$0x0] =	wrdreg $0xFFFFFFFF;
	(pc) =	sbr.abs _section_cstart, $3  }
0xcf: {  	[dreg:$0x1] =	wrdreg $0xFFFFFFFF  }
0xd0: {  	_ =	task.clear_ibuf [dreg:s22], $0x2FFFF;
	_ =	strace $0x9FFFFFFF  }
0xd1: {  	(tm) =	ssettm $0x7FFFFFFF  }
tec
execute0_lowered:
.L_overlay_start_1:
0x0: {  	(tag) =	ssettag $0x1  }
0x1: {  	s5 =	rddreg [dreg:$0x0]  }
0x2: {  	s1 =	rddreg [dreg:$0x1]  }
0x3: {  	s3 =	srdreg.scid;
	s0 =	rddreg [dreg:$0x2];
	s2 =	simm.s32 $0x0  }
0x4: {  	s9 =	sand.u32 $0x1, s3;
	[smem:$0x7FF] =	sst s2  }
0x5: {  	s3 =	stileid.u32;
	s15 =	sadd.s32 $0xA3A400, s5;
	s4 =	smul.u32 $0x138800, s9  }
0x6: {  	s21 =	simm.s32 $0x0;
	_ =	strace $0x80000056;
	s11 =	smul.u32 $0x280, s3  }
0x7: {  	s24 =	sshll.u32 s3, $0x4;
	s6 =	ssub.s32 $0x2, s9;
	s7 =	smul.u32 $0x50000, s3  }
0x8: {  	s20 =	smul.u32 $0x2800, s9;
	p0 =	seq.s32 s3, $0x0;
	s30 =	sshll.u32 s3, $0xB  }
0x9: {  	s18 =	sadd.s32 s24, s5;
	s25 =	sshrl.u32 s6, $0x1;
	s16 =	sadd.s32 s4, s5  }
0xa: {  	s4 =	sadd.s32 $0x9E9400, s5;
	s17 =	ssub.s32 s6, s25;
	s26 =	sshrl.u32 s7, $0x2  }
0xb: {  	s12 =	sadd.s32 $0x80, s11;
	s13 =	sadd.s32 $0x100, s11;
	s14 =	sadd.s32 $0x180, s11  }
0xc: {  	s19 =	sadd.s32 $0x200, s11;
	s11 =	sadd.s32 s11, s20;
	s18 =	sadd.s32 $0x18C00, s18  }
0xd: {  	s5 =	sadd.s32 s26, s1;
	s28 =	sshll.u32 s12, $0x7;
	s29 =	sshll.u32 s13, $0x7  }
0xe: {  	s8 =	sshll.u32 s14, $0x7;
	s10 =	sshll.u32 s19, $0x7;
	s12 =	sadd.s32 s20, s12  }
0xf: {  	s11 =	sshll.u32 s11, $0x4;
	s13 =	sadd.s32 s20, s13;
	s14 =	sadd.s32 s20, s14  }
0x10: {  	s19 =	sadd.s32 s20, s19;
	s31 =	sadd.s32 s30, s16;
	s16 =	smax.u32 s17, $0x1  }
0x11: {  	s20 =	simm.s32 $0x1;
	s6 =	sadd.s32 s28, s1;
	s7 =	sadd.s32 s29, s1  }
0x12: {  	s8 =	sadd.s32 s8, s1;
	s9 =	sadd.s32 s10, s1;
	s10 =	simm.s32 $0x28  }
0x13: {  	s12 =	sshll.u32 s12, $0x4;
	s11 =	sadd.s32 s15, s11;
	s13 =	sshll.u32 s13, $0x4  }
0x14: {  	s14 =	sshll.u32 s14, $0x4;
	s19 =	sshll.u32 s19, $0x4;
	s17 =	sadd.s32 $0xCAB400, s31  }
0x15: {  	s10 =	simm.s32 @!p0 $0x27;
	s12 =	sadd.s32 s15, s12;
	s13 =	sadd.s32 s15, s13  }
0x16: {  	s14 =	sadd.s32 s15, s14;
	s15 =	sadd.s32 s15, s19;
	s19 =	simm.s32 $0x80  }
.LBB2_1:
0x17: {  	[tilespmem:s19], [sflag:$0x1] =	stream.linear.gather [hbm4b:s4+s2], $0x4000, $0x38;
	[tilespmem:$0x18080] =	vst v63  }
0x18: {  	_ =	swait.ge [sflag:s20], $0x4000  }
0x19: {  	[sflag:s20] =	ssyncset.done $0x0  }
0x1a: {  	[sflag:s20] =	ssyncadd.s32 $0xFFFFC000  }
0x1b: {  	[spmem:s5] =	stream.linear.scatter [tilespmem:s19], [sflag:$0x1], $0x4000, $0x38;
	[tilespmem:$0x18080] =	vst v63  }
0x1c: {  	_ =	swait.ge [sflag:s20], $0x4000  }
0x1d: {  	[sflag:s20] =	ssyncset.done $0x0  }
0x1e: {  	[sflag:s20] =	ssyncadd.s32 $0xFFFFC000  }
0x1f: {  	[spmem:s6] =	stream.linear.scatter [tilespmem:s19], [sflag:$0x1], $0x4000, $0x38;
	[tilespmem:$0x18080] =	vst v63  }
0x20: {  	_ =	swait.ge [sflag:s20], $0x4000  }
0x21: {  	[sflag:s20] =	ssyncset.done $0x0  }
0x22: {  	[sflag:s20] =	ssyncadd.s32 $0xFFFFC000  }
0x23: {  	[spmem:s7] =	stream.linear.scatter [tilespmem:s19], [sflag:$0x1], $0x4000, $0x38;
	[tilespmem:$0x18080] =	vst v63  }
0x24: {  	_ =	swait.ge [sflag:s20], $0x4000  }
0x25: {  	[sflag:s20] =	ssyncset.done $0x0  }
0x26: {  	[sflag:s20] =	ssyncadd.s32 $0xFFFFC000  }
0x27: {  	[spmem:s8] =	stream.linear.scatter [tilespmem:s19], [sflag:$0x1], $0x4000, $0x38;
	[tilespmem:$0x18080] =	vst v63  }
0x28: {  	_ =	swait.ge [sflag:s20], $0x4000  }
0x29: {  	[sflag:s20] =	ssyncset.done $0x0  }
0x2a: {  	[sflag:s20] =	ssyncadd.s32 $0xFFFFC000  }
0x2b: {  	[spmem:s9] =	stream.linear.scatter [tilespmem:s19], [sflag:$0x1], $0x4000, $0x38;
	[tilespmem:$0x18080] =	vst v63  }
0x2c: {  	_ =	swait.ge [sflag:s20], $0x4000  }
0x2d: {  	[sflag:s20] =	ssyncset.done $0x0  }
0x2e: {  	[sflag:s20] =	ssyncadd.s32 $0xFFFFC000  }
0x2f: {  	[bflag:$0x0] =	sbarrier.arrive $0xFFFF  }
0x30: {  	[tilespmem:s2], [sflag:$0x1] =	stream.linear.gather [hbm4b:s18+s2], $0x80, $0x38;
	[tilespmem:$0x18080] =	vst v63  }
0x31: {  	_ =	swait.ge [sflag:s20], $0x80  }
0x32: {  	[sflag:s20] =	ssyncset.done $0x0  }
0x33: {  	[sflag:s20] =	ssyncadd.s32 $0xFFFFFF80  }
0x34: {  	[tilespmem:s19], [sflag:$0x1] =	stream.linear.gather [hbm4b:s17+s2], $0x4000, $0x38;
	[tilespmem:$0x18080] =	vst v63  }
0x35: {  	p0 =	sne.s32 s10, $0x1;
	_ =	swait.ge [sflag:s20], $0x4000  }
.Ltmp0:
0x36: {  	[sflag:s20] =	ssyncset.done $0x0;
	(pc) =	sbr.rel @!p0 .LBB2_3-.Ltmp0, $4  }
0x37: {  	[sflag:s20] =	ssyncadd.s32 $0xFFFFC000  }
0x38: {  	[spmem:s1] =	stream.indirect.scatter.add.f32 [tilespmem:s19], [sflag:$0x1], $0x80, s2, s19, $0xb8;
	[tilespmem:$0x18080] =	vst v63  }
0x39: {  	s22 =	sadd.s32 $0xFFFFFFFF, s10;
	_ =	swait.ge [sflag:s20], $0x4000  }
0x3a: {  	s23 =	smov.u32 s17;
	s24 =	smov.u32 s18;
	[sflag:s20] =	ssyncset.done $0x0  }
.LBB2_2:
0x3b: {  	[sflag:s20] =	ssyncadd.s32 $0xFFFFC000;
	s23 =	sadd.s32 $0x8000, s23;
	s24 =	sadd.s32 $0x100, s24  }
0x3c: {  	[tilespmem:s2], [sflag:$0x1] =	stream.linear.gather [hbm4b:s24+s2], $0x80, $0x38;
	[tilespmem:$0x18080] =	vst v63  }
0x3d: {  	p0 =	sne.s32 s22, $0x1;
	s22 =	sadd.s32 $0xFFFFFFFF, s22;
	_ =	swait.ge [sflag:s20], $0x80  }
0x3e: {  	[sflag:s20] =	ssyncset.done $0x0  }
0x3f: {  	[sflag:s20] =	ssyncadd.s32 $0xFFFFFF80  }
0x40: {  	[tilespmem:s19], [sflag:$0x1] =	stream.linear.gather [hbm4b:s23+s2], $0x4000, $0x38;
	[tilespmem:$0x18080] =	vst v63  }
0x41: {  	_ =	swait.ge [sflag:s20], $0x4000  }
.Ltmp1:
0x42: {  	[sflag:s20] =	ssyncset.done $0x0;
	(pc) =	sbr.rel @p0 .LBB2_2-.Ltmp1, $4  }
0x43: {  	[sflag:s20] =	ssyncadd.s32 $0xFFFFC000  }
0x44: {  	[spmem:s1] =	stream.indirect.scatter.add.f32 [tilespmem:s19], [sflag:$0x1], $0x80, s2, s19, $0xb8;
	[tilespmem:$0x18080] =	vst v63  }
0x45: {  	_ =	swait.ge [sflag:s20], $0x4000  }
0x46: {  	[sflag:s20] =	ssyncset.done $0x0  }
.LBB2_3:
0x47: {  	[sflag:s20] =	ssyncadd.s32 $0xFFFFC000  }
0x48: {  	[bflag:$0x0] =	sbarrier.arrive $0xFFFF  }
0x49: {  	[tilespmem:s19], [sflag:$0x1] =	stream.linear.gather [spmem:s5], $0x4000, $0x38;
	[tilespmem:$0x18080] =	vst v63  }
0x4a: {  	_ =	swait.ge [sflag:s20], $0x4000  }
0x4b: {  	[sflag:s20] =	ssyncset.done $0x0  }
0x4c: {  	[sflag:s20] =	ssyncadd.s32 $0xFFFFC000  }
0x4d: {  	[hbm4b:s11+s2] =	stream.linear.scatter [tilespmem:s19], [sflag:$0x1], $0x4000, $0x38;
	[tilespmem:$0x18080] =	vst v63  }
0x4e: {  	_ =	swait.ge [sflag:s20], $0x4000  }
0x4f: {  	[sflag:s20] =	ssyncset.done $0x0  }
0x50: {  	[sflag:s20] =	ssyncadd.s32 $0xFFFFC000  }
0x51: {  	[tilespmem:s19], [sflag:$0x1] =	stream.linear.gather [spmem:s6], $0x4000, $0x38;
	[tilespmem:$0x18080] =	vst v63  }
0x52: {  	_ =	swait.ge [sflag:s20], $0x4000  }
0x53: {  	[sflag:s20] =	ssyncset.done $0x0  }
0x54: {  	[sflag:s20] =	ssyncadd.s32 $0xFFFFC000  }
0x55: {  	[hbm4b:s12+s2] =	stream.linear.scatter [tilespmem:s19], [sflag:$0x1], $0x4000, $0x38;
	[tilespmem:$0x18080] =	vst v63  }
0x56: {  	_ =	swait.ge [sflag:s20], $0x4000  }
0x57: {  	[sflag:s20] =	ssyncset.done $0x0  }
0x58: {  	[sflag:s20] =	ssyncadd.s32 $0xFFFFC000  }
0x59: {  	[tilespmem:s19], [sflag:$0x1] =	stream.linear.gather [spmem:s7], $0x4000, $0x38;
	[tilespmem:$0x18080] =	vst v63  }
0x5a: {  	_ =	swait.ge [sflag:s20], $0x4000  }
0x5b: {  	[sflag:s20] =	ssyncset.done $0x0  }
0x5c: {  	[sflag:s20] =	ssyncadd.s32 $0xFFFFC000  }
0x5d: {  	[hbm4b:s13+s2] =	stream.linear.scatter [tilespmem:s19], [sflag:$0x1], $0x4000, $0x38;
	[tilespmem:$0x18080] =	vst v63  }
0x5e: {  	_ =	swait.ge [sflag:s20], $0x4000  }
0x5f: {  	[sflag:s20] =	ssyncset.done $0x0  }
0x60: {  	[sflag:s20] =	ssyncadd.s32 $0xFFFFC000  }
0x61: {  	[tilespmem:s19], [sflag:$0x1] =	stream.linear.gather [spmem:s8], $0x4000, $0x38;
	[tilespmem:$0x18080] =	vst v63  }
0x62: {  	_ =	swait.ge [sflag:s20], $0x4000  }
0x63: {  	[sflag:s20] =	ssyncset.done $0x0  }
0x64: {  	[sflag:s20] =	ssyncadd.s32 $0xFFFFC000  }
0x65: {  	[hbm4b:s14+s2] =	stream.linear.scatter [tilespmem:s19], [sflag:$0x1], $0x4000, $0x38;
	[tilespmem:$0x18080] =	vst v63  }
0x66: {  	_ =	swait.ge [sflag:s20], $0x4000  }
0x67: {  	[sflag:s20] =	ssyncset.done $0x0  }
0x68: {  	[sflag:s20] =	ssyncadd.s32 $0xFFFFC000  }
0x69: {  	[tilespmem:s19], [sflag:$0x1] =	stream.linear.gather [spmem:s9], $0x4000, $0x38;
	[tilespmem:$0x18080] =	vst v63  }
0x6a: {  	s21 =	sadd.s32 $0x1, s21;
	_ =	swait.ge [sflag:s20], $0x4000  }
0x6b: {  	p0 =	sne.s32 s21, s16;
	[sflag:s20] =	ssyncset.done $0x0  }
.Ltmp2:
0x6c: {  	[sflag:s20] =	ssyncadd.s32 $0xFFFFC000;
	(pc) =	sbr.rel @p0 .LBB2_1-.Ltmp2, $4  }
0x6d: {  	[hbm4b:s15+s2] =	stream.linear.scatter [tilespmem:s19], [sflag:$0x1], $0x4000, $0x38;
	[tilespmem:$0x18080] =	vst v63  }
0x6e: {  	_ =	swait.ge [sflag:s20], $0x4000  }
0x6f: {  	[sflag:s20] =	ssyncset.done $0x0  }
0x70: {  	[sflag:s20] =	ssyncadd.s32 $0xFFFFC000  }
0x71: {  	_ =	sfence.sel $0x180000  }
0x72: {  	[bflag:$0x0] =	sbarrier.arrive $0xFFFF  }
0x73: {  	p0 =	sne.s32 s3, $0x0;
	_ =	strace $0x90000056  }
0x74: {  	s0 =	sadd.s32 @!p0 $0x100000, s0;
	[bflag:$0x2] =	sbarrier.arrive $0xFFFF  }
0x75: {  	[sflag:s0] =	ssyncadd.tile.s32 @!p0 $0x1;
	_ =	shalt  }
.Lfunc_end2:
_tile_overlayer_lowered:
.L_overlay_start_2:
0x76: {  	(tag) =	ssettag $0x2  }
0x77: {  	s0 =	rddreg [dreg:$0x0];
	s2 =	stileid.u32  }
0x78: {  	s1 =	rddreg [dreg:$0x1];
	p0 =	sne.s32 s2, $0x0  }
0x79: {  	s3 =	rddreg [dreg:$0x2];
	[bflag:$0x3] =	sbarrier.arrive $0xFFFF;
	s2 =	simm.s32 @!p0 $0x1C01  }
0x7a: {  	[timem:s3], [sflag:s2] =	dma.local @!p0 [hbm:s0], s1  }
0x7b: {  	s0 =	simm.s32 @!p0 $0x1  }
0x7c: {  	_ =	swait.ge @!p0 [sflag:s0], s1  }
0x7d: {  	s1 =	ssub.s32 @!p0 $0x0, s1;
	[sflag:s0] =	ssyncset.done @!p0 $0x0  }
0x7e: {  	[sflag:s0] =	ssyncadd.s32 @!p0 s1  }
0x7f: {  	[bflag:$0x3] =	sbarrier.arrive $0xFFFF  }
0x80: {  	_ =	shalt  }

</sc_bundles>
